<compile_context>
chip_gen: v7x
topology: tpu7x:2x2x1
jax: 0.10.2.dev20260603
libtpu: 0.0.44.dev20260713+nightly
codegen_flags: <defaults>
</compile_context>

<pallas_src>
import functools

import jax
import jax.numpy as jnp
from jax import lax
from jax.experimental import pallas as pl
from jax.experimental.pallas import tpu as pltpu
from jax.experimental.pallas import tpu_sc as plsc

_N_EV = 16384
_D = 128
_GRID = 64
_EVB = _N_EV // _GRID
_CPB = 1568

_NW = 32
_EV2 = 2 * _N_EV
_GB = _EV2 // _NW
_GCH = 256
_NCH = _GB // _GCH


def _sc_gather_body(table, idx_hbm, out, idx_v, rows0, rows1, sem0, sem1):
    wid = lax.axis_index("s") * 2 + lax.axis_index("c")
    base = wid * _GB
    pltpu.sync_copy(idx_hbm.at[pl.ds(base, _GB)], idx_v)
    bufs = (rows0, rows1)
    sems = (sem0, sem1)
    cp = [None, None]
    cp[0] = pltpu.async_copy(table.at[idx_v.at[pl.ds(0, _GCH)]], bufs[0], sems[0])
    for c in range(_NCH):
        nxt = c + 1
        if nxt < _NCH:
            cp[nxt % 2] = pltpu.async_copy(
                table.at[idx_v.at[pl.ds(nxt * _GCH, _GCH)]], bufs[nxt % 2],
                sems[nxt % 2])
        cp[c % 2].wait()
        pltpu.sync_copy(bufs[c % 2], out.at[pl.ds(base + c * _GCH, _GCH)])


def _sc_gather(table, uv):
    mesh = plsc.VectorSubcoreMesh(core_axis_name="c", subcore_axis_name="s")
    k = functools.partial(
        pl.kernel, mesh=mesh,
        out_type=jax.ShapeDtypeStruct((_EV2, _D), jnp.float32),
        scratch_types=[
            pltpu.VMEM((_GB,), jnp.int32),
            pltpu.VMEM((_GCH, _D), jnp.float32),
            pltpu.VMEM((_GCH, _D), jnp.float32),
            pltpu.SemaphoreType.DMA,
            pltpu.SemaphoreType.DMA,
        ],
    )(_sc_gather_body)
    return k(table, uv)


_R = 3136
_NNP = _NW * _R
_WCH = 128
_NBUF = 6
_WCAP = 26 * _WCH


def _sc_winner_body(uv_hbm, t_hbm, ltp_hbm, wuj_hbm, wun3_hbm,
                    wvj_hbm, wvn3_hbm, cnt_hbm, outlet_hbm, ids_v,
                    t_v, P, let_v, wuj, wun, wun3, wvj, wvn, wvn3, cnt_v):
    wid = lax.axis_index("s") * 2 + lax.axis_index("c")
    lo = wid * _R
    hi = lo + _R
    iota = lax.iota(jnp.int32, 16)

    pltpu.sync_copy(uv_hbm, ids_v)
    pltpu.sync_copy(t_hbm, t_v)
    pltpu.sync_copy(ltp_hbm.at[pl.ds(lo, _R)], let_v)

    def p0(i, _):
        P[pl.ds(i * 16, 16)] = jnp.full((16,), -1, jnp.int32)
        return 0
    lax.fori_loop(0, _R // 16, p0, 0)

    def p1(j, _):
        ids = ids_v[pl.ds(j * 16, 16)]
        pr = j * 16 + iota
        m = (ids >= lo) & (ids < hi)
        loc = jnp.where(m, ids - lo, 0)
        plsc.store_scatter(P, [loc], pr, mask=m)
        q = plsc.load_gather(P, [loc])
        need = m & (q < pr)

        def w_cond(c):
            return jnp.any(c)

        def w_body(c):
            plsc.store_scatter(P, [loc], pr, mask=c)
            q2 = plsc.load_gather(P, [loc])
            return c & (q2 < pr)

        lax.while_loop(w_cond, w_body, need)
        return 0
    lax.fori_loop(0, _EV2 // 16, p1, 0)

    def p2(i, carry):
        cu, cv = carry
        pv = P[pl.ds(i * 16, 16)]
        valid = pv >= 0
        nodes = lo + i * 16 + iota
        isu = pv < _N_EV
        mu = valid & isu
        mv = valid & jnp.logical_not(isu)
        jj = jnp.where(valid, jnp.where(isu, pv, pv - _N_EV), 0)
        tv = plsc.load_gather(t_v, [jj])
        cur = let_v[pl.ds(i * 16, 16)]
        let_v[pl.ds(i * 16, 16)] = jnp.where(valid, tv, cur)
        ou = cu + jnp.cumsum(mu.astype(jnp.int32)) - 1
        ov = cv + jnp.cumsum(mv.astype(jnp.int32)) - 1
        plsc.store_scatter(wuj, [ou], jj, mask=mu)
        plsc.store_scatter(wun, [ou], nodes, mask=mu)
        plsc.store_scatter(wvj, [ov], jj, mask=mv)
        plsc.store_scatter(wvn, [ov], nodes, mask=mv)
        return (cu + jnp.sum(mu.astype(jnp.int32)),
                cv + jnp.sum(mv.astype(jnp.int32)))
    cu, cv = lax.fori_loop(0, _R // 16, p2, (jnp.int32(0), jnp.int32(0)))

    pltpu.sync_copy(let_v, outlet_hbm.at[pl.ds(lo, _R)])

    def _pad(wj_ref, wn_ref, cnt):
        vj0 = wj_ref[pl.ds(0, 16)]
        vn0 = wn_ref[pl.ds(0, 16)]
        j0 = jnp.sum(jnp.where(iota == 0, vj0, 0))
        n0 = jnp.sum(jnp.where(iota == 0, vn0, 0))

        def pads(p, _):
            idxp = cnt + p * 16 + iota
            plsc.store_scatter(wj_ref, [idxp], jnp.full((16,), j0, jnp.int32))
            plsc.store_scatter(wn_ref, [idxp], jnp.full((16,), n0, jnp.int32))
            return 0
        lax.fori_loop(0, _WCH // 16, pads, 0)
    _pad(wuj, wun, cu)
    _pad(wvj, wvn, cv)

    def rp(r, _):
        for l in range(8):
            wun3[r, pl.ds(l * 16, 16)] = wun[pl.ds(r * 128 + l * 16, 16)]
            wvn3[r, pl.ds(l * 16, 16)] = wvn[pl.ds(r * 128 + l * 16, 16)]
        return 0
    lax.fori_loop(0, _WCAP // _WCH, rp, 0)

    cnt_v[pl.ds(0, 16)] = jnp.where(iota == 0, cu, jnp.where(iota == 1, cv, 0))
    pltpu.sync_copy(wuj, wuj_hbm.at[wid])
    pltpu.sync_copy(wvj, wvj_hbm.at[wid])
    pltpu.sync_copy(wun3, wun3_hbm.at[wid])
    pltpu.sync_copy(wvn3, wvn3_hbm.at[wid])
    pltpu.sync_copy(cnt_v, cnt_hbm.at[wid])


def _sc_winner(uv, t, ltp):
    mesh = plsc.VectorSubcoreMesh(core_axis_name="c", subcore_axis_name="s")
    nrow = _WCAP // _WCH
    k = pl.kernel(
        _sc_winner_body,
        out_type=(
            jax.ShapeDtypeStruct((_NW, _WCAP), jnp.int32),
            jax.ShapeDtypeStruct((_NW, nrow, _WCH), jnp.int32),
            jax.ShapeDtypeStruct((_NW, _WCAP), jnp.int32),
            jax.ShapeDtypeStruct((_NW, nrow, _WCH), jnp.int32),
            jax.ShapeDtypeStruct((_NW, 16), jnp.int32),
            jax.ShapeDtypeStruct((_NNP,), jnp.float32),
        ),
        mesh=mesh,
        compiler_params=pltpu.CompilerParams(needs_layout_passes=False),
        scratch_types=[
            pltpu.VMEM((_EV2,), jnp.int32),
            pltpu.VMEM((_N_EV,), jnp.float32),
            pltpu.VMEM((_R,), jnp.int32),
            pltpu.VMEM((_R,), jnp.float32),
            pltpu.VMEM((_WCAP,), jnp.int32),
            pltpu.VMEM((_WCAP,), jnp.int32),
            pltpu.VMEM((nrow, _WCH), jnp.int32),
            pltpu.VMEM((_WCAP,), jnp.int32),
            pltpu.VMEM((_WCAP,), jnp.int32),
            pltpu.VMEM((nrow, _WCH), jnp.int32),
            pltpu.VMEM((16,), jnp.int32),
        ],
    )
    return k(uv, t, ltp)


def _sc_apply_body(wuj_hbm, wun3_hbm, wvj_hbm, wvn3_hbm, cnt_hbm, zun_hbm,
                   zvn_hbm, emb_io, wuj, wun3, wvj, wvn3, cnt_v,
                   r0, r1, r2, r3, r4, r5, sg0, sg1, sg2, sg3, sg4, sg5,
                   ss0, ss1, ss2, ss3, ss4, ss5):
    wid = lax.axis_index("s") * 2 + lax.axis_index("c")
    iota = lax.iota(jnp.int32, 16)

    pltpu.sync_copy(wuj_hbm.at[wid], wuj)
    pltpu.sync_copy(wvj_hbm.at[wid], wvj)
    pltpu.sync_copy(wun3_hbm.at[wid], wun3)
    pltpu.sync_copy(wvn3_hbm.at[wid], wvn3)
    pltpu.sync_copy(cnt_hbm.at[wid], cnt_v)
    cvec = cnt_v[pl.ds(0, 16)]
    cu = jnp.sum(jnp.where(iota == 0, cvec, 0))
    cv = jnp.sum(jnp.where(iota == 1, cvec, 0))

    bufs = (r0, r1, r2, r3, r4, r5)
    sgs = (sg0, sg1, sg2, sg3, sg4, sg5)
    sss = (ss0, ss1, ss2, ss3, ss4, ss5)

    def _run(cnt, wj_ref, wn3_ref, src_hbm):
        nch = (cnt + _WCH - 1) // _WCH
        nquad = (nch + _NBUF - 1) // _NBUF

        def quad(p, _):
            for i in range(_NBUF):
                ci = _NBUF * p + i
                cprev = ci - _NBUF

                @pl.when(cprev >= 0)
                def _(i=i, cprev=cprev):
                    pltpu.make_async_copy(
                        bufs[i], emb_io.at[wn3_ref.at[cprev]], sss[i]).wait()

                @pl.when(ci < nch)
                def _(i=i, ci=ci):
                    pltpu.async_copy(
                        src_hbm.at[wj_ref.at[pl.ds(ci * _WCH, _WCH)]],
                        bufs[i], sgs[i])
            for i in range(_NBUF):
                ci = _NBUF * p + i

                @pl.when(ci < nch)
                def _(i=i, ci=ci):
                    pltpu.make_async_copy(
                        src_hbm.at[wj_ref.at[pl.ds(ci * _WCH, _WCH)]],
                        bufs[i], sgs[i]).wait()
                    pltpu.async_copy(bufs[i], emb_io.at[wn3_ref.at[ci]],
                                     sss[i])
            return 0
        lax.fori_loop(0, nquad, quad, 0)
        for i in range(_NBUF):
            clast = _NBUF * (nquad - 1) + i

            @pl.when((nquad > 0) & (clast < nch))
            def _(i=i, clast=clast):
                pltpu.make_async_copy(
                    bufs[i], emb_io.at[wn3_ref.at[clast]], sss[i]).wait()
    _run(cu, wuj, wun3, zun_hbm)
    _run(cv, wvj, wvn3, zvn_hbm)


def _sc_apply(emb_ref, wuj_a, wun3_a, wvj_a, wvn3_a, cnts, zun, zvn):
    mesh = plsc.VectorSubcoreMesh(core_axis_name="c", subcore_axis_name="s")
    nrow = _WCAP // _WCH
    k = pl.kernel(
        _sc_apply_body,
        out_type=(),
        mesh=mesh,
        compiler_params=pltpu.CompilerParams(needs_layout_passes=False),
        scratch_types=(
            [pltpu.VMEM((_WCAP,), jnp.int32),
             pltpu.VMEM((nrow, _WCH), jnp.int32),
             pltpu.VMEM((_WCAP,), jnp.int32),
             pltpu.VMEM((nrow, _WCH), jnp.int32),
             pltpu.VMEM((16,), jnp.int32)]
            + [pltpu.VMEM((_WCH, _D), jnp.float32) for _ in range(_NBUF)]
            + [pltpu.SemaphoreType.DMA for _ in range(2 * _NBUF)]
        ),
    )
    return k(wuj_a, wun3_a, wvj_a, wvn3_a, cnts, zun, zvn, emb_ref)


def _dense_body(emb_ref, zu_ref, zv_ref, t_ref, kk_ref, psi_ref, be_ref,
                WS_ref, WR_ref, Wh_ref, Wt_ref, bh_ref, wbar_ref,
                out_emb_ref, zun_ref, zvn_ref, lam_ref):
    out_emb_ref[...] = emb_ref[...]
    zu = zu_ref[...]
    zv = zv_ref[...]
    WS = WS_ref[...]
    WR = WR_ref[...]
    Wh = Wh_ref[...]
    wt = Wt_ref[...]
    bh = bh_ref[...]

    zsum = zu + zv
    dT = lax.dot_general(wbar_ref[...], zsum, (((1,), (1,)), ((), ())),
                         preferred_element_type=jnp.float32)
    kk = kk_ref[0]
    g = jnp.where(kk == 0, dT[0:1, :], dT[1:2, :]) + be_ref[0]
    psi = psi_ref[0]
    lam_ref[0] = psi * jnp.log1p(jnp.exp(jnp.clip(g / psi, -75.0, 75.0)))

    tcol = t_ref[0].reshape(_EVB, 1)
    dtW = tcol * wt
    h_u = jax.nn.sigmoid(lax.dot_general(zv, Wh, (((1,), (1,)), ((), ())),
                                         preferred_element_type=jnp.float32) + bh)
    h_v = jax.nn.sigmoid(lax.dot_general(zu, Wh, (((1,), (1,)), ((), ())),
                                         preferred_element_type=jnp.float32) + bh)
    zun_ref[...] = jax.nn.sigmoid(
        lax.dot_general(h_u, WS, (((1,), (1,)), ((), ())), preferred_element_type=jnp.float32)
        + lax.dot_general(zu, WR, (((1,), (1,)), ((), ())), preferred_element_type=jnp.float32)
        + dtW)
    zvn_ref[...] = jax.nn.sigmoid(
        lax.dot_general(h_v, WS, (((1,), (1,)), ((), ())), preferred_element_type=jnp.float32)
        + lax.dot_general(zv, WR, (((1,), (1,)), ((), ())), preferred_element_type=jnp.float32)
        + dtW)


def _dense_call(embeddings, zuv, t2, k2, psi2, be2, W_S, W_R, W_h, Wt2, bh2,
                wbar8):
    n_nodes = embeddings.shape[0]
    full = lambda s: (0, 0)
    evb = lambda s: (s, 0)
    vvb = lambda s: (s + _GRID, 0)
    sc3 = lambda s: (s, 0, 0)
    return pl.pallas_call(
        _dense_body,
        grid=(_GRID,),
        in_specs=[
            pl.BlockSpec((_CPB, _D), evb),
            pl.BlockSpec((_EVB, _D), evb),
            pl.BlockSpec((_EVB, _D), vvb),
            pl.BlockSpec((1, 1, _EVB), sc3),
            pl.BlockSpec((1, 1, _EVB), sc3),
            pl.BlockSpec((1, 1, _EVB), sc3),
            pl.BlockSpec((1, 1, _EVB), sc3),
            pl.BlockSpec((_D, _D), full),
            pl.BlockSpec((_D, _D), full),
            pl.BlockSpec((_D, _D), full),
            pl.BlockSpec((1, _D), full),
            pl.BlockSpec((1, _D), full),
            pl.BlockSpec((8, _D), full),
        ],
        out_specs=[
            pl.BlockSpec((_CPB, _D), evb),
            pl.BlockSpec((_EVB, _D), evb),
            pl.BlockSpec((_EVB, _D), evb),
            pl.BlockSpec((1, 1, _EVB), sc3),
        ],
        out_shape=[
            jax.ShapeDtypeStruct((n_nodes, _D), jnp.float32),
            jax.ShapeDtypeStruct((_N_EV, _D), jnp.float32),
            jax.ShapeDtypeStruct((_N_EV, _D), jnp.float32),
            jax.ShapeDtypeStruct((_GRID, 1, _EVB), jnp.float32),
        ],
    )(embeddings, zuv, zuv, t2, k2, psi2, be2, W_S, W_R, W_h, Wt2, bh2, wbar8)


def kernel(embeddings, u, v, k, t, last_event_time, W_S, W_R, W_t, W_h, b_h,
           psi, omega_w, omega_b):
    n_nodes = embeddings.shape[0]

    k_is0 = (k == 0)
    psi_e = jnp.where(k_is0, psi[0], psi[1]).reshape(_GRID, 1, _EVB)
    be_e = jnp.where(k_is0, omega_b[0], omega_b[1]).reshape(_GRID, 1, _EVB)
    t2 = t.reshape(_GRID, 1, _EVB)
    k2 = k.reshape(_GRID, 1, _EVB)
    wbar = 0.5 * (omega_w[:, :_D] + omega_w[:, _D:])
    wbar8 = jnp.zeros((8, _D), jnp.float32).at[:2].set(wbar)
    Wt2 = W_t.reshape(1, _D)
    bh2 = b_h.reshape(1, _D)

    uv = jnp.concatenate([u, v])
    zuv = _sc_gather(embeddings, uv)

    ltp = jnp.pad(last_event_time, (0, _NNP - n_nodes))
    wuj_a, wun3_a, wvj_a, wvn3_a, cnts, outlet = _sc_winner(uv, t, ltp)

    out_emb, zun, zvn, lam2 = _dense_call(
        embeddings, zuv, t2, k2, psi_e, be_e, W_S, W_R, W_h, Wt2, bh2, wbar8)
    lam = lam2.reshape(_N_EV)

    emb_ref = jax.new_ref(out_emb)
    _sc_apply(emb_ref, wuj_a, wun3_a, wvj_a, wvn3_a, cnts, zun, zvn)
    new_emb = jax.freeze(emb_ref)
    new_let = outlet[:n_nodes]
    return lam, new_emb, new_let

# --- scband reference (transcript-rebuilt; emitter-appended) ---
"""Pipeline reference for scband-dy-rep-62904091018094 (READ-ONLY COPY).

The authoritative reference and input builder live on the scoring server;
editing this copy changes nothing except your own understanding.
"""

import jax, jax.numpy as jnp
import numpy as np

N_NODES = 100000
N_HIDDEN = 128
N_EVENTS = 16384
N_EVENT_TYPES = 2


def setup_inputs(seed: int = 0):
    key = jax.random.key(seed)
    ks = jax.random.split(key, 12)
    s = 1.0 / float(np.sqrt(N_HIDDEN))
    s2 = 1.0 / float(np.sqrt(2 * N_HIDDEN))
    return {
        'embeddings': jax.random.uniform(ks[0], (N_NODES, N_HIDDEN), dtype=jnp.float32),
        'u': jax.random.randint(ks[1], (N_EVENTS,), 0, N_NODES, dtype=jnp.int32),
        'v': jax.random.randint(ks[2], (N_EVENTS,), 0, N_NODES, dtype=jnp.int32),
        'k': jax.random.randint(ks[3], (N_EVENTS,), 0, N_EVENT_TYPES, dtype=jnp.int32),
        't': jax.random.uniform(ks[4], (N_EVENTS,), dtype=jnp.float32),
        'last_event_time': jnp.zeros((N_NODES,), dtype=jnp.float32),
        'W_S': jax.random.normal(ks[5], (N_HIDDEN, N_HIDDEN), dtype=jnp.float32) * s,
        'W_R': jax.random.normal(ks[6], (N_HIDDEN, N_HIDDEN), dtype=jnp.float32) * s,
        'W_t': jax.random.normal(ks[7], (N_HIDDEN,), dtype=jnp.float32),
        'W_h': jax.random.normal(ks[8], (N_HIDDEN, N_HIDDEN), dtype=jnp.float32) * s,
        'b_h': jnp.zeros((N_HIDDEN,), dtype=jnp.float32),
        'psi': 0.5 * jnp.ones((N_EVENT_TYPES,), dtype=jnp.float32),
        'omega_w': jax.random.normal(ks[9], (N_EVENT_TYPES, 2 * N_HIDDEN), dtype=jnp.float32) * s2,
        'omega_b': jnp.zeros((N_EVENT_TYPES,), dtype=jnp.float32),
    }


def reference(embeddings, u, v, k, t, last_event_time, W_S, W_R, W_t, W_h, b_h, psi, omega_w, omega_b):
    # --- calculate_intensity_rates (batched over events) ---
    z_u = jnp.take(embeddings, u, axis=0)
    z_v = jnp.take(embeddings, v, axis=0)
    z_uv = jnp.concatenate([z_u, z_v], axis=1)
    z_vu = jnp.concatenate([z_v, z_u], axis=1)
    w_k = jnp.take(omega_w, k, axis=0)  # per-event-type omega linear
    b_k = jnp.take(omega_b, k, axis=0)
    g_uv = jnp.sum(z_uv * w_k, axis=1) + b_k
    g_vu = jnp.sum(z_vu * w_k, axis=1) + b_k
    g_sym = 0.5 * (g_uv + g_vu)
    psi_k = jnp.take(psi, k, axis=0)
    lam = psi_k * jnp.log1p(jnp.exp(jnp.clip(g_sym / psi_k, -75.0, 75.0)))  # f_k
    # --- update_embeddings (batched; event partner acts as the local neighbor, q ~ 1) ---
    dt_u = t - jnp.take(last_event_time, u, axis=0)
    dt_v = t - jnp.take(last_event_time, v, axis=0)
    h_for_u = jax.nn.sigmoid(z_v @ W_h.T + b_h)  # hstruct via W_h on neighbor embedding
    h_for_v = jax.nn.sigmoid(z_u @ W_h.T + b_h)
    z_u_new = jax.nn.sigmoid(h_for_u @ W_S.T + z_u @ W_R.T + dt_u[:, None] * W_t[None, :])
    z_v_new = jax.nn.sigmoid(h_for_v @ W_S.T + z_v @ W_R.T + dt_v[:, None] * W_t[None, :])
    # --- scatter-overwrite node memory and last event times ---
    new_embeddings = embeddings.at[u].set(z_u_new).at[v].set(z_v_new)
    new_last_event_time = last_event_time.at[u].set(t).at[v].set(t)
    return lam, new_embeddings, new_last_event_time

if __name__ == "__main__":
    import jax
    _d = setup_inputs()
    print(jax.jit(kernel)(*tuple(_d.values())))

</pallas_src>

<mosaic_0001>
#map = affine_map<(d0, d1) -> (0)>
#map1 = affine_map<(d0, d1) -> (0, 0)>
#map2 = affine_map<(d0, d1) -> (0, 0, 0)>
module attributes {stable_mosaic.version = 14 : i64} {
  func.func @_sc_winner_body(%arg0: i32, %arg1: i32, %arg2: memref<32768xi32, #tpu.memory_space<hbm>>, %arg3: memref<16384xf32, #tpu.memory_space<hbm>>, %arg4: memref<100352xf32, #tpu.memory_space<hbm>>, %arg5: memref<32x3328xi32, #tpu.memory_space<hbm>>, %arg6: memref<32x26x128xi32, #tpu.memory_space<hbm>>, %arg7: memref<32x3328xi32, #tpu.memory_space<hbm>>, %arg8: memref<32x26x128xi32, #tpu.memory_space<hbm>>, %arg9: memref<32x16xi32, #tpu.memory_space<hbm>>, %arg10: memref<100352xf32, #tpu.memory_space<hbm>>, %arg11: memref<32768xi32, #tpu.memory_space<vmem>>, %arg12: memref<16384xf32, #tpu.memory_space<vmem>>, %arg13: memref<3136xi32, #tpu.memory_space<vmem>>, %arg14: memref<3136xf32, #tpu.memory_space<vmem>>, %arg15: memref<3328xi32, #tpu.memory_space<vmem>>, %arg16: memref<3328xi32, #tpu.memory_space<vmem>>, %arg17: memref<26x128xi32, #tpu.memory_space<vmem>>, %arg18: memref<3328xi32, #tpu.memory_space<vmem>>, %arg19: memref<3328xi32, #tpu.memory_space<vmem>>, %arg20: memref<26x128xi32, #tpu.memory_space<vmem>>, %arg21: memref<16xi32, #tpu.memory_space<vmem>>) attributes {dimension_semantics = [#tpu.dimension_semantics<core_parallel>, #tpu.dimension_semantics<subcore_parallel>], iteration_bounds = array<i64: 2, 16>, scalar_prefetch = 0 : i64, scratch_operands = 11 : i64, tpu.core_type = #tpu.core_type<sc_vector_subcore>, window_params = [{transform_indices = #map}, {transform_indices = #map}, {transform_indices = #map}, {transform_indices = #map1}, {transform_indices = #map2}, {transform_indices = #map1}, {transform_indices = #map2}, {transform_indices = #map1}, {transform_indices = #map}]} {
    %mul3A = arith.constant 2 : i32
    %mul3A_0 = arith.muli %arg1, %mul3A : i32
    %add3A = arith.addi %mul3A_0, %arg0 : i32
    %mul3A_1 = arith.constant 3136 : i32
    %mul3A_2 = arith.muli %add3A, %mul3A_1 : i32
    %add3A_3 = arith.constant 3136 : i32
    %add3A_4 = arith.addi %mul3A_2, %add3A_3 : i32
    %iota3A = tpu.iota {dimensions = array<i32: 0>} : vector<16xi32>
    "tpu.region"() ({
      %run_scoped3A = tpu.sem_alloc : memref<!tpu.dma_semaphore, #tpu.memory_space<semaphore_mem>>
      tpu.enqueue_dma source(%arg2 : memref<32768xi32, #tpu.memory_space<hbm>>) target(%arg11 : memref<32768xi32, #tpu.memory_space<vmem>>) target_semaphore(%run_scoped3A : memref<!tpu.dma_semaphore, #tpu.memory_space<semaphore_mem>>)
      tpu.wait_dma2 semaphore(%run_scoped3A : memref<!tpu.dma_semaphore, #tpu.memory_space<semaphore_mem>>) src(%arg2 : memref<32768xi32, #tpu.memory_space<hbm>>) dst(%arg11 : memref<32768xi32, #tpu.memory_space<vmem>>)
      tpu.yield
    }) : () -> ()
    "tpu.region"() ({
      %run_scoped3A = tpu.sem_alloc : memref<!tpu.dma_semaphore, #tpu.memory_space<semaphore_mem>>
      tpu.enqueue_dma source(%arg3 : memref<16384xf32, #tpu.memory_space<hbm>>) target(%arg12 : memref<16384xf32, #tpu.memory_space<vmem>>) target_semaphore(%run_scoped3A : memref<!tpu.dma_semaphore, #tpu.memory_space<semaphore_mem>>)
      tpu.wait_dma2 semaphore(%run_scoped3A : memref<!tpu.dma_semaphore, #tpu.memory_space<semaphore_mem>>) src(%arg3 : memref<16384xf32, #tpu.memory_space<hbm>>) dst(%arg12 : memref<16384xf32, #tpu.memory_space<vmem>>)
      tpu.yield
    }) : () -> ()
    "tpu.region"() ({
      %run_scoped3A = tpu.sem_alloc : memref<!tpu.dma_semaphore, #tpu.memory_space<semaphore_mem>>
      %dma_start3A = tpu.memref_slice %arg4[%mul3A_2] : memref<100352xf32, #tpu.memory_space<hbm>> -> memref<3136xf32, #tpu.memory_space<hbm>>
      %dma_start3A_102 = tpu.memref_slice %arg4[%mul3A_2] : memref<100352xf32, #tpu.memory_space<hbm>> -> memref<3136xf32, #tpu.memory_space<hbm>>
      tpu.enqueue_dma source(%dma_start3A_102 : memref<3136xf32, #tpu.memory_space<hbm>>) target(%arg14 : memref<3136xf32, #tpu.memory_space<vmem>>) target_semaphore(%run_scoped3A : memref<!tpu.dma_semaphore, #tpu.memory_space<semaphore_mem>>)
      %dma_wait3A = tpu.memref_slice %arg4[%mul3A_2] : memref<100352xf32, #tpu.memory_space<hbm>> -> memref<3136xf32, #tpu.memory_space<hbm>>
      %dma_wait3A_103 = tpu.memref_slice %arg4[%mul3A_2] : memref<100352xf32, #tpu.memory_space<hbm>> -> memref<3136xf32, #tpu.memory_space<hbm>>
      tpu.wait_dma2 semaphore(%run_scoped3A : memref<!tpu.dma_semaphore, #tpu.memory_space<semaphore_mem>>) src(%dma_wait3A_103 : memref<3136xf32, #tpu.memory_space<hbm>>) dst(%arg14 : memref<3136xf32, #tpu.memory_space<vmem>>)
      tpu.yield
    }) : () -> ()
    %scan3A = arith.constant 0 : i32
    %scan3A_5 = arith.constant 0 : i32
    %scan3A_6 = arith.constant 196 : i32
    %scan3A_7 = arith.addi %scan3A_5, %scan3A_6 : i32
    %scan3A_8 = arith.constant 1 : i32
    %scan3A_9 = scf.for %scan3A_102 = %scan3A_5 to %scan3A_7 step %scan3A_8 iter_args(%scan3A_103 = %scan3A) -> (i32)  : i32 {
      %broadcast_in_dim3A_104 = arith.constant -1 : i32
      %broadcast_in_dim3A_105 = vector.broadcast %broadcast_in_dim3A_104 : i32 to vector<16xi32>
      %mul3A_106 = arith.constant 16 : i32
      %mul3A_107 = arith.muli %scan3A_102, %mul3A_106 : i32
      %swap3A_108 = arith.index_cast %mul3A_107 : i32 to index
      %swap3A_109 = tpu.vector_load %arg13[%swap3A_108] {strides = array<i32>} : memref<3136xi32, #tpu.memory_space<vmem>>, vector<16xi32>,
      tpu.vector_store %arg13[%swap3A_108], %broadcast_in_dim3A_105 {strides = array<i32>} : memref<3136xi32, #tpu.memory_space<vmem>>, vector<16xi32>,
      %scan3A_110 = arith.constant 0 : i32
      scf.yield %scan3A_110 : i32
    }
    %scan3A_10 = arith.constant 196 : i32
    %scan3A_11 = arith.constant 0 : i32
    %scan3A_12 = arith.constant 0 : i32
    %scan3A_13 = arith.constant 2048 : i32
    %scan3A_14 = arith.addi %scan3A_12, %scan3A_13 : i32
    %scan3A_15 = arith.constant 1 : i32
    %scan3A_16 = scf.for %scan3A_102 = %scan3A_12 to %scan3A_14 step %scan3A_15 iter_args(%scan3A_103 = %scan3A_11) -> (i32)  : i32 {
      %mul3A_104 = arith.constant 16 : i32
      %mul3A_105 = arith.muli %scan3A_102, %mul3A_104 : i32
      %get3A_106 = arith.index_cast %mul3A_105 : i32 to index
      %get3A_107 = tpu.vector_load %arg11[%get3A_106] {strides = array<i32>} : memref<32768xi32, #tpu.memory_space<vmem>>, vector<16xi32>,
      %mul3A_108 = arith.constant 16 : i32
      %mul3A_109 = arith.muli %scan3A_102, %mul3A_108 : i32
      %add3A_110 = vector.broadcast %mul3A_109 : i32 to vector<16xi32>
      %add3A_111 = arith.addi %add3A_110, %iota3A : vector<16xi32>
      %ge3A = vector.broadcast %mul3A_2 : i32 to vector<16xi32>
      %ge3A_112 = arith.cmpi sge, %get3A_107, %ge3A : vector<16xi32>
      %lt3A = vector.broadcast %add3A_4 : i32 to vector<16xi32>
      %lt3A_113 = arith.cmpi slt, %get3A_107, %lt3A : vector<16xi32>
      %and3A = arith.andi %ge3A_112, %lt3A_113 : vector<16xi1>
      %sub3A = vector.broadcast %mul3A_2 : i32 to vector<16xi32>
      %sub3A_114 = arith.subi %get3A_107, %sub3A : vector<16xi32>
      %jit3A_115 = arith.constant 0 : i32
      %broadcast_in_dim3A_116 = vector.broadcast %jit3A_115 : i32 to vector<16xi32>
      %select_n3A_117 = arith.select %and3A, %sub3A_114, %broadcast_in_dim3A_116 : vector<16xi1>, vector<16xi32>
      tpu.vector_store_idx %arg13[%select_n3A_117], %add3A_111 masked %and3A : memref<3136xi32, #tpu.memory_space<vmem>>[vector<16xi32>], vector<16xi32>, vector<16xi1>
      %gather3A = tpu.vector_load_idx %arg13[%select_n3A_117] : memref<3136xi32, #tpu.memory_space<vmem>>[vector<16xi32>], vector<16xi32>,
      %lt3A_118 = arith.cmpi slt, %gather3A, %add3A_111 : vector<16xi32>
      %and3A_119 = arith.andi %and3A, %lt3A_118 : vector<16xi1>
      %while3A = scf.while (%while3A_121 = %and3A_119) : (vector<16xi1>) -> vector<16xi1> {
        %reduce_or3A = arith.constant 1.000000e+00 : f32
        %reduce_or3A_122 = arith.constant 0.000000e+00 : f32
        %reduce_or3A_123 = vector.broadcast %reduce_or3A : f32 to vector<16xf32>
        %reduce_or3A_124 = vector.broadcast %reduce_or3A_122 : f32 to vector<16xf32>
        %reduce_or3A_125 = arith.select %while3A_121, %reduce_or3A_123, %reduce_or3A_124 : vector<16xi1>, vector<16xf32>
        %reduce_or3A_126 = arith.constant true
        %reduce_or3A_127 = vector.broadcast %reduce_or3A_126 : i1 to vector<16xi1>
        %reduce_or3A_128 = tpu.scan <max>, %reduce_or3A_125 masked %reduce_or3A_127 : vector<16xf32>, vector<16xi1> -> vector<16xf32>
        %reduce_or3A_129 = vector.extract %reduce_or3A_128[15] : f32 from vector<16xf32>
        %reduce_or3A_130 = arith.constant 0.000000e+00 : f32
        %reduce_or3A_131 = arith.cmpf ogt, %reduce_or3A_129, %reduce_or3A_130 : f32
        scf.condition(%reduce_or3A_131) %while3A_121 : vector<16xi1>
      } do {
      ^bb0(%while3A_121: vector<16xi1>):
        tpu.vector_store_idx %arg13[%select_n3A_117], %add3A_111 masked %while3A_121 : memref<3136xi32, #tpu.memory_space<vmem>>[vector<16xi32>], vector<16xi32>, vector<16xi1>
        %gather3A_122 = tpu.vector_load_idx %arg13[%select_n3A_117] : memref<3136xi32, #tpu.memory_space<vmem>>[vector<16xi32>], vector<16xi32>,
        %lt3A_123 = arith.cmpi slt, %gather3A_122, %add3A_111 : vector<16xi32>
        %and3A_124 = arith.andi %while3A_121, %lt3A_123 : vector<16xi1>
        scf.yield %and3A_124 : vector<16xi1>
      }
      %scan3A_120 = arith.constant 0 : i32
      scf.yield %scan3A_120 : i32
    }
    %scan3A_17 = arith.constant 2048 : i32
    %scan3A_18 = arith.constant 0 : i32
    %scan3A_19 = arith.constant 0 : i32
    %scan3A_20 = arith.constant 0 : i32
    %scan3A_21 = arith.constant 196 : i32
    %scan3A_22 = arith.addi %scan3A_20, %scan3A_21 : i32
    %scan3A_23 = arith.constant 1 : i32
    %scan3A_24:2 = scf.for %scan3A_102 = %scan3A_20 to %scan3A_22 step %scan3A_23 iter_args(%scan3A_103 = %scan3A_18, %scan3A_104 = %scan3A_19) -> (i32, i32)  : i32 {
      %mul3A_105 = arith.constant 16 : i32
      %mul3A_106 = arith.muli %scan3A_102, %mul3A_105 : i32
      %get3A_107 = arith.index_cast %mul3A_106 : i32 to index
      %get3A_108 = tpu.vector_load %arg13[%get3A_107] {strides = array<i32>} : memref<3136xi32, #tpu.memory_space<vmem>>, vector<16xi32>,
      %ge3A = arith.constant 0 : i32
      %ge3A_109 = vector.broadcast %ge3A : i32 to vector<16xi32>
      %ge3A_110 = arith.cmpi sge, %get3A_108, %ge3A_109 : vector<16xi32>
      %mul3A_111 = arith.constant 16 : i32
      %mul3A_112 = arith.muli %scan3A_102, %mul3A_111 : i32
      %add3A_113 = arith.addi %mul3A_2, %mul3A_112 : i32
      %add3A_114 = vector.broadcast %add3A_113 : i32 to vector<16xi32>
      %add3A_115 = arith.addi %add3A_114, %iota3A : vector<16xi32>
      %lt3A = arith.constant 16384 : i32
      %lt3A_116 = vector.broadcast %lt3A : i32 to vector<16xi32>
      %lt3A_117 = arith.cmpi slt, %get3A_108, %lt3A_116 : vector<16xi32>
      %and3A = arith.andi %ge3A_110, %lt3A_117 : vector<16xi1>
      %not3A = arith.constant dense<true> : vector<16xi1>
      %not3A_118 = arith.xori %lt3A_117, %not3A : vector<16xi1>
      %and3A_119 = arith.andi %ge3A_110, %not3A_118 : vector<16xi1>
      %sub3A = arith.constant 16384 : i32
      %sub3A_120 = vector.broadcast %sub3A : i32 to vector<16xi32>
      %sub3A_121 = arith.subi %get3A_108, %sub3A_120 : vector<16xi32>
      %select_n3A_122 = arith.select %lt3A_117, %get3A_108, %sub3A_121 : vector<16xi1>, vector<16xi32>
      %jit3A_123 = arith.constant 0 : i32
      %broadcast_in_dim3A_124 = vector.broadcast %jit3A_123 : i32 to vector<16xi32>
      %select_n3A_125 = arith.select %ge3A_110, %select_n3A_122, %broadcast_in_dim3A_124 : vector<16xi1>, vector<16xi32>
      %gather3A = tpu.vector_load_idx %arg12[%select_n3A_125] : memref<16384xf32, #tpu.memory_space<vmem>>[vector<16xi32>], vector<16xf32>,
      %mul3A_126 = arith.constant 16 : i32
      %mul3A_127 = arith.muli %scan3A_102, %mul3A_126 : i32
      %get3A_128 = arith.index_cast %mul3A_127 : i32 to index
      %get3A_129 = tpu.vector_load %arg14[%get3A_128] {strides = array<i32>} : memref<3136xf32, #tpu.memory_space<vmem>>, vector<16xf32>,
      %select_n3A_130 = arith.select %ge3A_110, %gather3A, %get3A_129 : vector<16xi1>, vector<16xf32>
      %mul3A_131 = arith.constant 16 : i32
      %mul3A_132 = arith.muli %scan3A_102, %mul3A_131 : i32
      %swap3A_133 = arith.index_cast %mul3A_132 : i32 to index
      %swap3A_134 = tpu.vector_load %arg14[%swap3A_133] {strides = array<i32>} : memref<3136xf32, #tpu.memory_space<vmem>>, vector<16xf32>,
      tpu.vector_store %arg14[%swap3A_133], %select_n3A_130 {strides = array<i32>} : memref<3136xf32, #tpu.memory_space<vmem>>, vector<16xf32>,
      %convert_element_type3A = arith.extui %and3A : vector<16xi1> to vector<16xi32>
      %cumsum3A = arith.constant true
      %cumsum3A_135 = vector.broadcast %cumsum3A : i1 to vector<16xi1>
      %cumsum3A_136 = tpu.scan <sum>, %convert_element_type3A masked %cumsum3A_135 : vector<16xi32>, vector<16xi1> -> vector<16xi32>
      %add3A_137 = vector.broadcast %scan3A_103 : i32 to vector<16xi32>
      %add3A_138 = arith.addi %add3A_137, %cumsum3A_136 : vector<16xi32>
      %sub3A_139 = arith.constant 1 : i32
      %sub3A_140 = vector.broadcast %sub3A_139 : i32 to vector<16xi32>
      %sub3A_141 = arith.subi %add3A_138, %sub3A_140 : vector<16xi32>
      %convert_element_type3A_142 = arith.extui %and3A_119 : vector<16xi1> to vector<16xi32>
      %cumsum3A_143 = arith.constant true
      %cumsum3A_144 = vector.broadcast %cumsum3A_143 : i1 to vector<16xi1>
      %cumsum3A_145 = tpu.scan <sum>, %convert_element_type3A_142 masked %cumsum3A_144 : vector<16xi32>, vector<16xi1> -> vector<16xi32>
      %add3A_146 = vector.broadcast %scan3A_104 : i32 to vector<16xi32>
      %add3A_147 = arith.addi %add3A_146, %cumsum3A_145 : vector<16xi32>
      %sub3A_148 = arith.constant 1 : i32
      %sub3A_149 = vector.broadcast %sub3A_148 : i32 to vector<16xi32>
      %sub3A_150 = arith.subi %add3A_147, %sub3A_149 : vector<16xi32>
      tpu.vector_store_idx %arg15[%sub3A_141], %select_n3A_125 masked %and3A : memref<3328xi32, #tpu.memory_space<vmem>>[vector<16xi32>], vector<16xi32>, vector<16xi1>
      tpu.vector_store_idx %arg16[%sub3A_141], %add3A_115 masked %and3A : memref<3328xi32, #tpu.memory_space<vmem>>[vector<16xi32>], vector<16xi32>, vector<16xi1>
      tpu.vector_store_idx %arg18[%sub3A_150], %select_n3A_125 masked %and3A_119 : memref<3328xi32, #tpu.memory_space<vmem>>[vector<16xi32>], vector<16xi32>, vector<16xi1>
      tpu.vector_store_idx %arg19[%sub3A_150], %add3A_115 masked %and3A_119 : memref<3328xi32, #tpu.memory_space<vmem>>[vector<16xi32>], vector<16xi32>, vector<16xi1>
      %convert_element_type3A_151 = arith.extui %and3A : vector<16xi1> to vector<16xi32>
      %reduce_sum3A_152 = arith.constant true
      %reduce_sum3A_153 = vector.broadcast %reduce_sum3A_152 : i1 to vector<16xi1>
      %reduce_sum3A_154 = tpu.scan <sum>, %convert_element_type3A_151 masked %reduce_sum3A_153 : vector<16xi32>, vector<16xi1> -> vector<16xi32>
      %reduce_sum3A_155 = vector.extract %reduce_sum3A_154[15] : i32 from vector<16xi32>
      %add3A_156 = arith.addi %scan3A_103, %reduce_sum3A_155 : i32
      %convert_element_type3A_157 = arith.extui %and3A_119 : vector<16xi1> to vector<16xi32>
      %reduce_sum3A_158 = arith.constant true
      %reduce_sum3A_159 = vector.broadcast %reduce_sum3A_158 : i1 to vector<16xi1>
      %reduce_sum3A_160 = tpu.scan <sum>, %convert_element_type3A_157 masked %reduce_sum3A_159 : vector<16xi32>, vector<16xi1> -> vector<16xi32>
      %reduce_sum3A_161 = vector.extract %reduce_sum3A_160[15] : i32 from vector<16xi32>
      %add3A_162 = arith.addi %scan3A_104, %reduce_sum3A_161 : i32
      scf.yield %add3A_156, %add3A_162 : i32, i32
    }
    %scan3A_25 = arith.constant 196 : i32
    "tpu.region"() ({
      %run_scoped3A = tpu.sem_alloc : memref<!tpu.dma_semaphore, #tpu.memory_space<semaphore_mem>>
      %dma_start3A = tpu.memref_slice %arg10[%mul3A_2] : memref<100352xf32, #tpu.memory_space<hbm>> -> memref<3136xf32, #tpu.memory_space<hbm>>
      %dma_start3A_102 = tpu.memref_slice %arg10[%mul3A_2] : memref<100352xf32, #tpu.memory_space<hbm>> -> memref<3136xf32, #tpu.memory_space<hbm>>
      tpu.enqueue_dma source(%arg14 : memref<3136xf32, #tpu.memory_space<vmem>>) target(%dma_start3A_102 : memref<3136xf32, #tpu.memory_space<hbm>>) target_semaphore(%run_scoped3A : memref<!tpu.dma_semaphore, #tpu.memory_space<semaphore_mem>>)
      %dma_wait3A = tpu.memref_slice %arg10[%mul3A_2] : memref<100352xf32, #tpu.memory_space<hbm>> -> memref<3136xf32, #tpu.memory_space<hbm>>
      %dma_wait3A_103 = tpu.memref_slice %arg10[%mul3A_2] : memref<100352xf32, #tpu.memory_space<hbm>> -> memref<3136xf32, #tpu.memory_space<hbm>>
      tpu.wait_dma2 semaphore(%run_scoped3A : memref<!tpu.dma_semaphore, #tpu.memory_space<semaphore_mem>>) src(%arg14 : memref<3136xf32, #tpu.memory_space<vmem>>) dst(%dma_wait3A_103 : memref<3136xf32, #tpu.memory_space<hbm>>)
      tpu.yield
    }) : () -> ()
    %get3A = arith.constant 0 : index
    %get3A_26 = tpu.vector_load %arg15[%get3A] {strides = array<i32>} : memref<3328xi32, #tpu.memory_space<vmem>>, vector<16xi32>,
    %get3A_27 = arith.constant 0 : index
    %get3A_28 = tpu.vector_load %arg16[%get3A_27] {strides = array<i32>} : memref<3328xi32, #tpu.memory_space<vmem>>, vector<16xi32>,
    %eq3A = arith.constant 0 : i32
    %eq3A_29 = vector.broadcast %eq3A : i32 to vector<16xi32>
    %eq3A_30 = arith.cmpi eq, %iota3A, %eq3A_29 : vector<16xi32>
    %jit3A = arith.constant 0 : i32
    %broadcast_in_dim3A = vector.broadcast %jit3A : i32 to vector<16xi32>
    %select_n3A = arith.select %eq3A_30, %get3A_26, %broadcast_in_dim3A : vector<16xi1>, vector<16xi32>
    %reduce_sum3A = arith.constant true
    %reduce_sum3A_31 = vector.broadcast %reduce_sum3A : i1 to vector<16xi1>
    %reduce_sum3A_32 = tpu.scan <sum>, %select_n3A masked %reduce_sum3A_31 : vector<16xi32>, vector<16xi1> -> vector<16xi32>
    %reduce_sum3A_33 = vector.extract %reduce_sum3A_32[15] : i32 from vector<16xi32>
    %eq3A_34 = arith.constant 0 : i32
    %eq3A_35 = vector.broadcast %eq3A_34 : i32 to vector<16xi32>
    %eq3A_36 = arith.cmpi eq, %iota3A, %eq3A_35 : vector<16xi32>
    %jit3A_37 = arith.constant 0 : i32
    %broadcast_in_dim3A_38 = vector.broadcast %jit3A_37 : i32 to vector<16xi32>
    %select_n3A_39 = arith.select %eq3A_36, %get3A_28, %broadcast_in_dim3A_38 : vector<16xi1>, vector<16xi32>
    %reduce_sum3A_40 = arith.constant true
    %reduce_sum3A_41 = vector.broadcast %reduce_sum3A_40 : i1 to vector<16xi1>
    %reduce_sum3A_42 = tpu.scan <sum>, %select_n3A_39 masked %reduce_sum3A_41 : vector<16xi32>, vector<16xi1> -> vector<16xi32>
    %reduce_sum3A_43 = vector.extract %reduce_sum3A_42[15] : i32 from vector<16xi32>
    %scan3A_44 = arith.constant 0 : i32
    %scan3A_45 = arith.constant 0 : i32
    %scan3A_46 = arith.constant 8 : i32
    %scan3A_47 = arith.addi %scan3A_45, %scan3A_46 : i32
    %scan3A_48 = arith.constant 1 : i32
    %scan3A_49 = scf.for %scan3A_102 = %scan3A_45 to %scan3A_47 step %scan3A_48 iter_args(%scan3A_103 = %scan3A_44) -> (i32)  : i32 {
      %mul3A_104 = arith.constant 16 : i32
      %mul3A_105 = arith.muli %scan3A_102, %mul3A_104 : i32
      %add3A_106 = arith.addi %scan3A_24#0, %mul3A_105 : i32
      %add3A_107 = vector.broadcast %add3A_106 : i32 to vector<16xi32>
      %add3A_108 = arith.addi %add3A_107, %iota3A : vector<16xi32>
      %broadcast_in_dim3A_109 = vector.broadcast %reduce_sum3A_33 : i32 to vector<16xi32>
      tpu.vector_store_idx %arg15[%add3A_108], %broadcast_in_dim3A_109 : memref<3328xi32, #tpu.memory_space<vmem>>[vector<16xi32>], vector<16xi32>,
      %broadcast_in_dim3A_110 = vector.broadcast %reduce_sum3A_43 : i32 to vector<16xi32>
      tpu.vector_store_idx %arg16[%add3A_108], %broadcast_in_dim3A_110 : memref<3328xi32, #tpu.memory_space<vmem>>[vector<16xi32>], vector<16xi32>,
      %scan3A_111 = arith.constant 0 : i32
      scf.yield %scan3A_111 : i32
    }
    %scan3A_50 = arith.constant 8 : i32
    %get3A_51 = arith.constant 0 : index
    %get3A_52 = tpu.vector_load %arg18[%get3A_51] {strides = array<i32>} : memref<3328xi32, #tpu.memory_space<vmem>>, vector<16xi32>,
    %get3A_53 = arith.constant 0 : index
    %get3A_54 = tpu.vector_load %arg19[%get3A_53] {strides = array<i32>} : memref<3328xi32, #tpu.memory_space<vmem>>, vector<16xi32>,
    %eq3A_55 = arith.constant 0 : i32
    %eq3A_56 = vector.broadcast %eq3A_55 : i32 to vector<16xi32>
    %eq3A_57 = arith.cmpi eq, %iota3A, %eq3A_56 : vector<16xi32>
    %jit3A_58 = arith.constant 0 : i32
    %broadcast_in_dim3A_59 = vector.broadcast %jit3A_58 : i32 to vector<16xi32>
    %select_n3A_60 = arith.select %eq3A_57, %get3A_52, %broadcast_in_dim3A_59 : vector<16xi1>, vector<16xi32>
    %reduce_sum3A_61 = arith.constant true
    %reduce_sum3A_62 = vector.broadcast %reduce_sum3A_61 : i1 to vector<16xi1>
    %reduce_sum3A_63 = tpu.scan <sum>, %select_n3A_60 masked %reduce_sum3A_62 : vector<16xi32>, vector<16xi1> -> vector<16xi32>
    %reduce_sum3A_64 = vector.extract %reduce_sum3A_63[15] : i32 from vector<16xi32>
    %eq3A_65 = arith.constant 0 : i32
    %eq3A_66 = vector.broadcast %eq3A_65 : i32 to vector<16xi32>
    %eq3A_67 = arith.cmpi eq, %iota3A, %eq3A_66 : vector<16xi32>
    %jit3A_68 = arith.constant 0 : i32
    %broadcast_in_dim3A_69 = vector.broadcast %jit3A_68 : i32 to vector<16xi32>
    %select_n3A_70 = arith.select %eq3A_67, %get3A_54, %broadcast_in_dim3A_69 : vector<16xi1>, vector<16xi32>
    %reduce_sum3A_71 = arith.constant true
    %reduce_sum3A_72 = vector.broadcast %reduce_sum3A_71 : i1 to vector<16xi1>
    %reduce_sum3A_73 = tpu.scan <sum>, %select_n3A_70 masked %reduce_sum3A_72 : vector<16xi32>, vector<16xi1> -> vector<16xi32>
    %reduce_sum3A_74 = vector.extract %reduce_sum3A_73[15] : i32 from vector<16xi32>
    %scan3A_75 = arith.constant 0 : i32
    %scan3A_76 = arith.constant 0 : i32
    %scan3A_77 = arith.constant 8 : i32
    %scan3A_78 = arith.addi %scan3A_76, %scan3A_77 : i32
    %scan3A_79 = arith.constant 1 : i32
    %scan3A_80 = scf.for %scan3A_102 = %scan3A_76 to %scan3A_78 step %scan3A_79 iter_args(%scan3A_103 = %scan3A_75) -> (i32)  : i32 {
      %mul3A_104 = arith.constant 16 : i32
      %mul3A_105 = arith.muli %scan3A_102, %mul3A_104 : i32
      %add3A_106 = arith.addi %scan3A_24#1, %mul3A_105 : i32
      %add3A_107 = vector.broadcast %add3A_106 : i32 to vector<16xi32>
      %add3A_108 = arith.addi %add3A_107, %iota3A : vector<16xi32>
      %broadcast_in_dim3A_109 = vector.broadcast %reduce_sum3A_64 : i32 to vector<16xi32>
      tpu.vector_store_idx %arg18[%add3A_108], %broadcast_in_dim3A_109 : memref<3328xi32, #tpu.memory_space<vmem>>[vector<16xi32>], vector<16xi32>,
      %broadcast_in_dim3A_110 = vector.broadcast %reduce_sum3A_74 : i32 to vector<16xi32>
      tpu.vector_store_idx %arg19[%add3A_108], %broadcast_in_dim3A_110 : memref<3328xi32, #tpu.memory_space<vmem>>[vector<16xi32>], vector<16xi32>,
      %scan3A_111 = arith.constant 0 : i32
      scf.yield %scan3A_111 : i32
    }
    %scan3A_81 = arith.constant 8 : i32
    %scan3A_82 = arith.constant 0 : i32
    %scan3A_83 = arith.constant 0 : i32
    %scan3A_84 = arith.constant 26 : i32
    %scan3A_85 = arith.addi %scan3A_83, %scan3A_84 : i32
    %scan3A_86 = arith.constant 1 : i32
    %scan3A_87 = scf.for %scan3A_102 = %scan3A_83 to %scan3A_85 step %scan3A_86 iter_args(%scan3A_103 = %scan3A_82) -> (i32)  : i32 {
      %mul3A_104 = arith.constant 128 : i32
      %mul3A_105 = arith.muli %scan3A_102, %mul3A_104 : i32
      %add3A_106 = arith.constant 0 : i32
      %add3A_107 = arith.addi %mul3A_105, %add3A_106 : i32
      %get3A_108 = arith.index_cast %add3A_107 : i32 to index
      %get3A_109 = tpu.vector_load %arg16[%get3A_108] {strides = array<i32>} : memref<3328xi32, #tpu.memory_space<vmem>>, vector<16xi32>,
      %swap3A_110 = arith.index_cast %scan3A_102 : i32 to index
      %swap3A_111 = arith.constant 0 : index
      %swap3A_112 = tpu.vector_load %arg17[%swap3A_110, %swap3A_111] {strides = array<i32>} : memref<26x128xi32, #tpu.memory_space<vmem>>, vector<16xi32>,
      tpu.vector_store %arg17[%swap3A_110, %swap3A_111], %get3A_109 {strides = array<i32>} : memref<26x128xi32, #tpu.memory_space<vmem>>, vector<16xi32>,
      %mul3A_113 = arith.constant 128 : i32
      %mul3A_114 = arith.muli %scan3A_102, %mul3A_113 : i32
      %add3A_115 = arith.constant 0 : i32
      %add3A_116 = arith.addi %mul3A_114, %add3A_115 : i32
      %get3A_117 = arith.index_cast %add3A_116 : i32 to index
      %get3A_118 = tpu.vector_load %arg19[%get3A_117] {strides = array<i32>} : memref<3328xi32, #tpu.memory_space<vmem>>, vector<16xi32>,
      %swap3A_119 = arith.index_cast %scan3A_102 : i32 to index
      %swap3A_120 = arith.constant 0 : index
      %swap3A_121 = tpu.vector_load %arg20[%swap3A_119, %swap3A_120] {strides = array<i32>} : memref<26x128xi32, #tpu.memory_space<vmem>>, vector<16xi32>,
      tpu.vector_store %arg20[%swap3A_119, %swap3A_120], %get3A_118 {strides = array<i32>} : memref<26x128xi32, #tpu.memory_space<vmem>>, vector<16xi32>,
      %mul3A_122 = arith.constant 128 : i32
      %mul3A_123 = arith.muli %scan3A_102, %mul3A_122 : i32
      %add3A_124 = arith.constant 16 : i32
      %add3A_125 = arith.addi %mul3A_123, %add3A_124 : i32
      %get3A_126 = arith.index_cast %add3A_125 : i32 to index
      %get3A_127 = tpu.vector_load %arg16[%get3A_126] {strides = array<i32>} : memref<3328xi32, #tpu.memory_space<vmem>>, vector<16xi32>,
      %swap3A_128 = arith.index_cast %scan3A_102 : i32 to index
      %swap3A_129 = arith.constant 16 : index
      %swap3A_130 = tpu.vector_load %arg17[%swap3A_128, %swap3A_129] {strides = array<i32>} : memref<26x128xi32, #tpu.memory_space<vmem>>, vector<16xi32>,
      tpu.vector_store %arg17[%swap3A_128, %swap3A_129], %get3A_127 {strides = array<i32>} : memref<26x128xi32, #tpu.memory_space<vmem>>, vector<16xi32>,
      %mul3A_131 = arith.constant 128 : i32
      %mul3A_132 = arith.muli %scan3A_102, %mul3A_131 : i32
      %add3A_133 = arith.constant 16 : i32
      %add3A_134 = arith.addi %mul3A_132, %add3A_133 : i32
      %get3A_135 = arith.index_cast %add3A_134 : i32 to index
      %get3A_136 = tpu.vector_load %arg19[%get3A_135] {strides = array<i32>} : memref<3328xi32, #tpu.memory_space<vmem>>, vector<16xi32>,
      %swap3A_137 = arith.index_cast %scan3A_102 : i32 to index
      %swap3A_138 = arith.constant 16 : index
      %swap3A_139 = tpu.vector_load %arg20[%swap3A_137, %swap3A_138] {strides = array<i32>} : memref<26x128xi32, #tpu.memory_space<vmem>>, vector<16xi32>,
      tpu.vector_store %arg20[%swap3A_137, %swap3A_138], %get3A_136 {strides = array<i32>} : memref<26x128xi32, #tpu.memory_space<vmem>>, vector<16xi32>,
      %mul3A_140 = arith.constant 128 : i32
      %mul3A_141 = arith.muli %scan3A_102, %mul3A_140 : i32
      %add3A_142 = arith.constant 32 : i32
      %add3A_143 = arith.addi %mul3A_141, %add3A_142 : i32
      %get3A_144 = arith.index_cast %add3A_143 : i32 to index
      %get3A_145 = tpu.vector_load %arg16[%get3A_144] {strides = array<i32>} : memref<3328xi32, #tpu.memory_space<vmem>>, vector<16xi32>,
      %swap3A_146 = arith.index_cast %scan3A_102 : i32 to index
      %swap3A_147 = arith.constant 32 : index
      %swap3A_148 = tpu.vector_load %arg17[%swap3A_146, %swap3A_147] {strides = array<i32>} : memref<26x128xi32, #tpu.memory_space<vmem>>, vector<16xi32>,
      tpu.vector_store %arg17[%swap3A_146, %swap3A_147], %get3A_145 {strides = array<i32>} : memref<26x128xi32, #tpu.memory_space<vmem>>, vector<16xi32>,
      %mul3A_149 = arith.constant 128 : i32
      %mul3A_150 = arith.muli %scan3A_102, %mul3A_149 : i32
      %add3A_151 = arith.constant 32 : i32
      %add3A_152 = arith.addi %mul3A_150, %add3A_151 : i32
      %get3A_153 = arith.index_cast %add3A_152 : i32 to index
      %get3A_154 = tpu.vector_load %arg19[%get3A_153] {strides = array<i32>} : memref<3328xi32, #tpu.memory_space<vmem>>, vector<16xi32>,
      %swap3A_155 = arith.index_cast %scan3A_102 : i32 to index
      %swap3A_156 = arith.constant 32 : index
      %swap3A_157 = tpu.vector_load %arg20[%swap3A_155, %swap3A_156] {strides = array<i32>} : memref<26x128xi32, #tpu.memory_space<vmem>>, vector<16xi32>,
      tpu.vector_store %arg20[%swap3A_155, %swap3A_156], %get3A_154 {strides = array<i32>} : memref<26x128xi32, #tpu.memory_space<vmem>>, vector<16xi32>,
      %mul3A_158 = arith.constant 128 : i32
      %mul3A_159 = arith.muli %scan3A_102, %mul3A_158 : i32
      %add3A_160 = arith.constant 48 : i32
      %add3A_161 = arith.addi %mul3A_159, %add3A_160 : i32
      %get3A_162 = arith.index_cast %add3A_161 : i32 to index
      %get3A_163 = tpu.vector_load %arg16[%get3A_162] {strides = array<i32>} : memref<3328xi32, #tpu.memory_space<vmem>>, vector<16xi32>,
      %swap3A_164 = arith.index_cast %scan3A_102 : i32 to index
      %swap3A_165 = arith.constant 48 : index
      %swap3A_166 = tpu.vector_load %arg17[%swap3A_164, %swap3A_165] {strides = array<i32>} : memref<26x128xi32, #tpu.memory_space<vmem>>, vector<16xi32>,
      tpu.vector_store %arg17[%swap3A_164, %swap3A_165], %get3A_163 {strides = array<i32>} : memref<26x128xi32, #tpu.memory_space<vmem>>, vector<16xi32>,
      %mul3A_167 = arith.constant 128 : i32
      %mul3A_168 = arith.muli %scan3A_102, %mul3A_167 : i32
      %add3A_169 = arith.constant 48 : i32
      %add3A_170 = arith.addi %mul3A_168, %add3A_169 : i32
      %get3A_171 = arith.index_cast %add3A_170 : i32 to index
      %get3A_172 = tpu.vector_load %arg19[%get3A_171] {strides = array<i32>} : memref<3328xi32, #tpu.memory_space<vmem>>, vector<16xi32>,
      %swap3A_173 = arith.index_cast %scan3A_102 : i32 to index
      %swap3A_174 = arith.constant 48 : index
      %swap3A_175 = tpu.vector_load %arg20[%swap3A_173, %swap3A_174] {strides = array<i32>} : memref<26x128xi32, #tpu.memory_space<vmem>>, vector<16xi32>,
      tpu.vector_store %arg20[%swap3A_173, %swap3A_174], %get3A_172 {strides = array<i32>} : memref<26x128xi32, #tpu.memory_space<vmem>>, vector<16xi32>,
      %mul3A_176 = arith.constant 128 : i32
      %mul3A_177 = arith.muli %scan3A_102, %mul3A_176 : i32
      %add3A_178 = arith.constant 64 : i32
      %add3A_179 = arith.addi %mul3A_177, %add3A_178 : i32
      %get3A_180 = arith.index_cast %add3A_179 : i32 to index
      %get3A_181 = tpu.vector_load %arg16[%get3A_180] {strides = array<i32>} : memref<3328xi32, #tpu.memory_space<vmem>>, vector<16xi32>,
      %swap3A_182 = arith.index_cast %scan3A_102 : i32 to index
      %swap3A_183 = arith.constant 64 : index
      %swap3A_184 = tpu.vector_load %arg17[%swap3A_182, %swap3A_183] {strides = array<i32>} : memref<26x128xi32, #tpu.memory_space<vmem>>, vector<16xi32>,
      tpu.vector_store %arg17[%swap3A_182, %swap3A_183], %get3A_181 {strides = array<i32>} : memref<26x128xi32, #tpu.memory_space<vmem>>, vector<16xi32>,
      %mul3A_185 = arith.constant 128 : i32
      %mul3A_186 = arith.muli %scan3A_102, %mul3A_185 : i32
      %add3A_187 = arith.constant 64 : i32
      %add3A_188 = arith.addi %mul3A_186, %add3A_187 : i32
      %get3A_189 = arith.index_cast %add3A_188 : i32 to index
      %get3A_190 = tpu.vector_load %arg19[%get3A_189] {strides = array<i32>} : memref<3328xi32, #tpu.memory_space<vmem>>, vector<16xi32>,
      %swap3A_191 = arith.index_cast %scan3A_102 : i32 to index
      %swap3A_192 = arith.constant 64 : index
      %swap3A_193 = tpu.vector_load %arg20[%swap3A_191, %swap3A_192] {strides = array<i32>} : memref<26x128xi32, #tpu.memory_space<vmem>>, vector<16xi32>,
      tpu.vector_store %arg20[%swap3A_191, %swap3A_192], %get3A_190 {strides = array<i32>} : memref<26x128xi32, #tpu.memory_space<vmem>>, vector<16xi32>,
      %mul3A_194 = arith.constant 128 : i32
      %mul3A_195 = arith.muli %scan3A_102, %mul3A_194 : i32
      %add3A_196 = arith.constant 80 : i32
      %add3A_197 = arith.addi %mul3A_195, %add3A_196 : i32
      %get3A_198 = arith.index_cast %add3A_197 : i32 to index
      %get3A_199 = tpu.vector_load %arg16[%get3A_198] {strides = array<i32>} : memref<3328xi32, #tpu.memory_space<vmem>>, vector<16xi32>,
      %swap3A_200 = arith.index_cast %scan3A_102 : i32 to index
      %swap3A_201 = arith.constant 80 : index
      %swap3A_202 = tpu.vector_load %arg17[%swap3A_200, %swap3A_201] {strides = array<i32>} : memref<26x128xi32, #tpu.memory_space<vmem>>, vector<16xi32>,
      tpu.vector_store %arg17[%swap3A_200, %swap3A_201], %get3A_199 {strides = array<i32>} : memref<26x128xi32, #tpu.memory_space<vmem>>, vector<16xi32>,
      %mul3A_203 = arith.constant 128 : i32
      %mul3A_204 = arith.muli %scan3A_102, %mul3A_203 : i32
      %add3A_205 = arith.constant 80 : i32
      %add3A_206 = arith.addi %mul3A_204, %add3A_205 : i32
      %get3A_207 = arith.index_cast %add3A_206 : i32 to index
      %get3A_208 = tpu.vector_load %arg19[%get3A_207] {strides = array<i32>} : memref<3328xi32, #tpu.memory_space<vmem>>, vector<16xi32>,
      %swap3A_209 = arith.index_cast %scan3A_102 : i32 to index
      %swap3A_210 = arith.constant 80 : index
      %swap3A_211 = tpu.vector_load %arg20[%swap3A_209, %swap3A_210] {strides = array<i32>} : memref<26x128xi32, #tpu.memory_space<vmem>>, vector<16xi32>,
      tpu.vector_store %arg20[%swap3A_209, %swap3A_210], %get3A_208 {strides = array<i32>} : memref<26x128xi32, #tpu.memory_space<vmem>>, vector<16xi32>,
      %mul3A_212 = arith.constant 128 : i32
      %mul3A_213 = arith.muli %scan3A_102, %mul3A_212 : i32
      %add3A_214 = arith.constant 96 : i32
      %add3A_215 = arith.addi %mul3A_213, %add3A_214 : i32
      %get3A_216 = arith.index_cast %add3A_215 : i32 to index
      %get3A_217 = tpu.vector_load %arg16[%get3A_216] {strides = array<i32>} : memref<3328xi32, #tpu.memory_space<vmem>>, vector<16xi32>,
      %swap3A_218 = arith.index_cast %scan3A_102 : i32 to index
      %swap3A_219 = arith.constant 96 : index
      %swap3A_220 = tpu.vector_load %arg17[%swap3A_218, %swap3A_219] {strides = array<i32>} : memref<26x128xi32, #tpu.memory_space<vmem>>, vector<16xi32>,
      tpu.vector_store %arg17[%swap3A_218, %swap3A_219], %get3A_217 {strides = array<i32>} : memref<26x128xi32, #tpu.memory_space<vmem>>, vector<16xi32>,
      %mul3A_221 = arith.constant 128 : i32
      %mul3A_222 = arith.muli %scan3A_102, %mul3A_221 : i32
      %add3A_223 = arith.constant 96 : i32
      %add3A_224 = arith.addi %mul3A_222, %add3A_223 : i32
      %get3A_225 = arith.index_cast %add3A_224 : i32 to index
      %get3A_226 = tpu.vector_load %arg19[%get3A_225] {strides = array<i32>} : memref<3328xi32, #tpu.memory_space<vmem>>, vector<16xi32>,
      %swap3A_227 = arith.index_cast %scan3A_102 : i32 to index
      %swap3A_228 = arith.constant 96 : index
      %swap3A_229 = tpu.vector_load %arg20[%swap3A_227, %swap3A_228] {strides = array<i32>} : memref<26x128xi32, #tpu.memory_space<vmem>>, vector<16xi32>,
      tpu.vector_store %arg20[%swap3A_227, %swap3A_228], %get3A_226 {strides = array<i32>} : memref<26x128xi32, #tpu.memory_space<vmem>>, vector<16xi32>,
      %mul3A_230 = arith.constant 128 : i32
      %mul3A_231 = arith.muli %scan3A_102, %mul3A_230 : i32
      %add3A_232 = arith.constant 112 : i32
      %add3A_233 = arith.addi %mul3A_231, %add3A_232 : i32
      %get3A_234 = arith.index_cast %add3A_233 : i32 to index
      %get3A_235 = tpu.vector_load %arg16[%get3A_234] {strides = array<i32>} : memref<3328xi32, #tpu.memory_space<vmem>>, vector<16xi32>,
      %swap3A_236 = arith.index_cast %scan3A_102 : i32 to index
      %swap3A_237 = arith.constant 112 : index
      %swap3A_238 = tpu.vector_load %arg17[%swap3A_236, %swap3A_237] {strides = array<i32>} : memref<26x128xi32, #tpu.memory_space<vmem>>, vector<16xi32>,
      tpu.vector_store %arg17[%swap3A_236, %swap3A_237], %get3A_235 {strides = array<i32>} : memref<26x128xi32, #tpu.memory_space<vmem>>, vector<16xi32>,
      %mul3A_239 = arith.constant 128 : i32
      %mul3A_240 = arith.muli %scan3A_102, %mul3A_239 : i32
      %add3A_241 = arith.constant 112 : i32
      %add3A_242 = arith.addi %mul3A_240, %add3A_241 : i32
      %get3A_243 = arith.index_cast %add3A_242 : i32 to index
      %get3A_244 = tpu.vector_load %arg19[%get3A_243] {strides = array<i32>} : memref<3328xi32, #tpu.memory_space<vmem>>, vector<16xi32>,
      %swap3A_245 = arith.index_cast %scan3A_102 : i32 to index
      %swap3A_246 = arith.constant 112 : index
      %swap3A_247 = tpu.vector_load %arg20[%swap3A_245, %swap3A_246] {strides = array<i32>} : memref<26x128xi32, #tpu.memory_space<vmem>>, vector<16xi32>,
      tpu.vector_store %arg20[%swap3A_245, %swap3A_246], %get3A_244 {strides = array<i32>} : memref<26x128xi32, #tpu.memory_space<vmem>>, vector<16xi32>,
      %scan3A_248 = arith.constant 0 : i32
      scf.yield %scan3A_248 : i32
    }
    %scan3A_88 = arith.constant 26 : i32
    %eq3A_89 = arith.constant 0 : i32
    %eq3A_90 = vector.broadcast %eq3A_89 : i32 to vector<16xi32>
    %eq3A_91 = arith.cmpi eq, %iota3A, %eq3A_90 : vector<16xi32>
    %eq3A_92 = arith.constant 1 : i32
    %eq3A_93 = vector.broadcast %eq3A_92 : i32 to vector<16xi32>
    %eq3A_94 = arith.cmpi eq, %iota3A, %eq3A_93 : vector<16xi32>
    %jit3A_95 = arith.constant 0 : i32
    %broadcast_in_dim3A_96 = vector.broadcast %scan3A_24#1 : i32 to vector<16xi32>
    %broadcast_in_dim3A_97 = vector.broadcast %jit3A_95 : i32 to vector<16xi32>
    %select_n3A_98 = arith.select %eq3A_94, %broadcast_in_dim3A_96, %broadcast_in_dim3A_97 : vector<16xi1>, vector<16xi32>
    %broadcast_in_dim3A_99 = vector.broadcast %scan3A_24#0 : i32 to vector<16xi32>
    %select_n3A_100 = arith.select %eq3A_91, %broadcast_in_dim3A_99, %select_n3A_98 : vector<16xi1>, vector<16xi32>
    %swap3A = arith.constant 0 : index
    %swap3A_101 = tpu.vector_load %arg21[%swap3A] {strides = array<i32>} : memref<16xi32, #tpu.memory_space<vmem>>, vector<16xi32>,
    tpu.vector_store %arg21[%swap3A], %select_n3A_100 {strides = array<i32>} : memref<16xi32, #tpu.memory_space<vmem>>, vector<16xi32>,
    "tpu.region"() ({
      %run_scoped3A = tpu.sem_alloc : memref<!tpu.dma_semaphore, #tpu.memory_space<semaphore_mem>>
      %dma_start3A = arith.constant 0 : i32
      %dma_start3A_102 = tpu.memref_slice %arg5[%add3A, %dma_start3A] : memref<32x3328xi32, #tpu.memory_space<hbm>> -> memref<1x3328xi32, #tpu.memory_space<hbm>>
      %dma_start3A_103 = tpu.memref_squeeze %dma_start3A_102 : memref<1x3328xi32, #tpu.memory_space<hbm>> -> memref<3328xi32, #tpu.memory_space<hbm>>
      %dma_start3A_104 = arith.constant 0 : i32
      %dma_start3A_105 = tpu.memref_slice %arg5[%add3A, %dma_start3A_104] : memref<32x3328xi32, #tpu.memory_space<hbm>> -> memref<1x3328xi32, #tpu.memory_space<hbm>>
      %dma_start3A_106 = tpu.memref_squeeze %dma_start3A_105 : memref<1x3328xi32, #tpu.memory_space<hbm>> -> memref<3328xi32, #tpu.memory_space<hbm>>
      tpu.enqueue_dma source(%arg15 : memref<3328xi32, #tpu.memory_space<vmem>>) target(%dma_start3A_106 : memref<3328xi32, #tpu.memory_space<hbm>>) target_semaphore(%run_scoped3A : memref<!tpu.dma_semaphore, #tpu.memory_space<semaphore_mem>>)
      %dma_wait3A = arith.constant 0 : i32
      %dma_wait3A_107 = tpu.memref_slice %arg5[%add3A, %dma_wait3A] : memref<32x3328xi32, #tpu.memory_space<hbm>> -> memref<1x3328xi32, #tpu.memory_space<hbm>>
      %dma_wait3A_108 = tpu.memref_squeeze %dma_wait3A_107 : memref<1x3328xi32, #tpu.memory_space<hbm>> -> memref<3328xi32, #tpu.memory_space<hbm>>
      %dma_wait3A_109 = arith.constant 0 : i32
      %dma_wait3A_110 = tpu.memref_slice %arg5[%add3A, %dma_wait3A_109] : memref<32x3328xi32, #tpu.memory_space<hbm>> -> memref<1x3328xi32, #tpu.memory_space<hbm>>
      %dma_wait3A_111 = tpu.memref_squeeze %dma_wait3A_110 : memref<1x3328xi32, #tpu.memory_space<hbm>> -> memref<3328xi32, #tpu.memory_space<hbm>>
      tpu.wait_dma2 semaphore(%run_scoped3A : memref<!tpu.dma_semaphore, #tpu.memory_space<semaphore_mem>>) src(%arg15 : memref<3328xi32, #tpu.memory_space<vmem>>) dst(%dma_wait3A_111 : memref<3328xi32, #tpu.memory_space<hbm>>)
      tpu.yield
    }) : () -> ()
    "tpu.region"() ({
      %run_scoped3A = tpu.sem_alloc : memref<!tpu.dma_semaphore, #tpu.memory_space<semaphore_mem>>
      %dma_start3A = arith.constant 0 : i32
      %dma_start3A_102 = tpu.memref_slice %arg7[%add3A, %dma_start3A] : memref<32x3328xi32, #tpu.memory_space<hbm>> -> memref<1x3328xi32, #tpu.memory_space<hbm>>
      %dma_start3A_103 = tpu.memref_squeeze %dma_start3A_102 : memref<1x3328xi32, #tpu.memory_space<hbm>> -> memref<3328xi32, #tpu.memory_space<hbm>>
      %dma_start3A_104 = arith.constant 0 : i32
      %dma_start3A_105 = tpu.memref_slice %arg7[%add3A, %dma_start3A_104] : memref<32x3328xi32, #tpu.memory_space<hbm>> -> memref<1x3328xi32, #tpu.memory_space<hbm>>
      %dma_start3A_106 = tpu.memref_squeeze %dma_start3A_105 : memref<1x3328xi32, #tpu.memory_space<hbm>> -> memref<3328xi32, #tpu.memory_space<hbm>>
      tpu.enqueue_dma source(%arg18 : memref<3328xi32, #tpu.memory_space<vmem>>) target(%dma_start3A_106 : memref<3328xi32, #tpu.memory_space<hbm>>) target_semaphore(%run_scoped3A : memref<!tpu.dma_semaphore, #tpu.memory_space<semaphore_mem>>)
      %dma_wait3A = arith.constant 0 : i32
      %dma_wait3A_107 = tpu.memref_slice %arg7[%add3A, %dma_wait3A] : memref<32x3328xi32, #tpu.memory_space<hbm>> -> memref<1x3328xi32, #tpu.memory_space<hbm>>
      %dma_wait3A_108 = tpu.memref_squeeze %dma_wait3A_107 : memref<1x3328xi32, #tpu.memory_space<hbm>> -> memref<3328xi32, #tpu.memory_space<hbm>>
      %dma_wait3A_109 = arith.constant 0 : i32
      %dma_wait3A_110 = tpu.memref_slice %arg7[%add3A, %dma_wait3A_109] : memref<32x3328xi32, #tpu.memory_space<hbm>> -> memref<1x3328xi32, #tpu.memory_space<hbm>>
      %dma_wait3A_111 = tpu.memref_squeeze %dma_wait3A_110 : memref<1x3328xi32, #tpu.memory_space<hbm>> -> memref<3328xi32, #tpu.memory_space<hbm>>
      tpu.wait_dma2 semaphore(%run_scoped3A : memref<!tpu.dma_semaphore, #tpu.memory_space<semaphore_mem>>) src(%arg18 : memref<3328xi32, #tpu.memory_space<vmem>>) dst(%dma_wait3A_111 : memref<3328xi32, #tpu.memory_space<hbm>>)
      tpu.yield
    }) : () -> ()
    "tpu.region"() ({
      %run_scoped3A = tpu.sem_alloc : memref<!tpu.dma_semaphore, #tpu.memory_space<semaphore_mem>>
      %dma_start3A = arith.constant 0 : i32
      %dma_start3A_102 = arith.constant 0 : i32
      %dma_start3A_103 = tpu.memref_slice %arg6[%add3A, %dma_start3A, %dma_start3A_102] : memref<32x26x128xi32, #tpu.memory_space<hbm>> -> memref<1x26x128xi32, #tpu.memory_space<hbm>>
      %dma_start3A_104 = tpu.memref_squeeze %dma_start3A_103 : memref<1x26x128xi32, #tpu.memory_space<hbm>> -> memref<26x128xi32, #tpu.memory_space<hbm>>
      %dma_start3A_105 = arith.constant 0 : i32
      %dma_start3A_106 = arith.constant 0 : i32
      %dma_start3A_107 = tpu.memref_slice %arg6[%add3A, %dma_start3A_105, %dma_start3A_106] : memref<32x26x128xi32, #tpu.memory_space<hbm>> -> memref<1x26x128xi32, #tpu.memory_space<hbm>>
      %dma_start3A_108 = tpu.memref_squeeze %dma_start3A_107 : memref<1x26x128xi32, #tpu.memory_space<hbm>> -> memref<26x128xi32, #tpu.memory_space<hbm>>
      tpu.enqueue_dma source(%arg17 : memref<26x128xi32, #tpu.memory_space<vmem>>) target(%dma_start3A_108 : memref<26x128xi32, #tpu.memory_space<hbm>>) target_semaphore(%run_scoped3A : memref<!tpu.dma_semaphore, #tpu.memory_space<semaphore_mem>>)
      %dma_wait3A = arith.constant 0 : i32
      %dma_wait3A_109 = arith.constant 0 : i32
      %dma_wait3A_110 = tpu.memref_slice %arg6[%add3A, %dma_wait3A, %dma_wait3A_109] : memref<32x26x128xi32, #tpu.memory_space<hbm>> -> memref<1x26x128xi32, #tpu.memory_space<hbm>>
      %dma_wait3A_111 = tpu.memref_squeeze %dma_wait3A_110 : memref<1x26x128xi32, #tpu.memory_space<hbm>> -> memref<26x128xi32, #tpu.memory_space<hbm>>
      %dma_wait3A_112 = arith.constant 0 : i32
      %dma_wait3A_113 = arith.constant 0 : i32
      %dma_wait3A_114 = tpu.memref_slice %arg6[%add3A, %dma_wait3A_112, %dma_wait3A_113] : memref<32x26x128xi32, #tpu.memory_space<hbm>> -> memref<1x26x128xi32, #tpu.memory_space<hbm>>
      %dma_wait3A_115 = tpu.memref_squeeze %dma_wait3A_114 : memref<1x26x128xi32, #tpu.memory_space<hbm>> -> memref<26x128xi32, #tpu.memory_space<hbm>>
      tpu.wait_dma2 semaphore(%run_scoped3A : memref<!tpu.dma_semaphore, #tpu.memory_space<semaphore_mem>>) src(%arg17 : memref<26x128xi32, #tpu.memory_space<vmem>>) dst(%dma_wait3A_115 : memref<26x128xi32, #tpu.memory_space<hbm>>)
      tpu.yield
    }) : () -> ()
    "tpu.region"() ({
      %run_scoped3A = tpu.sem_alloc : memref<!tpu.dma_semaphore, #tpu.memory_space<semaphore_mem>>
      %dma_start3A = arith.constant 0 : i32
      %dma_start3A_102 = arith.constant 0 : i32
      %dma_start3A_103 = tpu.memref_slice %arg8[%add3A, %dma_start3A, %dma_start3A_102] : memref<32x26x128xi32, #tpu.memory_space<hbm>> -> memref<1x26x128xi32, #tpu.memory_space<hbm>>
      %dma_start3A_104 = tpu.memref_squeeze %dma_start3A_103 : memref<1x26x128xi32, #tpu.memory_space<hbm>> -> memref<26x128xi32, #tpu.memory_space<hbm>>
      %dma_start3A_105 = arith.constant 0 : i32
      %dma_start3A_106 = arith.constant 0 : i32
      %dma_start3A_107 = tpu.memref_slice %arg8[%add3A, %dma_start3A_105, %dma_start3A_106] : memref<32x26x128xi32, #tpu.memory_space<hbm>> -> memref<1x26x128xi32, #tpu.memory_space<hbm>>
      %dma_start3A_108 = tpu.memref_squeeze %dma_start3A_107 : memref<1x26x128xi32, #tpu.memory_space<hbm>> -> memref<26x128xi32, #tpu.memory_space<hbm>>
      tpu.enqueue_dma source(%arg20 : memref<26x128xi32, #tpu.memory_space<vmem>>) target(%dma_start3A_108 : memref<26x128xi32, #tpu.memory_space<hbm>>) target_semaphore(%run_scoped3A : memref<!tpu.dma_semaphore, #tpu.memory_space<semaphore_mem>>)
      %dma_wait3A = arith.constant 0 : i32
      %dma_wait3A_109 = arith.constant 0 : i32
      %dma_wait3A_110 = tpu.memref_slice %arg8[%add3A, %dma_wait3A, %dma_wait3A_109] : memref<32x26x128xi32, #tpu.memory_space<hbm>> -> memref<1x26x128xi32, #tpu.memory_space<hbm>>
      %dma_wait3A_111 = tpu.memref_squeeze %dma_wait3A_110 : memref<1x26x128xi32, #tpu.memory_space<hbm>> -> memref<26x128xi32, #tpu.memory_space<hbm>>
      %dma_wait3A_112 = arith.constant 0 : i32
      %dma_wait3A_113 = arith.constant 0 : i32
      %dma_wait3A_114 = tpu.memref_slice %arg8[%add3A, %dma_wait3A_112, %dma_wait3A_113] : memref<32x26x128xi32, #tpu.memory_space<hbm>> -> memref<1x26x128xi32, #tpu.memory_space<hbm>>
      %dma_wait3A_115 = tpu.memref_squeeze %dma_wait3A_114 : memref<1x26x128xi32, #tpu.memory_space<hbm>> -> memref<26x128xi32, #tpu.memory_space<hbm>>
      tpu.wait_dma2 semaphore(%run_scoped3A : memref<!tpu.dma_semaphore, #tpu.memory_space<semaphore_mem>>) src(%arg20 : memref<26x128xi32, #tpu.memory_space<vmem>>) dst(%dma_wait3A_115 : memref<26x128xi32, #tpu.memory_space<hbm>>)
      tpu.yield
    }) : () -> ()
    "tpu.region"() ({
      %run_scoped3A = tpu.sem_alloc : memref<!tpu.dma_semaphore, #tpu.memory_space<semaphore_mem>>
      %dma_start3A = arith.constant 0 : i32
      %dma_start3A_102 = tpu.memref_slice %arg9[%add3A, %dma_start3A] : memref<32x16xi32, #tpu.memory_space<hbm>> -> memref<1x16xi32, #tpu.memory_space<hbm>>
      %dma_start3A_103 = tpu.memref_squeeze %dma_start3A_102 : memref<1x16xi32, #tpu.memory_space<hbm>> -> memref<16xi32, #tpu.memory_space<hbm>>
      %dma_start3A_104 = arith.constant 0 : i32
      %dma_start3A_105 = tpu.memref_slice %arg9[%add3A, %dma_start3A_104] : memref<32x16xi32, #tpu.memory_space<hbm>> -> memref<1x16xi32, #tpu.memory_space<hbm>>
      %dma_start3A_106 = tpu.memref_squeeze %dma_start3A_105 : memref<1x16xi32, #tpu.memory_space<hbm>> -> memref<16xi32, #tpu.memory_space<hbm>>
      tpu.enqueue_dma source(%arg21 : memref<16xi32, #tpu.memory_space<vmem>>) target(%dma_start3A_106 : memref<16xi32, #tpu.memory_space<hbm>>) target_semaphore(%run_scoped3A : memref<!tpu.dma_semaphore, #tpu.memory_space<semaphore_mem>>)
      %dma_wait3A = arith.constant 0 : i32
      %dma_wait3A_107 = tpu.memref_slice %arg9[%add3A, %dma_wait3A] : memref<32x16xi32, #tpu.memory_space<hbm>> -> memref<1x16xi32, #tpu.memory_space<hbm>>
      %dma_wait3A_108 = tpu.memref_squeeze %dma_wait3A_107 : memref<1x16xi32, #tpu.memory_space<hbm>> -> memref<16xi32, #tpu.memory_space<hbm>>
      %dma_wait3A_109 = arith.constant 0 : i32
      %dma_wait3A_110 = tpu.memref_slice %arg9[%add3A, %dma_wait3A_109] : memref<32x16xi32, #tpu.memory_space<hbm>> -> memref<1x16xi32, #tpu.memory_space<hbm>>
      %dma_wait3A_111 = tpu.memref_squeeze %dma_wait3A_110 : memref<1x16xi32, #tpu.memory_space<hbm>> -> memref<16xi32, #tpu.memory_space<hbm>>
      tpu.wait_dma2 semaphore(%run_scoped3A : memref<!tpu.dma_semaphore, #tpu.memory_space<semaphore_mem>>) src(%arg21 : memref<16xi32, #tpu.memory_space<vmem>>) dst(%dma_wait3A_111 : memref<16xi32, #tpu.memory_space<hbm>>)
      tpu.yield
    }) : () -> ()
    return
  }
}

#map = affine_map<(d0, d1) -> (0, 0)>
#map1 = affine_map<(d0, d1) -> (0)>
module attributes {stable_mosaic.version = 14 : i64} {
  func.func @_sc_gather_body(%arg0: i32, %arg1: i32, %arg2: memref<100000x128xf32, #tpu.memory_space<hbm>>, %arg3: memref<32768xi32, #tpu.memory_space<hbm>>, %arg4: memref<32768x128xf32, #tpu.memory_space<hbm>>, %arg5: memref<1024xi32, #tpu.memory_space<vmem>>, %arg6: memref<256x128xf32, #tpu.memory_space<vmem>>, %arg7: memref<256x128xf32, #tpu.memory_space<vmem>>, %arg8: memref<!tpu.dma_semaphore, #tpu.memory_space<semaphore_mem>>, %arg9: memref<!tpu.dma_semaphore, #tpu.memory_space<semaphore_mem>>) attributes {dimension_semantics = [#tpu.dimension_semantics<core_parallel>, #tpu.dimension_semantics<subcore_parallel>], iteration_bounds = array<i64: 2, 16>, scalar_prefetch = 0 : i64, scratch_operands = 5 : i64, tpu.core_type = #tpu.core_type<sc_vector_subcore>, window_params = [{transform_indices = #map}, {transform_indices = #map1}, {transform_indices = #map}]} {
    %mul3A = arith.constant 2 : i32
    %mul3A_0 = arith.muli %arg1, %mul3A : i32
    %add3A = arith.addi %mul3A_0, %arg0 : i32
    %mul3A_1 = arith.constant 1024 : i32
    %mul3A_2 = arith.muli %add3A, %mul3A_1 : i32
    "tpu.region"() ({
      %run_scoped3A = tpu.sem_alloc : memref<!tpu.dma_semaphore, #tpu.memory_space<semaphore_mem>>
      %dma_start3A_49 = tpu.memref_slice %arg3[%mul3A_2] : memref<32768xi32, #tpu.memory_space<hbm>> -> memref<1024xi32, #tpu.memory_space<hbm>>
      %dma_start3A_50 = tpu.memref_slice %arg3[%mul3A_2] : memref<32768xi32, #tpu.memory_space<hbm>> -> memref<1024xi32, #tpu.memory_space<hbm>>
      tpu.enqueue_dma source(%dma_start3A_50 : memref<1024xi32, #tpu.memory_space<hbm>>) target(%arg5 : memref<1024xi32, #tpu.memory_space<vmem>>) target_semaphore(%run_scoped3A : memref<!tpu.dma_semaphore, #tpu.memory_space<semaphore_mem>>)
      %dma_wait3A_51 = tpu.memref_slice %arg3[%mul3A_2] : memref<32768xi32, #tpu.memory_space<hbm>> -> memref<1024xi32, #tpu.memory_space<hbm>>
      %dma_wait3A_52 = tpu.memref_slice %arg3[%mul3A_2] : memref<32768xi32, #tpu.memory_space<hbm>> -> memref<1024xi32, #tpu.memory_space<hbm>>
      tpu.wait_dma2 semaphore(%run_scoped3A : memref<!tpu.dma_semaphore, #tpu.memory_space<semaphore_mem>>) src(%dma_wait3A_52 : memref<1024xi32, #tpu.memory_space<hbm>>) dst(%arg5 : memref<1024xi32, #tpu.memory_space<vmem>>)
      tpu.yield
    }) : () -> ()
    %dma_start3A = arith.constant 0 : i32
    %dma_start3A_3 = tpu.memref_slice %arg5[%dma_start3A] : memref<1024xi32, #tpu.memory_space<vmem>> -> memref<256xi32, #tpu.memory_space<vmem>>
    %dma_start3A_4 = arith.constant 0 : i32
    %dma_start3A_5 = arith.constant 0 : i32
    %dma_start3A_6 = tpu.memref_slice %arg2[%dma_start3A_4, %dma_start3A_5] : memref<100000x128xf32, #tpu.memory_space<hbm>> -> memref<100000x128xf32, #tpu.memory_space<hbm>>
    tpu.enqueue_indirect_dma source(%dma_start3A_6 : memref<100000x128xf32, #tpu.memory_space<hbm>>) target(%arg6 : memref<256x128xf32, #tpu.memory_space<vmem>>) offsets(%dma_start3A_3 : memref<256xi32, #tpu.memory_space<vmem>>) semaphore(%arg8 : memref<!tpu.dma_semaphore, #tpu.memory_space<semaphore_mem>>)
    %dma_start3A_7 = arith.constant 256 : i32
    %dma_start3A_8 = tpu.memref_slice %arg5[%dma_start3A_7] : memref<1024xi32, #tpu.memory_space<vmem>> -> memref<256xi32, #tpu.memory_space<vmem>>
    %dma_start3A_9 = arith.constant 0 : i32
    %dma_start3A_10 = arith.constant 0 : i32
    %dma_start3A_11 = tpu.memref_slice %arg2[%dma_start3A_9, %dma_start3A_10] : memref<100000x128xf32, #tpu.memory_space<hbm>> -> memref<100000x128xf32, #tpu.memory_space<hbm>>
    tpu.enqueue_indirect_dma source(%dma_start3A_11 : memref<100000x128xf32, #tpu.memory_space<hbm>>) target(%arg7 : memref<256x128xf32, #tpu.memory_space<vmem>>) offsets(%dma_start3A_8 : memref<256xi32, #tpu.memory_space<vmem>>) semaphore(%arg9 : memref<!tpu.dma_semaphore, #tpu.memory_space<semaphore_mem>>)
    %dma_wait3A = arith.constant 0 : i32
    %dma_wait3A_12 = tpu.memref_slice %arg5[%dma_wait3A] : memref<1024xi32, #tpu.memory_space<vmem>> -> memref<256xi32, #tpu.memory_space<vmem>>
    %dma_wait3A_13 = arith.constant 0 : i32
    %dma_wait3A_14 = arith.constant 0 : i32
    %dma_wait3A_15 = tpu.memref_slice %arg2[%dma_wait3A_13, %dma_wait3A_14] : memref<100000x128xf32, #tpu.memory_space<hbm>> -> memref<100000x128xf32, #tpu.memory_space<hbm>>
    tpu.wait_indirect_dma semaphore(%arg8 : memref<!tpu.dma_semaphore, #tpu.memory_space<semaphore_mem>>) src(%dma_wait3A_15 : memref<100000x128xf32, #tpu.memory_space<hbm>>) dst(%arg6 : memref<256x128xf32, #tpu.memory_space<vmem>>)
    %add3A_16 = arith.constant 0 : i32
    %add3A_17 = arith.addi %mul3A_2, %add3A_16 : i32
    "tpu.region"() ({
      %run_scoped3A = tpu.sem_alloc : memref<!tpu.dma_semaphore, #tpu.memory_space<semaphore_mem>>
      %dma_start3A_49 = arith.constant 0 : i32
      %dma_start3A_50 = tpu.memref_slice %arg4[%add3A_17, %dma_start3A_49] : memref<32768x128xf32, #tpu.memory_space<hbm>> -> memref<256x128xf32, #tpu.memory_space<hbm>>
      %dma_start3A_51 = arith.constant 0 : i32
      %dma_start3A_52 = tpu.memref_slice %arg4[%add3A_17, %dma_start3A_51] : memref<32768x128xf32, #tpu.memory_space<hbm>> -> memref<256x128xf32, #tpu.memory_space<hbm>>
      tpu.enqueue_dma source(%arg6 : memref<256x128xf32, #tpu.memory_space<vmem>>) target(%dma_start3A_52 : memref<256x128xf32, #tpu.memory_space<hbm>>) target_semaphore(%run_scoped3A : memref<!tpu.dma_semaphore, #tpu.memory_space<semaphore_mem>>)
      %dma_wait3A_53 = arith.constant 0 : i32
      %dma_wait3A_54 = tpu.memref_slice %arg4[%add3A_17, %dma_wait3A_53] : memref<32768x128xf32, #tpu.memory_space<hbm>> -> memref<256x128xf32, #tpu.memory_space<hbm>>
      %dma_wait3A_55 = arith.constant 0 : i32
      %dma_wait3A_56 = tpu.memref_slice %arg4[%add3A_17, %dma_wait3A_55] : memref<32768x128xf32, #tpu.memory_space<hbm>> -> memref<256x128xf32, #tpu.memory_space<hbm>>
      tpu.wait_dma2 semaphore(%run_scoped3A : memref<!tpu.dma_semaphore, #tpu.memory_space<semaphore_mem>>) src(%arg6 : memref<256x128xf32, #tpu.memory_space<vmem>>) dst(%dma_wait3A_56 : memref<256x128xf32, #tpu.memory_space<hbm>>)
      tpu.yield
    }) : () -> ()
    %dma_start3A_18 = arith.constant 512 : i32
    %dma_start3A_19 = tpu.memref_slice %arg5[%dma_start3A_18] : memref<1024xi32, #tpu.memory_space<vmem>> -> memref<256xi32, #tpu.memory_space<vmem>>
    %dma_start3A_20 = arith.constant 0 : i32
    %dma_start3A_21 = arith.constant 0 : i32
    %dma_start3A_22 = tpu.memref_slice %arg2[%dma_start3A_20, %dma_start3A_21] : memref<100000x128xf32, #tpu.memory_space<hbm>> -> memref<100000x128xf32, #tpu.memory_space<hbm>>
    tpu.enqueue_indirect_dma source(%dma_start3A_22 : memref<100000x128xf32, #tpu.memory_space<hbm>>) target(%arg6 : memref<256x128xf32, #tpu.memory_space<vmem>>) offsets(%dma_start3A_19 : memref<256xi32, #tpu.memory_space<vmem>>) semaphore(%arg8 : memref<!tpu.dma_semaphore, #tpu.memory_space<semaphore_mem>>)
    %dma_wait3A_23 = arith.constant 256 : i32
    %dma_wait3A_24 = tpu.memref_slice %arg5[%dma_wait3A_23] : memref<1024xi32, #tpu.memory_space<vmem>> -> memref<256xi32, #tpu.memory_space<vmem>>
    %dma_wait3A_25 = arith.constant 0 : i32
    %dma_wait3A_26 = arith.constant 0 : i32
    %dma_wait3A_27 = tpu.memref_slice %arg2[%dma_wait3A_25, %dma_wait3A_26] : memref<100000x128xf32, #tpu.memory_space<hbm>> -> memref<100000x128xf32, #tpu.memory_space<hbm>>
    tpu.wait_indirect_dma semaphore(%arg9 : memref<!tpu.dma_semaphore, #tpu.memory_space<semaphore_mem>>) src(%dma_wait3A_27 : memref<100000x128xf32, #tpu.memory_space<hbm>>) dst(%arg7 : memref<256x128xf32, #tpu.memory_space<vmem>>)
    %add3A_28 = arith.constant 256 : i32
    %add3A_29 = arith.addi %mul3A_2, %add3A_28 : i32
    "tpu.region"() ({
      %run_scoped3A = tpu.sem_alloc : memref<!tpu.dma_semaphore, #tpu.memory_space<semaphore_mem>>
      %dma_start3A_49 = arith.constant 0 : i32
      %dma_start3A_50 = tpu.memref_slice %arg4[%add3A_29, %dma_start3A_49] : memref<32768x128xf32, #tpu.memory_space<hbm>> -> memref<256x128xf32, #tpu.memory_space<hbm>>
      %dma_start3A_51 = arith.constant 0 : i32
      %dma_start3A_52 = tpu.memref_slice %arg4[%add3A_29, %dma_start3A_51] : memref<32768x128xf32, #tpu.memory_space<hbm>> -> memref<256x128xf32, #tpu.memory_space<hbm>>
      tpu.enqueue_dma source(%arg7 : memref<256x128xf32, #tpu.memory_space<vmem>>) target(%dma_start3A_52 : memref<256x128xf32, #tpu.memory_space<hbm>>) target_semaphore(%run_scoped3A : memref<!tpu.dma_semaphore, #tpu.memory_space<semaphore_mem>>)
      %dma_wait3A_53 = arith.constant 0 : i32
      %dma_wait3A_54 = tpu.memref_slice %arg4[%add3A_29, %dma_wait3A_53] : memref<32768x128xf32, #tpu.memory_space<hbm>> -> memref<256x128xf32, #tpu.memory_space<hbm>>
      %dma_wait3A_55 = arith.constant 0 : i32
      %dma_wait3A_56 = tpu.memref_slice %arg4[%add3A_29, %dma_wait3A_55] : memref<32768x128xf32, #tpu.memory_space<hbm>> -> memref<256x128xf32, #tpu.memory_space<hbm>>
      tpu.wait_dma2 semaphore(%run_scoped3A : memref<!tpu.dma_semaphore, #tpu.memory_space<semaphore_mem>>) src(%arg7 : memref<256x128xf32, #tpu.memory_space<vmem>>) dst(%dma_wait3A_56 : memref<256x128xf32, #tpu.memory_space<hbm>>)
      tpu.yield
    }) : () -> ()
    %dma_start3A_30 = arith.constant 768 : i32
    %dma_start3A_31 = tpu.memref_slice %arg5[%dma_start3A_30] : memref<1024xi32, #tpu.memory_space<vmem>> -> memref<256xi32, #tpu.memory_space<vmem>>
    %dma_start3A_32 = arith.constant 0 : i32
    %dma_start3A_33 = arith.constant 0 : i32
    %dma_start3A_34 = tpu.memref_slice %arg2[%dma_start3A_32, %dma_start3A_33] : memref<100000x128xf32, #tpu.memory_space<hbm>> -> memref<100000x128xf32, #tpu.memory_space<hbm>>
    tpu.enqueue_indirect_dma source(%dma_start3A_34 : memref<100000x128xf32, #tpu.memory_space<hbm>>) target(%arg7 : memref<256x128xf32, #tpu.memory_space<vmem>>) offsets(%dma_start3A_31 : memref<256xi32, #tpu.memory_space<vmem>>) semaphore(%arg9 : memref<!tpu.dma_semaphore, #tpu.memory_space<semaphore_mem>>)
    %dma_wait3A_35 = arith.constant 512 : i32
    %dma_wait3A_36 = tpu.memref_slice %arg5[%dma_wait3A_35] : memref<1024xi32, #tpu.memory_space<vmem>> -> memref<256xi32, #tpu.memory_space<vmem>>
    %dma_wait3A_37 = arith.constant 0 : i32
    %dma_wait3A_38 = arith.constant 0 : i32
    %dma_wait3A_39 = tpu.memref_slice %arg2[%dma_wait3A_37, %dma_wait3A_38] : memref<100000x128xf32, #tpu.memory_space<hbm>> -> memref<100000x128xf32, #tpu.memory_space<hbm>>
    tpu.wait_indirect_dma semaphore(%arg8 : memref<!tpu.dma_semaphore, #tpu.memory_space<semaphore_mem>>) src(%dma_wait3A_39 : memref<100000x128xf32, #tpu.memory_space<hbm>>) dst(%arg6 : memref<256x128xf32, #tpu.memory_space<vmem>>)
    %add3A_40 = arith.constant 512 : i32
    %add3A_41 = arith.addi %mul3A_2, %add3A_40 : i32
    "tpu.region"() ({
      %run_scoped3A = tpu.sem_alloc : memref<!tpu.dma_semaphore, #tpu.memory_space<semaphore_mem>>
      %dma_start3A_49 = arith.constant 0 : i32
      %dma_start3A_50 = tpu.memref_slice %arg4[%add3A_41, %dma_start3A_49] : memref<32768x128xf32, #tpu.memory_space<hbm>> -> memref<256x128xf32, #tpu.memory_space<hbm>>
      %dma_start3A_51 = arith.constant 0 : i32
      %dma_start3A_52 = tpu.memref_slice %arg4[%add3A_41, %dma_start3A_51] : memref<32768x128xf32, #tpu.memory_space<hbm>> -> memref<256x128xf32, #tpu.memory_space<hbm>>
      tpu.enqueue_dma source(%arg6 : memref<256x128xf32, #tpu.memory_space<vmem>>) target(%dma_start3A_52 : memref<256x128xf32, #tpu.memory_space<hbm>>) target_semaphore(%run_scoped3A : memref<!tpu.dma_semaphore, #tpu.memory_space<semaphore_mem>>)
      %dma_wait3A_53 = arith.constant 0 : i32
      %dma_wait3A_54 = tpu.memref_slice %arg4[%add3A_41, %dma_wait3A_53] : memref<32768x128xf32, #tpu.memory_space<hbm>> -> memref<256x128xf32, #tpu.memory_space<hbm>>
      %dma_wait3A_55 = arith.constant 0 : i32
      %dma_wait3A_56 = tpu.memref_slice %arg4[%add3A_41, %dma_wait3A_55] : memref<32768x128xf32, #tpu.memory_space<hbm>> -> memref<256x128xf32, #tpu.memory_space<hbm>>
      tpu.wait_dma2 semaphore(%run_scoped3A : memref<!tpu.dma_semaphore, #tpu.memory_space<semaphore_mem>>) src(%arg6 : memref<256x128xf32, #tpu.memory_space<vmem>>) dst(%dma_wait3A_56 : memref<256x128xf32, #tpu.memory_space<hbm>>)
      tpu.yield
    }) : () -> ()
    %dma_wait3A_42 = arith.constant 768 : i32
    %dma_wait3A_43 = tpu.memref_slice %arg5[%dma_wait3A_42] : memref<1024xi32, #tpu.memory_space<vmem>> -> memref<256xi32, #tpu.memory_space<vmem>>
    %dma_wait3A_44 = arith.constant 0 : i32
    %dma_wait3A_45 = arith.constant 0 : i32
    %dma_wait3A_46 = tpu.memref_slice %arg2[%dma_wait3A_44, %dma_wait3A_45] : memref<100000x128xf32, #tpu.memory_space<hbm>> -> memref<100000x128xf32, #tpu.memory_space<hbm>>
    tpu.wait_indirect_dma semaphore(%arg9 : memref<!tpu.dma_semaphore, #tpu.memory_space<semaphore_mem>>) src(%dma_wait3A_46 : memref<100000x128xf32, #tpu.memory_space<hbm>>) dst(%arg7 : memref<256x128xf32, #tpu.memory_space<vmem>>)
    %add3A_47 = arith.constant 768 : i32
    %add3A_48 = arith.addi %mul3A_2, %add3A_47 : i32
    "tpu.region"() ({
      %run_scoped3A = tpu.sem_alloc : memref<!tpu.dma_semaphore, #tpu.memory_space<semaphore_mem>>
      %dma_start3A_49 = arith.constant 0 : i32
      %dma_start3A_50 = tpu.memref_slice %arg4[%add3A_48, %dma_start3A_49] : memref<32768x128xf32, #tpu.memory_space<hbm>> -> memref<256x128xf32, #tpu.memory_space<hbm>>
      %dma_start3A_51 = arith.constant 0 : i32
      %dma_start3A_52 = tpu.memref_slice %arg4[%add3A_48, %dma_start3A_51] : memref<32768x128xf32, #tpu.memory_space<hbm>> -> memref<256x128xf32, #tpu.memory_space<hbm>>
      tpu.enqueue_dma source(%arg7 : memref<256x128xf32, #tpu.memory_space<vmem>>) target(%dma_start3A_52 : memref<256x128xf32, #tpu.memory_space<hbm>>) target_semaphore(%run_scoped3A : memref<!tpu.dma_semaphore, #tpu.memory_space<semaphore_mem>>)
      %dma_wait3A_53 = arith.constant 0 : i32
      %dma_wait3A_54 = tpu.memref_slice %arg4[%add3A_48, %dma_wait3A_53] : memref<32768x128xf32, #tpu.memory_space<hbm>> -> memref<256x128xf32, #tpu.memory_space<hbm>>
      %dma_wait3A_55 = arith.constant 0 : i32
      %dma_wait3A_56 = tpu.memref_slice %arg4[%add3A_48, %dma_wait3A_55] : memref<32768x128xf32, #tpu.memory_space<hbm>> -> memref<256x128xf32, #tpu.memory_space<hbm>>
      tpu.wait_dma2 semaphore(%run_scoped3A : memref<!tpu.dma_semaphore, #tpu.memory_space<semaphore_mem>>) src(%arg7 : memref<256x128xf32, #tpu.memory_space<vmem>>) dst(%dma_wait3A_56 : memref<256x128xf32, #tpu.memory_space<hbm>>)
      tpu.yield
    }) : () -> ()
    return
  }
}

#map = affine_map<(d0, d1) -> (0, 0)>
#map1 = affine_map<(d0, d1) -> (0, 0, 0)>
module attributes {stable_mosaic.version = 14 : i64} {
  func.func @new_body(%arg0: i32, %arg1: i32, %arg2: memref<32x3328xi32, #tpu.memory_space<hbm>>, %arg3: memref<32x26x128xi32, #tpu.memory_space<hbm>>, %arg4: memref<32x3328xi32, #tpu.memory_space<hbm>>, %arg5: memref<32x26x128xi32, #tpu.memory_space<hbm>>, %arg6: memref<32x16xi32, #tpu.memory_space<hbm>>, %arg7: memref<16384x128xf32, #tpu.memory_space<hbm>>, %arg8: memref<16384x128xf32, #tpu.memory_space<hbm>>, %arg9: memref<100000x128xf32, #tpu.memory_space<hbm>>, %arg10: memref<100000x128xf32, #tpu.memory_space<hbm>>, %arg11: memref<3328xi32, #tpu.memory_space<vmem>>, %arg12: memref<26x128xi32, #tpu.memory_space<vmem>>, %arg13: memref<3328xi32, #tpu.memory_space<vmem>>, %arg14: memref<26x128xi32, #tpu.memory_space<vmem>>, %arg15: memref<16xi32, #tpu.memory_space<vmem>>, %arg16: memref<128x128xf32, #tpu.memory_space<vmem>>, %arg17: memref<128x128xf32, #tpu.memory_space<vmem>>, %arg18: memref<128x128xf32, #tpu.memory_space<vmem>>, %arg19: memref<128x128xf32, #tpu.memory_space<vmem>>, %arg20: memref<128x128xf32, #tpu.memory_space<vmem>>, %arg21: memref<128x128xf32, #tpu.memory_space<vmem>>, %arg22: memref<!tpu.dma_semaphore, #tpu.memory_space<semaphore_mem>>, %arg23: memref<!tpu.dma_semaphore, #tpu.memory_space<semaphore_mem>>, %arg24: memref<!tpu.dma_semaphore, #tpu.memory_space<semaphore_mem>>, %arg25: memref<!tpu.dma_semaphore, #tpu.memory_space<semaphore_mem>>, %arg26: memref<!tpu.dma_semaphore, #tpu.memory_space<semaphore_mem>>, %arg27: memref<!tpu.dma_semaphore, #tpu.memory_space<semaphore_mem>>, %arg28: memref<!tpu.dma_semaphore, #tpu.memory_space<semaphore_mem>>, %arg29: memref<!tpu.dma_semaphore, #tpu.memory_space<semaphore_mem>>, %arg30: memref<!tpu.dma_semaphore, #tpu.memory_space<semaphore_mem>>, %arg31: memref<!tpu.dma_semaphore, #tpu.memory_space<semaphore_mem>>, %arg32: memref<!tpu.dma_semaphore, #tpu.memory_space<semaphore_mem>>, %arg33: memref<!tpu.dma_semaphore, #tpu.memory_space<semaphore_mem>>) attributes {dimension_semantics = [#tpu.dimension_semantics<core_parallel>, #tpu.dimension_semantics<subcore_parallel>], iteration_bounds = array<i64: 2, 16>, scalar_prefetch = 0 : i64, scratch_operands = 23 : i64, tpu.core_type = #tpu.core_type<sc_vector_subcore>, window_params = [{transform_indices = #map}, {transform_indices = #map1}, {transform_indices = #map}, {transform_indices = #map1}, {transform_indices = #map}, {transform_indices = #map}, {transform_indices = #map}, {transform_indices = #map}, {transform_indices = #map}]} {
    %mul3A = arith.constant 2 : i32
    %mul3A_0 = arith.muli %arg1, %mul3A : i32
    %add3A = arith.addi %mul3A_0, %arg0 : i32
    %iota3A = tpu.iota {dimensions = array<i32: 0>} : vector<16xi32>
    "tpu.region"() ({
      %run_scoped3A = tpu.sem_alloc : memref<!tpu.dma_semaphore, #tpu.memory_space<semaphore_mem>>
      %dma_start3A = arith.constant 0 : i32
      %dma_start3A_298 = tpu.memref_slice %arg2[%add3A, %dma_start3A] : memref<32x3328xi32, #tpu.memory_space<hbm>> -> memref<1x3328xi32, #tpu.memory_space<hbm>>
      %dma_start3A_299 = tpu.memref_squeeze %dma_start3A_298 : memref<1x3328xi32, #tpu.memory_space<hbm>> -> memref<3328xi32, #tpu.memory_space<hbm>>
      %dma_start3A_300 = arith.constant 0 : i32
      %dma_start3A_301 = tpu.memref_slice %arg2[%add3A, %dma_start3A_300] : memref<32x3328xi32, #tpu.memory_space<hbm>> -> memref<1x3328xi32, #tpu.memory_space<hbm>>
      %dma_start3A_302 = tpu.memref_squeeze %dma_start3A_301 : memref<1x3328xi32, #tpu.memory_space<hbm>> -> memref<3328xi32, #tpu.memory_space<hbm>>
      tpu.enqueue_dma source(%dma_start3A_302 : memref<3328xi32, #tpu.memory_space<hbm>>) target(%arg11 : memref<3328xi32, #tpu.memory_space<vmem>>) target_semaphore(%run_scoped3A : memref<!tpu.dma_semaphore, #tpu.memory_space<semaphore_mem>>)
      %dma_wait3A = arith.constant 0 : i32
      %dma_wait3A_303 = tpu.memref_slice %arg2[%add3A, %dma_wait3A] : memref<32x3328xi32, #tpu.memory_space<hbm>> -> memref<1x3328xi32, #tpu.memory_space<hbm>>
      %dma_wait3A_304 = tpu.memref_squeeze %dma_wait3A_303 : memref<1x3328xi32, #tpu.memory_space<hbm>> -> memref<3328xi32, #tpu.memory_space<hbm>>
      %dma_wait3A_305 = arith.constant 0 : i32
      %dma_wait3A_306 = tpu.memref_slice %arg2[%add3A, %dma_wait3A_305] : memref<32x3328xi32, #tpu.memory_space<hbm>> -> memref<1x3328xi32, #tpu.memory_space<hbm>>
      %dma_wait3A_307 = tpu.memref_squeeze %dma_wait3A_306 : memref<1x3328xi32, #tpu.memory_space<hbm>> -> memref<3328xi32, #tpu.memory_space<hbm>>
      tpu.wait_dma2 semaphore(%run_scoped3A : memref<!tpu.dma_semaphore, #tpu.memory_space<semaphore_mem>>) src(%dma_wait3A_307 : memref<3328xi32, #tpu.memory_space<hbm>>) dst(%arg11 : memref<3328xi32, #tpu.memory_space<vmem>>)
      tpu.yield
    }) : () -> ()
    "tpu.region"() ({
      %run_scoped3A = tpu.sem_alloc : memref<!tpu.dma_semaphore, #tpu.memory_space<semaphore_mem>>
      %dma_start3A = arith.constant 0 : i32
      %dma_start3A_298 = tpu.memref_slice %arg4[%add3A, %dma_start3A] : memref<32x3328xi32, #tpu.memory_space<hbm>> -> memref<1x3328xi32, #tpu.memory_space<hbm>>
      %dma_start3A_299 = tpu.memref_squeeze %dma_start3A_298 : memref<1x3328xi32, #tpu.memory_space<hbm>> -> memref<3328xi32, #tpu.memory_space<hbm>>
      %dma_start3A_300 = arith.constant 0 : i32
      %dma_start3A_301 = tpu.memref_slice %arg4[%add3A, %dma_start3A_300] : memref<32x3328xi32, #tpu.memory_space<hbm>> -> memref<1x3328xi32, #tpu.memory_space<hbm>>
      %dma_start3A_302 = tpu.memref_squeeze %dma_start3A_301 : memref<1x3328xi32, #tpu.memory_space<hbm>> -> memref<3328xi32, #tpu.memory_space<hbm>>
      tpu.enqueue_dma source(%dma_start3A_302 : memref<3328xi32, #tpu.memory_space<hbm>>) target(%arg13 : memref<3328xi32, #tpu.memory_space<vmem>>) target_semaphore(%run_scoped3A : memref<!tpu.dma_semaphore, #tpu.memory_space<semaphore_mem>>)
      %dma_wait3A = arith.constant 0 : i32
      %dma_wait3A_303 = tpu.memref_slice %arg4[%add3A, %dma_wait3A] : memref<32x3328xi32, #tpu.memory_space<hbm>> -> memref<1x3328xi32, #tpu.memory_space<hbm>>
      %dma_wait3A_304 = tpu.memref_squeeze %dma_wait3A_303 : memref<1x3328xi32, #tpu.memory_space<hbm>> -> memref<3328xi32, #tpu.memory_space<hbm>>
      %dma_wait3A_305 = arith.constant 0 : i32
      %dma_wait3A_306 = tpu.memref_slice %arg4[%add3A, %dma_wait3A_305] : memref<32x3328xi32, #tpu.memory_space<hbm>> -> memref<1x3328xi32, #tpu.memory_space<hbm>>
      %dma_wait3A_307 = tpu.memref_squeeze %dma_wait3A_306 : memref<1x3328xi32, #tpu.memory_space<hbm>> -> memref<3328xi32, #tpu.memory_space<hbm>>
      tpu.wait_dma2 semaphore(%run_scoped3A : memref<!tpu.dma_semaphore, #tpu.memory_space<semaphore_mem>>) src(%dma_wait3A_307 : memref<3328xi32, #tpu.memory_space<hbm>>) dst(%arg13 : memref<3328xi32, #tpu.memory_space<vmem>>)
      tpu.yield
    }) : () -> ()
    "tpu.region"() ({
      %run_scoped3A = tpu.sem_alloc : memref<!tpu.dma_semaphore, #tpu.memory_space<semaphore_mem>>
      %dma_start3A = arith.constant 0 : i32
      %dma_start3A_298 = arith.constant 0 : i32
      %dma_start3A_299 = tpu.memref_slice %arg3[%add3A, %dma_start3A, %dma_start3A_298] : memref<32x26x128xi32, #tpu.memory_space<hbm>> -> memref<1x26x128xi32, #tpu.memory_space<hbm>>
      %dma_start3A_300 = tpu.memref_squeeze %dma_start3A_299 : memref<1x26x128xi32, #tpu.memory_space<hbm>> -> memref<26x128xi32, #tpu.memory_space<hbm>>
      %dma_start3A_301 = arith.constant 0 : i32
      %dma_start3A_302 = arith.constant 0 : i32
      %dma_start3A_303 = tpu.memref_slice %arg3[%add3A, %dma_start3A_301, %dma_start3A_302] : memref<32x26x128xi32, #tpu.memory_space<hbm>> -> memref<1x26x128xi32, #tpu.memory_space<hbm>>
      %dma_start3A_304 = tpu.memref_squeeze %dma_start3A_303 : memref<1x26x128xi32, #tpu.memory_space<hbm>> -> memref<26x128xi32, #tpu.memory_space<hbm>>
      tpu.enqueue_dma source(%dma_start3A_304 : memref<26x128xi32, #tpu.memory_space<hbm>>) target(%arg12 : memref<26x128xi32, #tpu.memory_space<vmem>>) target_semaphore(%run_scoped3A : memref<!tpu.dma_semaphore, #tpu.memory_space<semaphore_mem>>)
      %dma_wait3A = arith.constant 0 : i32
      %dma_wait3A_305 = arith.constant 0 : i32
      %dma_wait3A_306 = tpu.memref_slice %arg3[%add3A, %dma_wait3A, %dma_wait3A_305] : memref<32x26x128xi32, #tpu.memory_space<hbm>> -> memref<1x26x128xi32, #tpu.memory_space<hbm>>
      %dma_wait3A_307 = tpu.memref_squeeze %dma_wait3A_306 : memref<1x26x128xi32, #tpu.memory_space<hbm>> -> memref<26x128xi32, #tpu.memory_space<hbm>>
      %dma_wait3A_308 = arith.constant 0 : i32
      %dma_wait3A_309 = arith.constant 0 : i32
      %dma_wait3A_310 = tpu.memref_slice %arg3[%add3A, %dma_wait3A_308, %dma_wait3A_309] : memref<32x26x128xi32, #tpu.memory_space<hbm>> -> memref<1x26x128xi32, #tpu.memory_space<hbm>>
      %dma_wait3A_311 = tpu.memref_squeeze %dma_wait3A_310 : memref<1x26x128xi32, #tpu.memory_space<hbm>> -> memref<26x128xi32, #tpu.memory_space<hbm>>
      tpu.wait_dma2 semaphore(%run_scoped3A : memref<!tpu.dma_semaphore, #tpu.memory_space<semaphore_mem>>) src(%dma_wait3A_311 : memref<26x128xi32, #tpu.memory_space<hbm>>) dst(%arg12 : memref<26x128xi32, #tpu.memory_space<vmem>>)
      tpu.yield
    }) : () -> ()
    "tpu.region"() ({
      %run_scoped3A = tpu.sem_alloc : memref<!tpu.dma_semaphore, #tpu.memory_space<semaphore_mem>>
      %dma_start3A = arith.constant 0 : i32
      %dma_start3A_298 = arith.constant 0 : i32
      %dma_start3A_299 = tpu.memref_slice %arg5[%add3A, %dma_start3A, %dma_start3A_298] : memref<32x26x128xi32, #tpu.memory_space<hbm>> -> memref<1x26x128xi32, #tpu.memory_space<hbm>>
      %dma_start3A_300 = tpu.memref_squeeze %dma_start3A_299 : memref<1x26x128xi32, #tpu.memory_space<hbm>> -> memref<26x128xi32, #tpu.memory_space<hbm>>
      %dma_start3A_301 = arith.constant 0 : i32
      %dma_start3A_302 = arith.constant 0 : i32
      %dma_start3A_303 = tpu.memref_slice %arg5[%add3A, %dma_start3A_301, %dma_start3A_302] : memref<32x26x128xi32, #tpu.memory_space<hbm>> -> memref<1x26x128xi32, #tpu.memory_space<hbm>>
      %dma_start3A_304 = tpu.memref_squeeze %dma_start3A_303 : memref<1x26x128xi32, #tpu.memory_space<hbm>> -> memref<26x128xi32, #tpu.memory_space<hbm>>
      tpu.enqueue_dma source(%dma_start3A_304 : memref<26x128xi32, #tpu.memory_space<hbm>>) target(%arg14 : memref<26x128xi32, #tpu.memory_space<vmem>>) target_semaphore(%run_scoped3A : memref<!tpu.dma_semaphore, #tpu.memory_space<semaphore_mem>>)
      %dma_wait3A = arith.constant 0 : i32
      %dma_wait3A_305 = arith.constant 0 : i32
      %dma_wait3A_306 = tpu.memref_slice %arg5[%add3A, %dma_wait3A, %dma_wait3A_305] : memref<32x26x128xi32, #tpu.memory_space<hbm>> -> memref<1x26x128xi32, #tpu.memory_space<hbm>>
      %dma_wait3A_307 = tpu.memref_squeeze %dma_wait3A_306 : memref<1x26x128xi32, #tpu.memory_space<hbm>> -> memref<26x128xi32, #tpu.memory_space<hbm>>
      %dma_wait3A_308 = arith.constant 0 : i32
      %dma_wait3A_309 = arith.constant 0 : i32
      %dma_wait3A_310 = tpu.memref_slice %arg5[%add3A, %dma_wait3A_308, %dma_wait3A_309] : memref<32x26x128xi32, #tpu.memory_space<hbm>> -> memref<1x26x128xi32, #tpu.memory_space<hbm>>
      %dma_wait3A_311 = tpu.memref_squeeze %dma_wait3A_310 : memref<1x26x128xi32, #tpu.memory_space<hbm>> -> memref<26x128xi32, #tpu.memory_space<hbm>>
      tpu.wait_dma2 semaphore(%run_scoped3A : memref<!tpu.dma_semaphore, #tpu.memory_space<semaphore_mem>>) src(%dma_wait3A_311 : memref<26x128xi32, #tpu.memory_space<hbm>>) dst(%arg14 : memref<26x128xi32, #tpu.memory_space<vmem>>)
      tpu.yield
    }) : () -> ()
    "tpu.region"() ({
      %run_scoped3A = tpu.sem_alloc : memref<!tpu.dma_semaphore, #tpu.memory_space<semaphore_mem>>
      %dma_start3A = arith.constant 0 : i32
      %dma_start3A_298 = tpu.memref_slice %arg6[%add3A, %dma_start3A] : memref<32x16xi32, #tpu.memory_space<hbm>> -> memref<1x16xi32, #tpu.memory_space<hbm>>
      %dma_start3A_299 = tpu.memref_squeeze %dma_start3A_298 : memref<1x16xi32, #tpu.memory_space<hbm>> -> memref<16xi32, #tpu.memory_space<hbm>>
      %dma_start3A_300 = arith.constant 0 : i32
      %dma_start3A_301 = tpu.memref_slice %arg6[%add3A, %dma_start3A_300] : memref<32x16xi32, #tpu.memory_space<hbm>> -> memref<1x16xi32, #tpu.memory_space<hbm>>
      %dma_start3A_302 = tpu.memref_squeeze %dma_start3A_301 : memref<1x16xi32, #tpu.memory_space<hbm>> -> memref<16xi32, #tpu.memory_space<hbm>>
      tpu.enqueue_dma source(%dma_start3A_302 : memref<16xi32, #tpu.memory_space<hbm>>) target(%arg15 : memref<16xi32, #tpu.memory_space<vmem>>) target_semaphore(%run_scoped3A : memref<!tpu.dma_semaphore, #tpu.memory_space<semaphore_mem>>)
      %dma_wait3A = arith.constant 0 : i32
      %dma_wait3A_303 = tpu.memref_slice %arg6[%add3A, %dma_wait3A] : memref<32x16xi32, #tpu.memory_space<hbm>> -> memref<1x16xi32, #tpu.memory_space<hbm>>
      %dma_wait3A_304 = tpu.memref_squeeze %dma_wait3A_303 : memref<1x16xi32, #tpu.memory_space<hbm>> -> memref<16xi32, #tpu.memory_space<hbm>>
      %dma_wait3A_305 = arith.constant 0 : i32
      %dma_wait3A_306 = tpu.memref_slice %arg6[%add3A, %dma_wait3A_305] : memref<32x16xi32, #tpu.memory_space<hbm>> -> memref<1x16xi32, #tpu.memory_space<hbm>>
      %dma_wait3A_307 = tpu.memref_squeeze %dma_wait3A_306 : memref<1x16xi32, #tpu.memory_space<hbm>> -> memref<16xi32, #tpu.memory_space<hbm>>
      tpu.wait_dma2 semaphore(%run_scoped3A : memref<!tpu.dma_semaphore, #tpu.memory_space<semaphore_mem>>) src(%dma_wait3A_307 : memref<16xi32, #tpu.memory_space<hbm>>) dst(%arg15 : memref<16xi32, #tpu.memory_space<vmem>>)
      tpu.yield
    }) : () -> ()
    %get3A = arith.constant 0 : index
    %get3A_1 = tpu.vector_load %arg15[%get3A] {strides = array<i32>} : memref<16xi32, #tpu.memory_space<vmem>>, vector<16xi32>,
    %eq3A = arith.constant 0 : i32
    %eq3A_2 = vector.broadcast %eq3A : i32 to vector<16xi32>
    %eq3A_3 = arith.cmpi eq, %iota3A, %eq3A_2 : vector<16xi32>
    %jit3A = arith.constant 0 : i32
    %broadcast_in_dim3A = vector.broadcast %jit3A : i32 to vector<16xi32>
    %select_n3A = arith.select %eq3A_3, %get3A_1, %broadcast_in_dim3A : vector<16xi1>, vector<16xi32>
    %reduce_sum3A = arith.constant true
    %reduce_sum3A_4 = vector.broadcast %reduce_sum3A : i1 to vector<16xi1>
    %reduce_sum3A_5 = tpu.scan <sum>, %select_n3A masked %reduce_sum3A_4 : vector<16xi32>, vector<16xi1> -> vector<16xi32>
    %reduce_sum3A_6 = vector.extract %reduce_sum3A_5[15] : i32 from vector<16xi32>
    %eq3A_7 = arith.constant 1 : i32
    %eq3A_8 = vector.broadcast %eq3A_7 : i32 to vector<16xi32>
    %eq3A_9 = arith.cmpi eq, %iota3A, %eq3A_8 : vector<16xi32>
    %jit3A_10 = arith.constant 0 : i32
    %broadcast_in_dim3A_11 = vector.broadcast %jit3A_10 : i32 to vector<16xi32>
    %select_n3A_12 = arith.select %eq3A_9, %get3A_1, %broadcast_in_dim3A_11 : vector<16xi1>, vector<16xi32>
    %reduce_sum3A_13 = arith.constant true
    %reduce_sum3A_14 = vector.broadcast %reduce_sum3A_13 : i1 to vector<16xi1>
    %reduce_sum3A_15 = tpu.scan <sum>, %select_n3A_12 masked %reduce_sum3A_14 : vector<16xi32>, vector<16xi1> -> vector<16xi32>
    %reduce_sum3A_16 = vector.extract %reduce_sum3A_15[15] : i32 from vector<16xi32>
    %add3A_17 = arith.constant 128 : i32
    %add3A_18 = arith.addi %reduce_sum3A_6, %add3A_17 : i32
    %sub3A = arith.constant 1 : i32
    %sub3A_19 = arith.subi %add3A_18, %sub3A : i32
    %jit3A_20 = arith.constant 128 : i32
    %div3A = arith.divsi %sub3A_19, %jit3A_20 : i32
    %sign3A = arith.constant 0 : i32
    %sign3A_21 = arith.cmpi sgt, %sub3A_19, %sign3A : i32
    %sign3A_22 = arith.extui %sign3A_21 : i1 to i32
    %sign3A_23 = arith.constant 0 : i32
    %sign3A_24 = arith.cmpi slt, %sub3A_19, %sign3A_23 : i32
    %sign3A_25 = arith.extui %sign3A_24 : i1 to i32
    %sign3A_26 = arith.subi %sign3A_22, %sign3A_25 : i32
    %sign3A_27 = arith.constant 0 : i32
    %sign3A_28 = arith.cmpi sgt, %jit3A_20, %sign3A_27 : i32
    %sign3A_29 = arith.extui %sign3A_28 : i1 to i32
    %sign3A_30 = arith.constant 0 : i32
    %sign3A_31 = arith.cmpi slt, %jit3A_20, %sign3A_30 : i32
    %sign3A_32 = arith.extui %sign3A_31 : i1 to i32
    %sign3A_33 = arith.subi %sign3A_29, %sign3A_32 : i32
    %ne3A = arith.cmpi ne, %sign3A_26, %sign3A_33 : i32
    %rem3A = arith.remsi %sub3A_19, %jit3A_20 : i32
    %ne3A_34 = arith.constant 0 : i32
    %ne3A_35 = arith.cmpi ne, %rem3A, %ne3A_34 : i32
    %and3A = arith.andi %ne3A, %ne3A_35 : i1
    %sub3A_36 = arith.constant 1 : i32
    %sub3A_37 = arith.subi %div3A, %sub3A_36 : i32
    %select_n3A_38 = arith.select %and3A, %sub3A_37, %div3A : i32
    %add3A_39 = arith.constant 6 : i32
    %add3A_40 = arith.addi %select_n3A_38, %add3A_39 : i32
    %sub3A_41 = arith.constant 1 : i32
    %sub3A_42 = arith.subi %add3A_40, %sub3A_41 : i32
    %jit3A_43 = arith.constant 6 : i32
    %div3A_44 = arith.divsi %sub3A_42, %jit3A_43 : i32
    %sign3A_45 = arith.constant 0 : i32
    %sign3A_46 = arith.cmpi sgt, %sub3A_42, %sign3A_45 : i32
    %sign3A_47 = arith.extui %sign3A_46 : i1 to i32
    %sign3A_48 = arith.constant 0 : i32
    %sign3A_49 = arith.cmpi slt, %sub3A_42, %sign3A_48 : i32
    %sign3A_50 = arith.extui %sign3A_49 : i1 to i32
    %sign3A_51 = arith.subi %sign3A_47, %sign3A_50 : i32
    %sign3A_52 = arith.constant 0 : i32
    %sign3A_53 = arith.cmpi sgt, %jit3A_43, %sign3A_52 : i32
    %sign3A_54 = arith.extui %sign3A_53 : i1 to i32
    %sign3A_55 = arith.constant 0 : i32
    %sign3A_56 = arith.cmpi slt, %jit3A_43, %sign3A_55 : i32
    %sign3A_57 = arith.extui %sign3A_56 : i1 to i32
    %sign3A_58 = arith.subi %sign3A_54, %sign3A_57 : i32
    %ne3A_59 = arith.cmpi ne, %sign3A_51, %sign3A_58 : i32
    %rem3A_60 = arith.remsi %sub3A_42, %jit3A_43 : i32
    %ne3A_61 = arith.constant 0 : i32
    %ne3A_62 = arith.cmpi ne, %rem3A_60, %ne3A_61 : i32
    %and3A_63 = arith.andi %ne3A_59, %ne3A_62 : i1
    %sub3A_64 = arith.constant 1 : i32
    %sub3A_65 = arith.subi %div3A_44, %sub3A_64 : i32
    %select_n3A_66 = arith.select %and3A_63, %sub3A_65, %div3A_44 : i32
    %while3A = arith.constant 0 : i32
    %while3A_67 = arith.constant 0 : i32
    %while3A_68 = arith.subi %select_n3A_66, %while3A : i32
    %while3A_69 = arith.addi %while3A, %while3A_68 : i32
    %while3A_70 = arith.constant 1 : i32
    %while3A_71 = arith.divsi %while3A_68, %while3A_70 : i32
    %while3A_72 = arith.muli %while3A_71, %while3A_70 : i32
    %while3A_73 = arith.addi %while3A, %while3A_72 : i32
    %while3A_74 = arith.constant 1 : i32
    %while3A_75 = scf.for %while3A_298 = %while3A to %while3A_73 step %while3A_74 iter_args(%while3A_299 = %while3A_67) -> (i32)  : i32 {
      %mul3A_300 = arith.constant 6 : i32
      %mul3A_301 = arith.muli %mul3A_300, %while3A_298 : i32
      %add3A_302 = arith.constant 0 : i32
      %add3A_303 = arith.addi %mul3A_301, %add3A_302 : i32
      %sub3A_304 = arith.constant 6 : i32
      %sub3A_305 = arith.subi %add3A_303, %sub3A_304 : i32
      %ge3A = arith.constant 0 : i32
      %ge3A_306 = arith.cmpi sge, %sub3A_305, %ge3A : i32
      %convert_element_type3A_307 = arith.extui %ge3A_306 : i1 to i32
      %cond3A_308 = arith.constant 0 : i32
      %cond3A_309 = arith.cmpi ne, %convert_element_type3A_307, %cond3A_308 : i32
      scf.if %cond3A_309 {
        %dma_wait3A = arith.constant 0 : i32
        %dma_wait3A_438 = tpu.memref_slice %arg12[%sub3A_305, %dma_wait3A] : memref<26x128xi32, #tpu.memory_space<vmem>> -> memref<1x128xi32, #tpu.memory_space<vmem>>
        %dma_wait3A_439 = tpu.memref_squeeze %dma_wait3A_438 : memref<1x128xi32, #tpu.memory_space<vmem>> -> memref<128xi32, #tpu.memory_space<vmem>>
        %dma_wait3A_440 = arith.constant 0 : i32
        %dma_wait3A_441 = arith.constant 0 : i32
        %dma_wait3A_442 = tpu.memref_slice %arg9[%dma_wait3A_440, %dma_wait3A_441] : memref<100000x128xf32, #tpu.memory_space<hbm>> -> memref<100000x128xf32, #tpu.memory_space<hbm>>
        tpu.wait_indirect_dma semaphore(%arg28 : memref<!tpu.dma_semaphore, #tpu.memory_space<semaphore_mem>>) src(%arg16 : memref<128x128xf32, #tpu.memory_space<vmem>>) dst(%dma_wait3A_442 : memref<100000x128xf32, #tpu.memory_space<hbm>>)
      } else {
      }
      %lt3A_310 = arith.cmpi slt, %add3A_303, %select_n3A_38 : i32
      %convert_element_type3A_311 = arith.extui %lt3A_310 : i1 to i32
      %cond3A_312 = arith.constant 0 : i32
      %cond3A_313 = arith.cmpi ne, %convert_element_type3A_311, %cond3A_312 : i32
      scf.if %cond3A_313 {
        %mul3A_438 = arith.constant 128 : i32
        %mul3A_439 = arith.muli %add3A_303, %mul3A_438 : i32
        %dma_start3A = tpu.memref_slice %arg11[%mul3A_439] : memref<3328xi32, #tpu.memory_space<vmem>> -> memref<128xi32, #tpu.memory_space<vmem>>
        %dma_start3A_440 = arith.constant 0 : i32
        %dma_start3A_441 = arith.constant 0 : i32
        %dma_start3A_442 = tpu.memref_slice %arg7[%dma_start3A_440, %dma_start3A_441] : memref<16384x128xf32, #tpu.memory_space<hbm>> -> memref<16384x128xf32, #tpu.memory_space<hbm>>
        tpu.enqueue_indirect_dma source(%dma_start3A_442 : memref<16384x128xf32, #tpu.memory_space<hbm>>) target(%arg16 : memref<128x128xf32, #tpu.memory_space<vmem>>) offsets(%dma_start3A : memref<128xi32, #tpu.memory_space<vmem>>) semaphore(%arg22 : memref<!tpu.dma_semaphore, #tpu.memory_space<semaphore_mem>>)
      } else {
      }
      %mul3A_314 = arith.constant 6 : i32
      %mul3A_315 = arith.muli %mul3A_314, %while3A_298 : i32
      %add3A_316 = arith.constant 1 : i32
      %add3A_317 = arith.addi %mul3A_315, %add3A_316 : i32
      %sub3A_318 = arith.constant 6 : i32
      %sub3A_319 = arith.subi %add3A_317, %sub3A_318 : i32
      %ge3A_320 = arith.constant 0 : i32
      %ge3A_321 = arith.cmpi sge, %sub3A_319, %ge3A_320 : i32
      %convert_element_type3A_322 = arith.extui %ge3A_321 : i1 to i32
      %cond3A_323 = arith.constant 0 : i32
      %cond3A_324 = arith.cmpi ne, %convert_element_type3A_322, %cond3A_323 : i32
      scf.if %cond3A_324 {
        %dma_wait3A = arith.constant 0 : i32
        %dma_wait3A_438 = tpu.memref_slice %arg12[%sub3A_319, %dma_wait3A] : memref<26x128xi32, #tpu.memory_space<vmem>> -> memref<1x128xi32, #tpu.memory_space<vmem>>
        %dma_wait3A_439 = tpu.memref_squeeze %dma_wait3A_438 : memref<1x128xi32, #tpu.memory_space<vmem>> -> memref<128xi32, #tpu.memory_space<vmem>>
        %dma_wait3A_440 = arith.constant 0 : i32
        %dma_wait3A_441 = arith.constant 0 : i32
        %dma_wait3A_442 = tpu.memref_slice %arg9[%dma_wait3A_440, %dma_wait3A_441] : memref<100000x128xf32, #tpu.memory_space<hbm>> -> memref<100000x128xf32, #tpu.memory_space<hbm>>
        tpu.wait_indirect_dma semaphore(%arg29 : memref<!tpu.dma_semaphore, #tpu.memory_space<semaphore_mem>>) src(%arg17 : memref<128x128xf32, #tpu.memory_space<vmem>>) dst(%dma_wait3A_442 : memref<100000x128xf32, #tpu.memory_space<hbm>>)
      } else {
      }
      %lt3A_325 = arith.cmpi slt, %add3A_317, %select_n3A_38 : i32
      %convert_element_type3A_326 = arith.extui %lt3A_325 : i1 to i32
      %cond3A_327 = arith.constant 0 : i32
      %cond3A_328 = arith.cmpi ne, %convert_element_type3A_326, %cond3A_327 : i32
      scf.if %cond3A_328 {
        %mul3A_438 = arith.constant 128 : i32
        %mul3A_439 = arith.muli %add3A_317, %mul3A_438 : i32
        %dma_start3A = tpu.memref_slice %arg11[%mul3A_439] : memref<3328xi32, #tpu.memory_space<vmem>> -> memref<128xi32, #tpu.memory_space<vmem>>
        %dma_start3A_440 = arith.constant 0 : i32
        %dma_start3A_441 = arith.constant 0 : i32
        %dma_start3A_442 = tpu.memref_slice %arg7[%dma_start3A_440, %dma_start3A_441] : memref<16384x128xf32, #tpu.memory_space<hbm>> -> memref<16384x128xf32, #tpu.memory_space<hbm>>
        tpu.enqueue_indirect_dma source(%dma_start3A_442 : memref<16384x128xf32, #tpu.memory_space<hbm>>) target(%arg17 : memref<128x128xf32, #tpu.memory_space<vmem>>) offsets(%dma_start3A : memref<128xi32, #tpu.memory_space<vmem>>) semaphore(%arg23 : memref<!tpu.dma_semaphore, #tpu.memory_space<semaphore_mem>>)
      } else {
      }
      %mul3A_329 = arith.constant 6 : i32
      %mul3A_330 = arith.muli %mul3A_329, %while3A_298 : i32
      %add3A_331 = arith.constant 2 : i32
      %add3A_332 = arith.addi %mul3A_330, %add3A_331 : i32
      %sub3A_333 = arith.constant 6 : i32
      %sub3A_334 = arith.subi %add3A_332, %sub3A_333 : i32
      %ge3A_335 = arith.constant 0 : i32
      %ge3A_336 = arith.cmpi sge, %sub3A_334, %ge3A_335 : i32
      %convert_element_type3A_337 = arith.extui %ge3A_336 : i1 to i32
      %cond3A_338 = arith.constant 0 : i32
      %cond3A_339 = arith.cmpi ne, %convert_element_type3A_337, %cond3A_338 : i32
      scf.if %cond3A_339 {
        %dma_wait3A = arith.constant 0 : i32
        %dma_wait3A_438 = tpu.memref_slice %arg12[%sub3A_334, %dma_wait3A] : memref<26x128xi32, #tpu.memory_space<vmem>> -> memref<1x128xi32, #tpu.memory_space<vmem>>
        %dma_wait3A_439 = tpu.memref_squeeze %dma_wait3A_438 : memref<1x128xi32, #tpu.memory_space<vmem>> -> memref<128xi32, #tpu.memory_space<vmem>>
        %dma_wait3A_440 = arith.constant 0 : i32
        %dma_wait3A_441 = arith.constant 0 : i32
        %dma_wait3A_442 = tpu.memref_slice %arg9[%dma_wait3A_440, %dma_wait3A_441] : memref<100000x128xf32, #tpu.memory_space<hbm>> -> memref<100000x128xf32, #tpu.memory_space<hbm>>
        tpu.wait_indirect_dma semaphore(%arg30 : memref<!tpu.dma_semaphore, #tpu.memory_space<semaphore_mem>>) src(%arg18 : memref<128x128xf32, #tpu.memory_space<vmem>>) dst(%dma_wait3A_442 : memref<100000x128xf32, #tpu.memory_space<hbm>>)
      } else {
      }
      %lt3A_340 = arith.cmpi slt, %add3A_332, %select_n3A_38 : i32
      %convert_element_type3A_341 = arith.extui %lt3A_340 : i1 to i32
      %cond3A_342 = arith.constant 0 : i32
      %cond3A_343 = arith.cmpi ne, %convert_element_type3A_341, %cond3A_342 : i32
      scf.if %cond3A_343 {
        %mul3A_438 = arith.constant 128 : i32
        %mul3A_439 = arith.muli %add3A_332, %mul3A_438 : i32
        %dma_start3A = tpu.memref_slice %arg11[%mul3A_439] : memref<3328xi32, #tpu.memory_space<vmem>> -> memref<128xi32, #tpu.memory_space<vmem>>
        %dma_start3A_440 = arith.constant 0 : i32
        %dma_start3A_441 = arith.constant 0 : i32
        %dma_start3A_442 = tpu.memref_slice %arg7[%dma_start3A_440, %dma_start3A_441] : memref<16384x128xf32, #tpu.memory_space<hbm>> -> memref<16384x128xf32, #tpu.memory_space<hbm>>
        tpu.enqueue_indirect_dma source(%dma_start3A_442 : memref<16384x128xf32, #tpu.memory_space<hbm>>) target(%arg18 : memref<128x128xf32, #tpu.memory_space<vmem>>) offsets(%dma_start3A : memref<128xi32, #tpu.memory_space<vmem>>) semaphore(%arg24 : memref<!tpu.dma_semaphore, #tpu.memory_space<semaphore_mem>>)
      } else {
      }
      %mul3A_344 = arith.constant 6 : i32
      %mul3A_345 = arith.muli %mul3A_344, %while3A_298 : i32
      %add3A_346 = arith.constant 3 : i32
      %add3A_347 = arith.addi %mul3A_345, %add3A_346 : i32
      %sub3A_348 = arith.constant 6 : i32
      %sub3A_349 = arith.subi %add3A_347, %sub3A_348 : i32
      %ge3A_350 = arith.constant 0 : i32
      %ge3A_351 = arith.cmpi sge, %sub3A_349, %ge3A_350 : i32
      %convert_element_type3A_352 = arith.extui %ge3A_351 : i1 to i32
      %cond3A_353 = arith.constant 0 : i32
      %cond3A_354 = arith.cmpi ne, %convert_element_type3A_352, %cond3A_353 : i32
      scf.if %cond3A_354 {
        %dma_wait3A = arith.constant 0 : i32
        %dma_wait3A_438 = tpu.memref_slice %arg12[%sub3A_349, %dma_wait3A] : memref<26x128xi32, #tpu.memory_space<vmem>> -> memref<1x128xi32, #tpu.memory_space<vmem>>
        %dma_wait3A_439 = tpu.memref_squeeze %dma_wait3A_438 : memref<1x128xi32, #tpu.memory_space<vmem>> -> memref<128xi32, #tpu.memory_space<vmem>>
        %dma_wait3A_440 = arith.constant 0 : i32
        %dma_wait3A_441 = arith.constant 0 : i32
        %dma_wait3A_442 = tpu.memref_slice %arg9[%dma_wait3A_440, %dma_wait3A_441] : memref<100000x128xf32, #tpu.memory_space<hbm>> -> memref<100000x128xf32, #tpu.memory_space<hbm>>
        tpu.wait_indirect_dma semaphore(%arg31 : memref<!tpu.dma_semaphore, #tpu.memory_space<semaphore_mem>>) src(%arg19 : memref<128x128xf32, #tpu.memory_space<vmem>>) dst(%dma_wait3A_442 : memref<100000x128xf32, #tpu.memory_space<hbm>>)
      } else {
      }
      %lt3A_355 = arith.cmpi slt, %add3A_347, %select_n3A_38 : i32
      %convert_element_type3A_356 = arith.extui %lt3A_355 : i1 to i32
      %cond3A_357 = arith.constant 0 : i32
      %cond3A_358 = arith.cmpi ne, %convert_element_type3A_356, %cond3A_357 : i32
      scf.if %cond3A_358 {
        %mul3A_438 = arith.constant 128 : i32
        %mul3A_439 = arith.muli %add3A_347, %mul3A_438 : i32
        %dma_start3A = tpu.memref_slice %arg11[%mul3A_439] : memref<3328xi32, #tpu.memory_space<vmem>> -> memref<128xi32, #tpu.memory_space<vmem>>
        %dma_start3A_440 = arith.constant 0 : i32
        %dma_start3A_441 = arith.constant 0 : i32
        %dma_start3A_442 = tpu.memref_slice %arg7[%dma_start3A_440, %dma_start3A_441] : memref<16384x128xf32, #tpu.memory_space<hbm>> -> memref<16384x128xf32, #tpu.memory_space<hbm>>
        tpu.enqueue_indirect_dma source(%dma_start3A_442 : memref<16384x128xf32, #tpu.memory_space<hbm>>) target(%arg19 : memref<128x128xf32, #tpu.memory_space<vmem>>) offsets(%dma_start3A : memref<128xi32, #tpu.memory_space<vmem>>) semaphore(%arg25 : memref<!tpu.dma_semaphore, #tpu.memory_space<semaphore_mem>>)
      } else {
      }
      %mul3A_359 = arith.constant 6 : i32
      %mul3A_360 = arith.muli %mul3A_359, %while3A_298 : i32
      %add3A_361 = arith.constant 4 : i32
      %add3A_362 = arith.addi %mul3A_360, %add3A_361 : i32
      %sub3A_363 = arith.constant 6 : i32
      %sub3A_364 = arith.subi %add3A_362, %sub3A_363 : i32
      %ge3A_365 = arith.constant 0 : i32
      %ge3A_366 = arith.cmpi sge, %sub3A_364, %ge3A_365 : i32
      %convert_element_type3A_367 = arith.extui %ge3A_366 : i1 to i32
      %cond3A_368 = arith.constant 0 : i32
      %cond3A_369 = arith.cmpi ne, %convert_element_type3A_367, %cond3A_368 : i32
      scf.if %cond3A_369 {
        %dma_wait3A = arith.constant 0 : i32
        %dma_wait3A_438 = tpu.memref_slice %arg12[%sub3A_364, %dma_wait3A] : memref<26x128xi32, #tpu.memory_space<vmem>> -> memref<1x128xi32, #tpu.memory_space<vmem>>
        %dma_wait3A_439 = tpu.memref_squeeze %dma_wait3A_438 : memref<1x128xi32, #tpu.memory_space<vmem>> -> memref<128xi32, #tpu.memory_space<vmem>>
        %dma_wait3A_440 = arith.constant 0 : i32
        %dma_wait3A_441 = arith.constant 0 : i32
        %dma_wait3A_442 = tpu.memref_slice %arg9[%dma_wait3A_440, %dma_wait3A_441] : memref<100000x128xf32, #tpu.memory_space<hbm>> -> memref<100000x128xf32, #tpu.memory_space<hbm>>
        tpu.wait_indirect_dma semaphore(%arg32 : memref<!tpu.dma_semaphore, #tpu.memory_space<semaphore_mem>>) src(%arg20 : memref<128x128xf32, #tpu.memory_space<vmem>>) dst(%dma_wait3A_442 : memref<100000x128xf32, #tpu.memory_space<hbm>>)
      } else {
      }
      %lt3A_370 = arith.cmpi slt, %add3A_362, %select_n3A_38 : i32
      %convert_element_type3A_371 = arith.extui %lt3A_370 : i1 to i32
      %cond3A_372 = arith.constant 0 : i32
      %cond3A_373 = arith.cmpi ne, %convert_element_type3A_371, %cond3A_372 : i32
      scf.if %cond3A_373 {
        %mul3A_438 = arith.constant 128 : i32
        %mul3A_439 = arith.muli %add3A_362, %mul3A_438 : i32
        %dma_start3A = tpu.memref_slice %arg11[%mul3A_439] : memref<3328xi32, #tpu.memory_space<vmem>> -> memref<128xi32, #tpu.memory_space<vmem>>
        %dma_start3A_440 = arith.constant 0 : i32
        %dma_start3A_441 = arith.constant 0 : i32
        %dma_start3A_442 = tpu.memref_slice %arg7[%dma_start3A_440, %dma_start3A_441] : memref<16384x128xf32, #tpu.memory_space<hbm>> -> memref<16384x128xf32, #tpu.memory_space<hbm>>
        tpu.enqueue_indirect_dma source(%dma_start3A_442 : memref<16384x128xf32, #tpu.memory_space<hbm>>) target(%arg20 : memref<128x128xf32, #tpu.memory_space<vmem>>) offsets(%dma_start3A : memref<128xi32, #tpu.memory_space<vmem>>) semaphore(%arg26 : memref<!tpu.dma_semaphore, #tpu.memory_space<semaphore_mem>>)
      } else {
      }
      %mul3A_374 = arith.constant 6 : i32
      %mul3A_375 = arith.muli %mul3A_374, %while3A_298 : i32
      %add3A_376 = arith.constant 5 : i32
      %add3A_377 = arith.addi %mul3A_375, %add3A_376 : i32
      %sub3A_378 = arith.constant 6 : i32
      %sub3A_379 = arith.subi %add3A_377, %sub3A_378 : i32
      %ge3A_380 = arith.constant 0 : i32
      %ge3A_381 = arith.cmpi sge, %sub3A_379, %ge3A_380 : i32
      %convert_element_type3A_382 = arith.extui %ge3A_381 : i1 to i32
      %cond3A_383 = arith.constant 0 : i32
      %cond3A_384 = arith.cmpi ne, %convert_element_type3A_382, %cond3A_383 : i32
      scf.if %cond3A_384 {
        %dma_wait3A = arith.constant 0 : i32
        %dma_wait3A_438 = tpu.memref_slice %arg12[%sub3A_379, %dma_wait3A] : memref<26x128xi32, #tpu.memory_space<vmem>> -> memref<1x128xi32, #tpu.memory_space<vmem>>
        %dma_wait3A_439 = tpu.memref_squeeze %dma_wait3A_438 : memref<1x128xi32, #tpu.memory_space<vmem>> -> memref<128xi32, #tpu.memory_space<vmem>>
        %dma_wait3A_440 = arith.constant 0 : i32
        %dma_wait3A_441 = arith.constant 0 : i32
        %dma_wait3A_442 = tpu.memref_slice %arg9[%dma_wait3A_440, %dma_wait3A_441] : memref<100000x128xf32, #tpu.memory_space<hbm>> -> memref<100000x128xf32, #tpu.memory_space<hbm>>
        tpu.wait_indirect_dma semaphore(%arg33 : memref<!tpu.dma_semaphore, #tpu.memory_space<semaphore_mem>>) src(%arg21 : memref<128x128xf32, #tpu.memory_space<vmem>>) dst(%dma_wait3A_442 : memref<100000x128xf32, #tpu.memory_space<hbm>>)
      } else {
      }
      %lt3A_385 = arith.cmpi slt, %add3A_377, %select_n3A_38 : i32
      %convert_element_type3A_386 = arith.extui %lt3A_385 : i1 to i32
      %cond3A_387 = arith.constant 0 : i32
      %cond3A_388 = arith.cmpi ne, %convert_element_type3A_386, %cond3A_387 : i32
      scf.if %cond3A_388 {
        %mul3A_438 = arith.constant 128 : i32
        %mul3A_439 = arith.muli %add3A_377, %mul3A_438 : i32
        %dma_start3A = tpu.memref_slice %arg11[%mul3A_439] : memref<3328xi32, #tpu.memory_space<vmem>> -> memref<128xi32, #tpu.memory_space<vmem>>
        %dma_start3A_440 = arith.constant 0 : i32
        %dma_start3A_441 = arith.constant 0 : i32
        %dma_start3A_442 = tpu.memref_slice %arg7[%dma_start3A_440, %dma_start3A_441] : memref<16384x128xf32, #tpu.memory_space<hbm>> -> memref<16384x128xf32, #tpu.memory_space<hbm>>
        tpu.enqueue_indirect_dma source(%dma_start3A_442 : memref<16384x128xf32, #tpu.memory_space<hbm>>) target(%arg21 : memref<128x128xf32, #tpu.memory_space<vmem>>) offsets(%dma_start3A : memref<128xi32, #tpu.memory_space<vmem>>) semaphore(%arg27 : memref<!tpu.dma_semaphore, #tpu.memory_space<semaphore_mem>>)
      } else {
      }
      %mul3A_389 = arith.constant 6 : i32
      %mul3A_390 = arith.muli %mul3A_389, %while3A_298 : i32
      %add3A_391 = arith.constant 0 : i32
      %add3A_392 = arith.addi %mul3A_390, %add3A_391 : i32
      %lt3A_393 = arith.cmpi slt, %add3A_392, %select_n3A_38 : i32
      %convert_element_type3A_394 = arith.extui %lt3A_393 : i1 to i32
      %cond3A_395 = arith.constant 0 : i32
      %cond3A_396 = arith.cmpi ne, %convert_element_type3A_394, %cond3A_395 : i32
      scf.if %cond3A_396 {
        %mul3A_438 = arith.constant 128 : i32
        %mul3A_439 = arith.muli %add3A_392, %mul3A_438 : i32
        %dma_wait3A = tpu.memref_slice %arg11[%mul3A_439] : memref<3328xi32, #tpu.memory_space<vmem>> -> memref<128xi32, #tpu.memory_space<vmem>>
        %dma_wait3A_440 = arith.constant 0 : i32
        %dma_wait3A_441 = arith.constant 0 : i32
        %dma_wait3A_442 = tpu.memref_slice %arg7[%dma_wait3A_440, %dma_wait3A_441] : memref<16384x128xf32, #tpu.memory_space<hbm>> -> memref<16384x128xf32, #tpu.memory_space<hbm>>
        tpu.wait_indirect_dma semaphore(%arg22 : memref<!tpu.dma_semaphore, #tpu.memory_space<semaphore_mem>>) src(%dma_wait3A_442 : memref<16384x128xf32, #tpu.memory_space<hbm>>) dst(%arg16 : memref<128x128xf32, #tpu.memory_space<vmem>>)
        %dma_start3A = arith.constant 0 : i32
        %dma_start3A_443 = tpu.memref_slice %arg12[%add3A_392, %dma_start3A] : memref<26x128xi32, #tpu.memory_space<vmem>> -> memref<1x128xi32, #tpu.memory_space<vmem>>
        %dma_start3A_444 = tpu.memref_squeeze %dma_start3A_443 : memref<1x128xi32, #tpu.memory_space<vmem>> -> memref<128xi32, #tpu.memory_space<vmem>>
        %dma_start3A_445 = arith.constant 0 : i32
        %dma_start3A_446 = arith.constant 0 : i32
        %dma_start3A_447 = tpu.memref_slice %arg9[%dma_start3A_445, %dma_start3A_446] : memref<100000x128xf32, #tpu.memory_space<hbm>> -> memref<100000x128xf32, #tpu.memory_space<hbm>>
        tpu.enqueue_indirect_dma source(%arg16 : memref<128x128xf32, #tpu.memory_space<vmem>>) target(%dma_start3A_447 : memref<100000x128xf32, #tpu.memory_space<hbm>>) offsets(%dma_start3A_444 : memref<128xi32, #tpu.memory_space<vmem>>) semaphore(%arg28 : memref<!tpu.dma_semaphore, #tpu.memory_space<semaphore_mem>>)
      } else {
      }
      %mul3A_397 = arith.constant 6 : i32
      %mul3A_398 = arith.muli %mul3A_397, %while3A_298 : i32
      %add3A_399 = arith.constant 1 : i32
      %add3A_400 = arith.addi %mul3A_398, %add3A_399 : i32
      %lt3A_401 = arith.cmpi slt, %add3A_400, %select_n3A_38 : i32
      %convert_element_type3A_402 = arith.extui %lt3A_401 : i1 to i32
      %cond3A_403 = arith.constant 0 : i32
      %cond3A_404 = arith.cmpi ne, %convert_element_type3A_402, %cond3A_403 : i32
      scf.if %cond3A_404 {
        %mul3A_438 = arith.constant 128 : i32
        %mul3A_439 = arith.muli %add3A_400, %mul3A_438 : i32
        %dma_wait3A = tpu.memref_slice %arg11[%mul3A_439] : memref<3328xi32, #tpu.memory_space<vmem>> -> memref<128xi32, #tpu.memory_space<vmem>>
        %dma_wait3A_440 = arith.constant 0 : i32
        %dma_wait3A_441 = arith.constant 0 : i32
        %dma_wait3A_442 = tpu.memref_slice %arg7[%dma_wait3A_440, %dma_wait3A_441] : memref<16384x128xf32, #tpu.memory_space<hbm>> -> memref<16384x128xf32, #tpu.memory_space<hbm>>
        tpu.wait_indirect_dma semaphore(%arg23 : memref<!tpu.dma_semaphore, #tpu.memory_space<semaphore_mem>>) src(%dma_wait3A_442 : memref<16384x128xf32, #tpu.memory_space<hbm>>) dst(%arg17 : memref<128x128xf32, #tpu.memory_space<vmem>>)
        %dma_start3A = arith.constant 0 : i32
        %dma_start3A_443 = tpu.memref_slice %arg12[%add3A_400, %dma_start3A] : memref<26x128xi32, #tpu.memory_space<vmem>> -> memref<1x128xi32, #tpu.memory_space<vmem>>
        %dma_start3A_444 = tpu.memref_squeeze %dma_start3A_443 : memref<1x128xi32, #tpu.memory_space<vmem>> -> memref<128xi32, #tpu.memory_space<vmem>>
        %dma_start3A_445 = arith.constant 0 : i32
        %dma_start3A_446 = arith.constant 0 : i32
        %dma_start3A_447 = tpu.memref_slice %arg9[%dma_start3A_445, %dma_start3A_446] : memref<100000x128xf32, #tpu.memory_space<hbm>> -> memref<100000x128xf32, #tpu.memory_space<hbm>>
        tpu.enqueue_indirect_dma source(%arg17 : memref<128x128xf32, #tpu.memory_space<vmem>>) target(%dma_start3A_447 : memref<100000x128xf32, #tpu.memory_space<hbm>>) offsets(%dma_start3A_444 : memref<128xi32, #tpu.memory_space<vmem>>) semaphore(%arg29 : memref<!tpu.dma_semaphore, #tpu.memory_space<semaphore_mem>>)
      } else {
      }
      %mul3A_405 = arith.constant 6 : i32
      %mul3A_406 = arith.muli %mul3A_405, %while3A_298 : i32
      %add3A_407 = arith.constant 2 : i32
      %add3A_408 = arith.addi %mul3A_406, %add3A_407 : i32
      %lt3A_409 = arith.cmpi slt, %add3A_408, %select_n3A_38 : i32
      %convert_element_type3A_410 = arith.extui %lt3A_409 : i1 to i32
      %cond3A_411 = arith.constant 0 : i32
      %cond3A_412 = arith.cmpi ne, %convert_element_type3A_410, %cond3A_411 : i32
      scf.if %cond3A_412 {
        %mul3A_438 = arith.constant 128 : i32
        %mul3A_439 = arith.muli %add3A_408, %mul3A_438 : i32
        %dma_wait3A = tpu.memref_slice %arg11[%mul3A_439] : memref<3328xi32, #tpu.memory_space<vmem>> -> memref<128xi32, #tpu.memory_space<vmem>>
        %dma_wait3A_440 = arith.constant 0 : i32
        %dma_wait3A_441 = arith.constant 0 : i32
        %dma_wait3A_442 = tpu.memref_slice %arg7[%dma_wait3A_440, %dma_wait3A_441] : memref<16384x128xf32, #tpu.memory_space<hbm>> -> memref<16384x128xf32, #tpu.memory_space<hbm>>
        tpu.wait_indirect_dma semaphore(%arg24 : memref<!tpu.dma_semaphore, #tpu.memory_space<semaphore_mem>>) src(%dma_wait3A_442 : memref<16384x128xf32, #tpu.memory_space<hbm>>) dst(%arg18 : memref<128x128xf32, #tpu.memory_space<vmem>>)
        %dma_start3A = arith.constant 0 : i32
        %dma_start3A_443 = tpu.memref_slice %arg12[%add3A_408, %dma_start3A] : memref<26x128xi32, #tpu.memory_space<vmem>> -> memref<1x128xi32, #tpu.memory_space<vmem>>
        %dma_start3A_444 = tpu.memref_squeeze %dma_start3A_443 : memref<1x128xi32, #tpu.memory_space<vmem>> -> memref<128xi32, #tpu.memory_space<vmem>>
        %dma_start3A_445 = arith.constant 0 : i32
        %dma_start3A_446 = arith.constant 0 : i32
        %dma_start3A_447 = tpu.memref_slice %arg9[%dma_start3A_445, %dma_start3A_446] : memref<100000x128xf32, #tpu.memory_space<hbm>> -> memref<100000x128xf32, #tpu.memory_space<hbm>>
        tpu.enqueue_indirect_dma source(%arg18 : memref<128x128xf32, #tpu.memory_space<vmem>>) target(%dma_start3A_447 : memref<100000x128xf32, #tpu.memory_space<hbm>>) offsets(%dma_start3A_444 : memref<128xi32, #tpu.memory_space<vmem>>) semaphore(%arg30 : memref<!tpu.dma_semaphore, #tpu.memory_space<semaphore_mem>>)
      } else {
      }
      %mul3A_413 = arith.constant 6 : i32
      %mul3A_414 = arith.muli %mul3A_413, %while3A_298 : i32
      %add3A_415 = arith.constant 3 : i32
      %add3A_416 = arith.addi %mul3A_414, %add3A_415 : i32
      %lt3A_417 = arith.cmpi slt, %add3A_416, %select_n3A_38 : i32
      %convert_element_type3A_418 = arith.extui %lt3A_417 : i1 to i32
      %cond3A_419 = arith.constant 0 : i32
      %cond3A_420 = arith.cmpi ne, %convert_element_type3A_418, %cond3A_419 : i32
      scf.if %cond3A_420 {
        %mul3A_438 = arith.constant 128 : i32
        %mul3A_439 = arith.muli %add3A_416, %mul3A_438 : i32
        %dma_wait3A = tpu.memref_slice %arg11[%mul3A_439] : memref<3328xi32, #tpu.memory_space<vmem>> -> memref<128xi32, #tpu.memory_space<vmem>>
        %dma_wait3A_440 = arith.constant 0 : i32
        %dma_wait3A_441 = arith.constant 0 : i32
        %dma_wait3A_442 = tpu.memref_slice %arg7[%dma_wait3A_440, %dma_wait3A_441] : memref<16384x128xf32, #tpu.memory_space<hbm>> -> memref<16384x128xf32, #tpu.memory_space<hbm>>
        tpu.wait_indirect_dma semaphore(%arg25 : memref<!tpu.dma_semaphore, #tpu.memory_space<semaphore_mem>>) src(%dma_wait3A_442 : memref<16384x128xf32, #tpu.memory_space<hbm>>) dst(%arg19 : memref<128x128xf32, #tpu.memory_space<vmem>>)
        %dma_start3A = arith.constant 0 : i32
        %dma_start3A_443 = tpu.memref_slice %arg12[%add3A_416, %dma_start3A] : memref<26x128xi32, #tpu.memory_space<vmem>> -> memref<1x128xi32, #tpu.memory_space<vmem>>
        %dma_start3A_444 = tpu.memref_squeeze %dma_start3A_443 : memref<1x128xi32, #tpu.memory_space<vmem>> -> memref<128xi32, #tpu.memory_space<vmem>>
        %dma_start3A_445 = arith.constant 0 : i32
        %dma_start3A_446 = arith.constant 0 : i32
        %dma_start3A_447 = tpu.memref_slice %arg9[%dma_start3A_445, %dma_start3A_446] : memref<100000x128xf32, #tpu.memory_space<hbm>> -> memref<100000x128xf32, #tpu.memory_space<hbm>>
        tpu.enqueue_indirect_dma source(%arg19 : memref<128x128xf32, #tpu.memory_space<vmem>>) target(%dma_start3A_447 : memref<100000x128xf32, #tpu.memory_space<hbm>>) offsets(%dma_start3A_444 : memref<128xi32, #tpu.memory_space<vmem>>) semaphore(%arg31 : memref<!tpu.dma_semaphore, #tpu.memory_space<semaphore_mem>>)
      } else {
      }
      %mul3A_421 = arith.constant 6 : i32
      %mul3A_422 = arith.muli %mul3A_421, %while3A_298 : i32
      %add3A_423 = arith.constant 4 : i32
      %add3A_424 = arith.addi %mul3A_422, %add3A_423 : i32
      %lt3A_425 = arith.cmpi slt, %add3A_424, %select_n3A_38 : i32
      %convert_element_type3A_426 = arith.extui %lt3A_425 : i1 to i32
      %cond3A_427 = arith.constant 0 : i32
      %cond3A_428 = arith.cmpi ne, %convert_element_type3A_426, %cond3A_427 : i32
      scf.if %cond3A_428 {
        %mul3A_438 = arith.constant 128 : i32
        %mul3A_439 = arith.muli %add3A_424, %mul3A_438 : i32
        %dma_wait3A = tpu.memref_slice %arg11[%mul3A_439] : memref<3328xi32, #tpu.memory_space<vmem>> -> memref<128xi32, #tpu.memory_space<vmem>>
        %dma_wait3A_440 = arith.constant 0 : i32
        %dma_wait3A_441 = arith.constant 0 : i32
        %dma_wait3A_442 = tpu.memref_slice %arg7[%dma_wait3A_440, %dma_wait3A_441] : memref<16384x128xf32, #tpu.memory_space<hbm>> -> memref<16384x128xf32, #tpu.memory_space<hbm>>
        tpu.wait_indirect_dma semaphore(%arg26 : memref<!tpu.dma_semaphore, #tpu.memory_space<semaphore_mem>>) src(%dma_wait3A_442 : memref<16384x128xf32, #tpu.memory_space<hbm>>) dst(%arg20 : memref<128x128xf32, #tpu.memory_space<vmem>>)
        %dma_start3A = arith.constant 0 : i32
        %dma_start3A_443 = tpu.memref_slice %arg12[%add3A_424, %dma_start3A] : memref<26x128xi32, #tpu.memory_space<vmem>> -> memref<1x128xi32, #tpu.memory_space<vmem>>
        %dma_start3A_444 = tpu.memref_squeeze %dma_start3A_443 : memref<1x128xi32, #tpu.memory_space<vmem>> -> memref<128xi32, #tpu.memory_space<vmem>>
        %dma_start3A_445 = arith.constant 0 : i32
        %dma_start3A_446 = arith.constant 0 : i32
        %dma_start3A_447 = tpu.memref_slice %arg9[%dma_start3A_445, %dma_start3A_446] : memref<100000x128xf32, #tpu.memory_space<hbm>> -> memref<100000x128xf32, #tpu.memory_space<hbm>>
        tpu.enqueue_indirect_dma source(%arg20 : memref<128x128xf32, #tpu.memory_space<vmem>>) target(%dma_start3A_447 : memref<100000x128xf32, #tpu.memory_space<hbm>>) offsets(%dma_start3A_444 : memref<128xi32, #tpu.memory_space<vmem>>) semaphore(%arg32 : memref<!tpu.dma_semaphore, #tpu.memory_space<semaphore_mem>>)
      } else {
      }
      %mul3A_429 = arith.constant 6 : i32
      %mul3A_430 = arith.muli %mul3A_429, %while3A_298 : i32
      %add3A_431 = arith.constant 5 : i32
      %add3A_432 = arith.addi %mul3A_430, %add3A_431 : i32
      %lt3A_433 = arith.cmpi slt, %add3A_432, %select_n3A_38 : i32
      %convert_element_type3A_434 = arith.extui %lt3A_433 : i1 to i32
      %cond3A_435 = arith.constant 0 : i32
      %cond3A_436 = arith.cmpi ne, %convert_element_type3A_434, %cond3A_435 : i32
      scf.if %cond3A_436 {
        %mul3A_438 = arith.constant 128 : i32
        %mul3A_439 = arith.muli %add3A_432, %mul3A_438 : i32
        %dma_wait3A = tpu.memref_slice %arg11[%mul3A_439] : memref<3328xi32, #tpu.memory_space<vmem>> -> memref<128xi32, #tpu.memory_space<vmem>>
        %dma_wait3A_440 = arith.constant 0 : i32
        %dma_wait3A_441 = arith.constant 0 : i32
        %dma_wait3A_442 = tpu.memref_slice %arg7[%dma_wait3A_440, %dma_wait3A_441] : memref<16384x128xf32, #tpu.memory_space<hbm>> -> memref<16384x128xf32, #tpu.memory_space<hbm>>
        tpu.wait_indirect_dma semaphore(%arg27 : memref<!tpu.dma_semaphore, #tpu.memory_space<semaphore_mem>>) src(%dma_wait3A_442 : memref<16384x128xf32, #tpu.memory_space<hbm>>) dst(%arg21 : memref<128x128xf32, #tpu.memory_space<vmem>>)
        %dma_start3A = arith.constant 0 : i32
        %dma_start3A_443 = tpu.memref_slice %arg12[%add3A_432, %dma_start3A] : memref<26x128xi32, #tpu.memory_space<vmem>> -> memref<1x128xi32, #tpu.memory_space<vmem>>
        %dma_start3A_444 = tpu.memref_squeeze %dma_start3A_443 : memref<1x128xi32, #tpu.memory_space<vmem>> -> memref<128xi32, #tpu.memory_space<vmem>>
        %dma_start3A_445 = arith.constant 0 : i32
        %dma_start3A_446 = arith.constant 0 : i32
        %dma_start3A_447 = tpu.memref_slice %arg9[%dma_start3A_445, %dma_start3A_446] : memref<100000x128xf32, #tpu.memory_space<hbm>> -> memref<100000x128xf32, #tpu.memory_space<hbm>>
        tpu.enqueue_indirect_dma source(%arg21 : memref<128x128xf32, #tpu.memory_space<vmem>>) target(%dma_start3A_447 : memref<100000x128xf32, #tpu.memory_space<hbm>>) offsets(%dma_start3A_444 : memref<128xi32, #tpu.memory_space<vmem>>) semaphore(%arg33 : memref<!tpu.dma_semaphore, #tpu.memory_space<semaphore_mem>>)
      } else {
      }
      %while3A_437 = arith.constant 0 : i32
      scf.yield %while3A_437 : i32
    }
    %while3A_76 = arith.constant 1 : i32
    %while3A_77 = scf.for %while3A_298 = %while3A_73 to %while3A_69 step %while3A_76 iter_args(%while3A_299 = %while3A_75) -> (i32)  : i32 {
      %mul3A_300 = arith.constant 6 : i32
      %mul3A_301 = arith.muli %mul3A_300, %while3A_298 : i32
      %add3A_302 = arith.constant 0 : i32
      %add3A_303 = arith.addi %mul3A_301, %add3A_302 : i32
      %sub3A_304 = arith.constant 6 : i32
      %sub3A_305 = arith.subi %add3A_303, %sub3A_304 : i32
      %ge3A = arith.constant 0 : i32
      %ge3A_306 = arith.cmpi sge, %sub3A_305, %ge3A : i32
      %convert_element_type3A_307 = arith.extui %ge3A_306 : i1 to i32
      %cond3A_308 = arith.constant 0 : i32
      %cond3A_309 = arith.cmpi ne, %convert_element_type3A_307, %cond3A_308 : i32
      scf.if %cond3A_309 {
        %dma_wait3A = arith.constant 0 : i32
        %dma_wait3A_438 = tpu.memref_slice %arg12[%sub3A_305, %dma_wait3A] : memref<26x128xi32, #tpu.memory_space<vmem>> -> memref<1x128xi32, #tpu.memory_space<vmem>>
        %dma_wait3A_439 = tpu.memref_squeeze %dma_wait3A_438 : memref<1x128xi32, #tpu.memory_space<vmem>> -> memref<128xi32, #tpu.memory_space<vmem>>
        %dma_wait3A_440 = arith.constant 0 : i32
        %dma_wait3A_441 = arith.constant 0 : i32
        %dma_wait3A_442 = tpu.memref_slice %arg9[%dma_wait3A_440, %dma_wait3A_441] : memref<100000x128xf32, #tpu.memory_space<hbm>> -> memref<100000x128xf32, #tpu.memory_space<hbm>>
        tpu.wait_indirect_dma semaphore(%arg28 : memref<!tpu.dma_semaphore, #tpu.memory_space<semaphore_mem>>) src(%arg16 : memref<128x128xf32, #tpu.memory_space<vmem>>) dst(%dma_wait3A_442 : memref<100000x128xf32, #tpu.memory_space<hbm>>)
      } else {
      }
      %lt3A_310 = arith.cmpi slt, %add3A_303, %select_n3A_38 : i32
      %convert_element_type3A_311 = arith.extui %lt3A_310 : i1 to i32
      %cond3A_312 = arith.constant 0 : i32
      %cond3A_313 = arith.cmpi ne, %convert_element_type3A_311, %cond3A_312 : i32
      scf.if %cond3A_313 {
        %mul3A_438 = arith.constant 128 : i32
        %mul3A_439 = arith.muli %add3A_303, %mul3A_438 : i32
        %dma_start3A = tpu.memref_slice %arg11[%mul3A_439] : memref<3328xi32, #tpu.memory_space<vmem>> -> memref<128xi32, #tpu.memory_space<vmem>>
        %dma_start3A_440 = arith.constant 0 : i32
        %dma_start3A_441 = arith.constant 0 : i32
        %dma_start3A_442 = tpu.memref_slice %arg7[%dma_start3A_440, %dma_start3A_441] : memref<16384x128xf32, #tpu.memory_space<hbm>> -> memref<16384x128xf32, #tpu.memory_space<hbm>>
        tpu.enqueue_indirect_dma source(%dma_start3A_442 : memref<16384x128xf32, #tpu.memory_space<hbm>>) target(%arg16 : memref<128x128xf32, #tpu.memory_space<vmem>>) offsets(%dma_start3A : memref<128xi32, #tpu.memory_space<vmem>>) semaphore(%arg22 : memref<!tpu.dma_semaphore, #tpu.memory_space<semaphore_mem>>)
      } else {
      }
      %mul3A_314 = arith.constant 6 : i32
      %mul3A_315 = arith.muli %mul3A_314, %while3A_298 : i32
      %add3A_316 = arith.constant 1 : i32
      %add3A_317 = arith.addi %mul3A_315, %add3A_316 : i32
      %sub3A_318 = arith.constant 6 : i32
      %sub3A_319 = arith.subi %add3A_317, %sub3A_318 : i32
      %ge3A_320 = arith.constant 0 : i32
      %ge3A_321 = arith.cmpi sge, %sub3A_319, %ge3A_320 : i32
      %convert_element_type3A_322 = arith.extui %ge3A_321 : i1 to i32
      %cond3A_323 = arith.constant 0 : i32
      %cond3A_324 = arith.cmpi ne, %convert_element_type3A_322, %cond3A_323 : i32
      scf.if %cond3A_324 {
        %dma_wait3A = arith.constant 0 : i32
        %dma_wait3A_438 = tpu.memref_slice %arg12[%sub3A_319, %dma_wait3A] : memref<26x128xi32, #tpu.memory_space<vmem>> -> memref<1x128xi32, #tpu.memory_space<vmem>>
        %dma_wait3A_439 = tpu.memref_squeeze %dma_wait3A_438 : memref<1x128xi32, #tpu.memory_space<vmem>> -> memref<128xi32, #tpu.memory_space<vmem>>
        %dma_wait3A_440 = arith.constant 0 : i32
        %dma_wait3A_441 = arith.constant 0 : i32
        %dma_wait3A_442 = tpu.memref_slice %arg9[%dma_wait3A_440, %dma_wait3A_441] : memref<100000x128xf32, #tpu.memory_space<hbm>> -> memref<100000x128xf32, #tpu.memory_space<hbm>>
        tpu.wait_indirect_dma semaphore(%arg29 : memref<!tpu.dma_semaphore, #tpu.memory_space<semaphore_mem>>) src(%arg17 : memref<128x128xf32, #tpu.memory_space<vmem>>) dst(%dma_wait3A_442 : memref<100000x128xf32, #tpu.memory_space<hbm>>)
      } else {
      }
      %lt3A_325 = arith.cmpi slt, %add3A_317, %select_n3A_38 : i32
      %convert_element_type3A_326 = arith.extui %lt3A_325 : i1 to i32
      %cond3A_327 = arith.constant 0 : i32
      %cond3A_328 = arith.cmpi ne, %convert_element_type3A_326, %cond3A_327 : i32
      scf.if %cond3A_328 {
        %mul3A_438 = arith.constant 128 : i32
        %mul3A_439 = arith.muli %add3A_317, %mul3A_438 : i32
        %dma_start3A = tpu.memref_slice %arg11[%mul3A_439] : memref<3328xi32, #tpu.memory_space<vmem>> -> memref<128xi32, #tpu.memory_space<vmem>>
        %dma_start3A_440 = arith.constant 0 : i32
        %dma_start3A_441 = arith.constant 0 : i32
        %dma_start3A_442 = tpu.memref_slice %arg7[%dma_start3A_440, %dma_start3A_441] : memref<16384x128xf32, #tpu.memory_space<hbm>> -> memref<16384x128xf32, #tpu.memory_space<hbm>>
        tpu.enqueue_indirect_dma source(%dma_start3A_442 : memref<16384x128xf32, #tpu.memory_space<hbm>>) target(%arg17 : memref<128x128xf32, #tpu.memory_space<vmem>>) offsets(%dma_start3A : memref<128xi32, #tpu.memory_space<vmem>>) semaphore(%arg23 : memref<!tpu.dma_semaphore, #tpu.memory_space<semaphore_mem>>)
      } else {
      }
      %mul3A_329 = arith.constant 6 : i32
      %mul3A_330 = arith.muli %mul3A_329, %while3A_298 : i32
      %add3A_331 = arith.constant 2 : i32
      %add3A_332 = arith.addi %mul3A_330, %add3A_331 : i32
      %sub3A_333 = arith.constant 6 : i32
      %sub3A_334 = arith.subi %add3A_332, %sub3A_333 : i32
      %ge3A_335 = arith.constant 0 : i32
      %ge3A_336 = arith.cmpi sge, %sub3A_334, %ge3A_335 : i32
      %convert_element_type3A_337 = arith.extui %ge3A_336 : i1 to i32
      %cond3A_338 = arith.constant 0 : i32
      %cond3A_339 = arith.cmpi ne, %convert_element_type3A_337, %cond3A_338 : i32
      scf.if %cond3A_339 {
        %dma_wait3A = arith.constant 0 : i32
        %dma_wait3A_438 = tpu.memref_slice %arg12[%sub3A_334, %dma_wait3A] : memref<26x128xi32, #tpu.memory_space<vmem>> -> memref<1x128xi32, #tpu.memory_space<vmem>>
        %dma_wait3A_439 = tpu.memref_squeeze %dma_wait3A_438 : memref<1x128xi32, #tpu.memory_space<vmem>> -> memref<128xi32, #tpu.memory_space<vmem>>
        %dma_wait3A_440 = arith.constant 0 : i32
        %dma_wait3A_441 = arith.constant 0 : i32
        %dma_wait3A_442 = tpu.memref_slice %arg9[%dma_wait3A_440, %dma_wait3A_441] : memref<100000x128xf32, #tpu.memory_space<hbm>> -> memref<100000x128xf32, #tpu.memory_space<hbm>>
        tpu.wait_indirect_dma semaphore(%arg30 : memref<!tpu.dma_semaphore, #tpu.memory_space<semaphore_mem>>) src(%arg18 : memref<128x128xf32, #tpu.memory_space<vmem>>) dst(%dma_wait3A_442 : memref<100000x128xf32, #tpu.memory_space<hbm>>)
      } else {
      }
      %lt3A_340 = arith.cmpi slt, %add3A_332, %select_n3A_38 : i32
      %convert_element_type3A_341 = arith.extui %lt3A_340 : i1 to i32
      %cond3A_342 = arith.constant 0 : i32
      %cond3A_343 = arith.cmpi ne, %convert_element_type3A_341, %cond3A_342 : i32
      scf.if %cond3A_343 {
        %mul3A_438 = arith.constant 128 : i32
        %mul3A_439 = arith.muli %add3A_332, %mul3A_438 : i32
        %dma_start3A = tpu.memref_slice %arg11[%mul3A_439] : memref<3328xi32, #tpu.memory_space<vmem>> -> memref<128xi32, #tpu.memory_space<vmem>>
        %dma_start3A_440 = arith.constant 0 : i32
        %dma_start3A_441 = arith.constant 0 : i32
        %dma_start3A_442 = tpu.memref_slice %arg7[%dma_start3A_440, %dma_start3A_441] : memref<16384x128xf32, #tpu.memory_space<hbm>> -> memref<16384x128xf32, #tpu.memory_space<hbm>>
        tpu.enqueue_indirect_dma source(%dma_start3A_442 : memref<16384x128xf32, #tpu.memory_space<hbm>>) target(%arg18 : memref<128x128xf32, #tpu.memory_space<vmem>>) offsets(%dma_start3A : memref<128xi32, #tpu.memory_space<vmem>>) semaphore(%arg24 : memref<!tpu.dma_semaphore, #tpu.memory_space<semaphore_mem>>)
      } else {
      }
      %mul3A_344 = arith.constant 6 : i32
      %mul3A_345 = arith.muli %mul3A_344, %while3A_298 : i32
      %add3A_346 = arith.constant 3 : i32
      %add3A_347 = arith.addi %mul3A_345, %add3A_346 : i32
      %sub3A_348 = arith.constant 6 : i32
      %sub3A_349 = arith.subi %add3A_347, %sub3A_348 : i32
      %ge3A_350 = arith.constant 0 : i32
      %ge3A_351 = arith.cmpi sge, %sub3A_349, %ge3A_350 : i32
      %convert_element_type3A_352 = arith.extui %ge3A_351 : i1 to i32
      %cond3A_353 = arith.constant 0 : i32
      %cond3A_354 = arith.cmpi ne, %convert_element_type3A_352, %cond3A_353 : i32
      scf.if %cond3A_354 {
        %dma_wait3A = arith.constant 0 : i32
        %dma_wait3A_438 = tpu.memref_slice %arg12[%sub3A_349, %dma_wait3A] : memref<26x128xi32, #tpu.memory_space<vmem>> -> memref<1x128xi32, #tpu.memory_space<vmem>>
        %dma_wait3A_439 = tpu.memref_squeeze %dma_wait3A_438 : memref<1x128xi32, #tpu.memory_space<vmem>> -> memref<128xi32, #tpu.memory_space<vmem>>
        %dma_wait3A_440 = arith.constant 0 : i32
        %dma_wait3A_441 = arith.constant 0 : i32
        %dma_wait3A_442 = tpu.memref_slice %arg9[%dma_wait3A_440, %dma_wait3A_441] : memref<100000x128xf32, #tpu.memory_space<hbm>> -> memref<100000x128xf32, #tpu.memory_space<hbm>>
        tpu.wait_indirect_dma semaphore(%arg31 : memref<!tpu.dma_semaphore, #tpu.memory_space<semaphore_mem>>) src(%arg19 : memref<128x128xf32, #tpu.memory_space<vmem>>) dst(%dma_wait3A_442 : memref<100000x128xf32, #tpu.memory_space<hbm>>)
      } else {
      }
      %lt3A_355 = arith.cmpi slt, %add3A_347, %select_n3A_38 : i32
      %convert_element_type3A_356 = arith.extui %lt3A_355 : i1 to i32
      %cond3A_357 = arith.constant 0 : i32
      %cond3A_358 = arith.cmpi ne, %convert_element_type3A_356, %cond3A_357 : i32
      scf.if %cond3A_358 {
        %mul3A_438 = arith.constant 128 : i32
        %mul3A_439 = arith.muli %add3A_347, %mul3A_438 : i32
        %dma_start3A = tpu.memref_slice %arg11[%mul3A_439] : memref<3328xi32, #tpu.memory_space<vmem>> -> memref<128xi32, #tpu.memory_space<vmem>>
        %dma_start3A_440 = arith.constant 0 : i32
        %dma_start3A_441 = arith.constant 0 : i32
        %dma_start3A_442 = tpu.memref_slice %arg7[%dma_start3A_440, %dma_start3A_441] : memref<16384x128xf32, #tpu.memory_space<hbm>> -> memref<16384x128xf32, #tpu.memory_space<hbm>>
        tpu.enqueue_indirect_dma source(%dma_start3A_442 : memref<16384x128xf32, #tpu.memory_space<hbm>>) target(%arg19 : memref<128x128xf32, #tpu.memory_space<vmem>>) offsets(%dma_start3A : memref<128xi32, #tpu.memory_space<vmem>>) semaphore(%arg25 : memref<!tpu.dma_semaphore, #tpu.memory_space<semaphore_mem>>)
      } else {
      }
      %mul3A_359 = arith.constant 6 : i32
      %mul3A_360 = arith.muli %mul3A_359, %while3A_298 : i32
      %add3A_361 = arith.constant 4 : i32
      %add3A_362 = arith.addi %mul3A_360, %add3A_361 : i32
      %sub3A_363 = arith.constant 6 : i32
      %sub3A_364 = arith.subi %add3A_362, %sub3A_363 : i32
      %ge3A_365 = arith.constant 0 : i32
      %ge3A_366 = arith.cmpi sge, %sub3A_364, %ge3A_365 : i32
      %convert_element_type3A_367 = arith.extui %ge3A_366 : i1 to i32
      %cond3A_368 = arith.constant 0 : i32
      %cond3A_369 = arith.cmpi ne, %convert_element_type3A_367, %cond3A_368 : i32
      scf.if %cond3A_369 {
        %dma_wait3A = arith.constant 0 : i32
        %dma_wait3A_438 = tpu.memref_slice %arg12[%sub3A_364, %dma_wait3A] : memref<26x128xi32, #tpu.memory_space<vmem>> -> memref<1x128xi32, #tpu.memory_space<vmem>>
        %dma_wait3A_439 = tpu.memref_squeeze %dma_wait3A_438 : memref<1x128xi32, #tpu.memory_space<vmem>> -> memref<128xi32, #tpu.memory_space<vmem>>
        %dma_wait3A_440 = arith.constant 0 : i32
        %dma_wait3A_441 = arith.constant 0 : i32
        %dma_wait3A_442 = tpu.memref_slice %arg9[%dma_wait3A_440, %dma_wait3A_441] : memref<100000x128xf32, #tpu.memory_space<hbm>> -> memref<100000x128xf32, #tpu.memory_space<hbm>>
        tpu.wait_indirect_dma semaphore(%arg32 : memref<!tpu.dma_semaphore, #tpu.memory_space<semaphore_mem>>) src(%arg20 : memref<128x128xf32, #tpu.memory_space<vmem>>) dst(%dma_wait3A_442 : memref<100000x128xf32, #tpu.memory_space<hbm>>)
      } else {
      }
      %lt3A_370 = arith.cmpi slt, %add3A_362, %select_n3A_38 : i32
      %convert_element_type3A_371 = arith.extui %lt3A_370 : i1 to i32
      %cond3A_372 = arith.constant 0 : i32
      %cond3A_373 = arith.cmpi ne, %convert_element_type3A_371, %cond3A_372 : i32
      scf.if %cond3A_373 {
        %mul3A_438 = arith.constant 128 : i32
        %mul3A_439 = arith.muli %add3A_362, %mul3A_438 : i32
        %dma_start3A = tpu.memref_slice %arg11[%mul3A_439] : memref<3328xi32, #tpu.memory_space<vmem>> -> memref<128xi32, #tpu.memory_space<vmem>>
        %dma_start3A_440 = arith.constant 0 : i32
        %dma_start3A_441 = arith.constant 0 : i32
        %dma_start3A_442 = tpu.memref_slice %arg7[%dma_start3A_440, %dma_start3A_441] : memref<16384x128xf32, #tpu.memory_space<hbm>> -> memref<16384x128xf32, #tpu.memory_space<hbm>>
        tpu.enqueue_indirect_dma source(%dma_start3A_442 : memref<16384x128xf32, #tpu.memory_space<hbm>>) target(%arg20 : memref<128x128xf32, #tpu.memory_space<vmem>>) offsets(%dma_start3A : memref<128xi32, #tpu.memory_space<vmem>>) semaphore(%arg26 : memref<!tpu.dma_semaphore, #tpu.memory_space<semaphore_mem>>)
      } else {
      }
      %mul3A_374 = arith.constant 6 : i32
      %mul3A_375 = arith.muli %mul3A_374, %while3A_298 : i32
      %add3A_376 = arith.constant 5 : i32
      %add3A_377 = arith.addi %mul3A_375, %add3A_376 : i32
      %sub3A_378 = arith.constant 6 : i32
      %sub3A_379 = arith.subi %add3A_377, %sub3A_378 : i32
      %ge3A_380 = arith.constant 0 : i32
      %ge3A_381 = arith.cmpi sge, %sub3A_379, %ge3A_380 : i32
      %convert_element_type3A_382 = arith.extui %ge3A_381 : i1 to i32
      %cond3A_383 = arith.constant 0 : i32
      %cond3A_384 = arith.cmpi ne, %convert_element_type3A_382, %cond3A_383 : i32
      scf.if %cond3A_384 {
        %dma_wait3A = arith.constant 0 : i32
        %dma_wait3A_438 = tpu.memref_slice %arg12[%sub3A_379, %dma_wait3A] : memref<26x128xi32, #tpu.memory_space<vmem>> -> memref<1x128xi32, #tpu.memory_space<vmem>>
        %dma_wait3A_439 = tpu.memref_squeeze %dma_wait3A_438 : memref<1x128xi32, #tpu.memory_space<vmem>> -> memref<128xi32, #tpu.memory_space<vmem>>
        %dma_wait3A_440 = arith.constant 0 : i32
        %dma_wait3A_441 = arith.constant 0 : i32
        %dma_wait3A_442 = tpu.memref_slice %arg9[%dma_wait3A_440, %dma_wait3A_441] : memref<100000x128xf32, #tpu.memory_space<hbm>> -> memref<100000x128xf32, #tpu.memory_space<hbm>>
        tpu.wait_indirect_dma semaphore(%arg33 : memref<!tpu.dma_semaphore, #tpu.memory_space<semaphore_mem>>) src(%arg21 : memref<128x128xf32, #tpu.memory_space<vmem>>) dst(%dma_wait3A_442 : memref<100000x128xf32, #tpu.memory_space<hbm>>)
      } else {
      }
      %lt3A_385 = arith.cmpi slt, %add3A_377, %select_n3A_38 : i32
      %convert_element_type3A_386 = arith.extui %lt3A_385 : i1 to i32
      %cond3A_387 = arith.constant 0 : i32
      %cond3A_388 = arith.cmpi ne, %convert_element_type3A_386, %cond3A_387 : i32
      scf.if %cond3A_388 {
        %mul3A_438 = arith.constant 128 : i32
        %mul3A_439 = arith.muli %add3A_377, %mul3A_438 : i32
        %dma_start3A = tpu.memref_slice %arg11[%mul3A_439] : memref<3328xi32, #tpu.memory_space<vmem>> -> memref<128xi32, #tpu.memory_space<vmem>>
        %dma_start3A_440 = arith.constant 0 : i32
        %dma_start3A_441 = arith.constant 0 : i32
        %dma_start3A_442 = tpu.memref_slice %arg7[%dma_start3A_440, %dma_start3A_441] : memref<16384x128xf32, #tpu.memory_space<hbm>> -> memref<16384x128xf32, #tpu.memory_space<hbm>>
        tpu.enqueue_indirect_dma source(%dma_start3A_442 : memref<16384x128xf32, #tpu.memory_space<hbm>>) target(%arg21 : memref<128x128xf32, #tpu.memory_space<vmem>>) offsets(%dma_start3A : memref<128xi32, #tpu.memory_space<vmem>>) semaphore(%arg27 : memref<!tpu.dma_semaphore, #tpu.memory_space<semaphore_mem>>)
      } else {
      }
      %mul3A_389 = arith.constant 6 : i32
      %mul3A_390 = arith.muli %mul3A_389, %while3A_298 : i32
      %add3A_391 = arith.constant 0 : i32
      %add3A_392 = arith.addi %mul3A_390, %add3A_391 : i32
      %lt3A_393 = arith.cmpi slt, %add3A_392, %select_n3A_38 : i32
      %convert_element_type3A_394 = arith.extui %lt3A_393 : i1 to i32
      %cond3A_395 = arith.constant 0 : i32
      %cond3A_396 = arith.cmpi ne, %convert_element_type3A_394, %cond3A_395 : i32
      scf.if %cond3A_396 {
        %mul3A_438 = arith.constant 128 : i32
        %mul3A_439 = arith.muli %add3A_392, %mul3A_438 : i32
        %dma_wait3A = tpu.memref_slice %arg11[%mul3A_439] : memref<3328xi32, #tpu.memory_space<vmem>> -> memref<128xi32, #tpu.memory_space<vmem>>
        %dma_wait3A_440 = arith.constant 0 : i32
        %dma_wait3A_441 = arith.constant 0 : i32
        %dma_wait3A_442 = tpu.memref_slice %arg7[%dma_wait3A_440, %dma_wait3A_441] : memref<16384x128xf32, #tpu.memory_space<hbm>> -> memref<16384x128xf32, #tpu.memory_space<hbm>>
        tpu.wait_indirect_dma semaphore(%arg22 : memref<!tpu.dma_semaphore, #tpu.memory_space<semaphore_mem>>) src(%dma_wait3A_442 : memref<16384x128xf32, #tpu.memory_space<hbm>>) dst(%arg16 : memref<128x128xf32, #tpu.memory_space<vmem>>)
        %dma_start3A = arith.constant 0 : i32
        %dma_start3A_443 = tpu.memref_slice %arg12[%add3A_392, %dma_start3A] : memref<26x128xi32, #tpu.memory_space<vmem>> -> memref<1x128xi32, #tpu.memory_space<vmem>>
        %dma_start3A_444 = tpu.memref_squeeze %dma_start3A_443 : memref<1x128xi32, #tpu.memory_space<vmem>> -> memref<128xi32, #tpu.memory_space<vmem>>
        %dma_start3A_445 = arith.constant 0 : i32
        %dma_start3A_446 = arith.constant 0 : i32
        %dma_start3A_447 = tpu.memref_slice %arg9[%dma_start3A_445, %dma_start3A_446] : memref<100000x128xf32, #tpu.memory_space<hbm>> -> memref<100000x128xf32, #tpu.memory_space<hbm>>
        tpu.enqueue_indirect_dma source(%arg16 : memref<128x128xf32, #tpu.memory_space<vmem>>) target(%dma_start3A_447 : memref<100000x128xf32, #tpu.memory_space<hbm>>) offsets(%dma_start3A_444 : memref<128xi32, #tpu.memory_space<vmem>>) semaphore(%arg28 : memref<!tpu.dma_semaphore, #tpu.memory_space<semaphore_mem>>)
      } else {
      }
      %mul3A_397 = arith.constant 6 : i32
      %mul3A_398 = arith.muli %mul3A_397, %while3A_298 : i32
      %add3A_399 = arith.constant 1 : i32
      %add3A_400 = arith.addi %mul3A_398, %add3A_399 : i32
      %lt3A_401 = arith.cmpi slt, %add3A_400, %select_n3A_38 : i32
      %convert_element_type3A_402 = arith.extui %lt3A_401 : i1 to i32
      %cond3A_403 = arith.constant 0 : i32
      %cond3A_404 = arith.cmpi ne, %convert_element_type3A_402, %cond3A_403 : i32
      scf.if %cond3A_404 {
        %mul3A_438 = arith.constant 128 : i32
        %mul3A_439 = arith.muli %add3A_400, %mul3A_438 : i32
        %dma_wait3A = tpu.memref_slice %arg11[%mul3A_439] : memref<3328xi32, #tpu.memory_space<vmem>> -> memref<128xi32, #tpu.memory_space<vmem>>
        %dma_wait3A_440 = arith.constant 0 : i32
        %dma_wait3A_441 = arith.constant 0 : i32
        %dma_wait3A_442 = tpu.memref_slice %arg7[%dma_wait3A_440, %dma_wait3A_441] : memref<16384x128xf32, #tpu.memory_space<hbm>> -> memref<16384x128xf32, #tpu.memory_space<hbm>>
        tpu.wait_indirect_dma semaphore(%arg23 : memref<!tpu.dma_semaphore, #tpu.memory_space<semaphore_mem>>) src(%dma_wait3A_442 : memref<16384x128xf32, #tpu.memory_space<hbm>>) dst(%arg17 : memref<128x128xf32, #tpu.memory_space<vmem>>)
        %dma_start3A = arith.constant 0 : i32
        %dma_start3A_443 = tpu.memref_slice %arg12[%add3A_400, %dma_start3A] : memref<26x128xi32, #tpu.memory_space<vmem>> -> memref<1x128xi32, #tpu.memory_space<vmem>>
        %dma_start3A_444 = tpu.memref_squeeze %dma_start3A_443 : memref<1x128xi32, #tpu.memory_space<vmem>> -> memref<128xi32, #tpu.memory_space<vmem>>
        %dma_start3A_445 = arith.constant 0 : i32
        %dma_start3A_446 = arith.constant 0 : i32
        %dma_start3A_447 = tpu.memref_slice %arg9[%dma_start3A_445, %dma_start3A_446] : memref<100000x128xf32, #tpu.memory_space<hbm>> -> memref<100000x128xf32, #tpu.memory_space<hbm>>
        tpu.enqueue_indirect_dma source(%arg17 : memref<128x128xf32, #tpu.memory_space<vmem>>) target(%dma_start3A_447 : memref<100000x128xf32, #tpu.memory_space<hbm>>) offsets(%dma_start3A_444 : memref<128xi32, #tpu.memory_space<vmem>>) semaphore(%arg29 : memref<!tpu.dma_semaphore, #tpu.memory_space<semaphore_mem>>)
      } else {
      }
      %mul3A_405 = arith.constant 6 : i32
      %mul3A_406 = arith.muli %mul3A_405, %while3A_298 : i32
      %add3A_407 = arith.constant 2 : i32
      %add3A_408 = arith.addi %mul3A_406, %add3A_407 : i32
      %lt3A_409 = arith.cmpi slt, %add3A_408, %select_n3A_38 : i32
      %convert_element_type3A_410 = arith.extui %lt3A_409 : i1 to i32
      %cond3A_411 = arith.constant 0 : i32
      %cond3A_412 = arith.cmpi ne, %convert_element_type3A_410, %cond3A_411 : i32
      scf.if %cond3A_412 {
        %mul3A_438 = arith.constant 128 : i32
        %mul3A_439 = arith.muli %add3A_408, %mul3A_438 : i32
        %dma_wait3A = tpu.memref_slice %arg11[%mul3A_439] : memref<3328xi32, #tpu.memory_space<vmem>> -> memref<128xi32, #tpu.memory_space<vmem>>
        %dma_wait3A_440 = arith.constant 0 : i32
        %dma_wait3A_441 = arith.constant 0 : i32
        %dma_wait3A_442 = tpu.memref_slice %arg7[%dma_wait3A_440, %dma_wait3A_441] : memref<16384x128xf32, #tpu.memory_space<hbm>> -> memref<16384x128xf32, #tpu.memory_space<hbm>>
        tpu.wait_indirect_dma semaphore(%arg24 : memref<!tpu.dma_semaphore, #tpu.memory_space<semaphore_mem>>) src(%dma_wait3A_442 : memref<16384x128xf32, #tpu.memory_space<hbm>>) dst(%arg18 : memref<128x128xf32, #tpu.memory_space<vmem>>)
        %dma_start3A = arith.constant 0 : i32
        %dma_start3A_443 = tpu.memref_slice %arg12[%add3A_408, %dma_start3A] : memref<26x128xi32, #tpu.memory_space<vmem>> -> memref<1x128xi32, #tpu.memory_space<vmem>>
        %dma_start3A_444 = tpu.memref_squeeze %dma_start3A_443 : memref<1x128xi32, #tpu.memory_space<vmem>> -> memref<128xi32, #tpu.memory_space<vmem>>
        %dma_start3A_445 = arith.constant 0 : i32
        %dma_start3A_446 = arith.constant 0 : i32
        %dma_start3A_447 = tpu.memref_slice %arg9[%dma_start3A_445, %dma_start3A_446] : memref<100000x128xf32, #tpu.memory_space<hbm>> -> memref<100000x128xf32, #tpu.memory_space<hbm>>
        tpu.enqueue_indirect_dma source(%arg18 : memref<128x128xf32, #tpu.memory_space<vmem>>) target(%dma_start3A_447 : memref<100000x128xf32, #tpu.memory_space<hbm>>) offsets(%dma_start3A_444 : memref<128xi32, #tpu.memory_space<vmem>>) semaphore(%arg30 : memref<!tpu.dma_semaphore, #tpu.memory_space<semaphore_mem>>)
      } else {
      }
      %mul3A_413 = arith.constant 6 : i32
      %mul3A_414 = arith.muli %mul3A_413, %while3A_298 : i32
      %add3A_415 = arith.constant 3 : i32
      %add3A_416 = arith.addi %mul3A_414, %add3A_415 : i32
      %lt3A_417 = arith.cmpi slt, %add3A_416, %select_n3A_38 : i32
      %convert_element_type3A_418 = arith.extui %lt3A_417 : i1 to i32
      %cond3A_419 = arith.constant 0 : i32
      %cond3A_420 = arith.cmpi ne, %convert_element_type3A_418, %cond3A_419 : i32
      scf.if %cond3A_420 {
        %mul3A_438 = arith.constant 128 : i32
        %mul3A_439 = arith.muli %add3A_416, %mul3A_438 : i32
        %dma_wait3A = tpu.memref_slice %arg11[%mul3A_439] : memref<3328xi32, #tpu.memory_space<vmem>> -> memref<128xi32, #tpu.memory_space<vmem>>
        %dma_wait3A_440 = arith.constant 0 : i32
        %dma_wait3A_441 = arith.constant 0 : i32
        %dma_wait3A_442 = tpu.memref_slice %arg7[%dma_wait3A_440, %dma_wait3A_441] : memref<16384x128xf32, #tpu.memory_space<hbm>> -> memref<16384x128xf32, #tpu.memory_space<hbm>>
        tpu.wait_indirect_dma semaphore(%arg25 : memref<!tpu.dma_semaphore, #tpu.memory_space<semaphore_mem>>) src(%dma_wait3A_442 : memref<16384x128xf32, #tpu.memory_space<hbm>>) dst(%arg19 : memref<128x128xf32, #tpu.memory_space<vmem>>)
        %dma_start3A = arith.constant 0 : i32
        %dma_start3A_443 = tpu.memref_slice %arg12[%add3A_416, %dma_start3A] : memref<26x128xi32, #tpu.memory_space<vmem>> -> memref<1x128xi32, #tpu.memory_space<vmem>>
        %dma_start3A_444 = tpu.memref_squeeze %dma_start3A_443 : memref<1x128xi32, #tpu.memory_space<vmem>> -> memref<128xi32, #tpu.memory_space<vmem>>
        %dma_start3A_445 = arith.constant 0 : i32
        %dma_start3A_446 = arith.constant 0 : i32
        %dma_start3A_447 = tpu.memref_slice %arg9[%dma_start3A_445, %dma_start3A_446] : memref<100000x128xf32, #tpu.memory_space<hbm>> -> memref<100000x128xf32, #tpu.memory_space<hbm>>
        tpu.enqueue_indirect_dma source(%arg19 : memref<128x128xf32, #tpu.memory_space<vmem>>) target(%dma_start3A_447 : memref<100000x128xf32, #tpu.memory_space<hbm>>) offsets(%dma_start3A_444 : memref<128xi32, #tpu.memory_space<vmem>>) semaphore(%arg31 : memref<!tpu.dma_semaphore, #tpu.memory_space<semaphore_mem>>)
      } else {
      }
      %mul3A_421 = arith.constant 6 : i32
      %mul3A_422 = arith.muli %mul3A_421, %while3A_298 : i32
      %add3A_423 = arith.constant 4 : i32
      %add3A_424 = arith.addi %mul3A_422, %add3A_423 : i32
      %lt3A_425 = arith.cmpi slt, %add3A_424, %select_n3A_38 : i32
      %convert_element_type3A_426 = arith.extui %lt3A_425 : i1 to i32
      %cond3A_427 = arith.constant 0 : i32
      %cond3A_428 = arith.cmpi ne, %convert_element_type3A_426, %cond3A_427 : i32
      scf.if %cond3A_428 {
        %mul3A_438 = arith.constant 128 : i32
        %mul3A_439 = arith.muli %add3A_424, %mul3A_438 : i32
        %dma_wait3A = tpu.memref_slice %arg11[%mul3A_439] : memref<3328xi32, #tpu.memory_space<vmem>> -> memref<128xi32, #tpu.memory_space<vmem>>
        %dma_wait3A_440 = arith.constant 0 : i32
        %dma_wait3A_441 = arith.constant 0 : i32
        %dma_wait3A_442 = tpu.memref_slice %arg7[%dma_wait3A_440, %dma_wait3A_441] : memref<16384x128xf32, #tpu.memory_space<hbm>> -> memref<16384x128xf32, #tpu.memory_space<hbm>>
        tpu.wait_indirect_dma semaphore(%arg26 : memref<!tpu.dma_semaphore, #tpu.memory_space<semaphore_mem>>) src(%dma_wait3A_442 : memref<16384x128xf32, #tpu.memory_space<hbm>>) dst(%arg20 : memref<128x128xf32, #tpu.memory_space<vmem>>)
        %dma_start3A = arith.constant 0 : i32
        %dma_start3A_443 = tpu.memref_slice %arg12[%add3A_424, %dma_start3A] : memref<26x128xi32, #tpu.memory_space<vmem>> -> memref<1x128xi32, #tpu.memory_space<vmem>>
        %dma_start3A_444 = tpu.memref_squeeze %dma_start3A_443 : memref<1x128xi32, #tpu.memory_space<vmem>> -> memref<128xi32, #tpu.memory_space<vmem>>
        %dma_start3A_445 = arith.constant 0 : i32
        %dma_start3A_446 = arith.constant 0 : i32
        %dma_start3A_447 = tpu.memref_slice %arg9[%dma_start3A_445, %dma_start3A_446] : memref<100000x128xf32, #tpu.memory_space<hbm>> -> memref<100000x128xf32, #tpu.memory_space<hbm>>
        tpu.enqueue_indirect_dma source(%arg20 : memref<128x128xf32, #tpu.memory_space<vmem>>) target(%dma_start3A_447 : memref<100000x128xf32, #tpu.memory_space<hbm>>) offsets(%dma_start3A_444 : memref<128xi32, #tpu.memory_space<vmem>>) semaphore(%arg32 : memref<!tpu.dma_semaphore, #tpu.memory_space<semaphore_mem>>)
      } else {
      }
      %mul3A_429 = arith.constant 6 : i32
      %mul3A_430 = arith.muli %mul3A_429, %while3A_298 : i32
      %add3A_431 = arith.constant 5 : i32
      %add3A_432 = arith.addi %mul3A_430, %add3A_431 : i32
      %lt3A_433 = arith.cmpi slt, %add3A_432, %select_n3A_38 : i32
      %convert_element_type3A_434 = arith.extui %lt3A_433 : i1 to i32
      %cond3A_435 = arith.constant 0 : i32
      %cond3A_436 = arith.cmpi ne, %convert_element_type3A_434, %cond3A_435 : i32
      scf.if %cond3A_436 {
        %mul3A_438 = arith.constant 128 : i32
        %mul3A_439 = arith.muli %add3A_432, %mul3A_438 : i32
        %dma_wait3A = tpu.memref_slice %arg11[%mul3A_439] : memref<3328xi32, #tpu.memory_space<vmem>> -> memref<128xi32, #tpu.memory_space<vmem>>
        %dma_wait3A_440 = arith.constant 0 : i32
        %dma_wait3A_441 = arith.constant 0 : i32
        %dma_wait3A_442 = tpu.memref_slice %arg7[%dma_wait3A_440, %dma_wait3A_441] : memref<16384x128xf32, #tpu.memory_space<hbm>> -> memref<16384x128xf32, #tpu.memory_space<hbm>>
        tpu.wait_indirect_dma semaphore(%arg27 : memref<!tpu.dma_semaphore, #tpu.memory_space<semaphore_mem>>) src(%dma_wait3A_442 : memref<16384x128xf32, #tpu.memory_space<hbm>>) dst(%arg21 : memref<128x128xf32, #tpu.memory_space<vmem>>)
        %dma_start3A = arith.constant 0 : i32
        %dma_start3A_443 = tpu.memref_slice %arg12[%add3A_432, %dma_start3A] : memref<26x128xi32, #tpu.memory_space<vmem>> -> memref<1x128xi32, #tpu.memory_space<vmem>>
        %dma_start3A_444 = tpu.memref_squeeze %dma_start3A_443 : memref<1x128xi32, #tpu.memory_space<vmem>> -> memref<128xi32, #tpu.memory_space<vmem>>
        %dma_start3A_445 = arith.constant 0 : i32
        %dma_start3A_446 = arith.constant 0 : i32
        %dma_start3A_447 = tpu.memref_slice %arg9[%dma_start3A_445, %dma_start3A_446] : memref<100000x128xf32, #tpu.memory_space<hbm>> -> memref<100000x128xf32, #tpu.memory_space<hbm>>
        tpu.enqueue_indirect_dma source(%arg21 : memref<128x128xf32, #tpu.memory_space<vmem>>) target(%dma_start3A_447 : memref<100000x128xf32, #tpu.memory_space<hbm>>) offsets(%dma_start3A_444 : memref<128xi32, #tpu.memory_space<vmem>>) semaphore(%arg33 : memref<!tpu.dma_semaphore, #tpu.memory_space<semaphore_mem>>)
      } else {
      }
      %while3A_437 = arith.constant 0 : i32
      scf.yield %while3A_437 : i32
    }
    %sub3A_78 = arith.constant 1 : i32
    %sub3A_79 = arith.subi %select_n3A_66, %sub3A_78 : i32
    %mul3A_80 = arith.constant 6 : i32
    %mul3A_81 = arith.muli %mul3A_80, %sub3A_79 : i32
    %add3A_82 = arith.constant 0 : i32
    %add3A_83 = arith.addi %mul3A_81, %add3A_82 : i32
    %gt3A = arith.constant 0 : i32
    %gt3A_84 = arith.cmpi sgt, %select_n3A_66, %gt3A : i32
    %lt3A = arith.cmpi slt, %add3A_83, %select_n3A_38 : i32
    %and3A_85 = arith.andi %gt3A_84, %lt3A : i1
    %convert_element_type3A = arith.extui %and3A_85 : i1 to i32
    %cond3A = arith.constant 0 : i32
    %cond3A_86 = arith.cmpi ne, %convert_element_type3A, %cond3A : i32
    scf.if %cond3A_86 {
      %dma_wait3A = arith.constant 0 : i32
      %dma_wait3A_298 = tpu.memref_slice %arg12[%add3A_83, %dma_wait3A] : memref<26x128xi32, #tpu.memory_space<vmem>> -> memref<1x128xi32, #tpu.memory_space<vmem>>
      %dma_wait3A_299 = tpu.memref_squeeze %dma_wait3A_298 : memref<1x128xi32, #tpu.memory_space<vmem>> -> memref<128xi32, #tpu.memory_space<vmem>>
      %dma_wait3A_300 = arith.constant 0 : i32
      %dma_wait3A_301 = arith.constant 0 : i32
      %dma_wait3A_302 = tpu.memref_slice %arg9[%dma_wait3A_300, %dma_wait3A_301] : memref<100000x128xf32, #tpu.memory_space<hbm>> -> memref<100000x128xf32, #tpu.memory_space<hbm>>
      tpu.wait_indirect_dma semaphore(%arg28 : memref<!tpu.dma_semaphore, #tpu.memory_space<semaphore_mem>>) src(%arg16 : memref<128x128xf32, #tpu.memory_space<vmem>>) dst(%dma_wait3A_302 : memref<100000x128xf32, #tpu.memory_space<hbm>>)
    } else {
    }
    %sub3A_87 = arith.constant 1 : i32
    %sub3A_88 = arith.subi %select_n3A_66, %sub3A_87 : i32
    %mul3A_89 = arith.constant 6 : i32
    %mul3A_90 = arith.muli %mul3A_89, %sub3A_88 : i32
    %add3A_91 = arith.constant 1 : i32
    %add3A_92 = arith.addi %mul3A_90, %add3A_91 : i32
    %gt3A_93 = arith.constant 0 : i32
    %gt3A_94 = arith.cmpi sgt, %select_n3A_66, %gt3A_93 : i32
    %lt3A_95 = arith.cmpi slt, %add3A_92, %select_n3A_38 : i32
    %and3A_96 = arith.andi %gt3A_94, %lt3A_95 : i1
    %convert_element_type3A_97 = arith.extui %and3A_96 : i1 to i32
    %cond3A_98 = arith.constant 0 : i32
    %cond3A_99 = arith.cmpi ne, %convert_element_type3A_97, %cond3A_98 : i32
    scf.if %cond3A_99 {
      %dma_wait3A = arith.constant 0 : i32
      %dma_wait3A_298 = tpu.memref_slice %arg12[%add3A_92, %dma_wait3A] : memref<26x128xi32, #tpu.memory_space<vmem>> -> memref<1x128xi32, #tpu.memory_space<vmem>>
      %dma_wait3A_299 = tpu.memref_squeeze %dma_wait3A_298 : memref<1x128xi32, #tpu.memory_space<vmem>> -> memref<128xi32, #tpu.memory_space<vmem>>
      %dma_wait3A_300 = arith.constant 0 : i32
      %dma_wait3A_301 = arith.constant 0 : i32
      %dma_wait3A_302 = tpu.memref_slice %arg9[%dma_wait3A_300, %dma_wait3A_301] : memref<100000x128xf32, #tpu.memory_space<hbm>> -> memref<100000x128xf32, #tpu.memory_space<hbm>>
      tpu.wait_indirect_dma semaphore(%arg29 : memref<!tpu.dma_semaphore, #tpu.memory_space<semaphore_mem>>) src(%arg17 : memref<128x128xf32, #tpu.memory_space<vmem>>) dst(%dma_wait3A_302 : memref<100000x128xf32, #tpu.memory_space<hbm>>)
    } else {
    }
    %sub3A_100 = arith.constant 1 : i32
    %sub3A_101 = arith.subi %select_n3A_66, %sub3A_100 : i32
    %mul3A_102 = arith.constant 6 : i32
    %mul3A_103 = arith.muli %mul3A_102, %sub3A_101 : i32
    %add3A_104 = arith.constant 2 : i32
    %add3A_105 = arith.addi %mul3A_103, %add3A_104 : i32
    %gt3A_106 = arith.constant 0 : i32
    %gt3A_107 = arith.cmpi sgt, %select_n3A_66, %gt3A_106 : i32
    %lt3A_108 = arith.cmpi slt, %add3A_105, %select_n3A_38 : i32
    %and3A_109 = arith.andi %gt3A_107, %lt3A_108 : i1
    %convert_element_type3A_110 = arith.extui %and3A_109 : i1 to i32
    %cond3A_111 = arith.constant 0 : i32
    %cond3A_112 = arith.cmpi ne, %convert_element_type3A_110, %cond3A_111 : i32
    scf.if %cond3A_112 {
      %dma_wait3A = arith.constant 0 : i32
      %dma_wait3A_298 = tpu.memref_slice %arg12[%add3A_105, %dma_wait3A] : memref<26x128xi32, #tpu.memory_space<vmem>> -> memref<1x128xi32, #tpu.memory_space<vmem>>
      %dma_wait3A_299 = tpu.memref_squeeze %dma_wait3A_298 : memref<1x128xi32, #tpu.memory_space<vmem>> -> memref<128xi32, #tpu.memory_space<vmem>>
      %dma_wait3A_300 = arith.constant 0 : i32
      %dma_wait3A_301 = arith.constant 0 : i32
      %dma_wait3A_302 = tpu.memref_slice %arg9[%dma_wait3A_300, %dma_wait3A_301] : memref<100000x128xf32, #tpu.memory_space<hbm>> -> memref<100000x128xf32, #tpu.memory_space<hbm>>
      tpu.wait_indirect_dma semaphore(%arg30 : memref<!tpu.dma_semaphore, #tpu.memory_space<semaphore_mem>>) src(%arg18 : memref<128x128xf32, #tpu.memory_space<vmem>>) dst(%dma_wait3A_302 : memref<100000x128xf32, #tpu.memory_space<hbm>>)
    } else {
    }
    %sub3A_113 = arith.constant 1 : i32
    %sub3A_114 = arith.subi %select_n3A_66, %sub3A_113 : i32
    %mul3A_115 = arith.constant 6 : i32
    %mul3A_116 = arith.muli %mul3A_115, %sub3A_114 : i32
    %add3A_117 = arith.constant 3 : i32
    %add3A_118 = arith.addi %mul3A_116, %add3A_117 : i32
    %gt3A_119 = arith.constant 0 : i32
    %gt3A_120 = arith.cmpi sgt, %select_n3A_66, %gt3A_119 : i32
    %lt3A_121 = arith.cmpi slt, %add3A_118, %select_n3A_38 : i32
    %and3A_122 = arith.andi %gt3A_120, %lt3A_121 : i1
    %convert_element_type3A_123 = arith.extui %and3A_122 : i1 to i32
    %cond3A_124 = arith.constant 0 : i32
    %cond3A_125 = arith.cmpi ne, %convert_element_type3A_123, %cond3A_124 : i32
    scf.if %cond3A_125 {
      %dma_wait3A = arith.constant 0 : i32
      %dma_wait3A_298 = tpu.memref_slice %arg12[%add3A_118, %dma_wait3A] : memref<26x128xi32, #tpu.memory_space<vmem>> -> memref<1x128xi32, #tpu.memory_space<vmem>>
      %dma_wait3A_299 = tpu.memref_squeeze %dma_wait3A_298 : memref<1x128xi32, #tpu.memory_space<vmem>> -> memref<128xi32, #tpu.memory_space<vmem>>
      %dma_wait3A_300 = arith.constant 0 : i32
      %dma_wait3A_301 = arith.constant 0 : i32
      %dma_wait3A_302 = tpu.memref_slice %arg9[%dma_wait3A_300, %dma_wait3A_301] : memref<100000x128xf32, #tpu.memory_space<hbm>> -> memref<100000x128xf32, #tpu.memory_space<hbm>>
      tpu.wait_indirect_dma semaphore(%arg31 : memref<!tpu.dma_semaphore, #tpu.memory_space<semaphore_mem>>) src(%arg19 : memref<128x128xf32, #tpu.memory_space<vmem>>) dst(%dma_wait3A_302 : memref<100000x128xf32, #tpu.memory_space<hbm>>)
    } else {
    }
    %sub3A_126 = arith.constant 1 : i32
    %sub3A_127 = arith.subi %select_n3A_66, %sub3A_126 : i32
    %mul3A_128 = arith.constant 6 : i32
    %mul3A_129 = arith.muli %mul3A_128, %sub3A_127 : i32
    %add3A_130 = arith.constant 4 : i32
    %add3A_131 = arith.addi %mul3A_129, %add3A_130 : i32
    %gt3A_132 = arith.constant 0 : i32
    %gt3A_133 = arith.cmpi sgt, %select_n3A_66, %gt3A_132 : i32
    %lt3A_134 = arith.cmpi slt, %add3A_131, %select_n3A_38 : i32
    %and3A_135 = arith.andi %gt3A_133, %lt3A_134 : i1
    %convert_element_type3A_136 = arith.extui %and3A_135 : i1 to i32
    %cond3A_137 = arith.constant 0 : i32
    %cond3A_138 = arith.cmpi ne, %convert_element_type3A_136, %cond3A_137 : i32
    scf.if %cond3A_138 {
      %dma_wait3A = arith.constant 0 : i32
      %dma_wait3A_298 = tpu.memref_slice %arg12[%add3A_131, %dma_wait3A] : memref<26x128xi32, #tpu.memory_space<vmem>> -> memref<1x128xi32, #tpu.memory_space<vmem>>
      %dma_wait3A_299 = tpu.memref_squeeze %dma_wait3A_298 : memref<1x128xi32, #tpu.memory_space<vmem>> -> memref<128xi32, #tpu.memory_space<vmem>>
      %dma_wait3A_300 = arith.constant 0 : i32
      %dma_wait3A_301 = arith.constant 0 : i32
      %dma_wait3A_302 = tpu.memref_slice %arg9[%dma_wait3A_300, %dma_wait3A_301] : memref<100000x128xf32, #tpu.memory_space<hbm>> -> memref<100000x128xf32, #tpu.memory_space<hbm>>
      tpu.wait_indirect_dma semaphore(%arg32 : memref<!tpu.dma_semaphore, #tpu.memory_space<semaphore_mem>>) src(%arg20 : memref<128x128xf32, #tpu.memory_space<vmem>>) dst(%dma_wait3A_302 : memref<100000x128xf32, #tpu.memory_space<hbm>>)
    } else {
    }
    %sub3A_139 = arith.constant 1 : i32
    %sub3A_140 = arith.subi %select_n3A_66, %sub3A_139 : i32
    %mul3A_141 = arith.constant 6 : i32
    %mul3A_142 = arith.muli %mul3A_141, %sub3A_140 : i32
    %add3A_143 = arith.constant 5 : i32
    %add3A_144 = arith.addi %mul3A_142, %add3A_143 : i32
    %gt3A_145 = arith.constant 0 : i32
    %gt3A_146 = arith.cmpi sgt, %select_n3A_66, %gt3A_145 : i32
    %lt3A_147 = arith.cmpi slt, %add3A_144, %select_n3A_38 : i32
    %and3A_148 = arith.andi %gt3A_146, %lt3A_147 : i1
    %convert_element_type3A_149 = arith.extui %and3A_148 : i1 to i32
    %cond3A_150 = arith.constant 0 : i32
    %cond3A_151 = arith.cmpi ne, %convert_element_type3A_149, %cond3A_150 : i32
    scf.if %cond3A_151 {
      %dma_wait3A = arith.constant 0 : i32
      %dma_wait3A_298 = tpu.memref_slice %arg12[%add3A_144, %dma_wait3A] : memref<26x128xi32, #tpu.memory_space<vmem>> -> memref<1x128xi32, #tpu.memory_space<vmem>>
      %dma_wait3A_299 = tpu.memref_squeeze %dma_wait3A_298 : memref<1x128xi32, #tpu.memory_space<vmem>> -> memref<128xi32, #tpu.memory_space<vmem>>
      %dma_wait3A_300 = arith.constant 0 : i32
      %dma_wait3A_301 = arith.constant 0 : i32
      %dma_wait3A_302 = tpu.memref_slice %arg9[%dma_wait3A_300, %dma_wait3A_301] : memref<100000x128xf32, #tpu.memory_space<hbm>> -> memref<100000x128xf32, #tpu.memory_space<hbm>>
      tpu.wait_indirect_dma semaphore(%arg33 : memref<!tpu.dma_semaphore, #tpu.memory_space<semaphore_mem>>) src(%arg21 : memref<128x128xf32, #tpu.memory_space<vmem>>) dst(%dma_wait3A_302 : memref<100000x128xf32, #tpu.memory_space<hbm>>)
    } else {
    }
    %add3A_152 = arith.constant 128 : i32
    %add3A_153 = arith.addi %reduce_sum3A_16, %add3A_152 : i32
    %sub3A_154 = arith.constant 1 : i32
    %sub3A_155 = arith.subi %add3A_153, %sub3A_154 : i32
    %jit3A_156 = arith.constant 128 : i32
    %div3A_157 = arith.divsi %sub3A_155, %jit3A_156 : i32
    %sign3A_158 = arith.constant 0 : i32
    %sign3A_159 = arith.cmpi sgt, %sub3A_155, %sign3A_158 : i32
    %sign3A_160 = arith.extui %sign3A_159 : i1 to i32
    %sign3A_161 = arith.constant 0 : i32
    %sign3A_162 = arith.cmpi slt, %sub3A_155, %sign3A_161 : i32
    %sign3A_163 = arith.extui %sign3A_162 : i1 to i32
    %sign3A_164 = arith.subi %sign3A_160, %sign3A_163 : i32
    %sign3A_165 = arith.constant 0 : i32
    %sign3A_166 = arith.cmpi sgt, %jit3A_156, %sign3A_165 : i32
    %sign3A_167 = arith.extui %sign3A_166 : i1 to i32
    %sign3A_168 = arith.constant 0 : i32
    %sign3A_169 = arith.cmpi slt, %jit3A_156, %sign3A_168 : i32
    %sign3A_170 = arith.extui %sign3A_169 : i1 to i32
    %sign3A_171 = arith.subi %sign3A_167, %sign3A_170 : i32
    %ne3A_172 = arith.cmpi ne, %sign3A_164, %sign3A_171 : i32
    %rem3A_173 = arith.remsi %sub3A_155, %jit3A_156 : i32
    %ne3A_174 = arith.constant 0 : i32
    %ne3A_175 = arith.cmpi ne, %rem3A_173, %ne3A_174 : i32
    %and3A_176 = arith.andi %ne3A_172, %ne3A_175 : i1
    %sub3A_177 = arith.constant 1 : i32
    %sub3A_178 = arith.subi %div3A_157, %sub3A_177 : i32
    %select_n3A_179 = arith.select %and3A_176, %sub3A_178, %div3A_157 : i32
    %add3A_180 = arith.constant 6 : i32
    %add3A_181 = arith.addi %select_n3A_179, %add3A_180 : i32
    %sub3A_182 = arith.constant 1 : i32
    %sub3A_183 = arith.subi %add3A_181, %sub3A_182 : i32
    %jit3A_184 = arith.constant 6 : i32
    %div3A_185 = arith.divsi %sub3A_183, %jit3A_184 : i32
    %sign3A_186 = arith.constant 0 : i32
    %sign3A_187 = arith.cmpi sgt, %sub3A_183, %sign3A_186 : i32
    %sign3A_188 = arith.extui %sign3A_187 : i1 to i32
    %sign3A_189 = arith.constant 0 : i32
    %sign3A_190 = arith.cmpi slt, %sub3A_183, %sign3A_189 : i32
    %sign3A_191 = arith.extui %sign3A_190 : i1 to i32
    %sign3A_192 = arith.subi %sign3A_188, %sign3A_191 : i32
    %sign3A_193 = arith.constant 0 : i32
    %sign3A_194 = arith.cmpi sgt, %jit3A_184, %sign3A_193 : i32
    %sign3A_195 = arith.extui %sign3A_194 : i1 to i32
    %sign3A_196 = arith.constant 0 : i32
    %sign3A_197 = arith.cmpi slt, %jit3A_184, %sign3A_196 : i32
    %sign3A_198 = arith.extui %sign3A_197 : i1 to i32
    %sign3A_199 = arith.subi %sign3A_195, %sign3A_198 : i32
    %ne3A_200 = arith.cmpi ne, %sign3A_192, %sign3A_199 : i32
    %rem3A_201 = arith.remsi %sub3A_183, %jit3A_184 : i32
    %ne3A_202 = arith.constant 0 : i32
    %ne3A_203 = arith.cmpi ne, %rem3A_201, %ne3A_202 : i32
    %and3A_204 = arith.andi %ne3A_200, %ne3A_203 : i1
    %sub3A_205 = arith.constant 1 : i32
    %sub3A_206 = arith.subi %div3A_185, %sub3A_205 : i32
    %select_n3A_207 = arith.select %and3A_204, %sub3A_206, %div3A_185 : i32
    %while3A_208 = arith.constant 0 : i32
    %while3A_209 = arith.constant 0 : i32
    %while3A_210 = arith.subi %select_n3A_207, %while3A_208 : i32
    %while3A_211 = arith.addi %while3A_208, %while3A_210 : i32
    %while3A_212 = arith.constant 1 : i32
    %while3A_213 = arith.divsi %while3A_210, %while3A_212 : i32
    %while3A_214 = arith.muli %while3A_213, %while3A_212 : i32
    %while3A_215 = arith.addi %while3A_208, %while3A_214 : i32
    %while3A_216 = arith.constant 1 : i32
    %while3A_217 = scf.for %while3A_298 = %while3A_208 to %while3A_215 step %while3A_216 iter_args(%while3A_299 = %while3A_209) -> (i32)  : i32 {
      %mul3A_300 = arith.constant 6 : i32
      %mul3A_301 = arith.muli %mul3A_300, %while3A_298 : i32
      %add3A_302 = arith.constant 0 : i32
      %add3A_303 = arith.addi %mul3A_301, %add3A_302 : i32
      %sub3A_304 = arith.constant 6 : i32
      %sub3A_305 = arith.subi %add3A_303, %sub3A_304 : i32
      %ge3A = arith.constant 0 : i32
      %ge3A_306 = arith.cmpi sge, %sub3A_305, %ge3A : i32
      %convert_element_type3A_307 = arith.extui %ge3A_306 : i1 to i32
      %cond3A_308 = arith.constant 0 : i32
      %cond3A_309 = arith.cmpi ne, %convert_element_type3A_307, %cond3A_308 : i32
      scf.if %cond3A_309 {
        %dma_wait3A = arith.constant 0 : i32
        %dma_wait3A_438 = tpu.memref_slice %arg14[%sub3A_305, %dma_wait3A] : memref<26x128xi32, #tpu.memory_space<vmem>> -> memref<1x128xi32, #tpu.memory_space<vmem>>
        %dma_wait3A_439 = tpu.memref_squeeze %dma_wait3A_438 : memref<1x128xi32, #tpu.memory_space<vmem>> -> memref<128xi32, #tpu.memory_space<vmem>>
        %dma_wait3A_440 = arith.constant 0 : i32
        %dma_wait3A_441 = arith.constant 0 : i32
        %dma_wait3A_442 = tpu.memref_slice %arg9[%dma_wait3A_440, %dma_wait3A_441] : memref<100000x128xf32, #tpu.memory_space<hbm>> -> memref<100000x128xf32, #tpu.memory_space<hbm>>
        tpu.wait_indirect_dma semaphore(%arg28 : memref<!tpu.dma_semaphore, #tpu.memory_space<semaphore_mem>>) src(%arg16 : memref<128x128xf32, #tpu.memory_space<vmem>>) dst(%dma_wait3A_442 : memref<100000x128xf32, #tpu.memory_space<hbm>>)
      } else {
      }
      %lt3A_310 = arith.cmpi slt, %add3A_303, %select_n3A_179 : i32
      %convert_element_type3A_311 = arith.extui %lt3A_310 : i1 to i32
      %cond3A_312 = arith.constant 0 : i32
      %cond3A_313 = arith.cmpi ne, %convert_element_type3A_311, %cond3A_312 : i32
      scf.if %cond3A_313 {
        %mul3A_438 = arith.constant 128 : i32
        %mul3A_439 = arith.muli %add3A_303, %mul3A_438 : i32
        %dma_start3A = tpu.memref_slice %arg13[%mul3A_439] : memref<3328xi32, #tpu.memory_space<vmem>> -> memref<128xi32, #tpu.memory_space<vmem>>
        %dma_start3A_440 = arith.constant 0 : i32
        %dma_start3A_441 = arith.constant 0 : i32
        %dma_start3A_442 = tpu.memref_slice %arg8[%dma_start3A_440, %dma_start3A_441] : memref<16384x128xf32, #tpu.memory_space<hbm>> -> memref<16384x128xf32, #tpu.memory_space<hbm>>
        tpu.enqueue_indirect_dma source(%dma_start3A_442 : memref<16384x128xf32, #tpu.memory_space<hbm>>) target(%arg16 : memref<128x128xf32, #tpu.memory_space<vmem>>) offsets(%dma_start3A : memref<128xi32, #tpu.memory_space<vmem>>) semaphore(%arg22 : memref<!tpu.dma_semaphore, #tpu.memory_space<semaphore_mem>>)
      } else {
      }
      %mul3A_314 = arith.constant 6 : i32
      %mul3A_315 = arith.muli %mul3A_314, %while3A_298 : i32
      %add3A_316 = arith.constant 1 : i32
      %add3A_317 = arith.addi %mul3A_315, %add3A_316 : i32
      %sub3A_318 = arith.constant 6 : i32
      %sub3A_319 = arith.subi %add3A_317, %sub3A_318 : i32
      %ge3A_320 = arith.constant 0 : i32
      %ge3A_321 = arith.cmpi sge, %sub3A_319, %ge3A_320 : i32
      %convert_element_type3A_322 = arith.extui %ge3A_321 : i1 to i32
      %cond3A_323 = arith.constant 0 : i32
      %cond3A_324 = arith.cmpi ne, %convert_element_type3A_322, %cond3A_323 : i32
      scf.if %cond3A_324 {
        %dma_wait3A = arith.constant 0 : i32
        %dma_wait3A_438 = tpu.memref_slice %arg14[%sub3A_319, %dma_wait3A] : memref<26x128xi32, #tpu.memory_space<vmem>> -> memref<1x128xi32, #tpu.memory_space<vmem>>
        %dma_wait3A_439 = tpu.memref_squeeze %dma_wait3A_438 : memref<1x128xi32, #tpu.memory_space<vmem>> -> memref<128xi32, #tpu.memory_space<vmem>>
        %dma_wait3A_440 = arith.constant 0 : i32
        %dma_wait3A_441 = arith.constant 0 : i32
        %dma_wait3A_442 = tpu.memref_slice %arg9[%dma_wait3A_440, %dma_wait3A_441] : memref<100000x128xf32, #tpu.memory_space<hbm>> -> memref<100000x128xf32, #tpu.memory_space<hbm>>
        tpu.wait_indirect_dma semaphore(%arg29 : memref<!tpu.dma_semaphore, #tpu.memory_space<semaphore_mem>>) src(%arg17 : memref<128x128xf32, #tpu.memory_space<vmem>>) dst(%dma_wait3A_442 : memref<100000x128xf32, #tpu.memory_space<hbm>>)
      } else {
      }
      %lt3A_325 = arith.cmpi slt, %add3A_317, %select_n3A_179 : i32
      %convert_element_type3A_326 = arith.extui %lt3A_325 : i1 to i32
      %cond3A_327 = arith.constant 0 : i32
      %cond3A_328 = arith.cmpi ne, %convert_element_type3A_326, %cond3A_327 : i32
      scf.if %cond3A_328 {
        %mul3A_438 = arith.constant 128 : i32
        %mul3A_439 = arith.muli %add3A_317, %mul3A_438 : i32
        %dma_start3A = tpu.memref_slice %arg13[%mul3A_439] : memref<3328xi32, #tpu.memory_space<vmem>> -> memref<128xi32, #tpu.memory_space<vmem>>
        %dma_start3A_440 = arith.constant 0 : i32
        %dma_start3A_441 = arith.constant 0 : i32
        %dma_start3A_442 = tpu.memref_slice %arg8[%dma_start3A_440, %dma_start3A_441] : memref<16384x128xf32, #tpu.memory_space<hbm>> -> memref<16384x128xf32, #tpu.memory_space<hbm>>
        tpu.enqueue_indirect_dma source(%dma_start3A_442 : memref<16384x128xf32, #tpu.memory_space<hbm>>) target(%arg17 : memref<128x128xf32, #tpu.memory_space<vmem>>) offsets(%dma_start3A : memref<128xi32, #tpu.memory_space<vmem>>) semaphore(%arg23 : memref<!tpu.dma_semaphore, #tpu.memory_space<semaphore_mem>>)
      } else {
      }
      %mul3A_329 = arith.constant 6 : i32
      %mul3A_330 = arith.muli %mul3A_329, %while3A_298 : i32
      %add3A_331 = arith.constant 2 : i32
      %add3A_332 = arith.addi %mul3A_330, %add3A_331 : i32
      %sub3A_333 = arith.constant 6 : i32
      %sub3A_334 = arith.subi %add3A_332, %sub3A_333 : i32
      %ge3A_335 = arith.constant 0 : i32
      %ge3A_336 = arith.cmpi sge, %sub3A_334, %ge3A_335 : i32
      %convert_element_type3A_337 = arith.extui %ge3A_336 : i1 to i32
      %cond3A_338 = arith.constant 0 : i32
      %cond3A_339 = arith.cmpi ne, %convert_element_type3A_337, %cond3A_338 : i32
      scf.if %cond3A_339 {
        %dma_wait3A = arith.constant 0 : i32
        %dma_wait3A_438 = tpu.memref_slice %arg14[%sub3A_334, %dma_wait3A] : memref<26x128xi32, #tpu.memory_space<vmem>> -> memref<1x128xi32, #tpu.memory_space<vmem>>
        %dma_wait3A_439 = tpu.memref_squeeze %dma_wait3A_438 : memref<1x128xi32, #tpu.memory_space<vmem>> -> memref<128xi32, #tpu.memory_space<vmem>>
        %dma_wait3A_440 = arith.constant 0 : i32
        %dma_wait3A_441 = arith.constant 0 : i32
        %dma_wait3A_442 = tpu.memref_slice %arg9[%dma_wait3A_440, %dma_wait3A_441] : memref<100000x128xf32, #tpu.memory_space<hbm>> -> memref<100000x128xf32, #tpu.memory_space<hbm>>
        tpu.wait_indirect_dma semaphore(%arg30 : memref<!tpu.dma_semaphore, #tpu.memory_space<semaphore_mem>>) src(%arg18 : memref<128x128xf32, #tpu.memory_space<vmem>>) dst(%dma_wait3A_442 : memref<100000x128xf32, #tpu.memory_space<hbm>>)
      } else {
      }
      %lt3A_340 = arith.cmpi slt, %add3A_332, %select_n3A_179 : i32
      %convert_element_type3A_341 = arith.extui %lt3A_340 : i1 to i32
      %cond3A_342 = arith.constant 0 : i32
      %cond3A_343 = arith.cmpi ne, %convert_element_type3A_341, %cond3A_342 : i32
      scf.if %cond3A_343 {
        %mul3A_438 = arith.constant 128 : i32
        %mul3A_439 = arith.muli %add3A_332, %mul3A_438 : i32
        %dma_start3A = tpu.memref_slice %arg13[%mul3A_439] : memref<3328xi32, #tpu.memory_space<vmem>> -> memref<128xi32, #tpu.memory_space<vmem>>
        %dma_start3A_440 = arith.constant 0 : i32
        %dma_start3A_441 = arith.constant 0 : i32
        %dma_start3A_442 = tpu.memref_slice %arg8[%dma_start3A_440, %dma_start3A_441] : memref<16384x128xf32, #tpu.memory_space<hbm>> -> memref<16384x128xf32, #tpu.memory_space<hbm>>
        tpu.enqueue_indirect_dma source(%dma_start3A_442 : memref<16384x128xf32, #tpu.memory_space<hbm>>) target(%arg18 : memref<128x128xf32, #tpu.memory_space<vmem>>) offsets(%dma_start3A : memref<128xi32, #tpu.memory_space<vmem>>) semaphore(%arg24 : memref<!tpu.dma_semaphore, #tpu.memory_space<semaphore_mem>>)
      } else {
      }
      %mul3A_344 = arith.constant 6 : i32
      %mul3A_345 = arith.muli %mul3A_344, %while3A_298 : i32
      %add3A_346 = arith.constant 3 : i32
      %add3A_347 = arith.addi %mul3A_345, %add3A_346 : i32
      %sub3A_348 = arith.constant 6 : i32
      %sub3A_349 = arith.subi %add3A_347, %sub3A_348 : i32
      %ge3A_350 = arith.constant 0 : i32
      %ge3A_351 = arith.cmpi sge, %sub3A_349, %ge3A_350 : i32
      %convert_element_type3A_352 = arith.extui %ge3A_351 : i1 to i32
      %cond3A_353 = arith.constant 0 : i32
      %cond3A_354 = arith.cmpi ne, %convert_element_type3A_352, %cond3A_353 : i32
      scf.if %cond3A_354 {
        %dma_wait3A = arith.constant 0 : i32
        %dma_wait3A_438 = tpu.memref_slice %arg14[%sub3A_349, %dma_wait3A] : memref<26x128xi32, #tpu.memory_space<vmem>> -> memref<1x128xi32, #tpu.memory_space<vmem>>
        %dma_wait3A_439 = tpu.memref_squeeze %dma_wait3A_438 : memref<1x128xi32, #tpu.memory_space<vmem>> -> memref<128xi32, #tpu.memory_space<vmem>>
        %dma_wait3A_440 = arith.constant 0 : i32
        %dma_wait3A_441 = arith.constant 0 : i32
        %dma_wait3A_442 = tpu.memref_slice %arg9[%dma_wait3A_440, %dma_wait3A_441] : memref<100000x128xf32, #tpu.memory_space<hbm>> -> memref<100000x128xf32, #tpu.memory_space<hbm>>
        tpu.wait_indirect_dma semaphore(%arg31 : memref<!tpu.dma_semaphore, #tpu.memory_space<semaphore_mem>>) src(%arg19 : memref<128x128xf32, #tpu.memory_space<vmem>>) dst(%dma_wait3A_442 : memref<100000x128xf32, #tpu.memory_space<hbm>>)
      } else {
      }
      %lt3A_355 = arith.cmpi slt, %add3A_347, %select_n3A_179 : i32
      %convert_element_type3A_356 = arith.extui %lt3A_355 : i1 to i32
      %cond3A_357 = arith.constant 0 : i32
      %cond3A_358 = arith.cmpi ne, %convert_element_type3A_356, %cond3A_357 : i32
      scf.if %cond3A_358 {
        %mul3A_438 = arith.constant 128 : i32
        %mul3A_439 = arith.muli %add3A_347, %mul3A_438 : i32
        %dma_start3A = tpu.memref_slice %arg13[%mul3A_439] : memref<3328xi32, #tpu.memory_space<vmem>> -> memref<128xi32, #tpu.memory_space<vmem>>
        %dma_start3A_440 = arith.constant 0 : i32
        %dma_start3A_441 = arith.constant 0 : i32
        %dma_start3A_442 = tpu.memref_slice %arg8[%dma_start3A_440, %dma_start3A_441] : memref<16384x128xf32, #tpu.memory_space<hbm>> -> memref<16384x128xf32, #tpu.memory_space<hbm>>
        tpu.enqueue_indirect_dma source(%dma_start3A_442 : memref<16384x128xf32, #tpu.memory_space<hbm>>) target(%arg19 : memref<128x128xf32, #tpu.memory_space<vmem>>) offsets(%dma_start3A : memref<128xi32, #tpu.memory_space<vmem>>) semaphore(%arg25 : memref<!tpu.dma_semaphore, #tpu.memory_space<semaphore_mem>>)
      } else {
      }
      %mul3A_359 = arith.constant 6 : i32
      %mul3A_360 = arith.muli %mul3A_359, %while3A_298 : i32
      %add3A_361 = arith.constant 4 : i32
      %add3A_362 = arith.addi %mul3A_360, %add3A_361 : i32
      %sub3A_363 = arith.constant 6 : i32
      %sub3A_364 = arith.subi %add3A_362, %sub3A_363 : i32
      %ge3A_365 = arith.constant 0 : i32
      %ge3A_366 = arith.cmpi sge, %sub3A_364, %ge3A_365 : i32
      %convert_element_type3A_367 = arith.extui %ge3A_366 : i1 to i32
      %cond3A_368 = arith.constant 0 : i32
      %cond3A_369 = arith.cmpi ne, %convert_element_type3A_367, %cond3A_368 : i32
      scf.if %cond3A_369 {
        %dma_wait3A = arith.constant 0 : i32
        %dma_wait3A_438 = tpu.memref_slice %arg14[%sub3A_364, %dma_wait3A] : memref<26x128xi32, #tpu.memory_space<vmem>> -> memref<1x128xi32, #tpu.memory_space<vmem>>
        %dma_wait3A_439 = tpu.memref_squeeze %dma_wait3A_438 : memref<1x128xi32, #tpu.memory_space<vmem>> -> memref<128xi32, #tpu.memory_space<vmem>>
        %dma_wait3A_440 = arith.constant 0 : i32
        %dma_wait3A_441 = arith.constant 0 : i32
        %dma_wait3A_442 = tpu.memref_slice %arg9[%dma_wait3A_440, %dma_wait3A_441] : memref<100000x128xf32, #tpu.memory_space<hbm>> -> memref<100000x128xf32, #tpu.memory_space<hbm>>
        tpu.wait_indirect_dma semaphore(%arg32 : memref<!tpu.dma_semaphore, #tpu.memory_space<semaphore_mem>>) src(%arg20 : memref<128x128xf32, #tpu.memory_space<vmem>>) dst(%dma_wait3A_442 : memref<100000x128xf32, #tpu.memory_space<hbm>>)
      } else {
      }
      %lt3A_370 = arith.cmpi slt, %add3A_362, %select_n3A_179 : i32
      %convert_element_type3A_371 = arith.extui %lt3A_370 : i1 to i32
      %cond3A_372 = arith.constant 0 : i32
      %cond3A_373 = arith.cmpi ne, %convert_element_type3A_371, %cond3A_372 : i32
      scf.if %cond3A_373 {
        %mul3A_438 = arith.constant 128 : i32
        %mul3A_439 = arith.muli %add3A_362, %mul3A_438 : i32
        %dma_start3A = tpu.memref_slice %arg13[%mul3A_439] : memref<3328xi32, #tpu.memory_space<vmem>> -> memref<128xi32, #tpu.memory_space<vmem>>
        %dma_start3A_440 = arith.constant 0 : i32
        %dma_start3A_441 = arith.constant 0 : i32
        %dma_start3A_442 = tpu.memref_slice %arg8[%dma_start3A_440, %dma_start3A_441] : memref<16384x128xf32, #tpu.memory_space<hbm>> -> memref<16384x128xf32, #tpu.memory_space<hbm>>
        tpu.enqueue_indirect_dma source(%dma_start3A_442 : memref<16384x128xf32, #tpu.memory_space<hbm>>) target(%arg20 : memref<128x128xf32, #tpu.memory_space<vmem>>) offsets(%dma_start3A : memref<128xi32, #tpu.memory_space<vmem>>) semaphore(%arg26 : memref<!tpu.dma_semaphore, #tpu.memory_space<semaphore_mem>>)
      } else {
      }
      %mul3A_374 = arith.constant 6 : i32
      %mul3A_375 = arith.muli %mul3A_374, %while3A_298 : i32
      %add3A_376 = arith.constant 5 : i32
      %add3A_377 = arith.addi %mul3A_375, %add3A_376 : i32
      %sub3A_378 = arith.constant 6 : i32
      %sub3A_379 = arith.subi %add3A_377, %sub3A_378 : i32
      %ge3A_380 = arith.constant 0 : i32
      %ge3A_381 = arith.cmpi sge, %sub3A_379, %ge3A_380 : i32
      %convert_element_type3A_382 = arith.extui %ge3A_381 : i1 to i32
      %cond3A_383 = arith.constant 0 : i32
      %cond3A_384 = arith.cmpi ne, %convert_element_type3A_382, %cond3A_383 : i32
      scf.if %cond3A_384 {
        %dma_wait3A = arith.constant 0 : i32
        %dma_wait3A_438 = tpu.memref_slice %arg14[%sub3A_379, %dma_wait3A] : memref<26x128xi32, #tpu.memory_space<vmem>> -> memref<1x128xi32, #tpu.memory_space<vmem>>
        %dma_wait3A_439 = tpu.memref_squeeze %dma_wait3A_438 : memref<1x128xi32, #tpu.memory_space<vmem>> -> memref<128xi32, #tpu.memory_space<vmem>>
        %dma_wait3A_440 = arith.constant 0 : i32
        %dma_wait3A_441 = arith.constant 0 : i32
        %dma_wait3A_442 = tpu.memref_slice %arg9[%dma_wait3A_440, %dma_wait3A_441] : memref<100000x128xf32, #tpu.memory_space<hbm>> -> memref<100000x128xf32, #tpu.memory_space<hbm>>
        tpu.wait_indirect_dma semaphore(%arg33 : memref<!tpu.dma_semaphore, #tpu.memory_space<semaphore_mem>>) src(%arg21 : memref<128x128xf32, #tpu.memory_space<vmem>>) dst(%dma_wait3A_442 : memref<100000x128xf32, #tpu.memory_space<hbm>>)
      } else {
      }
      %lt3A_385 = arith.cmpi slt, %add3A_377, %select_n3A_179 : i32
      %convert_element_type3A_386 = arith.extui %lt3A_385 : i1 to i32
      %cond3A_387 = arith.constant 0 : i32
      %cond3A_388 = arith.cmpi ne, %convert_element_type3A_386, %cond3A_387 : i32
      scf.if %cond3A_388 {
        %mul3A_438 = arith.constant 128 : i32
        %mul3A_439 = arith.muli %add3A_377, %mul3A_438 : i32
        %dma_start3A = tpu.memref_slice %arg13[%mul3A_439] : memref<3328xi32, #tpu.memory_space<vmem>> -> memref<128xi32, #tpu.memory_space<vmem>>
        %dma_start3A_440 = arith.constant 0 : i32
        %dma_start3A_441 = arith.constant 0 : i32
        %dma_start3A_442 = tpu.memref_slice %arg8[%dma_start3A_440, %dma_start3A_441] : memref<16384x128xf32, #tpu.memory_space<hbm>> -> memref<16384x128xf32, #tpu.memory_space<hbm>>
        tpu.enqueue_indirect_dma source(%dma_start3A_442 : memref<16384x128xf32, #tpu.memory_space<hbm>>) target(%arg21 : memref<128x128xf32, #tpu.memory_space<vmem>>) offsets(%dma_start3A : memref<128xi32, #tpu.memory_space<vmem>>) semaphore(%arg27 : memref<!tpu.dma_semaphore, #tpu.memory_space<semaphore_mem>>)
      } else {
      }
      %mul3A_389 = arith.constant 6 : i32
      %mul3A_390 = arith.muli %mul3A_389, %while3A_298 : i32
      %add3A_391 = arith.constant 0 : i32
      %add3A_392 = arith.addi %mul3A_390, %add3A_391 : i32
      %lt3A_393 = arith.cmpi slt, %add3A_392, %select_n3A_179 : i32
      %convert_element_type3A_394 = arith.extui %lt3A_393 : i1 to i32
      %cond3A_395 = arith.constant 0 : i32
      %cond3A_396 = arith.cmpi ne, %convert_element_type3A_394, %cond3A_395 : i32
      scf.if %cond3A_396 {
        %mul3A_438 = arith.constant 128 : i32
        %mul3A_439 = arith.muli %add3A_392, %mul3A_438 : i32
        %dma_wait3A = tpu.memref_slice %arg13[%mul3A_439] : memref<3328xi32, #tpu.memory_space<vmem>> -> memref<128xi32, #tpu.memory_space<vmem>>
        %dma_wait3A_440 = arith.constant 0 : i32
        %dma_wait3A_441 = arith.constant 0 : i32
        %dma_wait3A_442 = tpu.memref_slice %arg8[%dma_wait3A_440, %dma_wait3A_441] : memref<16384x128xf32, #tpu.memory_space<hbm>> -> memref<16384x128xf32, #tpu.memory_space<hbm>>
        tpu.wait_indirect_dma semaphore(%arg22 : memref<!tpu.dma_semaphore, #tpu.memory_space<semaphore_mem>>) src(%dma_wait3A_442 : memref<16384x128xf32, #tpu.memory_space<hbm>>) dst(%arg16 : memref<128x128xf32, #tpu.memory_space<vmem>>)
        %dma_start3A = arith.constant 0 : i32
        %dma_start3A_443 = tpu.memref_slice %arg14[%add3A_392, %dma_start3A] : memref<26x128xi32, #tpu.memory_space<vmem>> -> memref<1x128xi32, #tpu.memory_space<vmem>>
        %dma_start3A_444 = tpu.memref_squeeze %dma_start3A_443 : memref<1x128xi32, #tpu.memory_space<vmem>> -> memref<128xi32, #tpu.memory_space<vmem>>
        %dma_start3A_445 = arith.constant 0 : i32
        %dma_start3A_446 = arith.constant 0 : i32
        %dma_start3A_447 = tpu.memref_slice %arg9[%dma_start3A_445, %dma_start3A_446] : memref<100000x128xf32, #tpu.memory_space<hbm>> -> memref<100000x128xf32, #tpu.memory_space<hbm>>
        tpu.enqueue_indirect_dma source(%arg16 : memref<128x128xf32, #tpu.memory_space<vmem>>) target(%dma_start3A_447 : memref<100000x128xf32, #tpu.memory_space<hbm>>) offsets(%dma_start3A_444 : memref<128xi32, #tpu.memory_space<vmem>>) semaphore(%arg28 : memref<!tpu.dma_semaphore, #tpu.memory_space<semaphore_mem>>)
      } else {
      }
      %mul3A_397 = arith.constant 6 : i32
      %mul3A_398 = arith.muli %mul3A_397, %while3A_298 : i32
      %add3A_399 = arith.constant 1 : i32
      %add3A_400 = arith.addi %mul3A_398, %add3A_399 : i32
      %lt3A_401 = arith.cmpi slt, %add3A_400, %select_n3A_179 : i32
      %convert_element_type3A_402 = arith.extui %lt3A_401 : i1 to i32
      %cond3A_403 = arith.constant 0 : i32
      %cond3A_404 = arith.cmpi ne, %convert_element_type3A_402, %cond3A_403 : i32
      scf.if %cond3A_404 {
        %mul3A_438 = arith.constant 128 : i32
        %mul3A_439 = arith.muli %add3A_400, %mul3A_438 : i32
        %dma_wait3A = tpu.memref_slice %arg13[%mul3A_439] : memref<3328xi32, #tpu.memory_space<vmem>> -> memref<128xi32, #tpu.memory_space<vmem>>
        %dma_wait3A_440 = arith.constant 0 : i32
        %dma_wait3A_441 = arith.constant 0 : i32
        %dma_wait3A_442 = tpu.memref_slice %arg8[%dma_wait3A_440, %dma_wait3A_441] : memref<16384x128xf32, #tpu.memory_space<hbm>> -> memref<16384x128xf32, #tpu.memory_space<hbm>>
        tpu.wait_indirect_dma semaphore(%arg23 : memref<!tpu.dma_semaphore, #tpu.memory_space<semaphore_mem>>) src(%dma_wait3A_442 : memref<16384x128xf32, #tpu.memory_space<hbm>>) dst(%arg17 : memref<128x128xf32, #tpu.memory_space<vmem>>)
        %dma_start3A = arith.constant 0 : i32
        %dma_start3A_443 = tpu.memref_slice %arg14[%add3A_400, %dma_start3A] : memref<26x128xi32, #tpu.memory_space<vmem>> -> memref<1x128xi32, #tpu.memory_space<vmem>>
        %dma_start3A_444 = tpu.memref_squeeze %dma_start3A_443 : memref<1x128xi32, #tpu.memory_space<vmem>> -> memref<128xi32, #tpu.memory_space<vmem>>
        %dma_start3A_445 = arith.constant 0 : i32
        %dma_start3A_446 = arith.constant 0 : i32
        %dma_start3A_447 = tpu.memref_slice %arg9[%dma_start3A_445, %dma_start3A_446] : memref<100000x128xf32, #tpu.memory_space<hbm>> -> memref<100000x128xf32, #tpu.memory_space<hbm>>
        tpu.enqueue_indirect_dma source(%arg17 : memref<128x128xf32, #tpu.memory_space<vmem>>) target(%dma_start3A_447 : memref<100000x128xf32, #tpu.memory_space<hbm>>) offsets(%dma_start3A_444 : memref<128xi32, #tpu.memory_space<vmem>>) semaphore(%arg29 : memref<!tpu.dma_semaphore, #tpu.memory_space<semaphore_mem>>)
      } else {
      }
      %mul3A_405 = arith.constant 6 : i32
      %mul3A_406 = arith.muli %mul3A_405, %while3A_298 : i32
      %add3A_407 = arith.constant 2 : i32
      %add3A_408 = arith.addi %mul3A_406, %add3A_407 : i32
      %lt3A_409 = arith.cmpi slt, %add3A_408, %select_n3A_179 : i32
      %convert_element_type3A_410 = arith.extui %lt3A_409 : i1 to i32
      %cond3A_411 = arith.constant 0 : i32
      %cond3A_412 = arith.cmpi ne, %convert_element_type3A_410, %cond3A_411 : i32
      scf.if %cond3A_412 {
        %mul3A_438 = arith.constant 128 : i32
        %mul3A_439 = arith.muli %add3A_408, %mul3A_438 : i32
        %dma_wait3A = tpu.memref_slice %arg13[%mul3A_439] : memref<3328xi32, #tpu.memory_space<vmem>> -> memref<128xi32, #tpu.memory_space<vmem>>
        %dma_wait3A_440 = arith.constant 0 : i32
        %dma_wait3A_441 = arith.constant 0 : i32
        %dma_wait3A_442 = tpu.memref_slice %arg8[%dma_wait3A_440, %dma_wait3A_441] : memref<16384x128xf32, #tpu.memory_space<hbm>> -> memref<16384x128xf32, #tpu.memory_space<hbm>>
        tpu.wait_indirect_dma semaphore(%arg24 : memref<!tpu.dma_semaphore, #tpu.memory_space<semaphore_mem>>) src(%dma_wait3A_442 : memref<16384x128xf32, #tpu.memory_space<hbm>>) dst(%arg18 : memref<128x128xf32, #tpu.memory_space<vmem>>)
        %dma_start3A = arith.constant 0 : i32
        %dma_start3A_443 = tpu.memref_slice %arg14[%add3A_408, %dma_start3A] : memref<26x128xi32, #tpu.memory_space<vmem>> -> memref<1x128xi32, #tpu.memory_space<vmem>>
        %dma_start3A_444 = tpu.memref_squeeze %dma_start3A_443 : memref<1x128xi32, #tpu.memory_space<vmem>> -> memref<128xi32, #tpu.memory_space<vmem>>
        %dma_start3A_445 = arith.constant 0 : i32
        %dma_start3A_446 = arith.constant 0 : i32
        %dma_start3A_447 = tpu.memref_slice %arg9[%dma_start3A_445, %dma_start3A_446] : memref<100000x128xf32, #tpu.memory_space<hbm>> -> memref<100000x128xf32, #tpu.memory_space<hbm>>
        tpu.enqueue_indirect_dma source(%arg18 : memref<128x128xf32, #tpu.memory_space<vmem>>) target(%dma_start3A_447 : memref<100000x128xf32, #tpu.memory_space<hbm>>) offsets(%dma_start3A_444 : memref<128xi32, #tpu.memory_space<vmem>>) semaphore(%arg30 : memref<!tpu.dma_semaphore, #tpu.memory_space<semaphore_mem>>)
      } else {
      }
      %mul3A_413 = arith.constant 6 : i32
      %mul3A_414 = arith.muli %mul3A_413, %while3A_298 : i32
      %add3A_415 = arith.constant 3 : i32
      %add3A_416 = arith.addi %mul3A_414, %add3A_415 : i32
      %lt3A_417 = arith.cmpi slt, %add3A_416, %select_n3A_179 : i32
      %convert_element_type3A_418 = arith.extui %lt3A_417 : i1 to i32
      %cond3A_419 = arith.constant 0 : i32
      %cond3A_420 = arith.cmpi ne, %convert_element_type3A_418, %cond3A_419 : i32
      scf.if %cond3A_420 {
        %mul3A_438 = arith.constant 128 : i32
        %mul3A_439 = arith.muli %add3A_416, %mul3A_438 : i32
        %dma_wait3A = tpu.memref_slice %arg13[%mul3A_439] : memref<3328xi32, #tpu.memory_space<vmem>> -> memref<128xi32, #tpu.memory_space<vmem>>
        %dma_wait3A_440 = arith.constant 0 : i32
        %dma_wait3A_441 = arith.constant 0 : i32
        %dma_wait3A_442 = tpu.memref_slice %arg8[%dma_wait3A_440, %dma_wait3A_441] : memref<16384x128xf32, #tpu.memory_space<hbm>> -> memref<16384x128xf32, #tpu.memory_space<hbm>>
        tpu.wait_indirect_dma semaphore(%arg25 : memref<!tpu.dma_semaphore, #tpu.memory_space<semaphore_mem>>) src(%dma_wait3A_442 : memref<16384x128xf32, #tpu.memory_space<hbm>>) dst(%arg19 : memref<128x128xf32, #tpu.memory_space<vmem>>)
        %dma_start3A = arith.constant 0 : i32
        %dma_start3A_443 = tpu.memref_slice %arg14[%add3A_416, %dma_start3A] : memref<26x128xi32, #tpu.memory_space<vmem>> -> memref<1x128xi32, #tpu.memory_space<vmem>>
        %dma_start3A_444 = tpu.memref_squeeze %dma_start3A_443 : memref<1x128xi32, #tpu.memory_space<vmem>> -> memref<128xi32, #tpu.memory_space<vmem>>
        %dma_start3A_445 = arith.constant 0 : i32
        %dma_start3A_446 = arith.constant 0 : i32
        %dma_start3A_447 = tpu.memref_slice %arg9[%dma_start3A_445, %dma_start3A_446] : memref<100000x128xf32, #tpu.memory_space<hbm>> -> memref<100000x128xf32, #tpu.memory_space<hbm>>
        tpu.enqueue_indirect_dma source(%arg19 : memref<128x128xf32, #tpu.memory_space<vmem>>) target(%dma_start3A_447 : memref<100000x128xf32, #tpu.memory_space<hbm>>) offsets(%dma_start3A_444 : memref<128xi32, #tpu.memory_space<vmem>>) semaphore(%arg31 : memref<!tpu.dma_semaphore, #tpu.memory_space<semaphore_mem>>)
      } else {
      }
      %mul3A_421 = arith.constant 6 : i32
      %mul3A_422 = arith.muli %mul3A_421, %while3A_298 : i32
      %add3A_423 = arith.constant 4 : i32
      %add3A_424 = arith.addi %mul3A_422, %add3A_423 : i32
      %lt3A_425 = arith.cmpi slt, %add3A_424, %select_n3A_179 : i32
      %convert_element_type3A_426 = arith.extui %lt3A_425 : i1 to i32
      %cond3A_427 = arith.constant 0 : i32
      %cond3A_428 = arith.cmpi ne, %convert_element_type3A_426, %cond3A_427 : i32
      scf.if %cond3A_428 {
        %mul3A_438 = arith.constant 128 : i32
        %mul3A_439 = arith.muli %add3A_424, %mul3A_438 : i32
        %dma_wait3A = tpu.memref_slice %arg13[%mul3A_439] : memref<3328xi32, #tpu.memory_space<vmem>> -> memref<128xi32, #tpu.memory_space<vmem>>
        %dma_wait3A_440 = arith.constant 0 : i32
        %dma_wait3A_441 = arith.constant 0 : i32
        %dma_wait3A_442 = tpu.memref_slice %arg8[%dma_wait3A_440, %dma_wait3A_441] : memref<16384x128xf32, #tpu.memory_space<hbm>> -> memref<16384x128xf32, #tpu.memory_space<hbm>>
        tpu.wait_indirect_dma semaphore(%arg26 : memref<!tpu.dma_semaphore, #tpu.memory_space<semaphore_mem>>) src(%dma_wait3A_442 : memref<16384x128xf32, #tpu.memory_space<hbm>>) dst(%arg20 : memref<128x128xf32, #tpu.memory_space<vmem>>)
        %dma_start3A = arith.constant 0 : i32
        %dma_start3A_443 = tpu.memref_slice %arg14[%add3A_424, %dma_start3A] : memref<26x128xi32, #tpu.memory_space<vmem>> -> memref<1x128xi32, #tpu.memory_space<vmem>>
        %dma_start3A_444 = tpu.memref_squeeze %dma_start3A_443 : memref<1x128xi32, #tpu.memory_space<vmem>> -> memref<128xi32, #tpu.memory_space<vmem>>
        %dma_start3A_445 = arith.constant 0 : i32
        %dma_start3A_446 = arith.constant 0 : i32
        %dma_start3A_447 = tpu.memref_slice %arg9[%dma_start3A_445, %dma_start3A_446] : memref<100000x128xf32, #tpu.memory_space<hbm>> -> memref<100000x128xf32, #tpu.memory_space<hbm>>
        tpu.enqueue_indirect_dma source(%arg20 : memref<128x128xf32, #tpu.memory_space<vmem>>) target(%dma_start3A_447 : memref<100000x128xf32, #tpu.memory_space<hbm>>) offsets(%dma_start3A_444 : memref<128xi32, #tpu.memory_space<vmem>>) semaphore(%arg32 : memref<!tpu.dma_semaphore, #tpu.memory_space<semaphore_mem>>)
      } else {
      }
      %mul3A_429 = arith.constant 6 : i32
      %mul3A_430 = arith.muli %mul3A_429, %while3A_298 : i32
      %add3A_431 = arith.constant 5 : i32
      %add3A_432 = arith.addi %mul3A_430, %add3A_431 : i32
      %lt3A_433 = arith.cmpi slt, %add3A_432, %select_n3A_179 : i32
      %convert_element_type3A_434 = arith.extui %lt3A_433 : i1 to i32
      %cond3A_435 = arith.constant 0 : i32
      %cond3A_436 = arith.cmpi ne, %convert_element_type3A_434, %cond3A_435 : i32
      scf.if %cond3A_436 {
        %mul3A_438 = arith.constant 128 : i32
        %mul3A_439 = arith.muli %add3A_432, %mul3A_438 : i32
        %dma_wait3A = tpu.memref_slice %arg13[%mul3A_439] : memref<3328xi32, #tpu.memory_space<vmem>> -> memref<128xi32, #tpu.memory_space<vmem>>
        %dma_wait3A_440 = arith.constant 0 : i32
        %dma_wait3A_441 = arith.constant 0 : i32
        %dma_wait3A_442 = tpu.memref_slice %arg8[%dma_wait3A_440, %dma_wait3A_441] : memref<16384x128xf32, #tpu.memory_space<hbm>> -> memref<16384x128xf32, #tpu.memory_space<hbm>>
        tpu.wait_indirect_dma semaphore(%arg27 : memref<!tpu.dma_semaphore, #tpu.memory_space<semaphore_mem>>) src(%dma_wait3A_442 : memref<16384x128xf32, #tpu.memory_space<hbm>>) dst(%arg21 : memref<128x128xf32, #tpu.memory_space<vmem>>)
        %dma_start3A = arith.constant 0 : i32
        %dma_start3A_443 = tpu.memref_slice %arg14[%add3A_432, %dma_start3A] : memref<26x128xi32, #tpu.memory_space<vmem>> -> memref<1x128xi32, #tpu.memory_space<vmem>>
        %dma_start3A_444 = tpu.memref_squeeze %dma_start3A_443 : memref<1x128xi32, #tpu.memory_space<vmem>> -> memref<128xi32, #tpu.memory_space<vmem>>
        %dma_start3A_445 = arith.constant 0 : i32
        %dma_start3A_446 = arith.constant 0 : i32
        %dma_start3A_447 = tpu.memref_slice %arg9[%dma_start3A_445, %dma_start3A_446] : memref<100000x128xf32, #tpu.memory_space<hbm>> -> memref<100000x128xf32, #tpu.memory_space<hbm>>
        tpu.enqueue_indirect_dma source(%arg21 : memref<128x128xf32, #tpu.memory_space<vmem>>) target(%dma_start3A_447 : memref<100000x128xf32, #tpu.memory_space<hbm>>) offsets(%dma_start3A_444 : memref<128xi32, #tpu.memory_space<vmem>>) semaphore(%arg33 : memref<!tpu.dma_semaphore, #tpu.memory_space<semaphore_mem>>)
      } else {
      }
      %while3A_437 = arith.constant 0 : i32
      scf.yield %while3A_437 : i32
    }
    %while3A_218 = arith.constant 1 : i32
    %while3A_219 = scf.for %while3A_298 = %while3A_215 to %while3A_211 step %while3A_218 iter_args(%while3A_299 = %while3A_217) -> (i32)  : i32 {
      %mul3A_300 = arith.constant 6 : i32
      %mul3A_301 = arith.muli %mul3A_300, %while3A_298 : i32
      %add3A_302 = arith.constant 0 : i32
      %add3A_303 = arith.addi %mul3A_301, %add3A_302 : i32
      %sub3A_304 = arith.constant 6 : i32
      %sub3A_305 = arith.subi %add3A_303, %sub3A_304 : i32
      %ge3A = arith.constant 0 : i32
      %ge3A_306 = arith.cmpi sge, %sub3A_305, %ge3A : i32
      %convert_element_type3A_307 = arith.extui %ge3A_306 : i1 to i32
      %cond3A_308 = arith.constant 0 : i32
      %cond3A_309 = arith.cmpi ne, %convert_element_type3A_307, %cond3A_308 : i32
      scf.if %cond3A_309 {
        %dma_wait3A = arith.constant 0 : i32
        %dma_wait3A_438 = tpu.memref_slice %arg14[%sub3A_305, %dma_wait3A] : memref<26x128xi32, #tpu.memory_space<vmem>> -> memref<1x128xi32, #tpu.memory_space<vmem>>
        %dma_wait3A_439 = tpu.memref_squeeze %dma_wait3A_438 : memref<1x128xi32, #tpu.memory_space<vmem>> -> memref<128xi32, #tpu.memory_space<vmem>>
        %dma_wait3A_440 = arith.constant 0 : i32
        %dma_wait3A_441 = arith.constant 0 : i32
        %dma_wait3A_442 = tpu.memref_slice %arg9[%dma_wait3A_440, %dma_wait3A_441] : memref<100000x128xf32, #tpu.memory_space<hbm>> -> memref<100000x128xf32, #tpu.memory_space<hbm>>
        tpu.wait_indirect_dma semaphore(%arg28 : memref<!tpu.dma_semaphore, #tpu.memory_space<semaphore_mem>>) src(%arg16 : memref<128x128xf32, #tpu.memory_space<vmem>>) dst(%dma_wait3A_442 : memref<100000x128xf32, #tpu.memory_space<hbm>>)
      } else {
      }
      %lt3A_310 = arith.cmpi slt, %add3A_303, %select_n3A_179 : i32
      %convert_element_type3A_311 = arith.extui %lt3A_310 : i1 to i32
      %cond3A_312 = arith.constant 0 : i32
      %cond3A_313 = arith.cmpi ne, %convert_element_type3A_311, %cond3A_312 : i32
      scf.if %cond3A_313 {
        %mul3A_438 = arith.constant 128 : i32
        %mul3A_439 = arith.muli %add3A_303, %mul3A_438 : i32
        %dma_start3A = tpu.memref_slice %arg13[%mul3A_439] : memref<3328xi32, #tpu.memory_space<vmem>> -> memref<128xi32, #tpu.memory_space<vmem>>
        %dma_start3A_440 = arith.constant 0 : i32
        %dma_start3A_441 = arith.constant 0 : i32
        %dma_start3A_442 = tpu.memref_slice %arg8[%dma_start3A_440, %dma_start3A_441] : memref<16384x128xf32, #tpu.memory_space<hbm>> -> memref<16384x128xf32, #tpu.memory_space<hbm>>
        tpu.enqueue_indirect_dma source(%dma_start3A_442 : memref<16384x128xf32, #tpu.memory_space<hbm>>) target(%arg16 : memref<128x128xf32, #tpu.memory_space<vmem>>) offsets(%dma_start3A : memref<128xi32, #tpu.memory_space<vmem>>) semaphore(%arg22 : memref<!tpu.dma_semaphore, #tpu.memory_space<semaphore_mem>>)
      } else {
      }
      %mul3A_314 = arith.constant 6 : i32
      %mul3A_315 = arith.muli %mul3A_314, %while3A_298 : i32
      %add3A_316 = arith.constant 1 : i32
      %add3A_317 = arith.addi %mul3A_315, %add3A_316 : i32
      %sub3A_318 = arith.constant 6 : i32
      %sub3A_319 = arith.subi %add3A_317, %sub3A_318 : i32
      %ge3A_320 = arith.constant 0 : i32
      %ge3A_321 = arith.cmpi sge, %sub3A_319, %ge3A_320 : i32
      %convert_element_type3A_322 = arith.extui %ge3A_321 : i1 to i32
      %cond3A_323 = arith.constant 0 : i32
      %cond3A_324 = arith.cmpi ne, %convert_element_type3A_322, %cond3A_323 : i32
      scf.if %cond3A_324 {
        %dma_wait3A = arith.constant 0 : i32
        %dma_wait3A_438 = tpu.memref_slice %arg14[%sub3A_319, %dma_wait3A] : memref<26x128xi32, #tpu.memory_space<vmem>> -> memref<1x128xi32, #tpu.memory_space<vmem>>
        %dma_wait3A_439 = tpu.memref_squeeze %dma_wait3A_438 : memref<1x128xi32, #tpu.memory_space<vmem>> -> memref<128xi32, #tpu.memory_space<vmem>>
        %dma_wait3A_440 = arith.constant 0 : i32
        %dma_wait3A_441 = arith.constant 0 : i32
        %dma_wait3A_442 = tpu.memref_slice %arg9[%dma_wait3A_440, %dma_wait3A_441] : memref<100000x128xf32, #tpu.memory_space<hbm>> -> memref<100000x128xf32, #tpu.memory_space<hbm>>
        tpu.wait_indirect_dma semaphore(%arg29 : memref<!tpu.dma_semaphore, #tpu.memory_space<semaphore_mem>>) src(%arg17 : memref<128x128xf32, #tpu.memory_space<vmem>>) dst(%dma_wait3A_442 : memref<100000x128xf32, #tpu.memory_space<hbm>>)
      } else {
      }
      %lt3A_325 = arith.cmpi slt, %add3A_317, %select_n3A_179 : i32
      %convert_element_type3A_326 = arith.extui %lt3A_325 : i1 to i32
      %cond3A_327 = arith.constant 0 : i32
      %cond3A_328 = arith.cmpi ne, %convert_element_type3A_326, %cond3A_327 : i32
      scf.if %cond3A_328 {
        %mul3A_438 = arith.constant 128 : i32
        %mul3A_439 = arith.muli %add3A_317, %mul3A_438 : i32
        %dma_start3A = tpu.memref_slice %arg13[%mul3A_439] : memref<3328xi32, #tpu.memory_space<vmem>> -> memref<128xi32, #tpu.memory_space<vmem>>
        %dma_start3A_440 = arith.constant 0 : i32
        %dma_start3A_441 = arith.constant 0 : i32
        %dma_start3A_442 = tpu.memref_slice %arg8[%dma_start3A_440, %dma_start3A_441] : memref<16384x128xf32, #tpu.memory_space<hbm>> -> memref<16384x128xf32, #tpu.memory_space<hbm>>
        tpu.enqueue_indirect_dma source(%dma_start3A_442 : memref<16384x128xf32, #tpu.memory_space<hbm>>) target(%arg17 : memref<128x128xf32, #tpu.memory_space<vmem>>) offsets(%dma_start3A : memref<128xi32, #tpu.memory_space<vmem>>) semaphore(%arg23 : memref<!tpu.dma_semaphore, #tpu.memory_space<semaphore_mem>>)
      } else {
      }
      %mul3A_329 = arith.constant 6 : i32
      %mul3A_330 = arith.muli %mul3A_329, %while3A_298 : i32
      %add3A_331 = arith.constant 2 : i32
      %add3A_332 = arith.addi %mul3A_330, %add3A_331 : i32
      %sub3A_333 = arith.constant 6 : i32
      %sub3A_334 = arith.subi %add3A_332, %sub3A_333 : i32
      %ge3A_335 = arith.constant 0 : i32
      %ge3A_336 = arith.cmpi sge, %sub3A_334, %ge3A_335 : i32
      %convert_element_type3A_337 = arith.extui %ge3A_336 : i1 to i32
      %cond3A_338 = arith.constant 0 : i32
      %cond3A_339 = arith.cmpi ne, %convert_element_type3A_337, %cond3A_338 : i32
      scf.if %cond3A_339 {
        %dma_wait3A = arith.constant 0 : i32
        %dma_wait3A_438 = tpu.memref_slice %arg14[%sub3A_334, %dma_wait3A] : memref<26x128xi32, #tpu.memory_space<vmem>> -> memref<1x128xi32, #tpu.memory_space<vmem>>
        %dma_wait3A_439 = tpu.memref_squeeze %dma_wait3A_438 : memref<1x128xi32, #tpu.memory_space<vmem>> -> memref<128xi32, #tpu.memory_space<vmem>>
        %dma_wait3A_440 = arith.constant 0 : i32
        %dma_wait3A_441 = arith.constant 0 : i32
        %dma_wait3A_442 = tpu.memref_slice %arg9[%dma_wait3A_440, %dma_wait3A_441] : memref<100000x128xf32, #tpu.memory_space<hbm>> -> memref<100000x128xf32, #tpu.memory_space<hbm>>
        tpu.wait_indirect_dma semaphore(%arg30 : memref<!tpu.dma_semaphore, #tpu.memory_space<semaphore_mem>>) src(%arg18 : memref<128x128xf32, #tpu.memory_space<vmem>>) dst(%dma_wait3A_442 : memref<100000x128xf32, #tpu.memory_space<hbm>>)
      } else {
      }
      %lt3A_340 = arith.cmpi slt, %add3A_332, %select_n3A_179 : i32
      %convert_element_type3A_341 = arith.extui %lt3A_340 : i1 to i32
      %cond3A_342 = arith.constant 0 : i32
      %cond3A_343 = arith.cmpi ne, %convert_element_type3A_341, %cond3A_342 : i32
      scf.if %cond3A_343 {
        %mul3A_438 = arith.constant 128 : i32
        %mul3A_439 = arith.muli %add3A_332, %mul3A_438 : i32
        %dma_start3A = tpu.memref_slice %arg13[%mul3A_439] : memref<3328xi32, #tpu.memory_space<vmem>> -> memref<128xi32, #tpu.memory_space<vmem>>
        %dma_start3A_440 = arith.constant 0 : i32
        %dma_start3A_441 = arith.constant 0 : i32
        %dma_start3A_442 = tpu.memref_slice %arg8[%dma_start3A_440, %dma_start3A_441] : memref<16384x128xf32, #tpu.memory_space<hbm>> -> memref<16384x128xf32, #tpu.memory_space<hbm>>
        tpu.enqueue_indirect_dma source(%dma_start3A_442 : memref<16384x128xf32, #tpu.memory_space<hbm>>) target(%arg18 : memref<128x128xf32, #tpu.memory_space<vmem>>) offsets(%dma_start3A : memref<128xi32, #tpu.memory_space<vmem>>) semaphore(%arg24 : memref<!tpu.dma_semaphore, #tpu.memory_space<semaphore_mem>>)
      } else {
      }
      %mul3A_344 = arith.constant 6 : i32
      %mul3A_345 = arith.muli %mul3A_344, %while3A_298 : i32
      %add3A_346 = arith.constant 3 : i32
      %add3A_347 = arith.addi %mul3A_345, %add3A_346 : i32
      %sub3A_348 = arith.constant 6 : i32
      %sub3A_349 = arith.subi %add3A_347, %sub3A_348 : i32
      %ge3A_350 = arith.constant 0 : i32
      %ge3A_351 = arith.cmpi sge, %sub3A_349, %ge3A_350 : i32
      %convert_element_type3A_352 = arith.extui %ge3A_351 : i1 to i32
      %cond3A_353 = arith.constant 0 : i32
      %cond3A_354 = arith.cmpi ne, %convert_element_type3A_352, %cond3A_353 : i32
      scf.if %cond3A_354 {
        %dma_wait3A = arith.constant 0 : i32
        %dma_wait3A_438 = tpu.memref_slice %arg14[%sub3A_349, %dma_wait3A] : memref<26x128xi32, #tpu.memory_space<vmem>> -> memref<1x128xi32, #tpu.memory_space<vmem>>
        %dma_wait3A_439 = tpu.memref_squeeze %dma_wait3A_438 : memref<1x128xi32, #tpu.memory_space<vmem>> -> memref<128xi32, #tpu.memory_space<vmem>>
        %dma_wait3A_440 = arith.constant 0 : i32
        %dma_wait3A_441 = arith.constant 0 : i32
        %dma_wait3A_442 = tpu.memref_slice %arg9[%dma_wait3A_440, %dma_wait3A_441] : memref<100000x128xf32, #tpu.memory_space<hbm>> -> memref<100000x128xf32, #tpu.memory_space<hbm>>
        tpu.wait_indirect_dma semaphore(%arg31 : memref<!tpu.dma_semaphore, #tpu.memory_space<semaphore_mem>>) src(%arg19 : memref<128x128xf32, #tpu.memory_space<vmem>>) dst(%dma_wait3A_442 : memref<100000x128xf32, #tpu.memory_space<hbm>>)
      } else {
      }
      %lt3A_355 = arith.cmpi slt, %add3A_347, %select_n3A_179 : i32
      %convert_element_type3A_356 = arith.extui %lt3A_355 : i1 to i32
      %cond3A_357 = arith.constant 0 : i32
      %cond3A_358 = arith.cmpi ne, %convert_element_type3A_356, %cond3A_357 : i32
      scf.if %cond3A_358 {
        %mul3A_438 = arith.constant 128 : i32
        %mul3A_439 = arith.muli %add3A_347, %mul3A_438 : i32
        %dma_start3A = tpu.memref_slice %arg13[%mul3A_439] : memref<3328xi32, #tpu.memory_space<vmem>> -> memref<128xi32, #tpu.memory_space<vmem>>
        %dma_start3A_440 = arith.constant 0 : i32
        %dma_start3A_441 = arith.constant 0 : i32
        %dma_start3A_442 = tpu.memref_slice %arg8[%dma_start3A_440, %dma_start3A_441] : memref<16384x128xf32, #tpu.memory_space<hbm>> -> memref<16384x128xf32, #tpu.memory_space<hbm>>
        tpu.enqueue_indirect_dma source(%dma_start3A_442 : memref<16384x128xf32, #tpu.memory_space<hbm>>) target(%arg19 : memref<128x128xf32, #tpu.memory_space<vmem>>) offsets(%dma_start3A : memref<128xi32, #tpu.memory_space<vmem>>) semaphore(%arg25 : memref<!tpu.dma_semaphore, #tpu.memory_space<semaphore_mem>>)
      } else {
      }
      %mul3A_359 = arith.constant 6 : i32
      %mul3A_360 = arith.muli %mul3A_359, %while3A_298 : i32
      %add3A_361 = arith.constant 4 : i32
      %add3A_362 = arith.addi %mul3A_360, %add3A_361 : i32
      %sub3A_363 = arith.constant 6 : i32
      %sub3A_364 = arith.subi %add3A_362, %sub3A_363 : i32
      %ge3A_365 = arith.constant 0 : i32
      %ge3A_366 = arith.cmpi sge, %sub3A_364, %ge3A_365 : i32
      %convert_element_type3A_367 = arith.extui %ge3A_366 : i1 to i32
      %cond3A_368 = arith.constant 0 : i32
      %cond3A_369 = arith.cmpi ne, %convert_element_type3A_367, %cond3A_368 : i32
      scf.if %cond3A_369 {
        %dma_wait3A = arith.constant 0 : i32
        %dma_wait3A_438 = tpu.memref_slice %arg14[%sub3A_364, %dma_wait3A] : memref<26x128xi32, #tpu.memory_space<vmem>> -> memref<1x128xi32, #tpu.memory_space<vmem>>
        %dma_wait3A_439 = tpu.memref_squeeze %dma_wait3A_438 : memref<1x128xi32, #tpu.memory_space<vmem>> -> memref<128xi32, #tpu.memory_space<vmem>>
        %dma_wait3A_440 = arith.constant 0 : i32
        %dma_wait3A_441 = arith.constant 0 : i32
        %dma_wait3A_442 = tpu.memref_slice %arg9[%dma_wait3A_440, %dma_wait3A_441] : memref<100000x128xf32, #tpu.memory_space<hbm>> -> memref<100000x128xf32, #tpu.memory_space<hbm>>
        tpu.wait_indirect_dma semaphore(%arg32 : memref<!tpu.dma_semaphore, #tpu.memory_space<semaphore_mem>>) src(%arg20 : memref<128x128xf32, #tpu.memory_space<vmem>>) dst(%dma_wait3A_442 : memref<100000x128xf32, #tpu.memory_space<hbm>>)
      } else {
      }
      %lt3A_370 = arith.cmpi slt, %add3A_362, %select_n3A_179 : i32
      %convert_element_type3A_371 = arith.extui %lt3A_370 : i1 to i32
      %cond3A_372 = arith.constant 0 : i32
      %cond3A_373 = arith.cmpi ne, %convert_element_type3A_371, %cond3A_372 : i32
      scf.if %cond3A_373 {
        %mul3A_438 = arith.constant 128 : i32
        %mul3A_439 = arith.muli %add3A_362, %mul3A_438 : i32
        %dma_start3A = tpu.memref_slice %arg13[%mul3A_439] : memref<3328xi32, #tpu.memory_space<vmem>> -> memref<128xi32, #tpu.memory_space<vmem>>
        %dma_start3A_440 = arith.constant 0 : i32
        %dma_start3A_441 = arith.constant 0 : i32
        %dma_start3A_442 = tpu.memref_slice %arg8[%dma_start3A_440, %dma_start3A_441] : memref<16384x128xf32, #tpu.memory_space<hbm>> -> memref<16384x128xf32, #tpu.memory_space<hbm>>
        tpu.enqueue_indirect_dma source(%dma_start3A_442 : memref<16384x128xf32, #tpu.memory_space<hbm>>) target(%arg20 : memref<128x128xf32, #tpu.memory_space<vmem>>) offsets(%dma_start3A : memref<128xi32, #tpu.memory_space<vmem>>) semaphore(%arg26 : memref<!tpu.dma_semaphore, #tpu.memory_space<semaphore_mem>>)
      } else {
      }
      %mul3A_374 = arith.constant 6 : i32
      %mul3A_375 = arith.muli %mul3A_374, %while3A_298 : i32
      %add3A_376 = arith.constant 5 : i32
      %add3A_377 = arith.addi %mul3A_375, %add3A_376 : i32
      %sub3A_378 = arith.constant 6 : i32
      %sub3A_379 = arith.subi %add3A_377, %sub3A_378 : i32
      %ge3A_380 = arith.constant 0 : i32
      %ge3A_381 = arith.cmpi sge, %sub3A_379, %ge3A_380 : i32
      %convert_element_type3A_382 = arith.extui %ge3A_381 : i1 to i32
      %cond3A_383 = arith.constant 0 : i32
      %cond3A_384 = arith.cmpi ne, %convert_element_type3A_382, %cond3A_383 : i32
      scf.if %cond3A_384 {
        %dma_wait3A = arith.constant 0 : i32
        %dma_wait3A_438 = tpu.memref_slice %arg14[%sub3A_379, %dma_wait3A] : memref<26x128xi32, #tpu.memory_space<vmem>> -> memref<1x128xi32, #tpu.memory_space<vmem>>
        %dma_wait3A_439 = tpu.memref_squeeze %dma_wait3A_438 : memref<1x128xi32, #tpu.memory_space<vmem>> -> memref<128xi32, #tpu.memory_space<vmem>>
        %dma_wait3A_440 = arith.constant 0 : i32
        %dma_wait3A_441 = arith.constant 0 : i32
        %dma_wait3A_442 = tpu.memref_slice %arg9[%dma_wait3A_440, %dma_wait3A_441] : memref<100000x128xf32, #tpu.memory_space<hbm>> -> memref<100000x128xf32, #tpu.memory_space<hbm>>
        tpu.wait_indirect_dma semaphore(%arg33 : memref<!tpu.dma_semaphore, #tpu.memory_space<semaphore_mem>>) src(%arg21 : memref<128x128xf32, #tpu.memory_space<vmem>>) dst(%dma_wait3A_442 : memref<100000x128xf32, #tpu.memory_space<hbm>>)
      } else {
      }
      %lt3A_385 = arith.cmpi slt, %add3A_377, %select_n3A_179 : i32
      %convert_element_type3A_386 = arith.extui %lt3A_385 : i1 to i32
      %cond3A_387 = arith.constant 0 : i32
      %cond3A_388 = arith.cmpi ne, %convert_element_type3A_386, %cond3A_387 : i32
      scf.if %cond3A_388 {
        %mul3A_438 = arith.constant 128 : i32
        %mul3A_439 = arith.muli %add3A_377, %mul3A_438 : i32
        %dma_start3A = tpu.memref_slice %arg13[%mul3A_439] : memref<3328xi32, #tpu.memory_space<vmem>> -> memref<128xi32, #tpu.memory_space<vmem>>
        %dma_start3A_440 = arith.constant 0 : i32
        %dma_start3A_441 = arith.constant 0 : i32
        %dma_start3A_442 = tpu.memref_slice %arg8[%dma_start3A_440, %dma_start3A_441] : memref<16384x128xf32, #tpu.memory_space<hbm>> -> memref<16384x128xf32, #tpu.memory_space<hbm>>
        tpu.enqueue_indirect_dma source(%dma_start3A_442 : memref<16384x128xf32, #tpu.memory_space<hbm>>) target(%arg21 : memref<128x128xf32, #tpu.memory_space<vmem>>) offsets(%dma_start3A : memref<128xi32, #tpu.memory_space<vmem>>) semaphore(%arg27 : memref<!tpu.dma_semaphore, #tpu.memory_space<semaphore_mem>>)
      } else {
      }
      %mul3A_389 = arith.constant 6 : i32
      %mul3A_390 = arith.muli %mul3A_389, %while3A_298 : i32
      %add3A_391 = arith.constant 0 : i32
      %add3A_392 = arith.addi %mul3A_390, %add3A_391 : i32
      %lt3A_393 = arith.cmpi slt, %add3A_392, %select_n3A_179 : i32
      %convert_element_type3A_394 = arith.extui %lt3A_393 : i1 to i32
      %cond3A_395 = arith.constant 0 : i32
      %cond3A_396 = arith.cmpi ne, %convert_element_type3A_394, %cond3A_395 : i32
      scf.if %cond3A_396 {
        %mul3A_438 = arith.constant 128 : i32
        %mul3A_439 = arith.muli %add3A_392, %mul3A_438 : i32
        %dma_wait3A = tpu.memref_slice %arg13[%mul3A_439] : memref<3328xi32, #tpu.memory_space<vmem>> -> memref<128xi32, #tpu.memory_space<vmem>>
        %dma_wait3A_440 = arith.constant 0 : i32
        %dma_wait3A_441 = arith.constant 0 : i32
        %dma_wait3A_442 = tpu.memref_slice %arg8[%dma_wait3A_440, %dma_wait3A_441] : memref<16384x128xf32, #tpu.memory_space<hbm>> -> memref<16384x128xf32, #tpu.memory_space<hbm>>
        tpu.wait_indirect_dma semaphore(%arg22 : memref<!tpu.dma_semaphore, #tpu.memory_space<semaphore_mem>>) src(%dma_wait3A_442 : memref<16384x128xf32, #tpu.memory_space<hbm>>) dst(%arg16 : memref<128x128xf32, #tpu.memory_space<vmem>>)
        %dma_start3A = arith.constant 0 : i32
        %dma_start3A_443 = tpu.memref_slice %arg14[%add3A_392, %dma_start3A] : memref<26x128xi32, #tpu.memory_space<vmem>> -> memref<1x128xi32, #tpu.memory_space<vmem>>
        %dma_start3A_444 = tpu.memref_squeeze %dma_start3A_443 : memref<1x128xi32, #tpu.memory_space<vmem>> -> memref<128xi32, #tpu.memory_space<vmem>>
        %dma_start3A_445 = arith.constant 0 : i32
        %dma_start3A_446 = arith.constant 0 : i32
        %dma_start3A_447 = tpu.memref_slice %arg9[%dma_start3A_445, %dma_start3A_446] : memref<100000x128xf32, #tpu.memory_space<hbm>> -> memref<100000x128xf32, #tpu.memory_space<hbm>>
        tpu.enqueue_indirect_dma source(%arg16 : memref<128x128xf32, #tpu.memory_space<vmem>>) target(%dma_start3A_447 : memref<100000x128xf32, #tpu.memory_space<hbm>>) offsets(%dma_start3A_444 : memref<128xi32, #tpu.memory_space<vmem>>) semaphore(%arg28 : memref<!tpu.dma_semaphore, #tpu.memory_space<semaphore_mem>>)
      } else {
      }
      %mul3A_397 = arith.constant 6 : i32
      %mul3A_398 = arith.muli %mul3A_397, %while3A_298 : i32
      %add3A_399 = arith.constant 1 : i32
      %add3A_400 = arith.addi %mul3A_398, %add3A_399 : i32
      %lt3A_401 = arith.cmpi slt, %add3A_400, %select_n3A_179 : i32
      %convert_element_type3A_402 = arith.extui %lt3A_401 : i1 to i32
      %cond3A_403 = arith.constant 0 : i32
      %cond3A_404 = arith.cmpi ne, %convert_element_type3A_402, %cond3A_403 : i32
      scf.if %cond3A_404 {
        %mul3A_438 = arith.constant 128 : i32
        %mul3A_439 = arith.muli %add3A_400, %mul3A_438 : i32
        %dma_wait3A = tpu.memref_slice %arg13[%mul3A_439] : memref<3328xi32, #tpu.memory_space<vmem>> -> memref<128xi32, #tpu.memory_space<vmem>>
        %dma_wait3A_440 = arith.constant 0 : i32
        %dma_wait3A_441 = arith.constant 0 : i32
        %dma_wait3A_442 = tpu.memref_slice %arg8[%dma_wait3A_440, %dma_wait3A_441] : memref<16384x128xf32, #tpu.memory_space<hbm>> -> memref<16384x128xf32, #tpu.memory_space<hbm>>
        tpu.wait_indirect_dma semaphore(%arg23 : memref<!tpu.dma_semaphore, #tpu.memory_space<semaphore_mem>>) src(%dma_wait3A_442 : memref<16384x128xf32, #tpu.memory_space<hbm>>) dst(%arg17 : memref<128x128xf32, #tpu.memory_space<vmem>>)
        %dma_start3A = arith.constant 0 : i32
        %dma_start3A_443 = tpu.memref_slice %arg14[%add3A_400, %dma_start3A] : memref<26x128xi32, #tpu.memory_space<vmem>> -> memref<1x128xi32, #tpu.memory_space<vmem>>
        %dma_start3A_444 = tpu.memref_squeeze %dma_start3A_443 : memref<1x128xi32, #tpu.memory_space<vmem>> -> memref<128xi32, #tpu.memory_space<vmem>>
        %dma_start3A_445 = arith.constant 0 : i32
        %dma_start3A_446 = arith.constant 0 : i32
        %dma_start3A_447 = tpu.memref_slice %arg9[%dma_start3A_445, %dma_start3A_446] : memref<100000x128xf32, #tpu.memory_space<hbm>> -> memref<100000x128xf32, #tpu.memory_space<hbm>>
        tpu.enqueue_indirect_dma source(%arg17 : memref<128x128xf32, #tpu.memory_space<vmem>>) target(%dma_start3A_447 : memref<100000x128xf32, #tpu.memory_space<hbm>>) offsets(%dma_start3A_444 : memref<128xi32, #tpu.memory_space<vmem>>) semaphore(%arg29 : memref<!tpu.dma_semaphore, #tpu.memory_space<semaphore_mem>>)
      } else {
      }
      %mul3A_405 = arith.constant 6 : i32
      %mul3A_406 = arith.muli %mul3A_405, %while3A_298 : i32
      %add3A_407 = arith.constant 2 : i32
      %add3A_408 = arith.addi %mul3A_406, %add3A_407 : i32
      %lt3A_409 = arith.cmpi slt, %add3A_408, %select_n3A_179 : i32
      %convert_element_type3A_410 = arith.extui %lt3A_409 : i1 to i32
      %cond3A_411 = arith.constant 0 : i32
      %cond3A_412 = arith.cmpi ne, %convert_element_type3A_410, %cond3A_411 : i32
      scf.if %cond3A_412 {
        %mul3A_438 = arith.constant 128 : i32
        %mul3A_439 = arith.muli %add3A_408, %mul3A_438 : i32
        %dma_wait3A = tpu.memref_slice %arg13[%mul3A_439] : memref<3328xi32, #tpu.memory_space<vmem>> -> memref<128xi32, #tpu.memory_space<vmem>>
        %dma_wait3A_440 = arith.constant 0 : i32
        %dma_wait3A_441 = arith.constant 0 : i32
        %dma_wait3A_442 = tpu.memref_slice %arg8[%dma_wait3A_440, %dma_wait3A_441] : memref<16384x128xf32, #tpu.memory_space<hbm>> -> memref<16384x128xf32, #tpu.memory_space<hbm>>
        tpu.wait_indirect_dma semaphore(%arg24 : memref<!tpu.dma_semaphore, #tpu.memory_space<semaphore_mem>>) src(%dma_wait3A_442 : memref<16384x128xf32, #tpu.memory_space<hbm>>) dst(%arg18 : memref<128x128xf32, #tpu.memory_space<vmem>>)
        %dma_start3A = arith.constant 0 : i32
        %dma_start3A_443 = tpu.memref_slice %arg14[%add3A_408, %dma_start3A] : memref<26x128xi32, #tpu.memory_space<vmem>> -> memref<1x128xi32, #tpu.memory_space<vmem>>
        %dma_start3A_444 = tpu.memref_squeeze %dma_start3A_443 : memref<1x128xi32, #tpu.memory_space<vmem>> -> memref<128xi32, #tpu.memory_space<vmem>>
        %dma_start3A_445 = arith.constant 0 : i32
        %dma_start3A_446 = arith.constant 0 : i32
        %dma_start3A_447 = tpu.memref_slice %arg9[%dma_start3A_445, %dma_start3A_446] : memref<100000x128xf32, #tpu.memory_space<hbm>> -> memref<100000x128xf32, #tpu.memory_space<hbm>>
        tpu.enqueue_indirect_dma source(%arg18 : memref<128x128xf32, #tpu.memory_space<vmem>>) target(%dma_start3A_447 : memref<100000x128xf32, #tpu.memory_space<hbm>>) offsets(%dma_start3A_444 : memref<128xi32, #tpu.memory_space<vmem>>) semaphore(%arg30 : memref<!tpu.dma_semaphore, #tpu.memory_space<semaphore_mem>>)
      } else {
      }
      %mul3A_413 = arith.constant 6 : i32
      %mul3A_414 = arith.muli %mul3A_413, %while3A_298 : i32
      %add3A_415 = arith.constant 3 : i32
      %add3A_416 = arith.addi %mul3A_414, %add3A_415 : i32
      %lt3A_417 = arith.cmpi slt, %add3A_416, %select_n3A_179 : i32
      %convert_element_type3A_418 = arith.extui %lt3A_417 : i1 to i32
      %cond3A_419 = arith.constant 0 : i32
      %cond3A_420 = arith.cmpi ne, %convert_element_type3A_418, %cond3A_419 : i32
      scf.if %cond3A_420 {
        %mul3A_438 = arith.constant 128 : i32
        %mul3A_439 = arith.muli %add3A_416, %mul3A_438 : i32
        %dma_wait3A = tpu.memref_slice %arg13[%mul3A_439] : memref<3328xi32, #tpu.memory_space<vmem>> -> memref<128xi32, #tpu.memory_space<vmem>>
        %dma_wait3A_440 = arith.constant 0 : i32
        %dma_wait3A_441 = arith.constant 0 : i32
        %dma_wait3A_442 = tpu.memref_slice %arg8[%dma_wait3A_440, %dma_wait3A_441] : memref<16384x128xf32, #tpu.memory_space<hbm>> -> memref<16384x128xf32, #tpu.memory_space<hbm>>
        tpu.wait_indirect_dma semaphore(%arg25 : memref<!tpu.dma_semaphore, #tpu.memory_space<semaphore_mem>>) src(%dma_wait3A_442 : memref<16384x128xf32, #tpu.memory_space<hbm>>) dst(%arg19 : memref<128x128xf32, #tpu.memory_space<vmem>>)
        %dma_start3A = arith.constant 0 : i32
        %dma_start3A_443 = tpu.memref_slice %arg14[%add3A_416, %dma_start3A] : memref<26x128xi32, #tpu.memory_space<vmem>> -> memref<1x128xi32, #tpu.memory_space<vmem>>
        %dma_start3A_444 = tpu.memref_squeeze %dma_start3A_443 : memref<1x128xi32, #tpu.memory_space<vmem>> -> memref<128xi32, #tpu.memory_space<vmem>>
        %dma_start3A_445 = arith.constant 0 : i32
        %dma_start3A_446 = arith.constant 0 : i32
        %dma_start3A_447 = tpu.memref_slice %arg9[%dma_start3A_445, %dma_start3A_446] : memref<100000x128xf32, #tpu.memory_space<hbm>> -> memref<100000x128xf32, #tpu.memory_space<hbm>>
        tpu.enqueue_indirect_dma source(%arg19 : memref<128x128xf32, #tpu.memory_space<vmem>>) target(%dma_start3A_447 : memref<100000x128xf32, #tpu.memory_space<hbm>>) offsets(%dma_start3A_444 : memref<128xi32, #tpu.memory_space<vmem>>) semaphore(%arg31 : memref<!tpu.dma_semaphore, #tpu.memory_space<semaphore_mem>>)
      } else {
      }
      %mul3A_421 = arith.constant 6 : i32
      %mul3A_422 = arith.muli %mul3A_421, %while3A_298 : i32
      %add3A_423 = arith.constant 4 : i32
      %add3A_424 = arith.addi %mul3A_422, %add3A_423 : i32
      %lt3A_425 = arith.cmpi slt, %add3A_424, %select_n3A_179 : i32
      %convert_element_type3A_426 = arith.extui %lt3A_425 : i1 to i32
      %cond3A_427 = arith.constant 0 : i32
      %cond3A_428 = arith.cmpi ne, %convert_element_type3A_426, %cond3A_427 : i32
      scf.if %cond3A_428 {
        %mul3A_438 = arith.constant 128 : i32
        %mul3A_439 = arith.muli %add3A_424, %mul3A_438 : i32
        %dma_wait3A = tpu.memref_slice %arg13[%mul3A_439] : memref<3328xi32, #tpu.memory_space<vmem>> -> memref<128xi32, #tpu.memory_space<vmem>>
        %dma_wait3A_440 = arith.constant 0 : i32
        %dma_wait3A_441 = arith.constant 0 : i32
        %dma_wait3A_442 = tpu.memref_slice %arg8[%dma_wait3A_440, %dma_wait3A_441] : memref<16384x128xf32, #tpu.memory_space<hbm>> -> memref<16384x128xf32, #tpu.memory_space<hbm>>
        tpu.wait_indirect_dma semaphore(%arg26 : memref<!tpu.dma_semaphore, #tpu.memory_space<semaphore_mem>>) src(%dma_wait3A_442 : memref<16384x128xf32, #tpu.memory_space<hbm>>) dst(%arg20 : memref<128x128xf32, #tpu.memory_space<vmem>>)
        %dma_start3A = arith.constant 0 : i32
        %dma_start3A_443 = tpu.memref_slice %arg14[%add3A_424, %dma_start3A] : memref<26x128xi32, #tpu.memory_space<vmem>> -> memref<1x128xi32, #tpu.memory_space<vmem>>
        %dma_start3A_444 = tpu.memref_squeeze %dma_start3A_443 : memref<1x128xi32, #tpu.memory_space<vmem>> -> memref<128xi32, #tpu.memory_space<vmem>>
        %dma_start3A_445 = arith.constant 0 : i32
        %dma_start3A_446 = arith.constant 0 : i32
        %dma_start3A_447 = tpu.memref_slice %arg9[%dma_start3A_445, %dma_start3A_446] : memref<100000x128xf32, #tpu.memory_space<hbm>> -> memref<100000x128xf32, #tpu.memory_space<hbm>>
        tpu.enqueue_indirect_dma source(%arg20 : memref<128x128xf32, #tpu.memory_space<vmem>>) target(%dma_start3A_447 : memref<100000x128xf32, #tpu.memory_space<hbm>>) offsets(%dma_start3A_444 : memref<128xi32, #tpu.memory_space<vmem>>) semaphore(%arg32 : memref<!tpu.dma_semaphore, #tpu.memory_space<semaphore_mem>>)
      } else {
      }
      %mul3A_429 = arith.constant 6 : i32
      %mul3A_430 = arith.muli %mul3A_429, %while3A_298 : i32
      %add3A_431 = arith.constant 5 : i32
      %add3A_432 = arith.addi %mul3A_430, %add3A_431 : i32
      %lt3A_433 = arith.cmpi slt, %add3A_432, %select_n3A_179 : i32
      %convert_element_type3A_434 = arith.extui %lt3A_433 : i1 to i32
      %cond3A_435 = arith.constant 0 : i32
      %cond3A_436 = arith.cmpi ne, %convert_element_type3A_434, %cond3A_435 : i32
      scf.if %cond3A_436 {
        %mul3A_438 = arith.constant 128 : i32
        %mul3A_439 = arith.muli %add3A_432, %mul3A_438 : i32
        %dma_wait3A = tpu.memref_slice %arg13[%mul3A_439] : memref<3328xi32, #tpu.memory_space<vmem>> -> memref<128xi32, #tpu.memory_space<vmem>>
        %dma_wait3A_440 = arith.constant 0 : i32
        %dma_wait3A_441 = arith.constant 0 : i32
        %dma_wait3A_442 = tpu.memref_slice %arg8[%dma_wait3A_440, %dma_wait3A_441] : memref<16384x128xf32, #tpu.memory_space<hbm>> -> memref<16384x128xf32, #tpu.memory_space<hbm>>
        tpu.wait_indirect_dma semaphore(%arg27 : memref<!tpu.dma_semaphore, #tpu.memory_space<semaphore_mem>>) src(%dma_wait3A_442 : memref<16384x128xf32, #tpu.memory_space<hbm>>) dst(%arg21 : memref<128x128xf32, #tpu.memory_space<vmem>>)
        %dma_start3A = arith.constant 0 : i32
        %dma_start3A_443 = tpu.memref_slice %arg14[%add3A_432, %dma_start3A] : memref<26x128xi32, #tpu.memory_space<vmem>> -> memref<1x128xi32, #tpu.memory_space<vmem>>
        %dma_start3A_444 = tpu.memref_squeeze %dma_start3A_443 : memref<1x128xi32, #tpu.memory_space<vmem>> -> memref<128xi32, #tpu.memory_space<vmem>>
        %dma_start3A_445 = arith.constant 0 : i32
        %dma_start3A_446 = arith.constant 0 : i32
        %dma_start3A_447 = tpu.memref_slice %arg9[%dma_start3A_445, %dma_start3A_446] : memref<100000x128xf32, #tpu.memory_space<hbm>> -> memref<100000x128xf32, #tpu.memory_space<hbm>>
        tpu.enqueue_indirect_dma source(%arg21 : memref<128x128xf32, #tpu.memory_space<vmem>>) target(%dma_start3A_447 : memref<100000x128xf32, #tpu.memory_space<hbm>>) offsets(%dma_start3A_444 : memref<128xi32, #tpu.memory_space<vmem>>) semaphore(%arg33 : memref<!tpu.dma_semaphore, #tpu.memory_space<semaphore_mem>>)
      } else {
      }
      %while3A_437 = arith.constant 0 : i32
      scf.yield %while3A_437 : i32
    }
    %sub3A_220 = arith.constant 1 : i32
    %sub3A_221 = arith.subi %select_n3A_207, %sub3A_220 : i32
    %mul3A_222 = arith.constant 6 : i32
    %mul3A_223 = arith.muli %mul3A_222, %sub3A_221 : i32
    %add3A_224 = arith.constant 0 : i32
    %add3A_225 = arith.addi %mul3A_223, %add3A_224 : i32
    %gt3A_226 = arith.constant 0 : i32
    %gt3A_227 = arith.cmpi sgt, %select_n3A_207, %gt3A_226 : i32
    %lt3A_228 = arith.cmpi slt, %add3A_225, %select_n3A_179 : i32
    %and3A_229 = arith.andi %gt3A_227, %lt3A_228 : i1
    %convert_element_type3A_230 = arith.extui %and3A_229 : i1 to i32
    %cond3A_231 = arith.constant 0 : i32
    %cond3A_232 = arith.cmpi ne, %convert_element_type3A_230, %cond3A_231 : i32
    scf.if %cond3A_232 {
      %dma_wait3A = arith.constant 0 : i32
      %dma_wait3A_298 = tpu.memref_slice %arg14[%add3A_225, %dma_wait3A] : memref<26x128xi32, #tpu.memory_space<vmem>> -> memref<1x128xi32, #tpu.memory_space<vmem>>
      %dma_wait3A_299 = tpu.memref_squeeze %dma_wait3A_298 : memref<1x128xi32, #tpu.memory_space<vmem>> -> memref<128xi32, #tpu.memory_space<vmem>>
      %dma_wait3A_300 = arith.constant 0 : i32
      %dma_wait3A_301 = arith.constant 0 : i32
      %dma_wait3A_302 = tpu.memref_slice %arg9[%dma_wait3A_300, %dma_wait3A_301] : memref<100000x128xf32, #tpu.memory_space<hbm>> -> memref<100000x128xf32, #tpu.memory_space<hbm>>
      tpu.wait_indirect_dma semaphore(%arg28 : memref<!tpu.dma_semaphore, #tpu.memory_space<semaphore_mem>>) src(%arg16 : memref<128x128xf32, #tpu.memory_space<vmem>>) dst(%dma_wait3A_302 : memref<100000x128xf32, #tpu.memory_space<hbm>>)
    } else {
    }
    %sub3A_233 = arith.constant 1 : i32
    %sub3A_234 = arith.subi %select_n3A_207, %sub3A_233 : i32
    %mul3A_235 = arith.constant 6 : i32
    %mul3A_236 = arith.muli %mul3A_235, %sub3A_234 : i32
    %add3A_237 = arith.constant 1 : i32
    %add3A_238 = arith.addi %mul3A_236, %add3A_237 : i32
    %gt3A_239 = arith.constant 0 : i32
    %gt3A_240 = arith.cmpi sgt, %select_n3A_207, %gt3A_239 : i32
    %lt3A_241 = arith.cmpi slt, %add3A_238, %select_n3A_179 : i32
    %and3A_242 = arith.andi %gt3A_240, %lt3A_241 : i1
    %convert_element_type3A_243 = arith.extui %and3A_242 : i1 to i32
    %cond3A_244 = arith.constant 0 : i32
    %cond3A_245 = arith.cmpi ne, %convert_element_type3A_243, %cond3A_244 : i32
    scf.if %cond3A_245 {
      %dma_wait3A = arith.constant 0 : i32
      %dma_wait3A_298 = tpu.memref_slice %arg14[%add3A_238, %dma_wait3A] : memref<26x128xi32, #tpu.memory_space<vmem>> -> memref<1x128xi32, #tpu.memory_space<vmem>>
      %dma_wait3A_299 = tpu.memref_squeeze %dma_wait3A_298 : memref<1x128xi32, #tpu.memory_space<vmem>> -> memref<128xi32, #tpu.memory_space<vmem>>
      %dma_wait3A_300 = arith.constant 0 : i32
      %dma_wait3A_301 = arith.constant 0 : i32
      %dma_wait3A_302 = tpu.memref_slice %arg9[%dma_wait3A_300, %dma_wait3A_301] : memref<100000x128xf32, #tpu.memory_space<hbm>> -> memref<100000x128xf32, #tpu.memory_space<hbm>>
      tpu.wait_indirect_dma semaphore(%arg29 : memref<!tpu.dma_semaphore, #tpu.memory_space<semaphore_mem>>) src(%arg17 : memref<128x128xf32, #tpu.memory_space<vmem>>) dst(%dma_wait3A_302 : memref<100000x128xf32, #tpu.memory_space<hbm>>)
    } else {
    }
    %sub3A_246 = arith.constant 1 : i32
    %sub3A_247 = arith.subi %select_n3A_207, %sub3A_246 : i32
    %mul3A_248 = arith.constant 6 : i32
    %mul3A_249 = arith.muli %mul3A_248, %sub3A_247 : i32
    %add3A_250 = arith.constant 2 : i32
    %add3A_251 = arith.addi %mul3A_249, %add3A_250 : i32
    %gt3A_252 = arith.constant 0 : i32
    %gt3A_253 = arith.cmpi sgt, %select_n3A_207, %gt3A_252 : i32
    %lt3A_254 = arith.cmpi slt, %add3A_251, %select_n3A_179 : i32
    %and3A_255 = arith.andi %gt3A_253, %lt3A_254 : i1
    %convert_element_type3A_256 = arith.extui %and3A_255 : i1 to i32
    %cond3A_257 = arith.constant 0 : i32
    %cond3A_258 = arith.cmpi ne, %convert_element_type3A_256, %cond3A_257 : i32
    scf.if %cond3A_258 {
      %dma_wait3A = arith.constant 0 : i32
      %dma_wait3A_298 = tpu.memref_slice %arg14[%add3A_251, %dma_wait3A] : memref<26x128xi32, #tpu.memory_space<vmem>> -> memref<1x128xi32, #tpu.memory_space<vmem>>
      %dma_wait3A_299 = tpu.memref_squeeze %dma_wait3A_298 : memref<1x128xi32, #tpu.memory_space<vmem>> -> memref<128xi32, #tpu.memory_space<vmem>>
      %dma_wait3A_300 = arith.constant 0 : i32
      %dma_wait3A_301 = arith.constant 0 : i32
      %dma_wait3A_302 = tpu.memref_slice %arg9[%dma_wait3A_300, %dma_wait3A_301] : memref<100000x128xf32, #tpu.memory_space<hbm>> -> memref<100000x128xf32, #tpu.memory_space<hbm>>
      tpu.wait_indirect_dma semaphore(%arg30 : memref<!tpu.dma_semaphore, #tpu.memory_space<semaphore_mem>>) src(%arg18 : memref<128x128xf32, #tpu.memory_space<vmem>>) dst(%dma_wait3A_302 : memref<100000x128xf32, #tpu.memory_space<hbm>>)
    } else {
    }
    %sub3A_259 = arith.constant 1 : i32
    %sub3A_260 = arith.subi %select_n3A_207, %sub3A_259 : i32
    %mul3A_261 = arith.constant 6 : i32
    %mul3A_262 = arith.muli %mul3A_261, %sub3A_260 : i32
    %add3A_263 = arith.constant 3 : i32
    %add3A_264 = arith.addi %mul3A_262, %add3A_263 : i32
    %gt3A_265 = arith.constant 0 : i32
    %gt3A_266 = arith.cmpi sgt, %select_n3A_207, %gt3A_265 : i32
    %lt3A_267 = arith.cmpi slt, %add3A_264, %select_n3A_179 : i32
    %and3A_268 = arith.andi %gt3A_266, %lt3A_267 : i1
    %convert_element_type3A_269 = arith.extui %and3A_268 : i1 to i32
    %cond3A_270 = arith.constant 0 : i32
    %cond3A_271 = arith.cmpi ne, %convert_element_type3A_269, %cond3A_270 : i32
    scf.if %cond3A_271 {
      %dma_wait3A = arith.constant 0 : i32
      %dma_wait3A_298 = tpu.memref_slice %arg14[%add3A_264, %dma_wait3A] : memref<26x128xi32, #tpu.memory_space<vmem>> -> memref<1x128xi32, #tpu.memory_space<vmem>>
      %dma_wait3A_299 = tpu.memref_squeeze %dma_wait3A_298 : memref<1x128xi32, #tpu.memory_space<vmem>> -> memref<128xi32, #tpu.memory_space<vmem>>
      %dma_wait3A_300 = arith.constant 0 : i32
      %dma_wait3A_301 = arith.constant 0 : i32
      %dma_wait3A_302 = tpu.memref_slice %arg9[%dma_wait3A_300, %dma_wait3A_301] : memref<100000x128xf32, #tpu.memory_space<hbm>> -> memref<100000x128xf32, #tpu.memory_space<hbm>>
      tpu.wait_indirect_dma semaphore(%arg31 : memref<!tpu.dma_semaphore, #tpu.memory_space<semaphore_mem>>) src(%arg19 : memref<128x128xf32, #tpu.memory_space<vmem>>) dst(%dma_wait3A_302 : memref<100000x128xf32, #tpu.memory_space<hbm>>)
    } else {
    }
    %sub3A_272 = arith.constant 1 : i32
    %sub3A_273 = arith.subi %select_n3A_207, %sub3A_272 : i32
    %mul3A_274 = arith.constant 6 : i32
    %mul3A_275 = arith.muli %mul3A_274, %sub3A_273 : i32
    %add3A_276 = arith.constant 4 : i32
    %add3A_277 = arith.addi %mul3A_275, %add3A_276 : i32
    %gt3A_278 = arith.constant 0 : i32
    %gt3A_279 = arith.cmpi sgt, %select_n3A_207, %gt3A_278 : i32
    %lt3A_280 = arith.cmpi slt, %add3A_277, %select_n3A_179 : i32
    %and3A_281 = arith.andi %gt3A_279, %lt3A_280 : i1
    %convert_element_type3A_282 = arith.extui %and3A_281 : i1 to i32
    %cond3A_283 = arith.constant 0 : i32
    %cond3A_284 = arith.cmpi ne, %convert_element_type3A_282, %cond3A_283 : i32
    scf.if %cond3A_284 {
      %dma_wait3A = arith.constant 0 : i32
      %dma_wait3A_298 = tpu.memref_slice %arg14[%add3A_277, %dma_wait3A] : memref<26x128xi32, #tpu.memory_space<vmem>> -> memref<1x128xi32, #tpu.memory_space<vmem>>
      %dma_wait3A_299 = tpu.memref_squeeze %dma_wait3A_298 : memref<1x128xi32, #tpu.memory_space<vmem>> -> memref<128xi32, #tpu.memory_space<vmem>>
      %dma_wait3A_300 = arith.constant 0 : i32
      %dma_wait3A_301 = arith.constant 0 : i32
      %dma_wait3A_302 = tpu.memref_slice %arg9[%dma_wait3A_300, %dma_wait3A_301] : memref<100000x128xf32, #tpu.memory_space<hbm>> -> memref<100000x128xf32, #tpu.memory_space<hbm>>
      tpu.wait_indirect_dma semaphore(%arg32 : memref<!tpu.dma_semaphore, #tpu.memory_space<semaphore_mem>>) src(%arg20 : memref<128x128xf32, #tpu.memory_space<vmem>>) dst(%dma_wait3A_302 : memref<100000x128xf32, #tpu.memory_space<hbm>>)
    } else {
    }
    %sub3A_285 = arith.constant 1 : i32
    %sub3A_286 = arith.subi %select_n3A_207, %sub3A_285 : i32
    %mul3A_287 = arith.constant 6 : i32
    %mul3A_288 = arith.muli %mul3A_287, %sub3A_286 : i32
    %add3A_289 = arith.constant 5 : i32
    %add3A_290 = arith.addi %mul3A_288, %add3A_289 : i32
    %gt3A_291 = arith.constant 0 : i32
    %gt3A_292 = arith.cmpi sgt, %select_n3A_207, %gt3A_291 : i32
    %lt3A_293 = arith.cmpi slt, %add3A_290, %select_n3A_179 : i32
    %and3A_294 = arith.andi %gt3A_292, %lt3A_293 : i1
    %convert_element_type3A_295 = arith.extui %and3A_294 : i1 to i32
    %cond3A_296 = arith.constant 0 : i32
    %cond3A_297 = arith.cmpi ne, %convert_element_type3A_295, %cond3A_296 : i32
    scf.if %cond3A_297 {
      %dma_wait3A = arith.constant 0 : i32
      %dma_wait3A_298 = tpu.memref_slice %arg14[%add3A_290, %dma_wait3A] : memref<26x128xi32, #tpu.memory_space<vmem>> -> memref<1x128xi32, #tpu.memory_space<vmem>>
      %dma_wait3A_299 = tpu.memref_squeeze %dma_wait3A_298 : memref<1x128xi32, #tpu.memory_space<vmem>> -> memref<128xi32, #tpu.memory_space<vmem>>
      %dma_wait3A_300 = arith.constant 0 : i32
      %dma_wait3A_301 = arith.constant 0 : i32
      %dma_wait3A_302 = tpu.memref_slice %arg9[%dma_wait3A_300, %dma_wait3A_301] : memref<100000x128xf32, #tpu.memory_space<hbm>> -> memref<100000x128xf32, #tpu.memory_space<hbm>>
      tpu.wait_indirect_dma semaphore(%arg33 : memref<!tpu.dma_semaphore, #tpu.memory_space<semaphore_mem>>) src(%arg21 : memref<128x128xf32, #tpu.memory_space<vmem>>) dst(%dma_wait3A_302 : memref<100000x128xf32, #tpu.memory_space<hbm>>)
    } else {
    }
    return
  }
}

module attributes {stable_mosaic.version = 14 : i64} {
  func.func @_dense_body(%arg0: i32, %arg1: memref<1568x128xf32, #tpu.memory_space<vmem>>, %arg2: memref<256x128xf32, #tpu.memory_space<vmem>>, %arg3: memref<256x128xf32, #tpu.memory_space<vmem>>, %arg4: memref<1x1x256xf32, #tpu.memory_space<vmem>>, %arg5: memref<1x1x256xi32, #tpu.memory_space<vmem>>, %arg6: memref<1x1x256xf32, #tpu.memory_space<vmem>>, %arg7: memref<1x1x256xf32, #tpu.memory_space<vmem>>, %arg8: memref<128x128xf32, #tpu.memory_space<vmem>>, %arg9: memref<128x128xf32, #tpu.memory_space<vmem>>, %arg10: memref<128x128xf32, #tpu.memory_space<vmem>>, %arg11: memref<1x128xf32, #tpu.memory_space<vmem>>, %arg12: memref<1x128xf32, #tpu.memory_space<vmem>>, %arg13: memref<8x128xf32, #tpu.memory_space<vmem>>, %arg14: memref<1568x128xf32, #tpu.memory_space<vmem>>, %arg15: memref<256x128xf32, #tpu.memory_space<vmem>>, %arg16: memref<256x128xf32, #tpu.memory_space<vmem>>, %arg17: memref<1x1x256xf32, #tpu.memory_space<vmem>>) attributes {dimension_semantics = [#tpu.dimension_semantics<arbitrary>], iteration_bounds = array<i64: 64>, scalar_prefetch = 0 : i64, scratch_operands = 0 : i64, tpu.core_type = #tpu.core_type<tc>, window_params = [{transform_indices = @transform_0, window_bounds = array<i64: 1568, 128>}, {transform_indices = @transform_1, window_bounds = array<i64: 256, 128>}, {transform_indices = @transform_2, window_bounds = array<i64: 256, 128>}, {transform_indices = @transform_3, window_bounds = array<i64: 1, 1, 256>}, {transform_indices = @transform_4, window_bounds = array<i64: 1, 1, 256>}, {transform_indices = @transform_5, window_bounds = array<i64: 1, 1, 256>}, {transform_indices = @transform_6, window_bounds = array<i64: 1, 1, 256>}, {pipeline_mode = #tpu.pipeline_mode<synchronous>, transform_indices = @transform_7, window_bounds = array<i64: 128, 128>}, {pipeline_mode = #tpu.pipeline_mode<synchronous>, transform_indices = @transform_8, window_bounds = array<i64: 128, 128>}, {pipeline_mode = #tpu.pipeline_mode<synchronous>, transform_indices = @transform_9, window_bounds = array<i64: 128, 128>}, {pipeline_mode = #tpu.pipeline_mode<synchronous>, transform_indices = @transform_10, window_bounds = array<i64: 1, 128>}, {pipeline_mode = #tpu.pipeline_mode<synchronous>, transform_indices = @transform_11, window_bounds = array<i64: 1, 128>}, {pipeline_mode = #tpu.pipeline_mode<synchronous>, transform_indices = @transform_12, window_bounds = array<i64: 8, 128>}, {transform_indices = @transform_13, window_bounds = array<i64: 1568, 128>}, {transform_indices = @transform_14, window_bounds = array<i64: 256, 128>}, {transform_indices = @transform_15, window_bounds = array<i64: 256, 128>}, {transform_indices = @transform_16, window_bounds = array<i64: 1, 1, 256>}]} {
    %get3A = arith.constant 0 : index
    %get3A_0 = arith.constant 0 : index
    %get3A_1 = vector.load %arg1[%get3A, %get3A_0] : memref<1568x128xf32, #tpu.memory_space<vmem>>, vector<1568x128xf32>
    %swap3A = arith.constant 0 : index
    %swap3A_2 = arith.constant 0 : index
    %swap3A_3 = vector.load %arg14[%swap3A, %swap3A_2] : memref<1568x128xf32, #tpu.memory_space<vmem>>, vector<1568x128xf32>
    tpu.vector_store %arg14[%swap3A, %swap3A_2], %get3A_1 {strides = array<i32>} : memref<1568x128xf32, #tpu.memory_space<vmem>>, vector<1568x128xf32>,
    %get3A_4 = arith.constant 0 : index
    %get3A_5 = arith.constant 0 : index
    %get3A_6 = vector.load %arg2[%get3A_4, %get3A_5] : memref<256x128xf32, #tpu.memory_space<vmem>>, vector<256x128xf32>
    %get3A_7 = arith.constant 0 : index
    %get3A_8 = arith.constant 0 : index
    %get3A_9 = vector.load %arg3[%get3A_7, %get3A_8] : memref<256x128xf32, #tpu.memory_space<vmem>>, vector<256x128xf32>
    %get3A_10 = arith.constant 0 : index
    %get3A_11 = arith.constant 0 : index
    %get3A_12 = vector.load %arg8[%get3A_10, %get3A_11] : memref<128x128xf32, #tpu.memory_space<vmem>>, vector<128x128xf32>
    %get3A_13 = arith.constant 0 : index
    %get3A_14 = arith.constant 0 : index
    %get3A_15 = vector.load %arg9[%get3A_13, %get3A_14] : memref<128x128xf32, #tpu.memory_space<vmem>>, vector<128x128xf32>
    %get3A_16 = arith.constant 0 : index
    %get3A_17 = arith.constant 0 : index
    %get3A_18 = vector.load %arg10[%get3A_16, %get3A_17] : memref<128x128xf32, #tpu.memory_space<vmem>>, vector<128x128xf32>
    %get3A_19 = arith.constant 0 : index
    %get3A_20 = arith.constant 0 : index
    %get3A_21 = vector.load %arg11[%get3A_19, %get3A_20] : memref<1x128xf32, #tpu.memory_space<vmem>>, vector<1x128xf32>
    %get3A_22 = arith.constant 0 : index
    %get3A_23 = arith.constant 0 : index
    %get3A_24 = vector.load %arg12[%get3A_22, %get3A_23] : memref<1x128xf32, #tpu.memory_space<vmem>>, vector<1x128xf32>
    %add3A = arith.addf %get3A_6, %get3A_9 : vector<256x128xf32>
    %get3A_25 = arith.constant 0 : index
    %get3A_26 = arith.constant 0 : index
    %get3A_27 = vector.load %arg13[%get3A_25, %get3A_26] : memref<8x128xf32, #tpu.memory_space<vmem>>, vector<8x128xf32>
    %dot_general3A = arith.constant dense<0.000000e+00> : vector<8x256xf32>
    %dot_general3A_28 = tpu.matmul %get3A_27, %add3A, %dot_general3A {dimension_numbers = #tpu.dot_dimension_numbers<[1], [1], [0], [0], [0, 0, 1, 0], [], []>, transpose_lhs_hint = false} : vector<8x128xf32>, vector<256x128xf32>, vector<8x256xf32> -> vector<8x256xf32>
    %get3A_29 = arith.constant 0 : index
    %get3A_30 = arith.constant 0 : index
    %get3A_31 = arith.constant 0 : index
    %get3A_32 = vector.load %arg5[%get3A_29, %get3A_30, %get3A_31] : memref<1x1x256xi32, #tpu.memory_space<vmem>>, vector<1x1x256xi32>
    %get3A_33 = vector.shape_cast %get3A_32 : vector<1x1x256xi32> to vector<1x256xi32>
    %eq3A = arith.constant 0 : i32
    %eq3A_34 = vector.broadcast %eq3A : i32 to vector<1x256xi32>
    %eq3A_35 = arith.cmpi eq, %get3A_33, %eq3A_34 : vector<1x256xi32>
    %slice3A = vector.extract_strided_slice %dot_general3A_28 {offsets = [0, 0], sizes = [1, 256], strides = [1, 1]} : vector<8x256xf32> to vector<1x256xf32>
    %slice3A_36 = vector.extract_strided_slice %dot_general3A_28 {offsets = [1, 0], sizes = [1, 256], strides = [1, 1]} : vector<8x256xf32> to vector<1x256xf32>
    %select_n3A = arith.select %eq3A_35, %slice3A, %slice3A_36 : vector<1x256xi1>, vector<1x256xf32>
    %get3A_37 = arith.constant 0 : index
    %get3A_38 = arith.constant 0 : index
    %get3A_39 = arith.constant 0 : index
    %get3A_40 = vector.load %arg7[%get3A_37, %get3A_38, %get3A_39] : memref<1x1x256xf32, #tpu.memory_space<vmem>>, vector<1x1x256xf32>
    %get3A_41 = vector.shape_cast %get3A_40 : vector<1x1x256xf32> to vector<1x256xf32>
    %add3A_42 = arith.addf %select_n3A, %get3A_41 : vector<1x256xf32>
    %get3A_43 = arith.constant 0 : index
    %get3A_44 = arith.constant 0 : index
    %get3A_45 = arith.constant 0 : index
    %get3A_46 = vector.load %arg6[%get3A_43, %get3A_44, %get3A_45] : memref<1x1x256xf32, #tpu.memory_space<vmem>>, vector<1x1x256xf32>
    %get3A_47 = vector.shape_cast %get3A_46 : vector<1x1x256xf32> to vector<1x256xf32>
    %div3A = arith.divf %add3A_42, %get3A_47 : vector<1x256xf32>
    %jit3A = arith.constant -7.500000e+01 : f32
    %jit3A_48 = arith.constant 7.500000e+01 : f32
    %max3A = vector.broadcast %jit3A : f32 to vector<1x256xf32>
    %max3A_49 = arith.maximumf %max3A, %div3A : vector<1x256xf32>
    %min3A = vector.broadcast %jit3A_48 : f32 to vector<1x256xf32>
    %min3A_50 = arith.minimumf %min3A, %max3A_49 : vector<1x256xf32>
    %exp3A = math.exp %min3A_50 : vector<1x256xf32>
    %log1p3A = math.log1p %exp3A : vector<1x256xf32>
    %mul3A = arith.mulf %get3A_47, %log1p3A : vector<1x256xf32>
    %swap3A_51 = arith.constant 0 : index
    %swap3A_52 = arith.constant 0 : index
    %swap3A_53 = arith.constant 0 : index
    %swap3A_54 = vector.load %arg17[%swap3A_51, %swap3A_52, %swap3A_53] : memref<1x1x256xf32, #tpu.memory_space<vmem>>, vector<1x1x256xf32>
    %swap3A_55 = vector.shape_cast %swap3A_54 : vector<1x1x256xf32> to vector<1x256xf32>
    %swap3A_56 = vector.shape_cast %mul3A : vector<1x256xf32> to vector<1x1x256xf32>
    tpu.vector_store %arg17[%swap3A_51, %swap3A_52, %swap3A_53], %swap3A_56 {strides = array<i32>} : memref<1x1x256xf32, #tpu.memory_space<vmem>>, vector<1x1x256xf32>,
    %get3A_57 = arith.constant 0 : index
    %get3A_58 = arith.constant 0 : index
    %get3A_59 = arith.constant 0 : index
    %get3A_60 = vector.load %arg4[%get3A_57, %get3A_58, %get3A_59] : memref<1x1x256xf32, #tpu.memory_space<vmem>>, vector<1x1x256xf32>
    %get3A_61 = vector.shape_cast %get3A_60 : vector<1x1x256xf32> to vector<1x256xf32>
    %reshape3A = vector.shape_cast %get3A_61 : vector<1x256xf32> to vector<256x1xf32>
    %mul3A_62 = vector.broadcast %reshape3A : vector<256x1xf32> to vector<256x128xf32>
    %mul3A_63 = vector.broadcast %get3A_21 : vector<1x128xf32> to vector<256x128xf32>
    %mul3A_64 = arith.mulf %mul3A_62, %mul3A_63 : vector<256x128xf32>
    %dot_general3A_65 = arith.constant dense<0.000000e+00> : vector<256x128xf32>
    %dot_general3A_66 = tpu.matmul %get3A_9, %get3A_18, %dot_general3A_65 {dimension_numbers = #tpu.dot_dimension_numbers<[1], [1], [0], [0], [0, 0, 1, 0], [], []>, transpose_lhs_hint = false} : vector<256x128xf32>, vector<128x128xf32>, vector<256x128xf32> -> vector<256x128xf32>
    %add3A_67 = vector.broadcast %get3A_24 : vector<1x128xf32> to vector<256x128xf32>
    %add3A_68 = arith.addf %dot_general3A_66, %add3A_67 : vector<256x128xf32>
    %logistic3A = arith.negf %add3A_68 : vector<256x128xf32>
    %logistic3A_69 = math.exp %logistic3A : vector<256x128xf32>
    %logistic3A_70 = arith.constant 1.000000e+00 : f32
    %logistic3A_71 = vector.broadcast %logistic3A_70 : f32 to vector<256x128xf32>
    %logistic3A_72 = arith.addf %logistic3A_71, %logistic3A_69 : vector<256x128xf32>
    %logistic3A_73 = arith.divf %logistic3A_71, %logistic3A_72 : vector<256x128xf32>
    %dot_general3A_74 = arith.constant dense<0.000000e+00> : vector<256x128xf32>
    %dot_general3A_75 = tpu.matmul %get3A_6, %get3A_18, %dot_general3A_74 {dimension_numbers = #tpu.dot_dimension_numbers<[1], [1], [0], [0], [0, 0, 1, 0], [], []>, transpose_lhs_hint = false} : vector<256x128xf32>, vector<128x128xf32>, vector<256x128xf32> -> vector<256x128xf32>
    %add3A_76 = vector.broadcast %get3A_24 : vector<1x128xf32> to vector<256x128xf32>
    %add3A_77 = arith.addf %dot_general3A_75, %add3A_76 : vector<256x128xf32>
    %logistic3A_78 = arith.negf %add3A_77 : vector<256x128xf32>
    %logistic3A_79 = math.exp %logistic3A_78 : vector<256x128xf32>
    %logistic3A_80 = arith.constant 1.000000e+00 : f32
    %logistic3A_81 = vector.broadcast %logistic3A_80 : f32 to vector<256x128xf32>
    %logistic3A_82 = arith.addf %logistic3A_81, %logistic3A_79 : vector<256x128xf32>
    %logistic3A_83 = arith.divf %logistic3A_81, %logistic3A_82 : vector<256x128xf32>
    %dot_general3A_84 = arith.constant dense<0.000000e+00> : vector<256x128xf32>
    %dot_general3A_85 = tpu.matmul %logistic3A_73, %get3A_12, %dot_general3A_84 {dimension_numbers = #tpu.dot_dimension_numbers<[1], [1], [0], [0], [0, 0, 1, 0], [], []>, transpose_lhs_hint = false} : vector<256x128xf32>, vector<128x128xf32>, vector<256x128xf32> -> vector<256x128xf32>
    %dot_general3A_86 = arith.constant dense<0.000000e+00> : vector<256x128xf32>
    %dot_general3A_87 = tpu.matmul %get3A_6, %get3A_15, %dot_general3A_86 {dimension_numbers = #tpu.dot_dimension_numbers<[1], [1], [0], [0], [0, 0, 1, 0], [], []>, transpose_lhs_hint = false} : vector<256x128xf32>, vector<128x128xf32>, vector<256x128xf32> -> vector<256x128xf32>
    %add3A_88 = arith.addf %dot_general3A_85, %dot_general3A_87 : vector<256x128xf32>
    %add3A_89 = arith.addf %add3A_88, %mul3A_64 : vector<256x128xf32>
    %logistic3A_90 = arith.negf %add3A_89 : vector<256x128xf32>
    %logistic3A_91 = math.exp %logistic3A_90 : vector<256x128xf32>
    %logistic3A_92 = arith.constant 1.000000e+00 : f32
    %logistic3A_93 = vector.broadcast %logistic3A_92 : f32 to vector<256x128xf32>
    %logistic3A_94 = arith.addf %logistic3A_93, %logistic3A_91 : vector<256x128xf32>
    %logistic3A_95 = arith.divf %logistic3A_93, %logistic3A_94 : vector<256x128xf32>
    %swap3A_96 = arith.constant 0 : index
    %swap3A_97 = arith.constant 0 : index
    %swap3A_98 = vector.load %arg15[%swap3A_96, %swap3A_97] : memref<256x128xf32, #tpu.memory_space<vmem>>, vector<256x128xf32>
    tpu.vector_store %arg15[%swap3A_96, %swap3A_97], %logistic3A_95 {strides = array<i32>} : memref<256x128xf32, #tpu.memory_space<vmem>>, vector<256x128xf32>,
    %dot_general3A_99 = arith.constant dense<0.000000e+00> : vector<256x128xf32>
    %dot_general3A_100 = tpu.matmul %logistic3A_83, %get3A_12, %dot_general3A_99 {dimension_numbers = #tpu.dot_dimension_numbers<[1], [1], [0], [0], [0, 0, 1, 0], [], []>, transpose_lhs_hint = false} : vector<256x128xf32>, vector<128x128xf32>, vector<256x128xf32> -> vector<256x128xf32>
    %dot_general3A_101 = arith.constant dense<0.000000e+00> : vector<256x128xf32>
    %dot_general3A_102 = tpu.matmul %get3A_9, %get3A_15, %dot_general3A_101 {dimension_numbers = #tpu.dot_dimension_numbers<[1], [1], [0], [0], [0, 0, 1, 0], [], []>, transpose_lhs_hint = false} : vector<256x128xf32>, vector<128x128xf32>, vector<256x128xf32> -> vector<256x128xf32>
    %add3A_103 = arith.addf %dot_general3A_100, %dot_general3A_102 : vector<256x128xf32>
    %add3A_104 = arith.addf %add3A_103, %mul3A_64 : vector<256x128xf32>
    %logistic3A_105 = arith.negf %add3A_104 : vector<256x128xf32>
    %logistic3A_106 = math.exp %logistic3A_105 : vector<256x128xf32>
    %logistic3A_107 = arith.constant 1.000000e+00 : f32
    %logistic3A_108 = vector.broadcast %logistic3A_107 : f32 to vector<256x128xf32>
    %logistic3A_109 = arith.addf %logistic3A_108, %logistic3A_106 : vector<256x128xf32>
    %logistic3A_110 = arith.divf %logistic3A_108, %logistic3A_109 : vector<256x128xf32>
    %swap3A_111 = arith.constant 0 : index
    %swap3A_112 = arith.constant 0 : index
    %swap3A_113 = vector.load %arg16[%swap3A_111, %swap3A_112] : memref<256x128xf32, #tpu.memory_space<vmem>>, vector<256x128xf32>
    tpu.vector_store %arg16[%swap3A_111, %swap3A_112], %logistic3A_110 {strides = array<i32>} : memref<256x128xf32, #tpu.memory_space<vmem>>, vector<256x128xf32>,
    return
  }
  func.func @transform_0(%arg0: i32) -> (i32, i32) {
    %c0_i32 = arith.constant 0 : i32
    %c0_i32_0 = arith.constant 0 : i32
    return %arg0, %c0_i32 : i32, i32
  }
  func.func @transform_1(%arg0: i32) -> (i32, i32) {
    %c0_i32 = arith.constant 0 : i32
    %c0_i32_0 = arith.constant 0 : i32
    return %arg0, %c0_i32 : i32, i32
  }
  func.func @transform_2(%arg0: i32) -> (i32, i32) {
    %add3A = arith.constant 64 : i32
    %add3A_0 = arith.addi %arg0, %add3A : i32
    %c0_i32 = arith.constant 0 : i32
    %c0_i32_1 = arith.constant 0 : i32
    return %add3A_0, %c0_i32 : i32, i32
  }
  func.func @transform_3(%arg0: i32) -> (i32, i32, i32) {
    %c0_i32 = arith.constant 0 : i32
    %c0_i32_0 = arith.constant 0 : i32
    %c0_i32_1 = arith.constant 0 : i32
    return %arg0, %c0_i32, %c0_i32_0 : i32, i32, i32
  }
  func.func @transform_4(%arg0: i32) -> (i32, i32, i32) {
    %c0_i32 = arith.constant 0 : i32
    %c0_i32_0 = arith.constant 0 : i32
    %c0_i32_1 = arith.constant 0 : i32
    return %arg0, %c0_i32, %c0_i32_0 : i32, i32, i32
  }
  func.func @transform_5(%arg0: i32) -> (i32, i32, i32) {
    %c0_i32 = arith.constant 0 : i32
    %c0_i32_0 = arith.constant 0 : i32
    %c0_i32_1 = arith.constant 0 : i32
    return %arg0, %c0_i32, %c0_i32_0 : i32, i32, i32
  }
  func.func @transform_6(%arg0: i32) -> (i32, i32, i32) {
    %c0_i32 = arith.constant 0 : i32
    %c0_i32_0 = arith.constant 0 : i32
    %c0_i32_1 = arith.constant 0 : i32
    return %arg0, %c0_i32, %c0_i32_0 : i32, i32, i32
  }
  func.func @transform_7(%arg0: i32) -> (i32, i32) {
    %c0_i32 = arith.constant 0 : i32
    %c0_i32_0 = arith.constant 0 : i32
    %c0_i32_1 = arith.constant 0 : i32
    return %c0_i32, %c0_i32_0 : i32, i32
  }
  func.func @transform_8(%arg0: i32) -> (i32, i32) {
    %c0_i32 = arith.constant 0 : i32
    %c0_i32_0 = arith.constant 0 : i32
    %c0_i32_1 = arith.constant 0 : i32
    return %c0_i32, %c0_i32_0 : i32, i32
  }
  func.func @transform_9(%arg0: i32) -> (i32, i32) {
    %c0_i32 = arith.constant 0 : i32
    %c0_i32_0 = arith.constant 0 : i32
    %c0_i32_1 = arith.constant 0 : i32
    return %c0_i32, %c0_i32_0 : i32, i32
  }
  func.func @transform_10(%arg0: i32) -> (i32, i32) {
    %c0_i32 = arith.constant 0 : i32
    %c0_i32_0 = arith.constant 0 : i32
    %c0_i32_1 = arith.constant 0 : i32
    return %c0_i32, %c0_i32_0 : i32, i32
  }
  func.func @transform_11(%arg0: i32) -> (i32, i32) {
    %c0_i32 = arith.constant 0 : i32
    %c0_i32_0 = arith.constant 0 : i32
    %c0_i32_1 = arith.constant 0 : i32
    return %c0_i32, %c0_i32_0 : i32, i32
  }
  func.func @transform_12(%arg0: i32) -> (i32, i32) {
    %c0_i32 = arith.constant 0 : i32
    %c0_i32_0 = arith.constant 0 : i32
    %c0_i32_1 = arith.constant 0 : i32
    return %c0_i32, %c0_i32_0 : i32, i32
  }
  func.func @transform_13(%arg0: i32) -> (i32, i32) {
    %c0_i32 = arith.constant 0 : i32
    %c0_i32_0 = arith.constant 0 : i32
    return %arg0, %c0_i32 : i32, i32
  }
  func.func @transform_14(%arg0: i32) -> (i32, i32) {
    %c0_i32 = arith.constant 0 : i32
    %c0_i32_0 = arith.constant 0 : i32
    return %arg0, %c0_i32 : i32, i32
  }
  func.func @transform_15(%arg0: i32) -> (i32, i32) {
    %c0_i32 = arith.constant 0 : i32
    %c0_i32_0 = arith.constant 0 : i32
    return %arg0, %c0_i32 : i32, i32
  }
  func.func @transform_16(%arg0: i32) -> (i32, i32, i32) {
    %c0_i32 = arith.constant 0 : i32
    %c0_i32_0 = arith.constant 0 : i32
    %c0_i32_1 = arith.constant 0 : i32
    return %arg0, %c0_i32, %c0_i32_0 : i32, i32, i32
  }
}

</mosaic_0001>

<sc_bundles>
// kernel: kernel.12.cloned.1.call-start
scs
__scs_entry_jumppad:
0x0: {  	(pc) =	sbr.rel $0x88, $3  }
0x1: {  	(tag) =	ssettag $0x0;
	lr =	simm.s32 $0x1  }
0x2: {  	[smem:$0x3F93] =	sst lr;
	_ =	strace $0xD0000000  }
0x3: {  	_ = 	snop  }
0x4: {  	_ = 	snop  }
0x5: {  	_ = 	snop  }
0x6: {  	_ = 	snop  }
0x7: {  	_ = 	snop  }
__scs_overlays_trampoline_lowered:
0x8: {  	[smem:$0x3FA2] =	sst s0  }
0x9: {  	[smem:$0x3FA3] =	sst s1  }
0xa: {  	[smem:$0x3FA4] =	sst s2  }
0xb: {  	[smem:$0x3FA5] =	sst s3  }
0xc: {  	[smem:$0x3FA6] =	sst s4  }
0xd: {  	[smem:$0x3FA7] =	sst s5  }
0xe: {  	[smem:$0x3FA8] =	sst s6  }
0xf: {  	[smem:$0x3FA9] =	sst s7  }
0x10: {  	[smem:$0x3FAA] =	sst s8  }
0x11: {  	[smem:$0x3FAB] =	sst s9;
	s0 =	simm.s32 @!p0 $0x0  }
0x12: {  	s1 =	sld [smem:$0x3F91];
	s0 =	simm.s32 @p0 $0x1  }
0x13: {  	[smem:$0x3FAC] =	sst s0;
	s0 =	simm.s32 @!p1 $0x0  }
0x14: {  	s2 =	sld [smem:$0x3F90];
	s0 =	simm.s32 @p1 $0x1  }
0x15: {  	[smem:$0x3FAD] =	sst s0;
	s0 =	simm.s32 @!p2 $0x0  }
0x16: {  	s3 =	sld [smem:$0x3FDB];
	s0 =	simm.s32 @p2 $0x1  }
0x17: {  	s4 =	simm.s32 $0x1BF5;
	[smem:$0x3FAF] =	sst s0  }
0x18: {  	s0 =	sld [smem:$0x3F92];
	_ =	swait.ge [sflag:s4], $0x0  }
0x19: {  	s7 =	sld [smem:$0x3F93]  }
0x1a: {  	s8 =	sadd.s32 $0xFFFFE003, lr  }
0x1b: {  	s9 =	sadd.s32 $0xFFFFFEF7, lr;
	s5 =	simm.s32 $0xFFFFFFFF;
	p2 =	slt.u32 s8, $0xFFFFF086  }
0x1c: {  	p1 =	slt.u32 s9, $0xF7A;
	s5 =	simm.s32 @!p2 $0x0  }
0x1d: {  	s5 =	simm.s32 @p1 $0x1;
	p0 =	seq.s32 s7, s2  }
0x1e: {  	s7 =	smul.u32 @!p0 $0xF7A, s2;
	p2 =	seq.s32 @!p0 s5, $0x0  }
0x1f: {  	s9 =	smul.u32 $0xF7A, s1;
	s8 =	simm.s32 @!p0 $0x1BF5;
	p2 =	por !p2, p0  }
0x20: {  	[sflag:s8] =	ssyncset.s32 @!p0 $0xFFFFF086;
	s6 =	sadd.s32 @!p0 s3, s7;
	s7 =	simm.s32 @!p0 $0x108  }
0x21: {  	s3 =	sadd.s32 s3, s9;
	s6 =	sadd.s32 @!p0 $0x88, s6;
	s7 =	simm.s32 @p2 $0x1082  }
0x22: {  	[simem:s7], [sflag:s8] =	dma.local @!p0 [hbm:s6], $0xF7A  }
0x23: {  	s9 =	sor.u32 $0xD0000000, s2;
	s6 =	simm.s32 $0x108;
	_ =	swait.ge @!p0 [sflag:s8], $0x0  }
0x24: {  	s3 =	sadd.s32 $0x88, s3;
	s6 =	simm.s32 @!p1 $0x1082;
	[sflag:s4] =	ssyncset.s32 $0xFFFFF086  }
0x25: {  	[simem:s6], [sflag:s4] =	dma.local [hbm:s3], $0xF7A  }
0x26: {  	[smem:$0x3F93] =	sst s1;
	(tag) =	ssettag s2;
	_ =	strace s9  }
0x27: {  	s1 =	sld [smem:$0x3FA3]  }
0x28: {  	s2 =	sld [smem:$0x3FA4]  }
0x29: {  	s4 =	sld [smem:$0x3FA6]  }
0x2a: {  	p0 =	seq.s32 s5, $0x0;
	s5 =	sld [smem:$0x3FA7]  }
0x2b: {  	s6 =	sld [smem:$0x3FA8]  }
0x2c: {  	s7 =	sld [smem:$0x3FA9]  }
0x2d: {  	s3 =	simm.s32 $0x108;
	s8 =	sld [smem:$0x3FAA]  }
0x2e: {  	s3 =	simm.s32 @!p0 $0x1082;
	s9 =	sld [smem:$0x3FAB]  }
0x2f: {  	lr =	sadd.s32 s0, s3;
	s0 =	sld [smem:$0x3FA2]  }
0x30: {  	s3 =	sld [smem:$0x3FA5]  }
0x31: {  	[smem:$0x3FAE] =	sst s10  }
0x32: {  	s10 =	sld [smem:$0x3FAC];
	_ =	sdelay $0x3  }
0x33: {  	p0 =	seq.s32 s10, $0x1;
	s10 =	sld [smem:$0x3FAE];
	_ =	sdelay $0x3  }
0x34: {  	[smem:$0x3FAE] =	sst s10  }
0x35: {  	s10 =	sld [smem:$0x3FAD];
	_ =	sdelay $0x3  }
0x36: {  	p1 =	seq.s32 s10, $0x1;
	s10 =	sld [smem:$0x3FAE];
	_ =	sdelay $0x3  }
0x37: {  	[smem:$0x3FAE] =	sst s10  }
0x38: {  	s10 =	sld [smem:$0x3FAF]  }
0x39: {  	_ = 	snop;
	(pc) =	sbr.ind lr, $3  }
0x3a: {  	_ = 	snop  }
0x3b: {  	_ = 	snop  }
0x3c: {  	p2 =	seq.s32 s10, $0x1;
	s10 =	sld [smem:$0x3FAE]  }
0x3d: {  	_ =	shalt  }
0x3e: {  	_ =	shalt  }
0x3f: {  	_ =	shalt  }
0x40: {  	_ =	shalt  }
0x41: {  	_ =	shalt  }
0x42: {  	_ =	shalt  }
0x43: {  	_ =	shalt  }
0x44: {  	_ =	shalt  }
0x45: {  	_ =	shalt  }
0x46: {  	_ =	shalt  }
0x47: {  	_ =	shalt  }
0x48: {  	_ =	shalt  }
0x49: {  	_ =	shalt  }
0x4a: {  	_ =	shalt  }
0x4b: {  	_ =	shalt  }
0x4c: {  	_ =	shalt  }
0x4d: {  	_ =	shalt  }
0x4e: {  	_ =	shalt  }
0x4f: {  	_ =	shalt  }
0x50: {  	_ =	shalt  }
0x51: {  	_ =	shalt  }
0x52: {  	_ =	shalt  }
0x53: {  	_ =	shalt  }
0x54: {  	_ =	shalt  }
0x55: {  	_ =	shalt  }
0x56: {  	_ =	shalt  }
0x57: {  	_ =	shalt  }
0x58: {  	_ =	shalt  }
0x59: {  	_ =	shalt  }
0x5a: {  	_ =	shalt  }
0x5b: {  	_ =	shalt  }
0x5c: {  	_ =	shalt  }
0x5d: {  	_ =	shalt  }
0x5e: {  	_ =	shalt  }
0x5f: {  	_ =	shalt  }
0x60: {  	_ =	shalt  }
0x61: {  	_ =	shalt  }
0x62: {  	_ =	shalt  }
0x63: {  	_ =	shalt  }
0x64: {  	_ =	shalt  }
0x65: {  	_ =	shalt  }
0x66: {  	_ =	shalt  }
0x67: {  	_ =	shalt  }
0x68: {  	_ =	shalt  }
0x69: {  	_ =	shalt  }
0x6a: {  	_ =	shalt  }
0x6b: {  	_ =	shalt  }
0x6c: {  	_ =	shalt  }
0x6d: {  	_ =	shalt  }
0x6e: {  	_ =	shalt  }
0x6f: {  	_ =	shalt  }
0x70: {  	_ =	shalt  }
0x71: {  	_ =	shalt  }
0x72: {  	_ =	shalt  }
0x73: {  	_ =	shalt  }
0x74: {  	_ =	shalt  }
0x75: {  	_ =	shalt  }
0x76: {  	_ =	shalt  }
0x77: {  	_ =	shalt  }
0x78: {  	_ =	shalt  }
0x79: {  	_ =	shalt  }
0x7a: {  	_ =	shalt  }
0x7b: {  	_ =	shalt  }
0x7c: {  	_ =	shalt  }
0x7d: {  	_ =	shalt  }
0x7e: {  	_ =	shalt  }
0x7f: {  	_ =	shalt  }
0x80: {  	_ =	shalt  }
0x81: {  	_ =	shalt  }
0x82: {  	_ =	shalt  }
0x83: {  	_ =	shalt  }
0x84: {  	_ =	shalt  }
0x85: {  	_ =	shalt  }
0x86: {  	_ =	shalt  }
0x87: {  	_ =	shalt  }
.Lfunc_end0:
.L_simem_size_0:
called_computation.2_lowered:
.L_overlay_start_0:
0x88: {  	s2 =	sld [smem:$0x3FD9]  }
0x89: {  	s3 =	sld [smem:$0x3FFE];
	_ =	sdelay $0x1  }
0x8a: {  	s1 =	srdreg.scid  }
0x8b: {  	s0 =	sand.u32 $0x1, s1  }
0x8c: {  	s14 =	sshll.u32 s0, $0xA;
	s2 =	sadd.s32 s3, s2  }
0x8d: {  	s2 =	sadd.s32 s2, s14  }
0x8e: {  	[smem:$0x3FBA] =	sst s2  }
0x8f: {  	_ = 	snop  }
0x90: {  	s2 =	sld [smem:$0x3FD0];
	_ =	sdelay $0x2  }
0x91: {  	s15 =	simm.s32 $0xB;
	s4 =	simm.s32 $0x10  }
0x92: {  	[smem:s4], [sflag:s15] =	dma.local [hbm:s2], $0x1  }
0x93: {  	_ =	swait.eq [sflag:s15], $0x1  }
0x94: {  	[sflag:s15] =	ssyncset.done $0x0  }
0x95: {  	[sflag:s15] =	ssyncadd.s32 $0xFFFFFFFF  }
0x96: {  	s16 =	sld [smem:$0x11];
	(tm) =	ssettm $0x1  }
0x97: {  	s17 =	sld [smem:$0x3FFB];
	_ =	sdelay $0x3  }
0x98: {  	_ =	strace s17  }
0x99: {  	s3 =	sld [smem:$0x3FFC];
	_ =	sdelay $0x3  }
0x9a: {  	_ =	strace s3  }
0x9b: {  	s3 =	sld [smem:$0x3FFD];
	_ =	sdelay $0x3  }
0x9c: {  	_ =	strace s3  }
0x9d: {  	_ =	strace $0x8FFFFFFF  }
0x9e: {  	s18 =	sld [smem:$0x3FDB];
	_ =	sdelay $0x1  }
0x9f: {  	s19 =	simm.s32 $_scs_section_size  }
0xa0: {  	s5 =	simm.s32 $_size__tile_overlayer_lowered;
	s6 =	simm.s32 $_tile_overlayer_lowered  }
0xa1: {  	s22 =	simm.s32 $0x1BFF;
	s21 =	sshll.u32 s6, $0x1;
	s3 =	sadd.s32 s19, s18  }
0xa2: {  	s7 =	simm.s32 $0x0;
	s20 =	sshll.u32 s5, $0x1;
	s5 =	sadd.s32 s21, s3  }
0xa3: {  	[timem:s7], [sflag:s22] =	dma.local [hbm:s5], s20  }
0xa4: {  	_ =	swait.ge [sflag:s22], s20  }
0xa5: {  	s4 =	ssub.s32 $0x0, s20;
	[sflag:s22] =	ssyncset.done $0x0  }
0xa6: {  	[sflag:s22] =	ssyncadd.s32 s4;
	_ =	sdelay $0x1  }
0xa7: {  	s23 =	simm.s32 $0x1B8B  }
0xa8: {  	_ =	swait.ge [sflag:s23], $0x1  }
0xa9: {  	[sflag:s23] =	ssyncset.done $0x0  }
0xaa: {  	s25 =	simm.s32 $0x1B8E;
	s24 =	sld [smem:$0x3FFE];
	[sflag:s23] =	ssyncadd.s32 $0xFFFFFFFF  }
0xab: {  	s26 =	simm.s32 $execute0_lowered;
	[smem:$0x3FD2] =	sst s25  }
0xac: {  	s5 =	sshll.u32 s26, $0x1;
	_ =	strace $0x8000004C;
	[dreg:$0x1] =	wrdreg $0xFFFFFFFF  }
0xad: {  	s28 =	simm.s32 $_size_execute0_lowered;
	s3 =	sadd.s32 s3, s5;
	[dreg:$0x0] =	wrdreg $0x0  }
0xae: {  	s5 =	sshll.u32 s28, $0x1;
	[dreg:$0x2] =	wrdreg s3  }
0xaf: {  	[dreg:$0x3] =	wrdreg s5  }
0xb0: {  	[dreg:$0x4] =	wrdreg $0xC0  }
0xb1: {  	_ =	task [dreg:s7], $0x5FFFF  }
0xb2: {  	[dreg:$0x1] =	wrdreg $0xFFFFFFFF  }
0xb3: {  	[dreg:$0x0] =	wrdreg $0x60  }
0xb4: {  	[dreg:$0x2] =	wrdreg s24  }
0xb5: {  	[dreg:$0x3] =	wrdreg s16  }
0xb6: {  	[dreg:$0x4] =	wrdreg $0x9  }
0xb7: {  	_ =	task.clear_ibuf [dreg:s7], $0x5FFFF;
	_ =	strace $0x9000004C  }
0xb8: {  	s29 =	simm.s32 $0x9;
	_ =	strace $0x8000004E  }
0xb9: {  	_ =	swait.ge [sflag:s29], $0x1  }
0xba: {  	[sflag:s29] =	ssyncadd.s32 $0xFFFFFFFF  }
0xbb: {  	_ =	strace $0x9000004E  }
0xbc: {  	_ =	sfence  }
0xbd: {  	s30 =	sld [smem:$0x0];
	_ =	sdelay $0x2  }
0xbe: {  	s31 =	sshll.u32 s1, $0xD;
	s1 =	sshrl.u32 s1, $0x2  }
0xbf: {  	s3 =	sand.u32 $0x4000, s31;
	s1 =	sadd.s32 s1, s30  }
0xc0: {  	s0 =	sor.u32 s3, s0;
	s1 =	sshll.u32 s1, $0x11  }
0xc1: {  	s0 =	sor.u32 s1, s0  }
0xc2: {  	s0 =	sadd.s32 $0x8F2B, s0  }
0xc3: {  	[sflag:s0] =	ssyncadd.remote.s32 $0x1  }
0xc4: {  	_ =	sfence.sel $0xFFFF  }
0xc5: {  	[dreg:$0x0] =	wrdreg $0xFFFFFFFF;
	(pc) =	sbr.abs _section_cstart, $3  }
0xc6: {  	[dreg:$0x1] =	wrdreg $0xFFFFFFFF  }
0xc7: {  	_ =	task.clear_ibuf [dreg:s7], $0x2FFFF;
	_ =	strace $0x9FFFFFFF  }
0xc8: {  	(tm) =	ssettm $0x7FFFFFFF  }
0xc9: {  	_ =	shalt  }
tec
execute0_lowered:
.L_overlay_start_1:
0x0: {  	(tag) =	ssettag $0x1  }
0x1: {  	s1 =	srdreg.scid;
	s5 =	rddreg [dreg:$0x0]  }
0x2: {  	s0 =	stileid.u32;
	s2 =	rddreg [dreg:$0x1]  }
0x3: {  	s3 =	simm.s32 $0x0;
	s14 =	simm.s32 $0xD;
	s4 =	sand.u32 $0x1, s1  }
0x4: {  	s20 =	sshll.u32 s0, $0x1;
	s7 =	sshrl.u32 s0, $0x2;
	[smem:$0x7FF] =	sst s3  }
0x5: {  	s6 =	sor.u32 s4, s20;
	s9 =	smul.u32 $0x6800, s7;
	s7 =	sshll.u32 s7, $0xA  }
0x6: {  	_ =	strace $0x8000004D;
	s23 =	ssub.s32 $0x2, s4;
	s8 =	sshll.u32 s6, $0x7  }
0x7: {  	s6 =	sshll.u32 s6, $0x9;
	s24 =	sshrl.u32 s23, $0x1;
	s8 =	sand.u32 $0x380, s8  }
0x8: {  	s22 =	sadd.s32 s6, s5;
	s11 =	ssub.s32 s23, s24;
	s9 =	sor.u32 s9, s8  }
0x9: {  	s7 =	sor.u32 s7, s8;
	s28 =	sadd.s32 $0x8AA00, s22;
	s29 =	sadd.s32 $0x91E00, s22  }
0xa: {  	s31 =	smax.u32 s11, $0x1;
	s9 =	sshrl.u32 s9, $0x3;
	[dreg:$0x7] =	wrdreg s28  }
.Ltmp0:
0xb: {  	[dreg:$0x8] =	wrdreg s29;
	s21 =	sadd.s32 s9, s5;
	(pc) =	sbr.rel .LBB2_1-.Ltmp0, $4  }
0xc: {  	s7 =	sshrl.u32 s7, $0x3;
	[dreg:$0xa] =	wrdreg s31;
	s25 =	sadd.s32 $0x87600, s21  }
0xd: {  	s10 =	sadd.s32 s7, s5;
	s26 =	sadd.s32 $0x8EA00, s21;
	[dreg:$0x5] =	wrdreg s25  }
0xe: {  	s19 =	simm.s32 $0x0;
	s30 =	sadd.s32 $0x95E00, s10;
	[dreg:$0x6] =	wrdreg s26  }
0xf: {  	vm0 =	vmmov $0x1;
	vm1 =	vcmask $0x308;
	s4 =	sadd.s32 $0x4400, s5;
	s5 =	sadd.s32 $0x44400, s5;
	[dreg:$0x9] =	wrdreg s30  }
.LBB2_9:
0x10: {  	s19 =	sadd.s32 $0x1, s19;
	s0 =	rddreg [dreg:$0xa]  }
0x11: {  	p0 =	sne.s32 s19, s0  }
.Ltmp1:
0x12: {  	_ = 	snop;
	(pc) =	sbr.rel @!p0 .LBB2_10-.Ltmp1, $1  }
0x13: {  	_ =	sdelay $0x3  }
.LBB2_1:
0x14: {  	s0 =	rddreg [dreg:$0x5];
	s1 =	simm.s32 $0x80;
	s6 =	simm.s32 $0x400  }
0x15: {  	[tilespmem:s3], [sflag:$0xD] =	stream.strided.gather [hbm4b:s0+s1], $0xD00, s6, s1, $0x38;
	[tilespmem:$0x1BA80] =	vst v63  }
0x16: {  	_ =	swait.ge [sflag:s14], $0xD00  }
0x17: {  	[sflag:s14] =	ssyncset.done $0x0  }
0x18: {  	s7 =	simm.s32 $0x1D00;
	s22 =	rddreg [dreg:$0x6];
	[sflag:s14] =	ssyncadd.s32 $0xFFFFF300  }
0x19: {  	[tilespmem:s7], [sflag:$0xD] =	stream.strided.gather [hbm4b:s22+s1], $0xD00, s6, s1, $0x38;
	[tilespmem:$0x1BA80] =	vst v63  }
0x1a: {  	_ =	swait.ge [sflag:s14], $0xD00  }
0x1b: {  	[sflag:s14] =	ssyncset.done $0x0  }
0x1c: {  	s24 =	simm.s32 $0xD00;
	s23 =	rddreg [dreg:$0x7];
	[sflag:s14] =	ssyncadd.s32 $0xFFFFF300  }
0x1d: {  	[tilespmem:s24], [sflag:$0xD] =	stream.linear.gather [hbm4b:s23+s3], $0xD00, $0x38;
	[tilespmem:$0x1BA80] =	vst v63  }
0x1e: {  	_ =	swait.ge [sflag:s14], $0xD00  }
0x1f: {  	[sflag:s14] =	ssyncset.done $0x0  }
0x20: {  	s26 =	simm.s32 $0x2A00;
	s25 =	rddreg [dreg:$0x8];
	[sflag:s14] =	ssyncadd.s32 $0xFFFFF300  }
0x21: {  	[tilespmem:s26], [sflag:$0xD] =	stream.linear.gather [hbm4b:s25+s3], $0xD00, $0x38;
	[tilespmem:$0x1BA80] =	vst v63  }
0x22: {  	_ =	swait.ge [sflag:s14], $0xD00  }
0x23: {  	[sflag:s14] =	ssyncset.done $0x0  }
0x24: {  	s29 =	simm.s32 $0x3A00;
	s28 =	rddreg [dreg:$0x9];
	[sflag:s14] =	ssyncadd.s32 $0xFFFFF300  }
0x25: {  	[tilespmem:s29], [sflag:$0xD] =	stream.linear.gather [hbm4b:s28+s3], $0x80, $0x38;
	[tilespmem:$0x1BA80] =	vst v63  }
0x26: {  	_ =	swait.ge [sflag:s14], $0x80  }
0x27: {  	[sflag:s14] =	ssyncset.done $0x0  }
0x28: {  	[sflag:s14] =	ssyncadd.s32 $0xFFFFFF80  }
0x29: {  	v0 =	vld [tilespmem:$0x3A00];
	_ =	sdelay $0x4  }
0x2a: {  	v1 =	vnsel vm0, $0x0, v0  }
0x2b: {  	(xrf0) =	vadd.scan.msk.s32 $0xffff, v1;
	_ =	sdelay $0x5  }
0x2c: {  	v1, _, _ =	vpop (xrf0)  }
0x2d: {  	(v2sf) =	vpush v1, $0xF;
	_ =	sdelay $0xe  }
0x2e: {  	s20 =	spop (v2sf)  }
0x2f: {  	s20 =	sadd.s32 $0x7F, s20  }
0x30: {  	s21 =	sand.u32 $0x7F, s20  }
0x31: {  	s22 =	sshra.s32 s20, $0x1F;
	p0 =	slt.s32 s20, $0x1;
	p1 =	sne.s32 s21, $0x0  }
0x32: {  	v0 =	vsel vm1, $0x0, v0;
	s30 =	sshrl.u32 s22, $0x19;
	p0 =	por !p0, !p1  }
0x33: {  	(xrf0) =	vadd.scan.msk.s32 $0xffff, v0;
	s21 =	simm.s32 $0x1;
	s20 =	sadd.s32 s30, s20;
	p0 =	por !p0, !p0  }
0x34: {  	s20 =	sshra.s32 s20, $0x7;
	s21 =	simm.s32 @!p0 $0x0  }
0x35: {  	s20 =	ssub.s32 s20, s21  }
0x36: {  	s21 =	sadd.s32 $0x5, s20  }
0x37: {  	s31 =	smulhi.u32 $0x2AAAAAAB, s21;
	s21 =	sshra.s32 s21, $0x1F  }
0x38: {  	s21 =	smul.u32 $0x2AAAAAAB, s21  }
0x39: {  	v0, _, _ =	vpop (xrf0)  }
0x3a: {  	(v2sf) =	vpush v0, $0xF;
	s21 =	sadd.s32 s21, s31  }
0x3b: {  	s22 =	sshrl.u32 s21, $0x1F  }
0x3c: {  	s21 =	sadd.s32 s22, s21  }
0x3d: {  	s22 =	smul.u32 $0xFFFFFFFA, s21  }
0x3e: {  	s23 =	ssub.s32 $0xFFFFFFFB, s20  }
0x3f: {  	p5 =	slt.s32 s20, $0xFFFFFFFC;
	p6 =	sne.s32 s22, s23  }
0x40: {  	p0 =	por !p5, !p6  }
0x41: {  	s22 =	simm.s32 $0x1;
	p0 =	por !p0, !p0  }
0x42: {  	s22 =	simm.s32 @!p0 $0x0  }
0x43: {  	s22 =	ssub.s32 s21, s22  }
0x44: {  	p0 =	slt.s32 s22, $0x1  }
.Ltmp2:
0x45: {  	_ = 	snop;
	(pc) =	sbr.rel @p0 .LBB2_5-.Ltmp2, $2  }
0x46: {  	_ =	sdelay $0x2  }
0x47: {  	s21 =	spop (v2sf)  }
0x48: {  	s23 =	ssub.s32 $0x0, s22;
	s24 =	simm.s32 $0x0  }
0x49: {  	s25 =	simm.s32 $0x0;
	[dreg:$0x3] =	wrdreg s23;
	s23 =	simm.s32 $0x0  }
.LBB2_3:
0x4a: {  	p2 =	seq.s32 s25, $0x0  }
0x4b: {  	s26 =	simm.s32 @!p2 $0x7  }
0x4c: {  	p0 =	sge.s32 s23, s20;
	_ =	swait.ge @!p2 [sflag:s26], $0x4000  }
0x4d: {  	s28 =	simm.s32 @!p0 $0x80;
	s29 =	simm.s32 @!p0 $0x3A80;
	[sflag:s26] =	ssyncset.done @!p2 $0x0  }
0x4e: {  	s30 =	simm.s32 @!p2 $0x8;
	[sflag:s26] =	ssyncadd.s32 @!p2 $0xFFFFC000;
	s26 =	sshra.s32 @!p0 s24, $0x2  }
0x4f: {  	[tilespmem:s29], [sflag:$0x1] =	stream.indirect.gather @!p0 [hbm4b:s4+s28], $0x80, s26, s28, $0xb8;
	[tilespmem:$0x1BA80] =	vst v63  }
0x50: {  	s31 =	sadd.s32 $0x1, s23;
	_ =	swait.ge @!p2 [sflag:s30], $0x4000  }
0x51: {  	p1 =	sge.s32 s31, s20;
	[sflag:s30] =	ssyncset.done @!p2 $0x0  }
0x52: {  	[sflag:s30] =	ssyncadd.s32 @!p2 $0xFFFFC000;
	s30 =	sshra.s32 @!p1 s24, $0x2  }
0x53: {  	s1 =	simm.s32 @!p1 $0x80;
	s0 =	simm.s32 @!p1 $0x7A80;
	s31 =	sadd.s32 @!p1 $0x80, s30  }
0x54: {  	[tilespmem:s0], [sflag:$0x2] =	stream.indirect.gather @!p1 [hbm4b:s4+s1], $0x80, s31, s1, $0xb8;
	[tilespmem:$0x1BA80] =	vst v63  }
0x55: {  	s15 =	sadd.s32 $0x2, s23;
	s31 =	simm.s32 @!p2 $0x9  }
0x56: {  	p3 =	sge.s32 s15, s20;
	_ =	swait.ge @!p2 [sflag:s31], $0x4000  }
0x57: {  	s15 =	sshra.s32 @!p3 s24, $0x2;
	s16 =	simm.s32 @!p3 $0x80;
	[sflag:s31] =	ssyncset.done @!p2 $0x0  }
0x58: {  	s17 =	simm.s32 @!p3 $0xBA80;
	[sflag:s31] =	ssyncadd.s32 @!p2 $0xFFFFC000;
	s31 =	sadd.s32 @!p3 $0x100, s15  }
0x59: {  	[tilespmem:s17], [sflag:$0x3] =	stream.indirect.gather @!p3 [hbm4b:s4+s16], $0x80, s31, s16, $0xb8;
	[tilespmem:$0x1BA80] =	vst v63  }
0x5a: {  	s18 =	sadd.s32 $0x3, s23;
	s31 =	simm.s32 @!p2 $0xA  }
0x5b: {  	p4 =	sge.s32 s18, s20;
	_ =	swait.ge @!p2 [sflag:s31], $0x4000  }
0x5c: {  	s18 =	sshra.s32 @!p4 s24, $0x2;
	s12 =	simm.s32 @!p4 $0x80;
	[sflag:s31] =	ssyncset.done @!p2 $0x0  }
0x5d: {  	s6 =	simm.s32 @!p4 $0xFA80;
	[sflag:s31] =	ssyncadd.s32 @!p2 $0xFFFFC000;
	s31 =	sadd.s32 @!p4 $0x180, s18  }
0x5e: {  	[tilespmem:s6], [sflag:$0x4] =	stream.indirect.gather @!p4 [hbm4b:s4+s12], $0x80, s31, s12, $0xb8;
	[tilespmem:$0x1BA80] =	vst v63  }
0x5f: {  	s13 =	sadd.s32 $0x4, s23;
	s31 =	simm.s32 @!p2 $0xB  }
0x60: {  	p5 =	sge.s32 s13, s20;
	_ =	swait.ge @!p2 [sflag:s31], $0x4000  }
0x61: {  	s13 =	sshra.s32 @!p5 s24, $0x2;
	s7 =	simm.s32 @!p5 $0x80;
	[sflag:s31] =	ssyncset.done @!p2 $0x0  }
0x62: {  	s8 =	simm.s32 @!p5 $0x13A80;
	[sflag:s31] =	ssyncadd.s32 @!p2 $0xFFFFC000;
	s31 =	sadd.s32 @!p5 $0x200, s13  }
0x63: {  	[tilespmem:s8], [sflag:$0x5] =	stream.indirect.gather @!p5 [hbm4b:s4+s7], $0x80, s31, s7, $0xb8;
	[tilespmem:$0x1BA80] =	vst v63  }
0x64: {  	s9 =	sadd.s32 $0x5, s23;
	s31 =	simm.s32 @!p2 $0xC  }
0x65: {  	p6 =	sge.s32 s9, s20;
	_ =	swait.ge @!p2 [sflag:s31], $0x4000  }
0x66: {  	s9 =	sshra.s32 @!p6 s24, $0x2;
	s10 =	simm.s32 @!p6 $0x80;
	[sflag:s31] =	ssyncset.done @!p2 $0x0  }
0x67: {  	s11 =	simm.s32 @!p6 $0x17A80;
	[sflag:s31] =	ssyncadd.s32 @!p2 $0xFFFFC000;
	s31 =	sadd.s32 @!p6 $0x280, s9  }
0x68: {  	[tilespmem:s11], [sflag:$0x6] =	stream.indirect.gather @!p6 [hbm4b:s4+s10], $0x80, s31, s10, $0xb8;
	[tilespmem:$0x1BA80] =	vst v63  }
0x69: {  	s31 =	simm.s32 @!p0 $0x1  }
0x6a: {  	_ =	swait.ge @!p0 [sflag:s31], $0x4000  }
0x6b: {  	[sflag:s31] =	ssyncset.done @!p0 $0x0  }
0x6c: {  	s26 =	sadd.s32 @!p0 $0xD00, s26;
	[sflag:s31] =	ssyncadd.s32 @!p0 $0xFFFFC000  }
0x6d: {  	[hbm4b:s2+s28] =	stream.indirect.scatter @!p0 [tilespmem:s29], [sflag:$0x7], $0x80, s26, s28, $0xb8;
	[tilespmem:$0x1BA80] =	vst v63  }
0x6e: {  	s26 =	simm.s32 @!p1 $0x2  }
0x6f: {  	_ =	swait.ge @!p1 [sflag:s26], $0x4000  }
0x70: {  	[sflag:s26] =	ssyncset.done @!p1 $0x0  }
0x71: {  	[sflag:s26] =	ssyncadd.s32 @!p1 $0xFFFFC000;
	s26 =	sadd.s32 @!p1 $0xD80, s30  }
0x72: {  	[hbm4b:s2+s1] =	stream.indirect.scatter @!p1 [tilespmem:s0], [sflag:$0x8], $0x80, s26, s1, $0xb8;
	[tilespmem:$0x1BA80] =	vst v63  }
0x73: {  	s0 =	simm.s32 @!p3 $0x3  }
0x74: {  	_ =	swait.ge @!p3 [sflag:s0], $0x4000  }
0x75: {  	[sflag:s0] =	ssyncset.done @!p3 $0x0  }
0x76: {  	[sflag:s0] =	ssyncadd.s32 @!p3 $0xFFFFC000;
	s0 =	sadd.s32 @!p3 $0xE00, s15  }
0x77: {  	[hbm4b:s2+s16] =	stream.indirect.scatter @!p3 [tilespmem:s17], [sflag:$0x9], $0x80, s0, s16, $0xb8;
	[tilespmem:$0x1BA80] =	vst v63  }
0x78: {  	s0 =	simm.s32 @!p4 $0x4  }
0x79: {  	_ =	swait.ge @!p4 [sflag:s0], $0x4000  }
0x7a: {  	[sflag:s0] =	ssyncset.done @!p4 $0x0  }
0x7b: {  	[sflag:s0] =	ssyncadd.s32 @!p4 $0xFFFFC000;
	s0 =	sadd.s32 @!p4 $0xE80, s18  }
0x7c: {  	[hbm4b:s2+s12] =	stream.indirect.scatter @!p4 [tilespmem:s6], [sflag:$0xA], $0x80, s0, s12, $0xb8;
	[tilespmem:$0x1BA80] =	vst v63  }
0x7d: {  	s0 =	simm.s32 @!p5 $0x5  }
0x7e: {  	_ =	swait.ge @!p5 [sflag:s0], $0x4000  }
0x7f: {  	[sflag:s0] =	ssyncset.done @!p5 $0x0  }
0x80: {  	[sflag:s0] =	ssyncadd.s32 @!p5 $0xFFFFC000;
	s0 =	sadd.s32 @!p5 $0xF00, s13  }
0x81: {  	[hbm4b:s2+s7] =	stream.indirect.scatter @!p5 [tilespmem:s8], [sflag:$0xB], $0x80, s0, s7, $0xb8;
	[tilespmem:$0x1BA80] =	vst v63  }
0x82: {  	s0 =	simm.s32 @!p6 $0x6  }
0x83: {  	_ =	swait.ge @!p6 [sflag:s0], $0x4000  }
0x84: {  	s25 =	sadd.s32 $0xFFFFFFFF, s25;
	s31 =	rddreg [dreg:$0x3]  }
0x85: {  	p0 =	sne.s32 s31, s25  }
.Ltmp3:
0x86: {  	_ = 	snop;
	(pc) =	sbr.rel @p0 .LBB2_3-.Ltmp3, $4  }
0x87: {  	_ = 	snop  }
0x88: {  	s23 =	sadd.s32 $0x6, s23;
	[sflag:s0] =	ssyncset.done @!p6 $0x0  }
0x89: {  	s24 =	sadd.s32 $0xC00, s24;
	[sflag:s0] =	ssyncadd.s32 @!p6 $0xFFFFC000;
	s0 =	sadd.s32 @!p6 $0xF80, s9  }
0x8a: {  	[hbm4b:s2+s10] =	stream.indirect.scatter @!p6 [tilespmem:s11], [sflag:$0xC], $0x80, s0, s10, $0xb8;
	[tilespmem:$0x1BA80] =	vst v63  }
0x8b: {  	s0 =	smul.u32 $0x6, s22;
	_ =	sdelay $0x1  }
0x8c: {  	s1 =	sadd.s32 $0xFFFFFFFA, s0  }
0x8d: {  	p0 =	sge.s32 s1, s20  }
0x8e: {  	s1 =	simm.s32 @!p0 $0x7  }
0x8f: {  	s6 =	sadd.s32 $0xFFFFFFFB, s0;
	_ =	swait.ge @!p0 [sflag:s1], $0x4000  }
0x90: {  	p1 =	sge.s32 s6, s20;
	[sflag:s1] =	ssyncset.done @!p0 $0x0  }
0x91: {  	[sflag:s1] =	ssyncadd.s32 @!p0 $0xFFFFC000;
	s1 =	simm.s32 @!p1 $0x8  }
0x92: {  	s29 =	sadd.s32 $0xFFFFFFFC, s0;
	_ =	swait.ge @!p1 [sflag:s1], $0x4000  }
0x93: {  	p0 =	sge.s32 s29, s20;
	[sflag:s1] =	ssyncset.done @!p1 $0x0  }
0x94: {  	[sflag:s1] =	ssyncadd.s32 @!p1 $0xFFFFC000;
	s1 =	simm.s32 @!p0 $0x9  }
0x95: {  	s30 =	sadd.s32 $0xFFFFFFFD, s0;
	_ =	swait.ge @!p0 [sflag:s1], $0x4000  }
0x96: {  	p1 =	sge.s32 s30, s20;
	[sflag:s1] =	ssyncset.done @!p0 $0x0  }
0x97: {  	[sflag:s1] =	ssyncadd.s32 @!p0 $0xFFFFC000;
	s1 =	simm.s32 @!p1 $0xA  }
0x98: {  	s31 =	sadd.s32 $0xFFFFFFFE, s0;
	_ =	swait.ge @!p1 [sflag:s1], $0x4000  }
0x99: {  	p0 =	sge.s32 s31, s20;
	[sflag:s1] =	ssyncset.done @!p1 $0x0  }
0x9a: {  	[sflag:s1] =	ssyncadd.s32 @!p1 $0xFFFFC000;
	s1 =	simm.s32 @!p0 $0xB  }
0x9b: {  	_ =	swait.ge @!p0 [sflag:s1], $0x4000  }
0x9c: {  	p1 =	sgt.s32 s0, s20;
	[sflag:s1] =	ssyncset.done @!p0 $0x0  }
0x9d: {  	s0 =	simm.s32 @!p1 $0xC;
	[sflag:s1] =	ssyncadd.s32 @!p0 $0xFFFFC000  }
0x9e: {  	_ =	swait.ge @!p1 [sflag:s0], $0x4000  }
0x9f: {  	[sflag:s0] =	ssyncset.done @!p1 $0x0  }
0xa0: {  	[sflag:s0] =	ssyncadd.s32 @!p1 $0xFFFFC000  }
.LBB2_5:
0xa1: {  	s0 =	sadd.s32 $0x7F, s21  }
0xa2: {  	s1 =	sand.u32 $0x7F, s0  }
0xa3: {  	s6 =	sshra.s32 s0, $0x1F;
	p0 =	slt.s32 s0, $0x1;
	p1 =	sne.s32 s1, $0x0  }
0xa4: {  	s29 =	sshrl.u32 s6, $0x19;
	p0 =	por !p0, !p1  }
0xa5: {  	s1 =	simm.s32 $0x1;
	s0 =	sadd.s32 s29, s0;
	p0 =	por !p0, !p0  }
0xa6: {  	s0 =	sshra.s32 s0, $0x7;
	s1 =	simm.s32 @!p0 $0x0  }
0xa7: {  	s20 =	ssub.s32 s0, s1  }
0xa8: {  	s0 =	sadd.s32 $0x5, s20  }
0xa9: {  	s30 =	smulhi.u32 $0x2AAAAAAB, s0;
	s0 =	sshra.s32 s0, $0x1F  }
0xaa: {  	s0 =	smul.u32 $0x2AAAAAAB, s0;
	_ =	sdelay $0x1  }
0xab: {  	s0 =	sadd.s32 s0, s30  }
0xac: {  	s1 =	sshrl.u32 s0, $0x1F  }
0xad: {  	s0 =	sadd.s32 s1, s0  }
0xae: {  	s1 =	smul.u32 $0xFFFFFFFA, s0  }
0xaf: {  	s31 =	ssub.s32 $0xFFFFFFFB, s20  }
0xb0: {  	p5 =	slt.s32 s20, $0xFFFFFFFC;
	p6 =	sne.s32 s1, s31  }
0xb1: {  	p0 =	por !p5, !p6  }
0xb2: {  	s1 =	simm.s32 $0x1;
	p0 =	por !p0, !p0  }
0xb3: {  	s1 =	simm.s32 @!p0 $0x0  }
0xb4: {  	s21 =	ssub.s32 s0, s1  }
0xb5: {  	p0 =	slt.s32 s21, $0x1  }
.Ltmp4:
0xb6: {  	_ = 	snop;
	(pc) =	sbr.rel @p0 .LBB2_9-.Ltmp4, $1  }
0xb7: {  	_ =	sdelay $0x3  }
0xb8: {  	s0 =	ssub.s32 $0x0, s21;
	s22 =	simm.s32 $0x0  }
0xb9: {  	s23 =	simm.s32 $0x0;
	s24 =	simm.s32 $0x0;
	[dreg:$0x4] =	wrdreg s0  }
.LBB2_7:
0xba: {  	p2 =	seq.s32 s24, $0x0  }
0xbb: {  	s0 =	simm.s32 @!p2 $0x7  }
0xbc: {  	p0 =	sge.s32 s22, s20;
	_ =	swait.ge @!p2 [sflag:s0], $0x4000  }
0xbd: {  	s25 =	sshra.s32 @!p0 s23, $0x2;
	s26 =	simm.s32 @!p0 $0x80;
	[sflag:s0] =	ssyncset.done @!p2 $0x0  }
0xbe: {  	s1 =	simm.s32 @!p0 $0x3A80;
	[sflag:s0] =	ssyncadd.s32 @!p2 $0xFFFFC000;
	s0 =	sadd.s32 @!p0 $0x1D00, s25  }
0xbf: {  	[tilespmem:s1], [sflag:$0x1] =	stream.indirect.gather @!p0 [hbm4b:s5+s26], $0x80, s0, s26, $0xb8;
	[tilespmem:$0x1BA80] =	vst v63  }
0xc0: {  	s0 =	simm.s32 @!p2 $0x8  }
0xc1: {  	s6 =	sadd.s32 $0x1, s22;
	_ =	swait.ge @!p2 [sflag:s0], $0x4000  }
0xc2: {  	p1 =	sge.s32 s6, s20;
	[sflag:s0] =	ssyncset.done @!p2 $0x0  }
0xc3: {  	[sflag:s0] =	ssyncadd.s32 @!p2 $0xFFFFC000;
	s0 =	sshra.s32 @!p1 s23, $0x2  }
0xc4: {  	s7 =	simm.s32 @!p1 $0x80;
	s8 =	simm.s32 @!p1 $0x7A80;
	s6 =	sadd.s32 @!p1 $0x1D80, s0  }
0xc5: {  	[tilespmem:s8], [sflag:$0x2] =	stream.indirect.gather @!p1 [hbm4b:s5+s7], $0x80, s6, s7, $0xb8;
	[tilespmem:$0x1BA80] =	vst v63  }
0xc6: {  	s6 =	simm.s32 @!p2 $0x9  }
0xc7: {  	s9 =	sadd.s32 $0x2, s22;
	_ =	swait.ge @!p2 [sflag:s6], $0x4000  }
0xc8: {  	p3 =	sge.s32 s9, s20;
	[sflag:s6] =	ssyncset.done @!p2 $0x0  }
0xc9: {  	[sflag:s6] =	ssyncadd.s32 @!p2 $0xFFFFC000;
	s6 =	sshra.s32 @!p3 s23, $0x2  }
0xca: {  	s10 =	simm.s32 @!p3 $0x80;
	s11 =	simm.s32 @!p3 $0xBA80;
	s9 =	sadd.s32 @!p3 $0x1E00, s6  }
0xcb: {  	[tilespmem:s11], [sflag:$0x3] =	stream.indirect.gather @!p3 [hbm4b:s5+s10], $0x80, s9, s10, $0xb8;
	[tilespmem:$0x1BA80] =	vst v63  }
0xcc: {  	s9 =	simm.s32 @!p2 $0xA  }
0xcd: {  	s12 =	sadd.s32 $0x3, s22;
	_ =	swait.ge @!p2 [sflag:s9], $0x4000  }
0xce: {  	p4 =	sge.s32 s12, s20;
	[sflag:s9] =	ssyncset.done @!p2 $0x0  }
0xcf: {  	[sflag:s9] =	ssyncadd.s32 @!p2 $0xFFFFC000;
	s9 =	sshra.s32 @!p4 s23, $0x2  }
0xd0: {  	s13 =	simm.s32 @!p4 $0x80;
	s15 =	simm.s32 @!p4 $0xFA80;
	s12 =	sadd.s32 @!p4 $0x1E80, s9  }
0xd1: {  	[tilespmem:s15], [sflag:$0x4] =	stream.indirect.gather @!p4 [hbm4b:s5+s13], $0x80, s12, s13, $0xb8;
	[tilespmem:$0x1BA80] =	vst v63  }
0xd2: {  	s12 =	simm.s32 @!p2 $0xB  }
0xd3: {  	s16 =	sadd.s32 $0x4, s22;
	_ =	swait.ge @!p2 [sflag:s12], $0x4000  }
0xd4: {  	p5 =	sge.s32 s16, s20;
	[sflag:s12] =	ssyncset.done @!p2 $0x0  }
0xd5: {  	[sflag:s12] =	ssyncadd.s32 @!p2 $0xFFFFC000;
	s12 =	sshra.s32 @!p5 s23, $0x2  }
0xd6: {  	s17 =	simm.s32 @!p5 $0x80;
	s18 =	simm.s32 @!p5 $0x13A80;
	s16 =	sadd.s32 @!p5 $0x1F00, s12  }
0xd7: {  	[tilespmem:s18], [sflag:$0x5] =	stream.indirect.gather @!p5 [hbm4b:s5+s17], $0x80, s16, s17, $0xb8;
	[tilespmem:$0x1BA80] =	vst v63  }
0xd8: {  	s16 =	simm.s32 @!p2 $0xC  }
0xd9: {  	s28 =	sadd.s32 $0x5, s22;
	_ =	swait.ge @!p2 [sflag:s16], $0x4000  }
0xda: {  	p6 =	sge.s32 s28, s20;
	[sflag:s16] =	ssyncset.done @!p2 $0x0  }
0xdb: {  	[sflag:s16] =	ssyncadd.s32 @!p2 $0xFFFFC000;
	s16 =	sshra.s32 @!p6 s23, $0x2  }
0xdc: {  	s29 =	simm.s32 @!p6 $0x80;
	s30 =	simm.s32 @!p6 $0x17A80;
	s28 =	sadd.s32 @!p6 $0x1F80, s16  }
0xdd: {  	[tilespmem:s30], [sflag:$0x6] =	stream.indirect.gather @!p6 [hbm4b:s5+s29], $0x80, s28, s29, $0xb8;
	[tilespmem:$0x1BA80] =	vst v63  }
0xde: {  	s28 =	simm.s32 @!p0 $0x1  }
0xdf: {  	_ =	swait.ge @!p0 [sflag:s28], $0x4000  }
0xe0: {  	[sflag:s28] =	ssyncset.done @!p0 $0x0  }
0xe1: {  	s25 =	sadd.s32 @!p0 $0x2A00, s25;
	[sflag:s28] =	ssyncadd.s32 @!p0 $0xFFFFC000  }
0xe2: {  	[hbm4b:s2+s26] =	stream.indirect.scatter @!p0 [tilespmem:s1], [sflag:$0x7], $0x80, s25, s26, $0xb8;
	[tilespmem:$0x1BA80] =	vst v63  }
0xe3: {  	s1 =	simm.s32 @!p1 $0x2  }
0xe4: {  	_ =	swait.ge @!p1 [sflag:s1], $0x4000  }
0xe5: {  	[sflag:s1] =	ssyncset.done @!p1 $0x0  }
0xe6: {  	s0 =	sadd.s32 @!p1 $0x2A80, s0;
	[sflag:s1] =	ssyncadd.s32 @!p1 $0xFFFFC000  }
0xe7: {  	[hbm4b:s2+s7] =	stream.indirect.scatter @!p1 [tilespmem:s8], [sflag:$0x8], $0x80, s0, s7, $0xb8;
	[tilespmem:$0x1BA80] =	vst v63  }
0xe8: {  	s0 =	simm.s32 @!p3 $0x3  }
0xe9: {  	_ =	swait.ge @!p3 [sflag:s0], $0x4000  }
0xea: {  	[sflag:s0] =	ssyncset.done @!p3 $0x0  }
0xeb: {  	[sflag:s0] =	ssyncadd.s32 @!p3 $0xFFFFC000;
	s0 =	sadd.s32 @!p3 $0x2B00, s6  }
0xec: {  	[hbm4b:s2+s10] =	stream.indirect.scatter @!p3 [tilespmem:s11], [sflag:$0x9], $0x80, s0, s10, $0xb8;
	[tilespmem:$0x1BA80] =	vst v63  }
0xed: {  	s0 =	simm.s32 @!p4 $0x4  }
0xee: {  	_ =	swait.ge @!p4 [sflag:s0], $0x4000  }
0xef: {  	[sflag:s0] =	ssyncset.done @!p4 $0x0  }
0xf0: {  	[sflag:s0] =	ssyncadd.s32 @!p4 $0xFFFFC000;
	s0 =	sadd.s32 @!p4 $0x2B80, s9  }
0xf1: {  	[hbm4b:s2+s13] =	stream.indirect.scatter @!p4 [tilespmem:s15], [sflag:$0xA], $0x80, s0, s13, $0xb8;
	[tilespmem:$0x1BA80] =	vst v63  }
0xf2: {  	s0 =	simm.s32 @!p5 $0x5  }
0xf3: {  	_ =	swait.ge @!p5 [sflag:s0], $0x4000  }
0xf4: {  	[sflag:s0] =	ssyncset.done @!p5 $0x0  }
0xf5: {  	[sflag:s0] =	ssyncadd.s32 @!p5 $0xFFFFC000;
	s0 =	sadd.s32 @!p5 $0x2C00, s12  }
0xf6: {  	[hbm4b:s2+s17] =	stream.indirect.scatter @!p5 [tilespmem:s18], [sflag:$0xB], $0x80, s0, s17, $0xb8;
	[tilespmem:$0x1BA80] =	vst v63  }
0xf7: {  	s0 =	simm.s32 @!p6 $0x6  }
0xf8: {  	_ =	swait.ge @!p6 [sflag:s0], $0x4000  }
0xf9: {  	s24 =	sadd.s32 $0xFFFFFFFF, s24;
	s31 =	rddreg [dreg:$0x4]  }
0xfa: {  	p0 =	sne.s32 s31, s24  }
.Ltmp5:
0xfb: {  	_ = 	snop;
	(pc) =	sbr.rel @p0 .LBB2_7-.Ltmp5, $4  }
0xfc: {  	_ = 	snop  }
0xfd: {  	s22 =	sadd.s32 $0x6, s22;
	[sflag:s0] =	ssyncset.done @!p6 $0x0  }
0xfe: {  	s23 =	sadd.s32 $0xC00, s23;
	[sflag:s0] =	ssyncadd.s32 @!p6 $0xFFFFC000;
	s0 =	sadd.s32 @!p6 $0x2C80, s16  }
0xff: {  	[hbm4b:s2+s29] =	stream.indirect.scatter @!p6 [tilespmem:s30], [sflag:$0xC], $0x80, s0, s29, $0xb8;
	[tilespmem:$0x1BA80] =	vst v63  }
0x100: {  	s0 =	smul.u32 $0x6, s21;
	_ =	sdelay $0x1  }
0x101: {  	s1 =	sadd.s32 $0xFFFFFFFA, s0  }
0x102: {  	p0 =	sge.s32 s1, s20  }
0x103: {  	s1 =	simm.s32 @!p0 $0x7  }
0x104: {  	s6 =	sadd.s32 $0xFFFFFFFB, s0;
	_ =	swait.ge @!p0 [sflag:s1], $0x4000  }
0x105: {  	p1 =	sge.s32 s6, s20;
	[sflag:s1] =	ssyncset.done @!p0 $0x0  }
0x106: {  	[sflag:s1] =	ssyncadd.s32 @!p0 $0xFFFFC000;
	s1 =	simm.s32 @!p1 $0x8  }
0x107: {  	s29 =	sadd.s32 $0xFFFFFFFC, s0;
	_ =	swait.ge @!p1 [sflag:s1], $0x4000  }
0x108: {  	p0 =	sge.s32 s29, s20;
	[sflag:s1] =	ssyncset.done @!p1 $0x0  }
0x109: {  	[sflag:s1] =	ssyncadd.s32 @!p1 $0xFFFFC000;
	s1 =	simm.s32 @!p0 $0x9  }
0x10a: {  	s30 =	sadd.s32 $0xFFFFFFFD, s0;
	_ =	swait.ge @!p0 [sflag:s1], $0x4000  }
0x10b: {  	p1 =	sge.s32 s30, s20;
	[sflag:s1] =	ssyncset.done @!p0 $0x0  }
0x10c: {  	[sflag:s1] =	ssyncadd.s32 @!p0 $0xFFFFC000;
	s1 =	simm.s32 @!p1 $0xA  }
0x10d: {  	s31 =	sadd.s32 $0xFFFFFFFE, s0;
	_ =	swait.ge @!p1 [sflag:s1], $0x4000  }
0x10e: {  	p0 =	sge.s32 s31, s20;
	[sflag:s1] =	ssyncset.done @!p1 $0x0  }
0x10f: {  	[sflag:s1] =	ssyncadd.s32 @!p1 $0xFFFFC000;
	s1 =	simm.s32 @!p0 $0xB  }
0x110: {  	_ =	swait.ge @!p0 [sflag:s1], $0x4000  }
.Ltmp6:
0x111: {  	p1 =	sgt.s32 s0, s20;
	[sflag:s1] =	ssyncset.done @!p0 $0x0;
	(pc) =	sbr.rel .LBB2_9-.Ltmp6, $4  }
0x112: {  	s0 =	simm.s32 @!p1 $0xC;
	[sflag:s1] =	ssyncadd.s32 @!p0 $0xFFFFC000  }
0x113: {  	_ =	swait.ge @!p1 [sflag:s0], $0x4000  }
0x114: {  	[sflag:s0] =	ssyncset.done @!p1 $0x0  }
0x115: {  	[sflag:s0] =	ssyncadd.s32 @!p1 $0xFFFFC000  }
.LBB2_10:
0x116: {  	_ =	sfence.sel $0x180000  }
0x117: {  	[bflag:$0x0] =	sbarrier.arrive $0xFFFF  }
0x118: {  	_ =	strace $0x9000004D  }
0x119: {  	s0 =	stileid.u32;
	[bflag:$0x2] =	sbarrier.arrive $0xFFFF  }
0x11a: {  	p0 =	sne.s32 s0, $0x0;
	s0 =	rddreg [dreg:$0x2]  }
0x11b: {  	s0 =	sadd.s32 @!p0 $0x100000, s0  }
0x11c: {  	[sflag:s0] =	ssyncadd.tile.s32 @!p0 $0x1;
	_ =	shalt  }
.Lfunc_end2:
_tile_overlayer_lowered:
.L_overlay_start_2:
0x11d: {  	(tag) =	ssettag $0x2  }
0x11e: {  	s0 =	rddreg [dreg:$0x0];
	s2 =	stileid.u32  }
0x11f: {  	s1 =	rddreg [dreg:$0x1];
	p0 =	sne.s32 s2, $0x0  }
0x120: {  	s3 =	rddreg [dreg:$0x2];
	[bflag:$0x3] =	sbarrier.arrive $0xFFFF;
	s2 =	simm.s32 @!p0 $0x1C0D  }
0x121: {  	[timem:s3], [sflag:s2] =	dma.local @!p0 [hbm:s0], s1  }
0x122: {  	s0 =	simm.s32 @!p0 $0xD  }
0x123: {  	_ =	swait.ge @!p0 [sflag:s0], s1  }
0x124: {  	s1 =	ssub.s32 @!p0 $0x0, s1;
	[sflag:s0] =	ssyncset.done @!p0 $0x0  }
0x125: {  	[sflag:s0] =	ssyncadd.s32 @!p0 s1  }
0x126: {  	[bflag:$0x3] =	sbarrier.arrive $0xFFFF  }
0x127: {  	_ =	shalt  }

// kernel: kernel.6.cloned.1.call-start
scs
__scs_entry_jumppad:
0x0: {  	(pc) =	sbr.rel $0x88, $3  }
0x1: {  	(tag) =	ssettag $0x0;
	lr =	simm.s32 $0x1  }
0x2: {  	[smem:$0x3F93] =	sst lr;
	_ =	strace $0xD0000000  }
0x3: {  	_ = 	snop  }
0x4: {  	_ = 	snop  }
0x5: {  	_ = 	snop  }
0x6: {  	_ = 	snop  }
0x7: {  	_ = 	snop  }
__scs_overlays_trampoline_lowered:
0x8: {  	[smem:$0x3FA2] =	sst s0  }
0x9: {  	[smem:$0x3FA3] =	sst s1  }
0xa: {  	[smem:$0x3FA4] =	sst s2  }
0xb: {  	[smem:$0x3FA5] =	sst s3  }
0xc: {  	[smem:$0x3FA6] =	sst s4  }
0xd: {  	[smem:$0x3FA7] =	sst s5  }
0xe: {  	[smem:$0x3FA8] =	sst s6  }
0xf: {  	[smem:$0x3FA9] =	sst s7  }
0x10: {  	[smem:$0x3FAA] =	sst s8  }
0x11: {  	[smem:$0x3FAB] =	sst s9;
	s0 =	simm.s32 @!p0 $0x0  }
0x12: {  	s1 =	sld [smem:$0x3F91];
	s0 =	simm.s32 @p0 $0x1  }
0x13: {  	[smem:$0x3FAC] =	sst s0;
	s0 =	simm.s32 @!p1 $0x0  }
0x14: {  	s2 =	sld [smem:$0x3F90];
	s0 =	simm.s32 @p1 $0x1  }
0x15: {  	[smem:$0x3FAD] =	sst s0;
	s0 =	simm.s32 @!p2 $0x0  }
0x16: {  	s3 =	sld [smem:$0x3FDB];
	s0 =	simm.s32 @p2 $0x1  }
0x17: {  	s4 =	simm.s32 $0x1BF5;
	[smem:$0x3FAF] =	sst s0  }
0x18: {  	s0 =	sld [smem:$0x3F92];
	_ =	swait.ge [sflag:s4], $0x0  }
0x19: {  	s7 =	sld [smem:$0x3F93]  }
0x1a: {  	s8 =	sadd.s32 $0xFFFFE003, lr  }
0x1b: {  	s9 =	sadd.s32 $0xFFFFFEF7, lr;
	s5 =	simm.s32 $0xFFFFFFFF;
	p2 =	slt.u32 s8, $0xFFFFF086  }
0x1c: {  	p1 =	slt.u32 s9, $0xF7A;
	s5 =	simm.s32 @!p2 $0x0  }
0x1d: {  	s5 =	simm.s32 @p1 $0x1;
	p0 =	seq.s32 s7, s2  }
0x1e: {  	s7 =	smul.u32 @!p0 $0xF7A, s2;
	p2 =	seq.s32 @!p0 s5, $0x0  }
0x1f: {  	s9 =	smul.u32 $0xF7A, s1;
	s8 =	simm.s32 @!p0 $0x1BF5;
	p2 =	por !p2, p0  }
0x20: {  	[sflag:s8] =	ssyncset.s32 @!p0 $0xFFFFF086;
	s6 =	sadd.s32 @!p0 s3, s7;
	s7 =	simm.s32 @!p0 $0x108  }
0x21: {  	s3 =	sadd.s32 s3, s9;
	s6 =	sadd.s32 @!p0 $0x88, s6;
	s7 =	simm.s32 @p2 $0x1082  }
0x22: {  	[simem:s7], [sflag:s8] =	dma.local @!p0 [hbm:s6], $0xF7A  }
0x23: {  	s9 =	sor.u32 $0xD0000000, s2;
	s6 =	simm.s32 $0x108;
	_ =	swait.ge @!p0 [sflag:s8], $0x0  }
0x24: {  	s3 =	sadd.s32 $0x88, s3;
	s6 =	simm.s32 @!p1 $0x1082;
	[sflag:s4] =	ssyncset.s32 $0xFFFFF086  }
0x25: {  	[simem:s6], [sflag:s4] =	dma.local [hbm:s3], $0xF7A  }
0x26: {  	[smem:$0x3F93] =	sst s1;
	(tag) =	ssettag s2;
	_ =	strace s9  }
0x27: {  	s1 =	sld [smem:$0x3FA3]  }
0x28: {  	s2 =	sld [smem:$0x3FA4]  }
0x29: {  	s4 =	sld [smem:$0x3FA6]  }
0x2a: {  	p0 =	seq.s32 s5, $0x0;
	s5 =	sld [smem:$0x3FA7]  }
0x2b: {  	s6 =	sld [smem:$0x3FA8]  }
0x2c: {  	s7 =	sld [smem:$0x3FA9]  }
0x2d: {  	s3 =	simm.s32 $0x108;
	s8 =	sld [smem:$0x3FAA]  }
0x2e: {  	s3 =	simm.s32 @!p0 $0x1082;
	s9 =	sld [smem:$0x3FAB]  }
0x2f: {  	lr =	sadd.s32 s0, s3;
	s0 =	sld [smem:$0x3FA2]  }
0x30: {  	s3 =	sld [smem:$0x3FA5]  }
0x31: {  	[smem:$0x3FAE] =	sst s10  }
0x32: {  	s10 =	sld [smem:$0x3FAC];
	_ =	sdelay $0x3  }
0x33: {  	p0 =	seq.s32 s10, $0x1;
	s10 =	sld [smem:$0x3FAE];
	_ =	sdelay $0x3  }
0x34: {  	[smem:$0x3FAE] =	sst s10  }
0x35: {  	s10 =	sld [smem:$0x3FAD];
	_ =	sdelay $0x3  }
0x36: {  	p1 =	seq.s32 s10, $0x1;
	s10 =	sld [smem:$0x3FAE];
	_ =	sdelay $0x3  }
0x37: {  	[smem:$0x3FAE] =	sst s10  }
0x38: {  	s10 =	sld [smem:$0x3FAF]  }
0x39: {  	_ = 	snop;
	(pc) =	sbr.ind lr, $3  }
0x3a: {  	_ = 	snop  }
0x3b: {  	_ = 	snop  }
0x3c: {  	p2 =	seq.s32 s10, $0x1;
	s10 =	sld [smem:$0x3FAE]  }
0x3d: {  	_ =	shalt  }
0x3e: {  	_ =	shalt  }
0x3f: {  	_ =	shalt  }
0x40: {  	_ =	shalt  }
0x41: {  	_ =	shalt  }
0x42: {  	_ =	shalt  }
0x43: {  	_ =	shalt  }
0x44: {  	_ =	shalt  }
0x45: {  	_ =	shalt  }
0x46: {  	_ =	shalt  }
0x47: {  	_ =	shalt  }
0x48: {  	_ =	shalt  }
0x49: {  	_ =	shalt  }
0x4a: {  	_ =	shalt  }
0x4b: {  	_ =	shalt  }
0x4c: {  	_ =	shalt  }
0x4d: {  	_ =	shalt  }
0x4e: {  	_ =	shalt  }
0x4f: {  	_ =	shalt  }
0x50: {  	_ =	shalt  }
0x51: {  	_ =	shalt  }
0x52: {  	_ =	shalt  }
0x53: {  	_ =	shalt  }
0x54: {  	_ =	shalt  }
0x55: {  	_ =	shalt  }
0x56: {  	_ =	shalt  }
0x57: {  	_ =	shalt  }
0x58: {  	_ =	shalt  }
0x59: {  	_ =	shalt  }
0x5a: {  	_ =	shalt  }
0x5b: {  	_ =	shalt  }
0x5c: {  	_ =	shalt  }
0x5d: {  	_ =	shalt  }
0x5e: {  	_ =	shalt  }
0x5f: {  	_ =	shalt  }
0x60: {  	_ =	shalt  }
0x61: {  	_ =	shalt  }
0x62: {  	_ =	shalt  }
0x63: {  	_ =	shalt  }
0x64: {  	_ =	shalt  }
0x65: {  	_ =	shalt  }
0x66: {  	_ =	shalt  }
0x67: {  	_ =	shalt  }
0x68: {  	_ =	shalt  }
0x69: {  	_ =	shalt  }
0x6a: {  	_ =	shalt  }
0x6b: {  	_ =	shalt  }
0x6c: {  	_ =	shalt  }
0x6d: {  	_ =	shalt  }
0x6e: {  	_ =	shalt  }
0x6f: {  	_ =	shalt  }
0x70: {  	_ =	shalt  }
0x71: {  	_ =	shalt  }
0x72: {  	_ =	shalt  }
0x73: {  	_ =	shalt  }
0x74: {  	_ =	shalt  }
0x75: {  	_ =	shalt  }
0x76: {  	_ =	shalt  }
0x77: {  	_ =	shalt  }
0x78: {  	_ =	shalt  }
0x79: {  	_ =	shalt  }
0x7a: {  	_ =	shalt  }
0x7b: {  	_ =	shalt  }
0x7c: {  	_ =	shalt  }
0x7d: {  	_ =	shalt  }
0x7e: {  	_ =	shalt  }
0x7f: {  	_ =	shalt  }
0x80: {  	_ =	shalt  }
0x81: {  	_ =	shalt  }
0x82: {  	_ =	shalt  }
0x83: {  	_ =	shalt  }
0x84: {  	_ =	shalt  }
0x85: {  	_ =	shalt  }
0x86: {  	_ =	shalt  }
0x87: {  	_ =	shalt  }
.Lfunc_end0:
.L_simem_size_0:
called_computation_lowered:
.L_overlay_start_0:
0x88: {  	s2 =	sld [smem:$0x3FD9]  }
0x89: {  	s3 =	sld [smem:$0x3FFE];
	_ =	sdelay $0x1  }
0x8a: {  	s1 =	srdreg.scid  }
0x8b: {  	s0 =	sand.u32 $0x1, s1  }
0x8c: {  	s17 =	sshll.u32 s0, $0xA;
	s2 =	sadd.s32 s3, s2  }
0x8d: {  	s2 =	sadd.s32 s2, s17  }
0x8e: {  	[smem:$0x3FBA] =	sst s2  }
0x8f: {  	_ = 	snop  }
0x90: {  	s2 =	sld [smem:$0x3FC9];
	(tm) =	ssettm $0x1  }
0x91: {  	s18 =	sld [smem:$0x3FFB];
	_ =	sdelay $0x3  }
0x92: {  	_ =	strace s18  }
0x93: {  	s3 =	sld [smem:$0x3FFC];
	_ =	sdelay $0x3  }
0x94: {  	_ =	strace s3  }
0x95: {  	s3 =	sld [smem:$0x3FFD];
	_ =	sdelay $0x3  }
0x96: {  	_ =	strace s3  }
0x97: {  	_ =	strace $0x8FFFFFFF  }
0x98: {  	s19 =	sld [smem:$0x3FDB];
	_ =	sdelay $0x1  }
0x99: {  	s4 =	simm.s32 $_scs_section_size  }
0x9a: {  	s5 =	simm.s32 $_size__tile_overlayer_lowered;
	s6 =	simm.s32 $_tile_overlayer_lowered  }
0x9b: {  	s22 =	simm.s32 $0x1BFF;
	s21 =	sshll.u32 s6, $0x1;
	s3 =	sadd.s32 s4, s19  }
0x9c: {  	s7 =	simm.s32 $0x0;
	s20 =	sshll.u32 s5, $0x1;
	s5 =	sadd.s32 s21, s3  }
0x9d: {  	[timem:s7], [sflag:s22] =	dma.local [hbm:s5], s20  }
0x9e: {  	_ =	swait.ge [sflag:s22], s20  }
0x9f: {  	s4 =	ssub.s32 $0x0, s20;
	[sflag:s22] =	ssyncset.done $0x0  }
0xa0: {  	[sflag:s22] =	ssyncadd.s32 s4;
	_ =	sdelay $0x1  }
0xa1: {  	s23 =	simm.s32 $0x1B8B  }
0xa2: {  	_ =	swait.ge [sflag:s23], $0x1  }
0xa3: {  	[sflag:s23] =	ssyncset.done $0x0  }
0xa4: {  	s25 =	simm.s32 $0x1B8E;
	s24 =	sld [smem:$0x3FFE];
	[sflag:s23] =	ssyncadd.s32 $0xFFFFFFFF  }
0xa5: {  	s26 =	simm.s32 $execute0_lowered;
	[smem:$0x3FD2] =	sst s25  }
0xa6: {  	s5 =	sshll.u32 s26, $0x1;
	_ =	strace $0x80000046;
	[dreg:$0x1] =	wrdreg $0xFFFFFFFF  }
0xa7: {  	s28 =	simm.s32 $_size_execute0_lowered;
	s3 =	sadd.s32 s3, s5;
	[dreg:$0x0] =	wrdreg $0x0  }
0xa8: {  	s5 =	sshll.u32 s28, $0x1;
	[dreg:$0x2] =	wrdreg s3  }
0xa9: {  	[dreg:$0x3] =	wrdreg s5  }
0xaa: {  	[dreg:$0x4] =	wrdreg $0xC0  }
0xab: {  	_ =	task [dreg:s7], $0x5FFFF  }
0xac: {  	[dreg:$0x1] =	wrdreg $0xFFFFFFFF  }
0xad: {  	[dreg:$0x0] =	wrdreg $0x60  }
0xae: {  	[dreg:$0x2] =	wrdreg s2  }
0xaf: {  	[dreg:$0x3] =	wrdreg s24  }
0xb0: {  	[dreg:$0x4] =	wrdreg $0x9  }
0xb1: {  	_ =	task.clear_ibuf [dreg:s7], $0x5FFFF;
	_ =	strace $0x90000046  }
0xb2: {  	s29 =	simm.s32 $0x9;
	_ =	strace $0x80000048  }
0xb3: {  	_ =	swait.ge [sflag:s29], $0x1  }
0xb4: {  	[sflag:s29] =	ssyncadd.s32 $0xFFFFFFFF  }
0xb5: {  	_ =	strace $0x90000048  }
0xb6: {  	_ =	sfence  }
0xb7: {  	s30 =	sld [smem:$0x0];
	_ =	sdelay $0x2  }
0xb8: {  	s31 =	sshll.u32 s1, $0xD;
	s1 =	sshrl.u32 s1, $0x2  }
0xb9: {  	s3 =	sand.u32 $0x4000, s31;
	s1 =	sadd.s32 s1, s30  }
0xba: {  	s0 =	sor.u32 s3, s0;
	s1 =	sshll.u32 s1, $0x11  }
0xbb: {  	s0 =	sor.u32 s1, s0  }
0xbc: {  	s0 =	sadd.s32 $0x8F2B, s0  }
0xbd: {  	[sflag:s0] =	ssyncadd.remote.s32 $0x1  }
0xbe: {  	_ =	sfence.sel $0xFFFF  }
0xbf: {  	[dreg:$0x0] =	wrdreg $0xFFFFFFFF;
	(pc) =	sbr.abs _section_cstart, $3  }
0xc0: {  	[dreg:$0x1] =	wrdreg $0xFFFFFFFF  }
0xc1: {  	_ =	task.clear_ibuf [dreg:s7], $0x2FFFF;
	_ =	strace $0x9FFFFFFF  }
0xc2: {  	(tm) =	ssettm $0x7FFFFFFF  }
0xc3: {  	_ =	shalt  }
tec
execute0_lowered:
.L_overlay_start_1:
0x0: {  	(tag) =	ssettag $0x1  }
0x1: {  	s1 =	srdreg.scid  }
0x2: {  	s0 =	stileid.u32;
	s16 =	sand.u32 $0x1, s1  }
0x3: {  	s2 =	rddreg [dreg:$0x0];
	s30 =	sshll.u32 s0, $0xB;
	s3 =	sshll.u32 s16, $0xA  }
0x4: {  	s10 =	rddreg [dreg:$0x1];
	s11 =	sor.u32 s3, s30  }
0x5: {  	s1 =	rddreg [dreg:$0x2];
	s3 =	simm.s32 $0x0;
	s4 =	sshrl.u32 s11, $0x3  }
0x6: {  	[smem:$0x7FF] =	sst s3;
	s4 =	sadd.s32 s4, s10  }
0x7: {  	_ =	strace $0x80000047;
	s5 =	sadd.s32 $0x3400, s4;
	s4 =	simm.s32 $0x3  }
0x8: {  	[tilespmem:s3], [sflag:$0x3] =	stream.linear.gather [hbm4b:s5+s3], $0x400, $0x38;
	[tilespmem:$0x10400] =	vst v63  }
0x9: {  	_ =	swait.ge [sflag:s4], $0x400  }
0xa: {  	[sflag:s4] =	ssyncset.done $0x0  }
0xb: {  	s6 =	simm.s32 $0x100;
	s7 =	simm.s32 $0x400;
	[sflag:s4] =	ssyncadd.s32 $0xFFFFFC00  }
0xc: {  	[tilespmem:s7], [sflag:$0x1] =	stream.indirect.gather [hbm4b:s2+s6], $0x80, s3, s6, $0xb8;
	[tilespmem:$0x10400] =	vst v63  }
0xd: {  	s8 =	simm.s32 $0x8400;
	s9 =	simm.s32 $0x1  }
0xe: {  	[tilespmem:s8], [sflag:$0x2] =	stream.indirect.gather [hbm4b:s2+s6], $0x80, s6, s6, $0xb8;
	[tilespmem:$0x10400] =	vst v63  }
0xf: {  	s11 =	sshll.u32 s11, $0x4;
	_ =	swait.ge [sflag:s9], $0x8000  }
0x10: {  	s17 =	sadd.s32 s11, s10;
	[sflag:s9] =	ssyncset.done $0x0  }
0x11: {  	s10 =	sadd.s32 $0x4400, s17;
	[sflag:s9] =	ssyncadd.s32 $0xFFFF8000  }
0x12: {  	[hbm4b:s10+s3] =	stream.linear.scatter [tilespmem:s7], [sflag:$0x3], $0x8000, $0x38;
	[tilespmem:$0x10400] =	vst v63  }
0x13: {  	_ =	swait.ge [sflag:s4], $0x8000  }
0x14: {  	[sflag:s4] =	ssyncset.done $0x0  }
0x15: {  	s12 =	simm.s32 $0x2;
	s11 =	simm.s32 $0x200;
	[sflag:s4] =	ssyncadd.s32 $0xFFFF8000  }
0x16: {  	[tilespmem:s7], [sflag:$0x1] =	stream.indirect.gather [hbm4b:s2+s6], $0x80, s11, s6, $0xb8;
	[tilespmem:$0x10400] =	vst v63  }
0x17: {  	_ =	swait.ge [sflag:s12], $0x8000  }
0x18: {  	[sflag:s12] =	ssyncset.done $0x0  }
0x19: {  	s13 =	sadd.s32 $0x5400, s17;
	[sflag:s12] =	ssyncadd.s32 $0xFFFF8000  }
0x1a: {  	[hbm4b:s13+s3] =	stream.linear.scatter [tilespmem:s8], [sflag:$0x3], $0x8000, $0x38;
	[tilespmem:$0x10400] =	vst v63  }
0x1b: {  	_ =	swait.ge [sflag:s4], $0x8000  }
0x1c: {  	[sflag:s4] =	ssyncset.done $0x0  }
0x1d: {  	s14 =	simm.s32 $0x300;
	[sflag:s4] =	ssyncadd.s32 $0xFFFF8000  }
0x1e: {  	[tilespmem:s8], [sflag:$0x2] =	stream.indirect.gather [hbm4b:s2+s6], $0x80, s14, s6, $0xb8;
	[tilespmem:$0x10400] =	vst v63  }
0x1f: {  	_ =	swait.ge [sflag:s9], $0x8000  }
0x20: {  	[sflag:s9] =	ssyncset.done $0x0  }
0x21: {  	s16 =	ssub.s32 $0x2, s16;
	s15 =	sadd.s32 $0x6400, s17;
	[sflag:s9] =	ssyncadd.s32 $0xFFFF8000  }
0x22: {  	[hbm4b:s15+s3] =	stream.linear.scatter [tilespmem:s7], [sflag:$0x3], $0x8000, $0x38;
	[tilespmem:$0x10400] =	vst v63  }
0x23: {  	s18 =	sshrl.u32 s16, $0x1;
	_ =	swait.ge [sflag:s4], $0x8000  }
0x24: {  	s18 =	ssub.s32 s16, s18;
	[sflag:s4] =	ssyncset.done $0x0  }
0x25: {  	s31 =	smax.u32 s18, $0x1;
	[sflag:s4] =	ssyncadd.s32 $0xFFFF8000  }
0x26: {  	p0 =	sne.s32 s31, $0x1;
	_ =	swait.ge [sflag:s12], $0x8000  }
.Ltmp0:
0x27: {  	[sflag:s12] =	ssyncset.done $0x0;
	(pc) =	sbr.rel @!p0 .LBB2_2-.Ltmp0, $4  }
0x28: {  	s16 =	sadd.s32 $0x7400, s17;
	[sflag:s12] =	ssyncadd.s32 $0xFFFF8000  }
0x29: {  	[hbm4b:s16+s3] =	stream.linear.scatter [tilespmem:s8], [sflag:$0x3], $0x8000, $0x38;
	[tilespmem:$0x10400] =	vst v63  }
0x2a: {  	_ =	swait.ge [sflag:s4], $0x8000  }
0x2b: {  	s17 =	sadd.s32 $0xFFFFFFFF, s31;
	[sflag:s4] =	ssyncset.done $0x0  }
.LBB2_1:
0x2c: {  	p0 =	sne.s32 s17, $0x1;
	s17 =	sadd.s32 $0xFFFFFFFF, s17;
	[sflag:s4] =	ssyncadd.s32 $0xFFFF8000  }
0x2d: {  	[tilespmem:s3], [sflag:$0x3] =	stream.linear.gather [hbm4b:s5+s3], $0x400, $0x38;
	[tilespmem:$0x10400] =	vst v63  }
0x2e: {  	_ =	swait.ge [sflag:s4], $0x400  }
0x2f: {  	[sflag:s4] =	ssyncset.done $0x0  }
0x30: {  	[sflag:s4] =	ssyncadd.s32 $0xFFFFFC00  }
0x31: {  	[tilespmem:s7], [sflag:$0x1] =	stream.indirect.gather [hbm4b:s2+s6], $0x80, s3, s6, $0xb8;
	[tilespmem:$0x10400] =	vst v63  }
0x32: {  	_ = 	snop  }
0x33: {  	[tilespmem:s8], [sflag:$0x2] =	stream.indirect.gather [hbm4b:s2+s6], $0x80, s6, s6, $0xb8;
	[tilespmem:$0x10400] =	vst v63  }
0x34: {  	_ =	swait.ge [sflag:s9], $0x8000  }
0x35: {  	[sflag:s9] =	ssyncset.done $0x0  }
0x36: {  	[sflag:s9] =	ssyncadd.s32 $0xFFFF8000  }
0x37: {  	[hbm4b:s10+s3] =	stream.linear.scatter [tilespmem:s7], [sflag:$0x3], $0x8000, $0x38;
	[tilespmem:$0x10400] =	vst v63  }
0x38: {  	_ =	swait.ge [sflag:s4], $0x8000  }
0x39: {  	[sflag:s4] =	ssyncset.done $0x0  }
0x3a: {  	[sflag:s4] =	ssyncadd.s32 $0xFFFF8000  }
0x3b: {  	[tilespmem:s7], [sflag:$0x1] =	stream.indirect.gather [hbm4b:s2+s6], $0x80, s11, s6, $0xb8;
	[tilespmem:$0x10400] =	vst v63  }
0x3c: {  	_ =	swait.ge [sflag:s12], $0x8000  }
0x3d: {  	[sflag:s12] =	ssyncset.done $0x0  }
0x3e: {  	[sflag:s12] =	ssyncadd.s32 $0xFFFF8000  }
0x3f: {  	[hbm4b:s13+s3] =	stream.linear.scatter [tilespmem:s8], [sflag:$0x3], $0x8000, $0x38;
	[tilespmem:$0x10400] =	vst v63  }
0x40: {  	_ =	swait.ge [sflag:s4], $0x8000  }
0x41: {  	[sflag:s4] =	ssyncset.done $0x0  }
0x42: {  	[sflag:s4] =	ssyncadd.s32 $0xFFFF8000  }
0x43: {  	[tilespmem:s8], [sflag:$0x2] =	stream.indirect.gather [hbm4b:s2+s6], $0x80, s14, s6, $0xb8;
	[tilespmem:$0x10400] =	vst v63  }
0x44: {  	_ =	swait.ge [sflag:s9], $0x8000  }
0x45: {  	[sflag:s9] =	ssyncset.done $0x0  }
0x46: {  	[sflag:s9] =	ssyncadd.s32 $0xFFFF8000  }
0x47: {  	[hbm4b:s15+s3] =	stream.linear.scatter [tilespmem:s7], [sflag:$0x3], $0x8000, $0x38;
	[tilespmem:$0x10400] =	vst v63  }
0x48: {  	_ =	swait.ge [sflag:s4], $0x8000  }
0x49: {  	[sflag:s4] =	ssyncset.done $0x0  }
0x4a: {  	[sflag:s4] =	ssyncadd.s32 $0xFFFF8000  }
0x4b: {  	_ =	swait.ge [sflag:s12], $0x8000  }
.Ltmp1:
0x4c: {  	[sflag:s12] =	ssyncset.done $0x0;
	(pc) =	sbr.rel @p0 .LBB2_1-.Ltmp1, $4  }
0x4d: {  	[sflag:s12] =	ssyncadd.s32 $0xFFFF8000  }
0x4e: {  	[hbm4b:s16+s3] =	stream.linear.scatter [tilespmem:s8], [sflag:$0x3], $0x8000, $0x38;
	[tilespmem:$0x10400] =	vst v63  }
0x4f: {  	_ =	swait.ge [sflag:s4], $0x8000  }
0x50: {  	[sflag:s4] =	ssyncset.done $0x0  }
.LBB2_2:
0x51: {  	[sflag:s4] =	ssyncadd.s32 $0xFFFF8000  }
0x52: {  	_ =	sfence.sel $0x180000  }
0x53: {  	[bflag:$0x0] =	sbarrier.arrive $0xFFFF  }
0x54: {  	p0 =	sne.s32 s0, $0x0;
	_ =	strace $0x90000047  }
0x55: {  	s0 =	sadd.s32 @!p0 $0x100000, s1;
	[bflag:$0x2] =	sbarrier.arrive $0xFFFF  }
0x56: {  	[sflag:s0] =	ssyncadd.tile.s32 @!p0 $0x1;
	_ =	shalt  }
.Lfunc_end2:
_tile_overlayer_lowered:
.L_overlay_start_2:
0x57: {  	(tag) =	ssettag $0x2  }
0x58: {  	s0 =	rddreg [dreg:$0x0];
	s2 =	stileid.u32  }
0x59: {  	s1 =	rddreg [dreg:$0x1];
	p0 =	sne.s32 s2, $0x0  }
0x5a: {  	s3 =	rddreg [dreg:$0x2];
	[bflag:$0x3] =	sbarrier.arrive $0xFFFF;
	s2 =	simm.s32 @!p0 $0x1C03  }
0x5b: {  	[timem:s3], [sflag:s2] =	dma.local @!p0 [hbm:s0], s1  }
0x5c: {  	s0 =	simm.s32 @!p0 $0x3  }
0x5d: {  	_ =	swait.ge @!p0 [sflag:s0], s1  }
0x5e: {  	s1 =	ssub.s32 @!p0 $0x0, s1;
	[sflag:s0] =	ssyncset.done @!p0 $0x0  }
0x5f: {  	[sflag:s0] =	ssyncadd.s32 @!p0 s1  }
0x60: {  	[bflag:$0x3] =	sbarrier.arrive $0xFFFF  }
0x61: {  	_ =	shalt  }

// kernel: kernel.9.cloned.1.call-start
scs
__scs_entry_jumppad:
0x0: {  	(pc) =	sbr.rel $0x88, $3  }
0x1: {  	(tag) =	ssettag $0x0;
	lr =	simm.s32 $0x1  }
0x2: {  	[smem:$0x3F93] =	sst lr;
	_ =	strace $0xD0000000  }
0x3: {  	_ = 	snop  }
0x4: {  	_ = 	snop  }
0x5: {  	_ = 	snop  }
0x6: {  	_ = 	snop  }
0x7: {  	_ = 	snop  }
__scs_overlays_trampoline_lowered:
0x8: {  	[smem:$0x3FA2] =	sst s0  }
0x9: {  	[smem:$0x3FA3] =	sst s1  }
0xa: {  	[smem:$0x3FA4] =	sst s2  }
0xb: {  	[smem:$0x3FA5] =	sst s3  }
0xc: {  	[smem:$0x3FA6] =	sst s4  }
0xd: {  	[smem:$0x3FA7] =	sst s5  }
0xe: {  	[smem:$0x3FA8] =	sst s6  }
0xf: {  	[smem:$0x3FA9] =	sst s7  }
0x10: {  	[smem:$0x3FAA] =	sst s8  }
0x11: {  	[smem:$0x3FAB] =	sst s9;
	s0 =	simm.s32 @!p0 $0x0  }
0x12: {  	s1 =	sld [smem:$0x3F91];
	s0 =	simm.s32 @p0 $0x1  }
0x13: {  	[smem:$0x3FAC] =	sst s0;
	s0 =	simm.s32 @!p1 $0x0  }
0x14: {  	s2 =	sld [smem:$0x3F90];
	s0 =	simm.s32 @p1 $0x1  }
0x15: {  	[smem:$0x3FAD] =	sst s0;
	s0 =	simm.s32 @!p2 $0x0  }
0x16: {  	s3 =	sld [smem:$0x3FDB];
	s0 =	simm.s32 @p2 $0x1  }
0x17: {  	s4 =	simm.s32 $0x1BF5;
	[smem:$0x3FAF] =	sst s0  }
0x18: {  	s0 =	sld [smem:$0x3F92];
	_ =	swait.ge [sflag:s4], $0x0  }
0x19: {  	s7 =	sld [smem:$0x3F93]  }
0x1a: {  	s8 =	sadd.s32 $0xFFFFE003, lr  }
0x1b: {  	s9 =	sadd.s32 $0xFFFFFEF7, lr;
	s5 =	simm.s32 $0xFFFFFFFF;
	p2 =	slt.u32 s8, $0xFFFFF086  }
0x1c: {  	p1 =	slt.u32 s9, $0xF7A;
	s5 =	simm.s32 @!p2 $0x0  }
0x1d: {  	s5 =	simm.s32 @p1 $0x1;
	p0 =	seq.s32 s7, s2  }
0x1e: {  	s7 =	smul.u32 @!p0 $0xF7A, s2;
	p2 =	seq.s32 @!p0 s5, $0x0  }
0x1f: {  	s9 =	smul.u32 $0xF7A, s1;
	s8 =	simm.s32 @!p0 $0x1BF5;
	p2 =	por !p2, p0  }
0x20: {  	[sflag:s8] =	ssyncset.s32 @!p0 $0xFFFFF086;
	s6 =	sadd.s32 @!p0 s3, s7;
	s7 =	simm.s32 @!p0 $0x108  }
0x21: {  	s3 =	sadd.s32 s3, s9;
	s6 =	sadd.s32 @!p0 $0x88, s6;
	s7 =	simm.s32 @p2 $0x1082  }
0x22: {  	[simem:s7], [sflag:s8] =	dma.local @!p0 [hbm:s6], $0xF7A  }
0x23: {  	s9 =	sor.u32 $0xD0000000, s2;
	s6 =	simm.s32 $0x108;
	_ =	swait.ge @!p0 [sflag:s8], $0x0  }
0x24: {  	s3 =	sadd.s32 $0x88, s3;
	s6 =	simm.s32 @!p1 $0x1082;
	[sflag:s4] =	ssyncset.s32 $0xFFFFF086  }
0x25: {  	[simem:s6], [sflag:s4] =	dma.local [hbm:s3], $0xF7A  }
0x26: {  	[smem:$0x3F93] =	sst s1;
	(tag) =	ssettag s2;
	_ =	strace s9  }
0x27: {  	s1 =	sld [smem:$0x3FA3]  }
0x28: {  	s2 =	sld [smem:$0x3FA4]  }
0x29: {  	s4 =	sld [smem:$0x3FA6]  }
0x2a: {  	p0 =	seq.s32 s5, $0x0;
	s5 =	sld [smem:$0x3FA7]  }
0x2b: {  	s6 =	sld [smem:$0x3FA8]  }
0x2c: {  	s7 =	sld [smem:$0x3FA9]  }
0x2d: {  	s3 =	simm.s32 $0x108;
	s8 =	sld [smem:$0x3FAA]  }
0x2e: {  	s3 =	simm.s32 @!p0 $0x1082;
	s9 =	sld [smem:$0x3FAB]  }
0x2f: {  	lr =	sadd.s32 s0, s3;
	s0 =	sld [smem:$0x3FA2]  }
0x30: {  	s3 =	sld [smem:$0x3FA5]  }
0x31: {  	[smem:$0x3FAE] =	sst s10  }
0x32: {  	s10 =	sld [smem:$0x3FAC];
	_ =	sdelay $0x3  }
0x33: {  	p0 =	seq.s32 s10, $0x1;
	s10 =	sld [smem:$0x3FAE];
	_ =	sdelay $0x3  }
0x34: {  	[smem:$0x3FAE] =	sst s10  }
0x35: {  	s10 =	sld [smem:$0x3FAD];
	_ =	sdelay $0x3  }
0x36: {  	p1 =	seq.s32 s10, $0x1;
	s10 =	sld [smem:$0x3FAE];
	_ =	sdelay $0x3  }
0x37: {  	[smem:$0x3FAE] =	sst s10  }
0x38: {  	s10 =	sld [smem:$0x3FAF]  }
0x39: {  	_ = 	snop;
	(pc) =	sbr.ind lr, $3  }
0x3a: {  	_ = 	snop  }
0x3b: {  	_ = 	snop  }
0x3c: {  	p2 =	seq.s32 s10, $0x1;
	s10 =	sld [smem:$0x3FAE]  }
0x3d: {  	_ =	shalt  }
0x3e: {  	_ =	shalt  }
0x3f: {  	_ =	shalt  }
0x40: {  	_ =	shalt  }
0x41: {  	_ =	shalt  }
0x42: {  	_ =	shalt  }
0x43: {  	_ =	shalt  }
0x44: {  	_ =	shalt  }
0x45: {  	_ =	shalt  }
0x46: {  	_ =	shalt  }
0x47: {  	_ =	shalt  }
0x48: {  	_ =	shalt  }
0x49: {  	_ =	shalt  }
0x4a: {  	_ =	shalt  }
0x4b: {  	_ =	shalt  }
0x4c: {  	_ =	shalt  }
0x4d: {  	_ =	shalt  }
0x4e: {  	_ =	shalt  }
0x4f: {  	_ =	shalt  }
0x50: {  	_ =	shalt  }
0x51: {  	_ =	shalt  }
0x52: {  	_ =	shalt  }
0x53: {  	_ =	shalt  }
0x54: {  	_ =	shalt  }
0x55: {  	_ =	shalt  }
0x56: {  	_ =	shalt  }
0x57: {  	_ =	shalt  }
0x58: {  	_ =	shalt  }
0x59: {  	_ =	shalt  }
0x5a: {  	_ =	shalt  }
0x5b: {  	_ =	shalt  }
0x5c: {  	_ =	shalt  }
0x5d: {  	_ =	shalt  }
0x5e: {  	_ =	shalt  }
0x5f: {  	_ =	shalt  }
0x60: {  	_ =	shalt  }
0x61: {  	_ =	shalt  }
0x62: {  	_ =	shalt  }
0x63: {  	_ =	shalt  }
0x64: {  	_ =	shalt  }
0x65: {  	_ =	shalt  }
0x66: {  	_ =	shalt  }
0x67: {  	_ =	shalt  }
0x68: {  	_ =	shalt  }
0x69: {  	_ =	shalt  }
0x6a: {  	_ =	shalt  }
0x6b: {  	_ =	shalt  }
0x6c: {  	_ =	shalt  }
0x6d: {  	_ =	shalt  }
0x6e: {  	_ =	shalt  }
0x6f: {  	_ =	shalt  }
0x70: {  	_ =	shalt  }
0x71: {  	_ =	shalt  }
0x72: {  	_ =	shalt  }
0x73: {  	_ =	shalt  }
0x74: {  	_ =	shalt  }
0x75: {  	_ =	shalt  }
0x76: {  	_ =	shalt  }
0x77: {  	_ =	shalt  }
0x78: {  	_ =	shalt  }
0x79: {  	_ =	shalt  }
0x7a: {  	_ =	shalt  }
0x7b: {  	_ =	shalt  }
0x7c: {  	_ =	shalt  }
0x7d: {  	_ =	shalt  }
0x7e: {  	_ =	shalt  }
0x7f: {  	_ =	shalt  }
0x80: {  	_ =	shalt  }
0x81: {  	_ =	shalt  }
0x82: {  	_ =	shalt  }
0x83: {  	_ =	shalt  }
0x84: {  	_ =	shalt  }
0x85: {  	_ =	shalt  }
0x86: {  	_ =	shalt  }
0x87: {  	_ =	shalt  }
.Lfunc_end0:
.L_simem_size_0:
called_computation.1_lowered:
.L_overlay_start_0:
0x88: {  	s2 =	sld [smem:$0x3FD9]  }
0x89: {  	s3 =	sld [smem:$0x3FFE];
	_ =	sdelay $0x1  }
0x8a: {  	s1 =	srdreg.scid  }
0x8b: {  	s0 =	sand.u32 $0x1, s1  }
0x8c: {  	s15 =	sshll.u32 s0, $0xA;
	s2 =	sadd.s32 s3, s2  }
0x8d: {  	s2 =	sadd.s32 s2, s15  }
0x8e: {  	[smem:$0x3FBA] =	sst s2  }
0x8f: {  	_ = 	snop  }
0x90: {  	s16 =	sld [smem:$0x3FD0];
	_ =	sdelay $0x2  }
0x91: {  	s4 =	simm.s32 $0xB;
	s5 =	simm.s32 $0x10;
	s2 =	sld [smem:$0x3FC5]  }
0x92: {  	[smem:s5], [sflag:s4] =	dma.local [hbm:s16], $0x1  }
0x93: {  	_ =	swait.eq [sflag:s4], $0x1  }
0x94: {  	[sflag:s4] =	ssyncset.done $0x0  }
0x95: {  	[sflag:s4] =	ssyncadd.s32 $0xFFFFFFFF  }
0x96: {  	s17 =	sld [smem:$0x12];
	(tm) =	ssettm $0x1  }
0x97: {  	s18 =	sld [smem:$0x3FFB];
	_ =	sdelay $0x3  }
0x98: {  	_ =	strace s18  }
0x99: {  	s3 =	sld [smem:$0x3FFC];
	_ =	sdelay $0x3  }
0x9a: {  	_ =	strace s3  }
0x9b: {  	s3 =	sld [smem:$0x3FFD];
	_ =	sdelay $0x3  }
0x9c: {  	_ =	strace s3  }
0x9d: {  	_ =	strace $0x8FFFFFFF  }
0x9e: {  	s19 =	sld [smem:$0x3FDB];
	_ =	sdelay $0x1  }
0x9f: {  	s20 =	simm.s32 $_scs_section_size  }
0xa0: {  	s6 =	simm.s32 $_size__tile_overlayer_lowered;
	s7 =	simm.s32 $_tile_overlayer_lowered  }
0xa1: {  	s8 =	simm.s32 $0x1BFF;
	s21 =	sshll.u32 s7, $0x1;
	s5 =	sadd.s32 s20, s19  }
0xa2: {  	s22 =	simm.s32 $0x0;
	s6 =	sshll.u32 s6, $0x1;
	s7 =	sadd.s32 s21, s5  }
0xa3: {  	[timem:s22], [sflag:s8] =	dma.local [hbm:s7], s6  }
0xa4: {  	_ =	swait.ge [sflag:s8], s6  }
0xa5: {  	s6 =	ssub.s32 $0x0, s6;
	[sflag:s8] =	ssyncset.done $0x0  }
0xa6: {  	[sflag:s8] =	ssyncadd.s32 s6;
	_ =	sdelay $0x1  }
0xa7: {  	s23 =	simm.s32 $0x1B8B  }
0xa8: {  	_ =	swait.ge [sflag:s23], $0x1  }
0xa9: {  	[sflag:s23] =	ssyncset.done $0x0  }
0xaa: {  	[sflag:s23] =	ssyncadd.s32 $0xFFFFFFFF  }
0xab: {  	s6 =	sld [smem:$0x0]  }
0xac: {  	s7 =	sand.u32 $0xFFFFFFFE, s1  }
0xad: {  	p0 =	sne.s32 s1, s7  }
0xae: {  	s7 =	sshll.u32 @p0 s7, $0xE  }
0xaf: {  	s7 =	sadd.s32 @p0 $0x11B8D, s7;
	s8 =	sshll.u32 @p0 s6, $0x11  }
0xb0: {  	s7 =	sor.u32 @p0 s8, s7  }
0xb1: {  	[sflag:s7] =	ssyncadd.remote.s32 @p0 $0x1;
	_ =	sdelay $0x1  }
0xb2: {  	s7 =	simm.s32 @p0 $0x1B8D  }
0xb3: {  	_ =	swait.eq @p0 [sflag:s7], $0x1  }
0xb4: {  	[sflag:s7] =	ssyncadd.s32 @p0 $0xFFFFFFFF  }
0xb5: {  	s8 =	sshll.u32 @!p0 s1, $0xE  }
0xb6: {  	s8 =	sor.u32 @!p0 $0x4000, s8;
	s7 =	simm.s32 @!p0 $0x1B8D  }
0xb7: {  	s6 =	sshll.u32 @!p0 s6, $0x11;
	s8 =	sadd.s32 @!p0 $0x11B8D, s8;
	_ =	swait.eq @!p0 [sflag:s7], $0x1  }
0xb8: {  	s6 =	sor.u32 @!p0 s6, s8;
	[sflag:s7] =	ssyncadd.s32 @!p0 $0xFFFFFFFF  }
0xb9: {  	s25 =	simm.s32 $0x1B8E;
	s24 =	sld [smem:$0x3FFE];
	[sflag:s6] =	ssyncadd.remote.s32 @!p0 $0x1  }
0xba: {  	s26 =	simm.s32 $execute0_lowered;
	[smem:$0x3FD2] =	sst s25  }
0xbb: {  	s7 =	sshll.u32 s26, $0x1;
	_ =	strace $0x80000049;
	[dreg:$0x1] =	wrdreg $0xFFFFFFFF  }
0xbc: {  	s28 =	simm.s32 $_size_execute0_lowered;
	s5 =	sadd.s32 s5, s7;
	[dreg:$0x0] =	wrdreg $0x0  }
0xbd: {  	s7 =	sshll.u32 s28, $0x1;
	[dreg:$0x2] =	wrdreg s5  }
0xbe: {  	[dreg:$0x3] =	wrdreg s7  }
0xbf: {  	[dreg:$0x4] =	wrdreg $0xC0  }
0xc0: {  	_ =	task [dreg:s22], $0x5FFFF  }
0xc1: {  	[dreg:$0x1] =	wrdreg $0xFFFFFFFF  }
0xc2: {  	[dreg:$0x0] =	wrdreg $0x60  }
0xc3: {  	[dreg:$0x2] =	wrdreg s24  }
0xc4: {  	[dreg:$0x3] =	wrdreg s2  }
0xc5: {  	[dreg:$0x4] =	wrdreg s17  }
0xc6: {  	[dreg:$0x5] =	wrdreg $0xA  }
0xc7: {  	_ =	task.clear_ibuf [dreg:s22], $0x6FFFF;
	_ =	strace $0x90000049  }
0xc8: {  	s29 =	simm.s32 $0xA;
	_ =	strace $0x8000004B  }
0xc9: {  	_ =	swait.ge [sflag:s29], $0x1  }
0xca: {  	[sflag:s29] =	ssyncadd.s32 $0xFFFFFFFF  }
0xcb: {  	_ =	strace $0x9000004B  }
0xcc: {  	_ =	sfence  }
0xcd: {  	s30 =	sld [smem:$0x0];
	_ =	sdelay $0x2  }
0xce: {  	s31 =	sshll.u32 s1, $0xD;
	s1 =	sshrl.u32 s1, $0x2  }
0xcf: {  	s4 =	sand.u32 $0x4000, s31;
	s1 =	sadd.s32 s1, s30  }
0xd0: {  	s0 =	sor.u32 s4, s0;
	s1 =	sshll.u32 s1, $0x11  }
0xd1: {  	s0 =	sor.u32 s1, s0  }
0xd2: {  	s0 =	sadd.s32 $0x8F2B, s0  }
0xd3: {  	[sflag:s0] =	ssyncadd.remote.s32 $0x1  }
0xd4: {  	_ =	sfence.sel $0xFFFF  }
0xd5: {  	[dreg:$0x0] =	wrdreg $0xFFFFFFFF;
	(pc) =	sbr.abs _section_cstart, $3  }
0xd6: {  	[dreg:$0x1] =	wrdreg $0xFFFFFFFF  }
0xd7: {  	_ =	task.clear_ibuf [dreg:s22], $0x2FFFF;
	_ =	strace $0x9FFFFFFF  }
0xd8: {  	(tm) =	ssettm $0x7FFFFFFF  }
0xd9: {  	_ =	shalt  }
tec
execute0_lowered:
.L_overlay_start_1:
0x0: {  	(tag) =	ssettag $0x1  }
0x1: {  	s0 =	rddreg [dreg:$0x0]  }
0x2: {  	s1 =	srdreg.scid;
	s14 =	stileid.u32  }
0x3: {  	s2 =	rddreg [dreg:$0x2];
	s15 =	simm.s32 $0x8000;
	s16 =	simm.s32 $0xCC80  }
0x4: {  	s17 =	simm.s32 $0xC000;
	s18 =	simm.s32 $0xD900;
	s21 =	simm.s32 $0x11000  }
0x5: {  	s22 =	simm.s32 $0x80;
	s23 =	simm.s32 $0x400;
	s26 =	simm.s32 $0x12D00  }
0x6: {  	s28 =	simm.s32 $0x0;
	s1 =	sand.u32 $0x1, s1;
	s3 =	sshll.u32 s14, $0x1  }
0x7: {  	s6 =	sshrl.u32 s14, $0x2;
	s31 =	smul.u32 $0x1880, s14;
	s14 =	simm.s32 $0x1  }
0x8: {  	s5 =	sor.u32 s1, s3;
	s3 =	simm.s32 $0x0;
	s7 =	smul.u32 $0x6800, s6  }
0x9: {  	s6 =	sshll.u32 s6, $0xA;
	s29 =	ssub.s32 $0x2, s1;
	s1 =	smul.u32 $0xC40, s1  }
0xa: {  	s4 =	sshll.u32 s5, $0x7;
	[smem:$0x7FF] =	sst s3;
	s19 =	smul.u32 $0xC40, s5  }
0xb: {  	s5 =	sshll.u32 s5, $0x9;
	s30 =	sshrl.u32 s29, $0x1;
	s8 =	sand.u32 $0x380, s4  }
0xc: {  	_ =	strace $0x8000004A;
	s4 =	sadd.s32 $0x3400, s0;
	s12 =	sadd.s32 s5, s0  }
0xd: {  	s13 =	ssub.s32 s29, s30;
	s7 =	sor.u32 s7, s8;
	s9 =	sshrl.u32 s19, $0x3  }
0xe: {  	s6 =	sor.u32 s6, s8;
	s20 =	sadd.s32 $0xC40, s19;
	v0 =	vmov s19;
	s19 =	simm.s32 $0xE600  }
0xf: {  	s7 =	sshrl.u32 s7, $0x3;
	s10 =	sadd.s32 s9, s0;
	s6 =	sshrl.u32 s6, $0x3  }
0x10: {  	v1 =	vmov s20;
	s20 =	simm.s32 $0x10300;
	s11 =	sadd.s32 s7, s0;
	s0 =	sadd.s32 s6, s0  }
0x11: {  	v2 =	vimm.s32 $0xFFFFFFFF;
	s5 =	sadd.s32 $0x84400, s10;
	s6 =	sadd.s32 s2, s9;
	s9 =	sadd.s32 $0x8AA00, s12  }
0x12: {  	v3 =	vlaneseq.u32;
	v4 =	vimm.f32 $0.0e+00;
	v5 =	vimm.s32 $0x0;
	s10 =	sadd.s32 $0x91E00, s12;
	s12 =	smax.u32 s13, $0x1;
	s13 =	sadd.s32 s1, s31  }
0x13: {  	vm0 =	vmmov $0x1;
	vm1 =	vcmask $0x300;
	vm2 =	vcmask $0x704;
	s7 =	sadd.s32 $0x87600, s11;
	s8 =	sadd.s32 $0x8EA00, s11;
	s11 =	sadd.s32 $0x95E00, s0  }
.LBB2_1:
0x14: {  	[tilespmem:s3], [sflag:$0x1] =	stream.linear.gather [hbm4b:s4+s3], $0x8000, $0x38;
	[tilespmem:$0x12D80] =	vst v63  }
0x15: {  	_ =	swait.ge [sflag:s14], $0x8000  }
0x16: {  	[sflag:s14] =	ssyncset.done $0x0  }
0x17: {  	[sflag:s14] =	ssyncadd.s32 $0xFFFF8000  }
0x18: {  	s0 =	rddreg [dreg:$0x1]  }
0x19: {  	[tilespmem:s15], [sflag:$0x1] =	stream.linear.gather [hbm4b:s0+s3], $0x4000, $0x38;
	[tilespmem:$0x12D80] =	vst v63  }
0x1a: {  	_ =	swait.ge [sflag:s14], $0x4000  }
0x1b: {  	[sflag:s14] =	ssyncset.done $0x0  }
0x1c: {  	[sflag:s14] =	ssyncadd.s32 $0xFFFFC000  }
0x1d: {  	[tilespmem:s16], [sflag:$0x1] =	stream.linear.gather [hbm4b:s5+s3], $0xC40, $0x38;
	[tilespmem:$0x12D80] =	vst v63  }
0x1e: {  	_ =	swait.ge [sflag:s14], $0xC40  }
0x1f: {  	[sflag:s14] =	ssyncset.done $0x0  }
0x20: {  	s0 =	simm.s32 $0x0;
	[sflag:s14] =	ssyncadd.s32 $0xFFFFF3C0  }
.LBB2_2:
0x21: {  	p0 =	sne.s32 s0, $0x30C0  }
.Ltmp0:
0x22: {  	_ = 	snop;
	(pc) =	sbr.rel @p0 .LBB2_2-.Ltmp0, $3  }
0x23: {  	_ =	sdelay $0x1  }
0x24: {  	s1 =	sshra.s32 s0, $0x2  }
0x25: {  	s0 =	sadd.s32 $0x40, s0;
	[tilespmem:s1+$0xC000] =	vst v2  }
.Ltmp1:
0x26: {  	(pc) =	sbr.rel .LBB2_4-.Ltmp1, $2  }
0x27: {  	_ =	sdelay $0x2  }
0x28: {  	s0 =	simm.s32 $0x0  }
.LBB2_6:
0x29: {  	s0 =	sadd.s32 $0x1, s0  }
0x2a: {  	p0 =	sne.s32 s0, $0x800  }
.Ltmp2:
0x2b: {  	_ = 	snop;
	(pc) =	sbr.rel @!p0 .LBB2_7-.Ltmp2, $1  }
0x2c: {  	_ =	sdelay $0x3  }
.LBB2_4:
0x2d: {  	s1 =	sshll.u32 s0, $0x4  }
0x2e: {  	v6 =	vld [tilespmem:s1+$0x0];
	_ =	sdelay $0x4  }
0x2f: {  	vm3 =	vge.s32 v6, v0;
	vm4 =	vlt.s32 v6, v1  }
0x30: {  	v6 =	vsub.s32 v6, v0;
	vm3 =	vmand vm3, vm4  }
0x31: {  	v6 =	vnsel vm3, $0x0, v6;
	_ =	sdelay $0x3  }
0x32: {  	v7 =	vor.u32 s1, v3  }
0x33: {  	[tilespmem:v6+s17+$0x0] =	vst.idx.msk vm3, v7  }
0x34: {  	v8 =	vld.idx.msk [tilespmem:v6+s17+$0x0], $0xffff;
	_ =	sdelay $0x4  }
0x35: {  	vm4 =	vlt.s32 v8, v7  }
0x36: {  	vm3 =	vmand vm3, vm4  }
0x37: {  	v8 =	vsel vm3, $0x3F800000, v4  }
0x38: {  	(xrf0) =	vmax.scan.msk.f32 $0xffff, v8;
	_ =	sdelay $0x5  }
0x39: {  	v8, _, _ =	vpop (xrf0)  }
0x3a: {  	(v2sf) =	vpush v8, $0xF;
	_ =	sdelay $0xe  }
0x3b: {  	s31 =	spop (v2sf)  }
0x3c: {  	p0 =	sgt.f32 s31, $0.0e+00  }
.Ltmp3:
0x3d: {  	_ = 	snop;
	(pc) =	sbr.rel @!p0 .LBB2_6-.Ltmp3, $1  }
0x3e: {  	_ =	sdelay $0x3  }
.LBB2_5:
0x3f: {  	[tilespmem:v6+s17+$0x0] =	vst.idx.msk vm3, v7  }
0x40: {  	v8 =	vld.idx.msk [tilespmem:v6+s17+$0x0], $0xffff;
	_ =	sdelay $0x4  }
0x41: {  	vm4 =	vlt.s32 v8, v7  }
0x42: {  	vm3 =	vmand vm3, vm4  }
0x43: {  	v8 =	vsel vm3, $0x3F800000, v4  }
0x44: {  	(xrf0) =	vmax.scan.msk.f32 $0xffff, v8;
	_ =	sdelay $0x5  }
0x45: {  	v8, _, _ =	vpop (xrf0)  }
0x46: {  	(v2sf) =	vpush v8, $0xF;
	_ =	sdelay $0xe  }
0x47: {  	s1 =	spop (v2sf)  }
0x48: {  	p0 =	sgt.f32 s1, $0.0e+00  }
.Ltmp4:
0x49: {  	_ = 	snop;
	(pc) =	sbr.rel @p0 .LBB2_5-.Ltmp4, $1  }
0x4a: {  	_ =	sdelay $0x3  }
.Ltmp5:
0x4b: {  	_ = 	snop;
	(pc) =	sbr.rel .LBB2_6-.Ltmp5, $1  }
0x4c: {  	_ =	sdelay $0x3  }
.LBB2_7:
0x4d: {  	s0 =	simm.s32 $0x0  }
0x4e: {  	v6 =	vld [tilespmem:s0+$0xC000];
	_ =	sdelay $0x4  }
0x4f: {  	vm3 =	vgt.s32 v6, $0x3FFF;
	vm4 =	vlt.u32 v6, $0x4000;
	v7 =	vadd.s32 $0xFFFFC000, v6  }
0x50: {  	vm5 =	vgt.s32 v6, $0xFFFFFFFF;
	v6 =	vsel vm3, v7, v6;
	v7 =	vsel vm4, $0x1, v5  }
0x51: {  	(xrf0) =	vadd.scan.msk.s32 $0xffff, v7  }
0x52: {  	v6 =	vnsel vm5, $0x0, v6;
	v7 =	vsel vm3, $0x1, v5  }
0x53: {  	(xrf0) =	vadd.scan.msk.s32 $0xffff, v7  }
0x54: {  	s29 =	simm.s32 $0x0  }
0x55: {  	v7 =	vmov s29  }
0x56: {  	v9 =	vld [tilespmem:s0+$0xCC80];
	v7 =	vadd.s32 $0xFFFFFFFF, v7  }
0x57: {  	v7 =	vbroadcast v7, $0x0;
	v8 =	vld.idx.msk [tilespmem:v6+s15+$0x0], $0xffff;
	v10, _, _ =	vpop (xrf0)  }
0x58: {  	(v2sf) =	vpush v10, $0xF  }
0x59: {  	v10 =	vadd.s32 v10, v7;
	v11, _, _ =	vpop (xrf0)  }
0x5a: {  	(v2sf) =	vpush v11, $0xF  }
0x5b: {  	v7 =	vadd.s32 v11, v7  }
0x5c: {  	v8 =	vsel vm5, v8, v9  }
0x5d: {  	[tilespmem:s0+$0xCC80] =	vst v8  }
0x5e: {  	v8 =	vor.u32 s13, v3;
	[tilespmem:v10+s18+$0x0] =	vst.idx.msk vm4, v6  }
0x5f: {  	[tilespmem:v10+s19+$0x0] =	vst.idx.msk vm4, v8  }
0x60: {  	[tilespmem:v7+s20+$0x0] =	vst.idx.msk vm3, v6  }
0x61: {  	s31 =	simm.s32 $0x10;
	[tilespmem:v7+s21+$0x0] =	vst.idx.msk vm3, v8  }
0x62: {  	v6 =	vld [tilespmem:s31+$0xC000];
	_ =	sdelay $0x3  }
0x63: {  	s2 =	simm.s32 $0x80  }
0x64: {  	s30 =	sadd.s32 $0x10, s13;
	s1 =	simm.s32 $0x0;
	vm3 =	vgt.s32 v6, $0x3FFF;
	vm4 =	vlt.u32 v6, $0x4000;
	v7 =	vadd.s32 $0xFFFFC000, v6;
	s0 =	spop (v2sf)  }
.LBB2_8:
0x65: {  	s29 =	sadd.s32 s29, s0  }
0x66: {  	vm5 =	vgt.s32 v6, $0xFFFFFFFF;
	v6 =	vsel vm3, v7, v6;
	v7 =	vsel vm4, $0x1, v5;
	s0 =	spop (v2sf);
	s24 =	smov.u32 s2;
	s25 =	sadd.s32 $0x40, s2  }
0x67: {  	p0 =	sne.s32 s2, $0x30C0;
	v9 =	vsel vm3, $0x1, v5;
	v6 =	vnsel vm5, $0x0, v6;
	v8 =	vmov s29;
	(xrf0) =	vadd.scan.msk.s32 $0xffff, v7;
	s1 =	sadd.s32 s1, s0  }
0x68: {  	v7 =	vadd.s32 $0xFFFFFFFF, v8;
	v8 =	vmov s1;
	(xrf0) =	vadd.scan.msk.s32 $0xffff, v9  }
0x69: {  	v8 =	vadd.s32 $0xFFFFFFFF, v8;
	_ =	sdelay $0x2  }
0x6a: {  	v9 =	vld.idx.msk [tilespmem:v6+s15+$0x0], $0xffff  }
0x6b: {  	v7 =	vbroadcast v7, $0x0;
	v10 =	vld [tilespmem:s31+$0xCC80];
	v11, _, _ =	vpop (xrf0)  }
0x6c: {  	v12, _, _ =	vpop (xrf0);
	(v2sf) =	vpush v11, $0xF  }
0x6d: {  	v8 =	vbroadcast v8, $0x0;
	v7 =	vadd.s32 v11, v7;
	(v2sf) =	vpush v12, $0xF;
	_ =	sdelay $0x1  }
0x6e: {  	v8 =	vadd.s32 v12, v8  }
0x6f: {  	v9 =	vsel vm5, v9, v10  }
0x70: {  	[tilespmem:s31+$0xCC80] =	vst v9  }
0x71: {  	v9 =	vor.u32 s30, v3;
	[tilespmem:v7+s18+$0x0] =	vst.idx.msk vm4, v6  }
0x72: {  	[tilespmem:v7+s19+$0x0] =	vst.idx.msk vm4, v9  }
0x73: {  	[tilespmem:v8+s20+$0x0] =	vst.idx.msk vm3, v6  }
0x74: {  	s31 =	sshra.s32 s24, $0x2;
	[tilespmem:v8+s21+$0x0] =	vst.idx.msk vm3, v9  }
0x75: {  	v6 =	vld [tilespmem:s31+$0xC000]  }
.Ltmp6:
0x76: {  	(pc) =	sbr.rel @p0 .LBB2_8-.Ltmp6, $2  }
0x77: {  	_ =	sdelay $0x2  }
0x78: {  	s2 =	smov.u32 s25;
	s30 =	sadd.s32 $0x10, s30;
	vm3 =	vgt.s32 v6, $0x3FFF;
	vm4 =	vlt.u32 v6, $0x4000;
	v7 =	vadd.s32 $0xFFFFC000, v6;
	s0 =	spop (v2sf)  }
0x79: {  	v8 =	vsel vm4, $0x1, v5  }
0x7a: {  	v9 =	vsel vm3, $0x1, v5;
	(xrf0) =	vadd.scan.msk.s32 $0xffff, v8  }
0x7b: {  	(xrf0) =	vadd.scan.msk.s32 $0xffff, v9;
	_ =	sdelay $0x2  }
0x7c: {  	vm5 =	vgt.s32 v6, $0xFFFFFFFF;
	v6 =	vsel vm3, v7, v6  }
0x7d: {  	v6 =	vnsel vm5, $0x0, v6  }
0x7e: {  	v7, _, _ =	vpop (xrf0)  }
0x7f: {  	s0 =	sadd.s32 s29, s0;
	v8, _, _ =	vpop (xrf0);
	(v2sf) =	vpush v7, $0xF  }
0x80: {  	s2 =	spop (v2sf);
	v9 =	vmov s0;
	(v2sf) =	vpush v8, $0xF  }
0x81: {  	v12 =	vld [tilespmem:s31+$0xCC80];
	s1 =	sadd.s32 s1, s2;
	v9 =	vadd.s32 $0xFFFFFFFF, v9  }
0x82: {  	v11 =	vmov s1;
	v9 =	vbroadcast v9, $0x0;
	v10 =	vld.idx.msk [tilespmem:v6+s15+$0x0], $0xffff  }
0x83: {  	v11 =	vadd.s32 $0xFFFFFFFF, v11  }
0x84: {  	v7 =	vadd.s32 v7, v9;
	v9 =	vbroadcast v11, $0x0;
	_ =	sdelay $0x1  }
0x85: {  	v8 =	vadd.s32 v8, v9  }
0x86: {  	v9 =	vsel vm5, v10, v12  }
0x87: {  	[tilespmem:s31+$0xCC80] =	vst v9  }
0x88: {  	v9 =	vor.u32 s30, v3;
	[tilespmem:v7+s18+$0x0] =	vst.idx.msk vm4, v6  }
0x89: {  	[tilespmem:v7+s19+$0x0] =	vst.idx.msk vm4, v9  }
0x8a: {  	[tilespmem:v8+s20+$0x0] =	vst.idx.msk vm3, v6  }
0x8b: {  	[tilespmem:v8+s21+$0x0] =	vst.idx.msk vm3, v9  }
0x8c: {  	[hbm4b:s6+s3] =	stream.linear.scatter [tilespmem:s16], [sflag:$0x1], $0xC40, $0x38;
	[tilespmem:$0x12D80] =	vst v63  }
0x8d: {  	s25 =	spop (v2sf)  }
0x8e: {  	s24 =	spop (v2sf)  }
0x8f: {  	_ =	swait.ge [sflag:s14], $0xC40  }
0x90: {  	[sflag:s14] =	ssyncset.done $0x0  }
0x91: {  	[sflag:s14] =	ssyncadd.s32 $0xFFFFF3C0  }
0x92: {  	v6 =	vld [tilespmem:$0xD900]  }
0x93: {  	v7 =	vld [tilespmem:$0xE600];
	_ =	sdelay $0x3  }
0x94: {  	v6 =	vnsel vm0, $0x0, v6  }
0x95: {  	(xrf0) =	vadd.scan.msk.s32 $0xffff, v6;
	v6 =	vnsel vm0, $0x0, v7  }
0x96: {  	(xrf0) =	vadd.scan.msk.s32 $0xffff, v6;
	_ =	sdelay $0x1  }
0x97: {  	s29 =	sadd.s32 s0, s25  }
0x98: {  	v6 =	vadd.s32 s29, v3  }
0x99: {  	s0 =	sadd.s32 $0x10, s29  }
0x9a: {  	v8 =	vadd.s32 s0, v3;
	v7, _, _ =	vpop (xrf0)  }
0x9b: {  	s2 =	sadd.s32 $0x20, s29;
	v9, _, _ =	vpop (xrf0);
	v7 =	vbroadcast v7, $0xF  }
0x9c: {  	v10 =	vadd.s32 s2, v3;
	v9 =	vbroadcast v9, $0xF  }
0x9d: {  	s25 =	sadd.s32 $0x30, s29;
	[tilespmem:v6+s18+$0x0] =	vst.idx.msk $0xffff, v7  }
0x9e: {  	[tilespmem:v6+s19+$0x0] =	vst.idx.msk $0xffff, v9;
	v6 =	vadd.s32 s25, v3  }
0x9f: {  	s2 =	sadd.s32 $0x40, s29;
	[tilespmem:v8+s18+$0x0] =	vst.idx.msk $0xffff, v7  }
0xa0: {  	[tilespmem:v8+s19+$0x0] =	vst.idx.msk $0xffff, v9;
	v8 =	vadd.s32 s2, v3  }
0xa1: {  	s25 =	sadd.s32 $0x50, s29;
	[tilespmem:v10+s18+$0x0] =	vst.idx.msk $0xffff, v7  }
0xa2: {  	[tilespmem:v10+s19+$0x0] =	vst.idx.msk $0xffff, v9;
	v10 =	vadd.s32 s25, v3  }
0xa3: {  	s2 =	sadd.s32 $0x60, s29;
	[tilespmem:v6+s18+$0x0] =	vst.idx.msk $0xffff, v7  }
0xa4: {  	[tilespmem:v6+s19+$0x0] =	vst.idx.msk $0xffff, v9;
	v6 =	vadd.s32 s2, v3  }
0xa5: {  	s25 =	sadd.s32 $0x70, s29;
	[tilespmem:v8+s18+$0x0] =	vst.idx.msk $0xffff, v7  }
0xa6: {  	[tilespmem:v8+s19+$0x0] =	vst.idx.msk $0xffff, v9;
	v8 =	vadd.s32 s25, v3  }
0xa7: {  	[tilespmem:v10+s18+$0x0] =	vst.idx.msk $0xffff, v7  }
0xa8: {  	[tilespmem:v10+s19+$0x0] =	vst.idx.msk $0xffff, v9  }
0xa9: {  	[tilespmem:v6+s18+$0x0] =	vst.idx.msk $0xffff, v7  }
0xaa: {  	[tilespmem:v6+s19+$0x0] =	vst.idx.msk $0xffff, v9  }
0xab: {  	[tilespmem:v8+s18+$0x0] =	vst.idx.msk $0xffff, v7  }
0xac: {  	[tilespmem:v8+s19+$0x0] =	vst.idx.msk $0xffff, v9  }
0xad: {  	v6 =	vld [tilespmem:$0x10300]  }
0xae: {  	v7 =	vld [tilespmem:$0x11000];
	_ =	sdelay $0x3  }
0xaf: {  	v6 =	vnsel vm0, $0x0, v6  }
0xb0: {  	(xrf0) =	vadd.scan.msk.s32 $0xffff, v6;
	v6 =	vnsel vm0, $0x0, v7  }
0xb1: {  	(xrf0) =	vadd.scan.msk.s32 $0xffff, v6;
	_ =	sdelay $0x1  }
0xb2: {  	s30 =	sadd.s32 s1, s24  }
0xb3: {  	v6 =	vadd.s32 s30, v3  }
0xb4: {  	s2 =	sadd.s32 $0x10, s30  }
0xb5: {  	v8 =	vadd.s32 s2, v3;
	v7, _, _ =	vpop (xrf0)  }
0xb6: {  	s24 =	sadd.s32 $0x20, s30;
	v9, _, _ =	vpop (xrf0);
	v7 =	vbroadcast v7, $0xF  }
0xb7: {  	v10 =	vadd.s32 s24, v3;
	v9 =	vbroadcast v9, $0xF  }
0xb8: {  	s25 =	sadd.s32 $0x30, s30;
	[tilespmem:v6+s20+$0x0] =	vst.idx.msk $0xffff, v7  }
0xb9: {  	[tilespmem:v6+s21+$0x0] =	vst.idx.msk $0xffff, v9;
	v6 =	vadd.s32 s25, v3  }
0xba: {  	s1 =	sadd.s32 $0x40, s30;
	[tilespmem:v8+s20+$0x0] =	vst.idx.msk $0xffff, v7  }
0xbb: {  	[tilespmem:v8+s21+$0x0] =	vst.idx.msk $0xffff, v9;
	v8 =	vadd.s32 s1, v3  }
0xbc: {  	s2 =	sadd.s32 $0x50, s30;
	[tilespmem:v10+s20+$0x0] =	vst.idx.msk $0xffff, v7  }
0xbd: {  	[tilespmem:v10+s21+$0x0] =	vst.idx.msk $0xffff, v9;
	v10 =	vadd.s32 s2, v3  }
0xbe: {  	s24 =	sadd.s32 $0x60, s30;
	[tilespmem:v6+s20+$0x0] =	vst.idx.msk $0xffff, v7  }
0xbf: {  	[tilespmem:v6+s21+$0x0] =	vst.idx.msk $0xffff, v9;
	v6 =	vadd.s32 s24, v3  }
0xc0: {  	s25 =	sadd.s32 $0x70, s30;
	[tilespmem:v8+s20+$0x0] =	vst.idx.msk $0xffff, v7  }
0xc1: {  	[tilespmem:v8+s21+$0x0] =	vst.idx.msk $0xffff, v9;
	v8 =	vadd.s32 s25, v3  }
0xc2: {  	[tilespmem:v10+s20+$0x0] =	vst.idx.msk $0xffff, v7  }
0xc3: {  	[tilespmem:v10+s21+$0x0] =	vst.idx.msk $0xffff, v9  }
0xc4: {  	[tilespmem:v6+s20+$0x0] =	vst.idx.msk $0xffff, v7  }
0xc5: {  	[tilespmem:v6+s21+$0x0] =	vst.idx.msk $0xffff, v9  }
0xc6: {  	[tilespmem:v8+s20+$0x0] =	vst.idx.msk $0xffff, v7  }
0xc7: {  	s31 =	simm.s32 $0x70;
	[tilespmem:v8+s21+$0x0] =	vst.idx.msk $0xffff, v9  }
0xc8: {  	v6 =	vld [tilespmem:s31+$0x11000]  }
0xc9: {  	v7 =	vld [tilespmem:s31+$0xE590]  }
0xca: {  	v8 =	vld [tilespmem:s31+$0x10F90]  }
0xcb: {  	v9 =	vld [tilespmem:s31+$0xE5A0]  }
0xcc: {  	v10 =	vld [tilespmem:s31+$0x10FA0]  }
0xcd: {  	v11 =	vld [tilespmem:s31+$0xE5B0];
	[tilespmem:s31+$0x11D00] =	vst v6  }
0xce: {  	[tilespmem:s31+$0xF290] =	vst v7;
	v6 =	vld [tilespmem:s31+$0x10FB0]  }
0xcf: {  	[tilespmem:s31+$0x11C90] =	vst v8;
	v7 =	vld [tilespmem:s31+$0xE5C0]  }
0xd0: {  	[tilespmem:s31+$0xF2A0] =	vst v9;
	v8 =	vld [tilespmem:s31+$0x10FC0]  }
0xd1: {  	[tilespmem:s31+$0x11CA0] =	vst v10;
	v9 =	vld [tilespmem:s31+$0xE5D0]  }
0xd2: {  	[tilespmem:s31+$0xF2B0] =	vst v11;
	v10 =	vld [tilespmem:s31+$0x10FD0]  }
0xd3: {  	[tilespmem:s31+$0x11CB0] =	vst v6;
	v6 =	vld [tilespmem:s31+$0xE5E0]  }
0xd4: {  	[tilespmem:s31+$0xF2C0] =	vst v7;
	v7 =	vld [tilespmem:s31+$0x10FE0]  }
0xd5: {  	[tilespmem:s31+$0x11CC0] =	vst v8;
	v8 =	vld [tilespmem:s31+$0xE5F0]  }
0xd6: {  	[tilespmem:s31+$0xF2D0] =	vst v9;
	v9 =	vld [tilespmem:s31+$0x10FF0]  }
0xd7: {  	s0 =	simm.s32 $0x5C0;
	s1 =	simm.s32 $0xF0;
	[tilespmem:s31+$0x11CD0] =	vst v10;
	v10 =	vld [tilespmem:s31+$0xE600]  }
.LBB2_10:
0xd8: {  	p0 =	sne.s32 s0, $0x33C0;
	v11 =	vld [tilespmem:s1+$0x11000];
	[tilespmem:s31+$0xF2E0] =	vst v6  }
0xd9: {  	v6 =	vld [tilespmem:s1+$0xE590];
	[tilespmem:s31+$0x11CE0] =	vst v7  }
0xda: {  	v7 =	vld [tilespmem:s1+$0x10F90];
	[tilespmem:s31+$0xF2F0] =	vst v8  }
0xdb: {  	v8 =	vld [tilespmem:s1+$0xE5A0];
	[tilespmem:s31+$0x11CF0] =	vst v9  }
0xdc: {  	v9 =	vld [tilespmem:s1+$0x10FA0];
	[tilespmem:s31+$0xF300] =	vst v10;
	s31 =	smov.u32 s1  }
0xdd: {  	v10 =	vld [tilespmem:s31+$0xE5B0];
	[tilespmem:s31+$0x11D00] =	vst v11  }
0xde: {  	[tilespmem:s31+$0xF290] =	vst v6;
	v6 =	vld [tilespmem:s31+$0x10FB0]  }
0xdf: {  	[tilespmem:s31+$0x11C90] =	vst v7;
	v7 =	vld [tilespmem:s31+$0xE5C0]  }
0xe0: {  	[tilespmem:s31+$0xF2A0] =	vst v8;
	v8 =	vld [tilespmem:s31+$0x10FC0]  }
0xe1: {  	[tilespmem:s31+$0x11CA0] =	vst v9;
	v9 =	vld [tilespmem:s31+$0xE5D0]  }
0xe2: {  	[tilespmem:s31+$0xF2B0] =	vst v10;
	v10 =	vld [tilespmem:s31+$0x10FD0]  }
.Ltmp7:
0xe3: {  	[tilespmem:s31+$0x11CB0] =	vst v6;
	v6 =	vld [tilespmem:s31+$0xE5E0];
	(pc) =	sbr.rel @p0 .LBB2_10-.Ltmp7, $4  }
0xe4: {  	[tilespmem:s31+$0xF2C0] =	vst v7;
	v7 =	vld [tilespmem:s31+$0x10FE0]  }
0xe5: {  	[tilespmem:s31+$0x11CC0] =	vst v8;
	v8 =	vld [tilespmem:s31+$0xE5F0]  }
0xe6: {  	[tilespmem:s31+$0xF2D0] =	vst v9;
	v9 =	vld [tilespmem:s31+$0x10FF0]  }
0xe7: {  	s1 =	sshra.s32 s0, $0x2;
	s0 =	sadd.s32 $0x200, s0;
	[tilespmem:s31+$0x11CD0] =	vst v10;
	v10 =	vld [tilespmem:s31+$0xE600]  }
0xe8: {  	v11 =	vld [tilespmem:s1+$0x11000];
	[tilespmem:s31+$0xF2E0] =	vst v6  }
0xe9: {  	v6 =	vld [tilespmem:s1+$0xE590];
	[tilespmem:s31+$0x11CE0] =	vst v7  }
0xea: {  	v7 =	vld [tilespmem:s1+$0x10F90];
	[tilespmem:s31+$0xF2F0] =	vst v8  }
0xeb: {  	v8 =	vld [tilespmem:s1+$0xE5A0];
	[tilespmem:s31+$0x11CF0] =	vst v9  }
0xec: {  	v9 =	vld [tilespmem:s1+$0x10FA0];
	[tilespmem:s31+$0xF300] =	vst v10  }
0xed: {  	v10 =	vld [tilespmem:s1+$0xE5B0];
	[tilespmem:s1+$0x11D00] =	vst v11  }
0xee: {  	v58 =	vld [tilespmem:s1+$0x10FC0];
	[tilespmem:s1+$0xF290] =	vst v6  }
0xef: {  	v59 =	vld [tilespmem:s1+$0xE5D0];
	[tilespmem:s1+$0x11C90] =	vst v7  }
0xf0: {  	v6 =	vld [tilespmem:s1+$0x10FB0];
	[tilespmem:s1+$0xF2A0] =	vst v8  }
0xf1: {  	v60 =	vld [tilespmem:s1+$0x10FD0];
	[tilespmem:s1+$0x11CA0] =	vst v9  }
0xf2: {  	v7 =	vld [tilespmem:s1+$0xE5C0];
	[tilespmem:s1+$0xF2B0] =	vst v10  }
0xf3: {  	v61 =	vld [tilespmem:s1+$0xE5F0];
	[tilespmem:s1+$0x11CC0] =	vst v58  }
0xf4: {  	v62 =	vld [tilespmem:s1+$0x10FF0];
	[tilespmem:s1+$0xF2D0] =	vst v59  }
0xf5: {  	[tilespmem:s1+$0x11CB0] =	vst v6;
	v6 =	vld [tilespmem:s1+$0xE5E0]  }
0xf6: {  	v63 =	vld [tilespmem:s1+$0xE600];
	[tilespmem:s1+$0x11CD0] =	vst v60  }
0xf7: {  	[tilespmem:s1+$0xF2C0] =	vst v7;
	v7 =	vld [tilespmem:s1+$0x10FE0]  }
0xf8: {  	[tilespmem:s1+$0xF2F0] =	vst v61  }
0xf9: {  	[tilespmem:s1+$0x11CF0] =	vst v62  }
0xfa: {  	[tilespmem:s1+$0xF2E0] =	vst v6;
	v6 =	vmov s29  }
0xfb: {  	[tilespmem:s1+$0xF300] =	vst v63;
	v6 =	vnsel vm1, $0x0, v6  }
0xfc: {  	[tilespmem:s1+$0x11CE0] =	vst v7;
	v6 =	vsel vm2, s30, v6  }
0xfd: {  	[tilespmem:$0x12D00] =	vst v6  }
0xfe: {  	[hbm4b:s7+s22] =	stream.strided.scatter [tilespmem:s18], [sflag:$0x1], $0xD00, s23, s22, $0x38;
	[tilespmem:$0x12D80] =	vst v63  }
0xff: {  	_ =	swait.ge [sflag:s14], $0xD00  }
0x100: {  	[sflag:s14] =	ssyncset.done $0x0  }
0x101: {  	[sflag:s14] =	ssyncadd.s32 $0xFFFFF300  }
0x102: {  	[hbm4b:s8+s22] =	stream.strided.scatter [tilespmem:s20], [sflag:$0x1], $0xD00, s23, s22, $0x38;
	[tilespmem:$0x12D80] =	vst v63  }
0x103: {  	_ =	swait.ge [sflag:s14], $0xD00  }
0x104: {  	[sflag:s14] =	ssyncset.done $0x0  }
0x105: {  	s0 =	simm.s32 $0xF300;
	[sflag:s14] =	ssyncadd.s32 $0xFFFFF300  }
0x106: {  	[hbm4b:s9+s3] =	stream.linear.scatter [tilespmem:s0], [sflag:$0x1], $0xD00, $0x38;
	[tilespmem:$0x12D80] =	vst v63  }
0x107: {  	_ =	swait.ge [sflag:s14], $0xD00  }
0x108: {  	[sflag:s14] =	ssyncset.done $0x0  }
0x109: {  	s31 =	simm.s32 $0x11D00;
	[sflag:s14] =	ssyncadd.s32 $0xFFFFF300  }
0x10a: {  	[hbm4b:s10+s3] =	stream.linear.scatter [tilespmem:s31], [sflag:$0x1], $0xD00, $0x38;
	[tilespmem:$0x12D80] =	vst v63  }
0x10b: {  	s28 =	sadd.s32 $0x1, s28;
	_ =	swait.ge [sflag:s14], $0xD00  }
0x10c: {  	p0 =	sne.s32 s28, s12;
	[sflag:s14] =	ssyncset.done $0x0  }
.Ltmp8:
0x10d: {  	[sflag:s14] =	ssyncadd.s32 $0xFFFFF300;
	(pc) =	sbr.rel @p0 .LBB2_1-.Ltmp8, $4  }
0x10e: {  	[hbm4b:s11+s3] =	stream.linear.scatter [tilespmem:s26], [sflag:$0x1], $0x80, $0x38;
	[tilespmem:$0x12D80] =	vst v63  }
0x10f: {  	_ =	swait.ge [sflag:s14], $0x80  }
0x110: {  	[sflag:s14] =	ssyncset.done $0x0  }
0x111: {  	[sflag:s14] =	ssyncadd.s32 $0xFFFFFF80  }
0x112: {  	_ =	sfence.sel $0x180000  }
0x113: {  	[bflag:$0x0] =	sbarrier.arrive $0xFFFF  }
0x114: {  	_ =	strace $0x9000004A  }
0x115: {  	s0 =	stileid.u32;
	[bflag:$0x2] =	sbarrier.arrive $0xFFFF  }
0x116: {  	p0 =	sne.s32 s0, $0x0;
	s0 =	rddreg [dreg:$0x3]  }
0x117: {  	s0 =	sadd.s32 @!p0 $0x100000, s0  }
0x118: {  	[sflag:s0] =	ssyncadd.tile.s32 @!p0 $0x1;
	_ =	shalt  }
.Lfunc_end2:
_tile_overlayer_lowered:
.L_overlay_start_2:
0x119: {  	(tag) =	ssettag $0x2  }
0x11a: {  	s0 =	rddreg [dreg:$0x0];
	s2 =	stileid.u32  }
0x11b: {  	s1 =	rddreg [dreg:$0x1];
	p0 =	sne.s32 s2, $0x0  }
0x11c: {  	s3 =	rddreg [dreg:$0x2];
	[bflag:$0x3] =	sbarrier.arrive $0xFFFF;
	s2 =	simm.s32 @!p0 $0x1C01  }
0x11d: {  	[timem:s3], [sflag:s2] =	dma.local @!p0 [hbm:s0], s1  }
0x11e: {  	s0 =	simm.s32 @!p0 $0x1  }
0x11f: {  	_ =	swait.ge @!p0 [sflag:s0], s1  }
0x120: {  	s1 =	ssub.s32 @!p0 $0x0, s1;
	[sflag:s0] =	ssyncset.done @!p0 $0x0  }
0x121: {  	[sflag:s0] =	ssyncadd.s32 @!p0 s1  }
0x122: {  	[bflag:$0x3] =	sbarrier.arrive $0xFFFF  }
0x123: {  	_ =	shalt  }

</sc_bundles>
